<compile_context>
chip_gen: v7x
topology: tpu7x:2x2x1
jax: 0.10.2.dev20260603
libtpu: 0.0.44.dev20260713+nightly
codegen_flags: <defaults>
</compile_context>

<pallas_src>
import jax
import jax.numpy as jnp
from jax import lax
from jax.experimental import pallas as pl
from jax.experimental.pallas import tpu as pltpu
from jax.experimental.pallas import tpu_sc as plsc

N_NODES = 100000
D = 128
DH = 64
N1 = 50000
M1 = 20000
E1 = 320000
M2 = 10000
E2 = 160000

NS = 16
NC = 2
NW = NC * NS
CH = 128
NB = 4
SB = 16


def _cdiv(a, b):
    return (a + b - 1) // b


def _wait(src, dst, sem):
    pltpu.make_async_copy(src, dst, sem).wait()


def _make_row_gather(n_rows_out, nc):
    kt = n_rows_out // NS
    gc = kt // nc
    assert kt % nc == 0 and gc % 8 == 0
    mesh = plsc.VectorSubcoreMesh(core_axis_name="c", subcore_axis_name="s",
                                  num_cores=1)

    def body(table, idx1, out, idx_v, r0, r1, s0, s1, q0, q1):
        rows = [r0, r1]
        wsem = [s0, s1]
        gsem = [q0, q1]
        sid = lax.axis_index("s")
        obase = sid * kt
        pltpu.sync_copy(idx1.at[pl.ds(obase, kt)], idx_v)

        def owrite(q):
            u = q % 2
            _wait(table.at[idx_v.at[pl.ds(0, gc)]], rows[u], gsem[u])
            pltpu.async_copy(rows[u], out.at[pl.ds(obase + q * gc, gc)],
                             wsem[u])

        for q in range(nc):
            u = q % 2
            if q >= 2:
                _wait(rows[u], out.at[pl.ds(obase, gc)], wsem[u])
            pltpu.async_copy(table.at[idx_v.at[pl.ds(q * gc, gc)]],
                             rows[u], gsem[u])
            if q >= 1:
                owrite(q - 1)
        owrite(nc - 1)
        for q in range(max(nc - 2, 0), nc):
            _wait(rows[q % 2], out.at[pl.ds(obase, gc)], wsem[q % 2])

    return pl.kernel(
        body,
        out_type=jax.ShapeDtypeStruct((n_rows_out, D), jnp.float32),
        mesh=mesh,
        compiler_params=pltpu.CompilerParams(use_tc_tiling_on_sc=False),
        scratch_types=(
            [pltpu.VMEM((kt,), jnp.int32)]
            + [pltpu.VMEM((gc, D), jnp.float32)] * 2
            + [pltpu.SemaphoreType.DMA] * 4
        ),
    )


def _make_edge_kernel(n_edges, n_dst_pad, n_res_pad):
    ke = n_edges // (NS * CH)
    nb = ke // SB
    assert ke % SB == 0 and SB % NB == 0
    kr = n_res_pad // (NS * CH)
    stripe = n_dst_pad // NS
    ks = stripe // CH
    assert kr == ks and kr >= NB and kr <= SB

    mesh = plsc.VectorSubcoreMesh(core_axis_name="c", subcore_axis_name="s")

    out_type = (
        jax.ShapeDtypeStruct((NC, n_dst_pad, DH), jnp.float32),
        jax.ShapeDtypeStruct((n_dst_pad, 8), jnp.float32),
        jax.ShapeDtypeStruct((NC, n_res_pad, DH), jnp.float32),
    )

    def body(table, src3, dst3, res3, z64, o8,
             agg_out, deg_out, xdst_out,
             src_b, dst_b, r0, r1, r2, r3, ones_v,
             agg_sh, deg_sh, s0, s1, s2, s3, g0, g1, g2, g3):
        rows = [r0, r1, r2, r3]
        ssem = [s0, s1, s2, s3]
        gsem = [g0, g1, g2, g3]
        cid = lax.axis_index("c")
        sid = lax.axis_index("s")
        base = sid * stripe

        pltpu.sync_copy(z64, rows[0])
        for r in range(ks):
            pltpu.sync_copy(rows[0], agg_sh.at[pl.ds(base + r * CH, CH)])

        @pl.when(cid == 0)
        def _():
            for r in range(ks):
                pltpu.sync_copy(o8.at[1], deg_sh.at[pl.ds(base + r * CH, CH)])
        pltpu.sync_copy(o8.at[0], ones_v)

        def compose(idx_v, nk):
            def jbody(j, _):
                for i in range(CH // 16):
                    s16 = idx_v[j, pl.ds(i * 16, 16)]
                    idx_v[j, pl.ds(i * 16, 16)] = s16 * 2 + cid
                return 0
            lax.fori_loop(0, nk, jbody, 0)

        plsc.subcore_barrier()

        def consume(jj, u):
            _wait(table.at[src_b.at[0]], rows[u], gsem[u])
            pltpu.async_copy(rows[u], agg_sh.at[dst_b.at[jj]], ssem[u],
                             add=True)

            @pl.when(cid == 0)
            def _():
                pltpu.sync_copy(ones_v, deg_sh.at[dst_b.at[jj]], add=True)

        def boundary():
            _wait(table.at[src_b.at[0]], rows[NB - 1], gsem[NB - 1])
            pltpu.sync_copy(rows[NB - 1], agg_sh.at[dst_b.at[SB - 1]],
                            add=True)

            @pl.when(cid == 0)
            def _():
                pltpu.sync_copy(ones_v, deg_sh.at[dst_b.at[SB - 1]], add=True)
            for t in range(NB - 1):
                _wait(rows[t], agg_sh.at[dst_b.at[0]], ssem[t])

        def block_body(b, _):
            @pl.when(b >= 1)
            def _():
                boundary()

            pltpu.sync_copy(src3.at[sid, pl.ds(b * SB, SB)], src_b)
            pltpu.sync_copy(dst3.at[sid, pl.ds(b * SB, SB)], dst_b)
            compose(src_b, SB)

            def group_body(g, _):
                for u in range(NB):
                    j2 = g * NB + u

                    @pl.when(g >= 1)
                    def _():
                        _wait(rows[u], agg_sh.at[dst_b.at[0]], ssem[u])

                    pltpu.async_copy(table.at[src_b.at[j2]], rows[u], gsem[u])
                    if u > 0:
                        consume(j2 - 1, (u + NB - 1) % NB)
                    else:
                        @pl.when(g >= 1)
                        def _():
                            consume(j2 - 1, NB - 1)
                return 0
            lax.fori_loop(0, SB // NB, group_body, 0)
            return 0
        lax.fori_loop(0, nb, block_body, 0)

        boundary()

        pltpu.sync_copy(res3.at[sid], src_b.at[pl.ds(0, kr)])
        compose(src_b, kr)

        def rwrite(j):
            u = j % NB
            _wait(table.at[src_b.at[0]], rows[u], gsem[u])
            pltpu.async_copy(rows[u],
                             xdst_out.at[cid, pl.ds(base + j * CH, CH)],
                             ssem[u])

        for j in range(kr):
            u = j % NB
            if j >= NB:
                _wait(rows[u], xdst_out.at[cid, pl.ds(base, CH)], ssem[u])
            pltpu.async_copy(table.at[src_b.at[j]], rows[u], gsem[u])
            if j >= 1:
                rwrite(j - 1)
        rwrite(kr - 1)
        for j in range(kr - NB, kr):
            u = j % NB
            _wait(rows[u], xdst_out.at[cid, pl.ds(base, CH)], ssem[u])

        plsc.subcore_barrier()

        pltpu.sync_copy(agg_sh.at[pl.ds(base, stripe)],
                        agg_out.at[cid, pl.ds(base, stripe)])

        @pl.when(cid == 0)
        def _():
            pltpu.sync_copy(deg_sh.at[pl.ds(base, stripe)],
                            deg_out.at[pl.ds(base, stripe)])

    return pl.kernel(
        body,
        out_type=out_type,
        mesh=mesh,
        compiler_params=pltpu.CompilerParams(use_tc_tiling_on_sc=False),
        scratch_types=(
            [pltpu.VMEM((SB, CH), jnp.int32),
             pltpu.VMEM((SB, CH), jnp.int32)]
            + [pltpu.VMEM((CH, DH), jnp.float32)] * NB
            + [pltpu.VMEM((CH, 8), jnp.float32),
               pltpu.VMEM_SHARED((n_dst_pad, DH), jnp.float32),
               pltpu.VMEM_SHARED((n_dst_pad, 8), jnp.float32)]
            + [pltpu.SemaphoreType.DMA] * (2 * NB)
        ),
    )


def _pad_reshape_idx(idx, total, fill, nmaj=NS):
    pad = total - idx.shape[0]
    idx = jnp.concatenate([idx.astype(jnp.int32),
                           jnp.full((pad,), fill, jnp.int32)])
    return idx.reshape(nmaj, total // (nmaj * CH), CH)


def _make_dense_kernel(n_rows, final_softmax):
    blk = 512
    grid = (n_rows // blk,)

    def body(alo, ahi, deg, xlo, xhi, w, wr, b, out):
        scale = 1.0 / jnp.maximum(deg[:, 0:1], 1.0)
        h = (jnp.dot(alo[0] * scale, w[0:DH, :], preferred_element_type=jnp.float32)
             + jnp.dot(ahi[0] * scale, w[DH:D, :], preferred_element_type=jnp.float32)
             + jnp.dot(xlo[0], wr[0:DH, :], preferred_element_type=jnp.float32)
             + jnp.dot(xhi[0], wr[DH:D, :], preferred_element_type=jnp.float32)
             + b[...])
        if final_softmax:
            m = jnp.max(h, axis=1, keepdims=True)
            e = jnp.exp(h - m)
            out[...] = h - (m + jnp.log(jnp.sum(e, axis=1, keepdims=True)))
        else:
            out[...] = jnp.where(h > 0, h, jnp.exp(h) - 1.0)

    half = pl.BlockSpec((1, blk, DH), lambda i: (0, i, 0))
    half2 = pl.BlockSpec((1, blk, DH), lambda i: (1, i, 0))
    return pl.pallas_call(
        body,
        grid=grid,
        in_specs=[half, half2,
                  pl.BlockSpec((blk, 8), lambda i: (i, 0)),
                  half, half2,
                  pl.BlockSpec((D, D), lambda i: (0, 0)),
                  pl.BlockSpec((D, D), lambda i: (0, 0)),
                  pl.BlockSpec((1, D), lambda i: (0, 0))],
        out_specs=pl.BlockSpec((blk, D), lambda i: (i, 0)),
        out_shape=jax.ShapeDtypeStruct((n_rows, D), jnp.float32),
    )


M1P = 20480
M2P = 10240
N1G = NW * CH * _cdiv(N1, NW * CH)
E1P = NS * CH * SB * _cdiv(E1, NS * CH * SB)
E2P = NS * CH * SB * _cdiv(E2, NS * CH * SB)

_gather1 = _make_row_gather(N1G, 8)
_edge1 = _make_edge_kernel(E1P, M1P, M1P)
_edge2 = _make_edge_kernel(E2P, M2P, M2P)
_dense1 = _make_dense_kernel(M1P, final_softmax=False)
_dense2 = _make_dense_kernel(M2P, final_softmax=True)


def kernel(x, n_id, res_n_id1, edge_index1, res_n_id2, edge_index2,
           W1, W1_root, b1, W2, W2_root, b2):
    z64 = jnp.zeros((CH, DH), jnp.float32)
    o8 = jnp.stack([jnp.ones((CH, 8), jnp.float32),
                    jnp.zeros((CH, 8), jnp.float32)])

    nid1 = jnp.concatenate([n_id.astype(jnp.int32),
                            jnp.zeros((N1G - N1,), jnp.int32)])
    xb = _gather1(x, nid1)

    xb2 = xb.reshape(2 * N1G, DH)
    src1 = _pad_reshape_idx(edge_index1[0], E1P, 0)
    dst1 = _pad_reshape_idx(edge_index1[1], E1P, M1)
    res1 = _pad_reshape_idx(res_n_id1, M1P, 0)
    agg1, deg1, xdst1 = _edge1(xb2, src1, dst1, res1, z64, o8)
    h1 = _dense1(agg1, agg1, deg1, xdst1, xdst1, W1, W1_root,
                 b1.reshape(1, D))

    h12 = h1.reshape(2 * M1P, DH)
    src2 = _pad_reshape_idx(edge_index2[0], E2P, 0)
    dst2 = _pad_reshape_idx(edge_index2[1], E2P, M2)
    res2 = _pad_reshape_idx(res_n_id2, M2P, 0)
    agg2, deg2, xdst2 = _edge2(h12, src2, dst2, res2, z64, o8)
    out = _dense2(agg2, agg2, deg2, xdst2, xdst2, W2, W2_root,
                  b2.reshape(1, D))
    return out[:M2]

# --- scband reference (transcript-rebuilt; emitter-appended) ---
"""Pipeline reference for scband-grpcnet-17755394802275 (READ-ONLY COPY).

The authoritative reference and input builder live on the scoring server;
editing this copy changes nothing except your own understanding.
"""

import jax, jax.numpy as jnp
import numpy as np

N_NODES = 100000
D = 128
N1 = 50000
M1 = 20000
E1 = 320000
M2 = 10000
E2 = 160000


def setup_inputs(seed: int = 0) -> dict:
    key = jax.random.key(seed)
    ks = jax.random.split(key, 12)
    x = jax.random.normal(ks[0], (N_NODES, D), dtype=jnp.float32)
    n_id = jax.random.randint(ks[1], (N1,), 0, N_NODES, dtype=jnp.int64 if jax.config.jax_enable_x64 else jnp.int32)
    res_n_id1 = jax.random.randint(ks[2], (M1,), 0, N1)
    edge_index1 = jax.random.randint(ks[3], (2, E1), 0, M1)
    res_n_id2 = jax.random.randint(ks[4], (M2,), 0, M1)
    edge_index2 = jax.random.randint(ks[5], (2, E2), 0, M2)
    scale = 1.0 / np.sqrt(D)
    W1 = jax.random.normal(ks[6], (D, D), dtype=jnp.float32) * scale
    W1_root = jax.random.normal(ks[7], (D, D), dtype=jnp.float32) * scale
    b1 = jnp.zeros((D,), dtype=jnp.float32)
    W2 = jax.random.normal(ks[8], (D, D), dtype=jnp.float32) * scale
    W2_root = jax.random.normal(ks[9], (D, D), dtype=jnp.float32) * scale
    b2 = jnp.zeros((D,), dtype=jnp.float32)
    return {"x": x, "n_id": n_id, "res_n_id1": res_n_id1, "edge_index1": edge_index1,
            "res_n_id2": res_n_id2, "edge_index2": edge_index2,
            "W1": W1, "W1_root": W1_root, "b1": b1,
            "W2": W2, "W2_root": W2_root, "b2": b2}


def _gcn_conv(x_src, x_dst, edge_index, n_dst, W, W_root, b):
    # bipartite GCN-style conv: mean-aggregated transformed neighbors + root transform
    h = x_src @ W
    msg = jnp.take(h, edge_index[0], axis=0)
    agg = jax.ops.segment_sum(msg, edge_index[1], num_segments=n_dst)
    deg = jax.ops.segment_sum(jnp.ones((edge_index.shape[1],), dtype=x_src.dtype),
                              edge_index[1], num_segments=n_dst)
    agg = agg / jnp.maximum(deg, 1.0)[:, None]
    return agg + x_dst @ W_root + b


def reference(x, n_id, res_n_id1, edge_index1, res_n_id2, edge_index2,
              W1, W1_root, b1, W2, W2_root, b2):
    # GATin: gather sampled neighborhood, conv on block 1, elu (dropout is identity in eval)
    xb = jnp.take(x, n_id, axis=0)
    x_dst1 = jnp.take(xb, res_n_id1, axis=0)
    h1 = _gcn_conv(xb, x_dst1, edge_index1, M1, W1, W1_root, b1)
    h1 = jax.nn.elu(h1)
    # GATout: conv on block 2, log_softmax
    x_dst2 = jnp.take(h1, res_n_id2, axis=0)
    h2 = _gcn_conv(h1, x_dst2, edge_index2, M2, W2, W2_root, b2)
    return jax.nn.log_softmax(h2, axis=1)

if __name__ == "__main__":
    import jax
    _d = setup_inputs()
    print(jax.jit(kernel)(*tuple(_d.values())))

</pallas_src>

<mosaic_0001>
#map = affine_map<(d0, d1) -> (0, 0)>
#map1 = affine_map<(d0, d1) -> (0, 0, 0)>
module attributes {stable_mosaic.version = 14 : i64} {
  func.func @body(%arg0: i32, %arg1: i32, %arg2: memref<40960x64xf32, #tpu.memory_space<hbm>>, %arg3: memref<16x80x128xi32, #tpu.memory_space<hbm>>, %arg4: memref<16x80x128xi32, #tpu.memory_space<hbm>>, %arg5: memref<16x5x128xi32, #tpu.memory_space<hbm>>, %arg6: memref<128x64xf32, #tpu.memory_space<hbm>>, %arg7: memref<2x128x8xf32, #tpu.memory_space<hbm>>, %arg8: memref<2x10240x64xf32, #tpu.memory_space<hbm>>, %arg9: memref<10240x8xf32, #tpu.memory_space<hbm>>, %arg10: memref<2x10240x64xf32, #tpu.memory_space<hbm>>, %arg11: memref<16x128xi32, #tpu.memory_space<vmem>>, %arg12: memref<16x128xi32, #tpu.memory_space<vmem>>, %arg13: memref<128x64xf32, #tpu.memory_space<vmem>>, %arg14: memref<128x64xf32, #tpu.memory_space<vmem>>, %arg15: memref<128x64xf32, #tpu.memory_space<vmem>>, %arg16: memref<128x64xf32, #tpu.memory_space<vmem>>, %arg17: memref<128x8xf32, #tpu.memory_space<vmem>>, %arg18: memref<10240x64xf32, #tpu.memory_space<vmem_shared>>, %arg19: memref<10240x8xf32, #tpu.memory_space<vmem_shared>>, %arg20: memref<!tpu.dma_semaphore, #tpu.memory_space<semaphore_mem>>, %arg21: memref<!tpu.dma_semaphore, #tpu.memory_space<semaphore_mem>>, %arg22: memref<!tpu.dma_semaphore, #tpu.memory_space<semaphore_mem>>, %arg23: memref<!tpu.dma_semaphore, #tpu.memory_space<semaphore_mem>>, %arg24: memref<!tpu.dma_semaphore, #tpu.memory_space<semaphore_mem>>, %arg25: memref<!tpu.dma_semaphore, #tpu.memory_space<semaphore_mem>>, %arg26: memref<!tpu.dma_semaphore, #tpu.memory_space<semaphore_mem>>, %arg27: memref<!tpu.dma_semaphore, #tpu.memory_space<semaphore_mem>>) attributes {dimension_semantics = [#tpu.dimension_semantics<core_parallel>, #tpu.dimension_semantics<subcore_parallel>], iteration_bounds = array<i64: 2, 16>, scalar_prefetch = 0 : i64, scratch_operands = 17 : i64, tpu.core_type = #tpu.core_type<sc_vector_subcore>, window_params = [{transform_indices = #map}, {transform_indices = #map1}, {transform_indices = #map1}, {transform_indices = #map1}, {transform_indices = #map}, {transform_indices = #map1}, {transform_indices = #map1}, {transform_indices = #map}, {transform_indices = #map1}]} {
    %mul3A = arith.constant 640 : i32
    %mul3A_0 = arith.muli %arg1, %mul3A : i32
    "tpu.region"() ({
      %run_scoped3A_203 = tpu.sem_alloc : memref<!tpu.dma_semaphore, #tpu.memory_space<semaphore_mem>>
      tpu.enqueue_dma source(%arg6 : memref<128x64xf32, #tpu.memory_space<hbm>>) target(%arg13 : memref<128x64xf32, #tpu.memory_space<vmem>>) target_semaphore(%run_scoped3A_203 : memref<!tpu.dma_semaphore, #tpu.memory_space<semaphore_mem>>)
      tpu.wait_dma2 semaphore(%run_scoped3A_203 : memref<!tpu.dma_semaphore, #tpu.memory_space<semaphore_mem>>) src(%arg6 : memref<128x64xf32, #tpu.memory_space<hbm>>) dst(%arg13 : memref<128x64xf32, #tpu.memory_space<vmem>>)
      tpu.yield
    }) : () -> ()
    %add3A = arith.constant 0 : i32
    %add3A_1 = arith.addi %mul3A_0, %add3A : i32
    "tpu.region"() ({
      %run_scoped3A_203 = tpu.sem_alloc : memref<!tpu.dma_semaphore, #tpu.memory_space<semaphore_mem>>
      %dma_start3A_204 = arith.constant 0 : i32
      %dma_start3A_205 = tpu.memref_slice %arg18[%add3A_1, %dma_start3A_204] : memref<10240x64xf32, #tpu.memory_space<vmem_shared>> -> memref<128x64xf32, #tpu.memory_space<vmem_shared>>
      %dma_start3A_206 = arith.constant 0 : i32
      %dma_start3A_207 = tpu.memref_slice %arg18[%add3A_1, %dma_start3A_206] : memref<10240x64xf32, #tpu.memory_space<vmem_shared>> -> memref<128x64xf32, #tpu.memory_space<vmem_shared>>
      tpu.enqueue_dma source(%arg13 : memref<128x64xf32, #tpu.memory_space<vmem>>) target(%dma_start3A_207 : memref<128x64xf32, #tpu.memory_space<vmem_shared>>) target_semaphore(%run_scoped3A_203 : memref<!tpu.dma_semaphore, #tpu.memory_space<semaphore_mem>>)
      %dma_wait3A_208 = arith.constant 0 : i32
      %dma_wait3A_209 = tpu.memref_slice %arg18[%add3A_1, %dma_wait3A_208] : memref<10240x64xf32, #tpu.memory_space<vmem_shared>> -> memref<128x64xf32, #tpu.memory_space<vmem_shared>>
      %dma_wait3A_210 = arith.constant 0 : i32
      %dma_wait3A_211 = tpu.memref_slice %arg18[%add3A_1, %dma_wait3A_210] : memref<10240x64xf32, #tpu.memory_space<vmem_shared>> -> memref<128x64xf32, #tpu.memory_space<vmem_shared>>
      tpu.wait_dma2 semaphore(%run_scoped3A_203 : memref<!tpu.dma_semaphore, #tpu.memory_space<semaphore_mem>>) src(%arg13 : memref<128x64xf32, #tpu.memory_space<vmem>>) dst(%dma_wait3A_211 : memref<128x64xf32, #tpu.memory_space<vmem_shared>>)
      tpu.yield
    }) : () -> ()
    %add3A_2 = arith.constant 128 : i32
    %add3A_3 = arith.addi %mul3A_0, %add3A_2 : i32
    "tpu.region"() ({
      %run_scoped3A_203 = tpu.sem_alloc : memref<!tpu.dma_semaphore, #tpu.memory_space<semaphore_mem>>
      %dma_start3A_204 = arith.constant 0 : i32
      %dma_start3A_205 = tpu.memref_slice %arg18[%add3A_3, %dma_start3A_204] : memref<10240x64xf32, #tpu.memory_space<vmem_shared>> -> memref<128x64xf32, #tpu.memory_space<vmem_shared>>
      %dma_start3A_206 = arith.constant 0 : i32
      %dma_start3A_207 = tpu.memref_slice %arg18[%add3A_3, %dma_start3A_206] : memref<10240x64xf32, #tpu.memory_space<vmem_shared>> -> memref<128x64xf32, #tpu.memory_space<vmem_shared>>
      tpu.enqueue_dma source(%arg13 : memref<128x64xf32, #tpu.memory_space<vmem>>) target(%dma_start3A_207 : memref<128x64xf32, #tpu.memory_space<vmem_shared>>) target_semaphore(%run_scoped3A_203 : memref<!tpu.dma_semaphore, #tpu.memory_space<semaphore_mem>>)
      %dma_wait3A_208 = arith.constant 0 : i32
      %dma_wait3A_209 = tpu.memref_slice %arg18[%add3A_3, %dma_wait3A_208] : memref<10240x64xf32, #tpu.memory_space<vmem_shared>> -> memref<128x64xf32, #tpu.memory_space<vmem_shared>>
      %dma_wait3A_210 = arith.constant 0 : i32
      %dma_wait3A_211 = tpu.memref_slice %arg18[%add3A_3, %dma_wait3A_210] : memref<10240x64xf32, #tpu.memory_space<vmem_shared>> -> memref<128x64xf32, #tpu.memory_space<vmem_shared>>
      tpu.wait_dma2 semaphore(%run_scoped3A_203 : memref<!tpu.dma_semaphore, #tpu.memory_space<semaphore_mem>>) src(%arg13 : memref<128x64xf32, #tpu.memory_space<vmem>>) dst(%dma_wait3A_211 : memref<128x64xf32, #tpu.memory_space<vmem_shared>>)
      tpu.yield
    }) : () -> ()
    %add3A_4 = arith.constant 256 : i32
    %add3A_5 = arith.addi %mul3A_0, %add3A_4 : i32
    "tpu.region"() ({
      %run_scoped3A_203 = tpu.sem_alloc : memref<!tpu.dma_semaphore, #tpu.memory_space<semaphore_mem>>
      %dma_start3A_204 = arith.constant 0 : i32
      %dma_start3A_205 = tpu.memref_slice %arg18[%add3A_5, %dma_start3A_204] : memref<10240x64xf32, #tpu.memory_space<vmem_shared>> -> memref<128x64xf32, #tpu.memory_space<vmem_shared>>
      %dma_start3A_206 = arith.constant 0 : i32
      %dma_start3A_207 = tpu.memref_slice %arg18[%add3A_5, %dma_start3A_206] : memref<10240x64xf32, #tpu.memory_space<vmem_shared>> -> memref<128x64xf32, #tpu.memory_space<vmem_shared>>
      tpu.enqueue_dma source(%arg13 : memref<128x64xf32, #tpu.memory_space<vmem>>) target(%dma_start3A_207 : memref<128x64xf32, #tpu.memory_space<vmem_shared>>) target_semaphore(%run_scoped3A_203 : memref<!tpu.dma_semaphore, #tpu.memory_space<semaphore_mem>>)
      %dma_wait3A_208 = arith.constant 0 : i32
      %dma_wait3A_209 = tpu.memref_slice %arg18[%add3A_5, %dma_wait3A_208] : memref<10240x64xf32, #tpu.memory_space<vmem_shared>> -> memref<128x64xf32, #tpu.memory_space<vmem_shared>>
      %dma_wait3A_210 = arith.constant 0 : i32
      %dma_wait3A_211 = tpu.memref_slice %arg18[%add3A_5, %dma_wait3A_210] : memref<10240x64xf32, #tpu.memory_space<vmem_shared>> -> memref<128x64xf32, #tpu.memory_space<vmem_shared>>
      tpu.wait_dma2 semaphore(%run_scoped3A_203 : memref<!tpu.dma_semaphore, #tpu.memory_space<semaphore_mem>>) src(%arg13 : memref<128x64xf32, #tpu.memory_space<vmem>>) dst(%dma_wait3A_211 : memref<128x64xf32, #tpu.memory_space<vmem_shared>>)
      tpu.yield
    }) : () -> ()
    %add3A_6 = arith.constant 384 : i32
    %add3A_7 = arith.addi %mul3A_0, %add3A_6 : i32
    "tpu.region"() ({
      %run_scoped3A_203 = tpu.sem_alloc : memref<!tpu.dma_semaphore, #tpu.memory_space<semaphore_mem>>
      %dma_start3A_204 = arith.constant 0 : i32
      %dma_start3A_205 = tpu.memref_slice %arg18[%add3A_7, %dma_start3A_204] : memref<10240x64xf32, #tpu.memory_space<vmem_shared>> -> memref<128x64xf32, #tpu.memory_space<vmem_shared>>
      %dma_start3A_206 = arith.constant 0 : i32
      %dma_start3A_207 = tpu.memref_slice %arg18[%add3A_7, %dma_start3A_206] : memref<10240x64xf32, #tpu.memory_space<vmem_shared>> -> memref<128x64xf32, #tpu.memory_space<vmem_shared>>
      tpu.enqueue_dma source(%arg13 : memref<128x64xf32, #tpu.memory_space<vmem>>) target(%dma_start3A_207 : memref<128x64xf32, #tpu.memory_space<vmem_shared>>) target_semaphore(%run_scoped3A_203 : memref<!tpu.dma_semaphore, #tpu.memory_space<semaphore_mem>>)
      %dma_wait3A_208 = arith.constant 0 : i32
      %dma_wait3A_209 = tpu.memref_slice %arg18[%add3A_7, %dma_wait3A_208] : memref<10240x64xf32, #tpu.memory_space<vmem_shared>> -> memref<128x64xf32, #tpu.memory_space<vmem_shared>>
      %dma_wait3A_210 = arith.constant 0 : i32
      %dma_wait3A_211 = tpu.memref_slice %arg18[%add3A_7, %dma_wait3A_210] : memref<10240x64xf32, #tpu.memory_space<vmem_shared>> -> memref<128x64xf32, #tpu.memory_space<vmem_shared>>
      tpu.wait_dma2 semaphore(%run_scoped3A_203 : memref<!tpu.dma_semaphore, #tpu.memory_space<semaphore_mem>>) src(%arg13 : memref<128x64xf32, #tpu.memory_space<vmem>>) dst(%dma_wait3A_211 : memref<128x64xf32, #tpu.memory_space<vmem_shared>>)
      tpu.yield
    }) : () -> ()
    %add3A_8 = arith.constant 512 : i32
    %add3A_9 = arith.addi %mul3A_0, %add3A_8 : i32
    "tpu.region"() ({
      %run_scoped3A_203 = tpu.sem_alloc : memref<!tpu.dma_semaphore, #tpu.memory_space<semaphore_mem>>
      %dma_start3A_204 = arith.constant 0 : i32
      %dma_start3A_205 = tpu.memref_slice %arg18[%add3A_9, %dma_start3A_204] : memref<10240x64xf32, #tpu.memory_space<vmem_shared>> -> memref<128x64xf32, #tpu.memory_space<vmem_shared>>
      %dma_start3A_206 = arith.constant 0 : i32
      %dma_start3A_207 = tpu.memref_slice %arg18[%add3A_9, %dma_start3A_206] : memref<10240x64xf32, #tpu.memory_space<vmem_shared>> -> memref<128x64xf32, #tpu.memory_space<vmem_shared>>
      tpu.enqueue_dma source(%arg13 : memref<128x64xf32, #tpu.memory_space<vmem>>) target(%dma_start3A_207 : memref<128x64xf32, #tpu.memory_space<vmem_shared>>) target_semaphore(%run_scoped3A_203 : memref<!tpu.dma_semaphore, #tpu.memory_space<semaphore_mem>>)
      %dma_wait3A_208 = arith.constant 0 : i32
      %dma_wait3A_209 = tpu.memref_slice %arg18[%add3A_9, %dma_wait3A_208] : memref<10240x64xf32, #tpu.memory_space<vmem_shared>> -> memref<128x64xf32, #tpu.memory_space<vmem_shared>>
      %dma_wait3A_210 = arith.constant 0 : i32
      %dma_wait3A_211 = tpu.memref_slice %arg18[%add3A_9, %dma_wait3A_210] : memref<10240x64xf32, #tpu.memory_space<vmem_shared>> -> memref<128x64xf32, #tpu.memory_space<vmem_shared>>
      tpu.wait_dma2 semaphore(%run_scoped3A_203 : memref<!tpu.dma_semaphore, #tpu.memory_space<semaphore_mem>>) src(%arg13 : memref<128x64xf32, #tpu.memory_space<vmem>>) dst(%dma_wait3A_211 : memref<128x64xf32, #tpu.memory_space<vmem_shared>>)
      tpu.yield
    }) : () -> ()
    %eq3A = arith.constant 0 : i32
    %eq3A_10 = arith.cmpi eq, %arg0, %eq3A : i32
    %convert_element_type3A = arith.extui %eq3A_10 : i1 to i32
    %cond3A = arith.constant 0 : i32
    %cond3A_11 = arith.cmpi ne, %convert_element_type3A, %cond3A : i32
    scf.if %cond3A_11 {
      %add3A_203 = arith.constant 0 : i32
      %add3A_204 = arith.addi %mul3A_0, %add3A_203 : i32
      %run_scoped3A_205 = arith.constant 1 : i32
      "tpu.region"() ({
        %run_scoped3A_218 = tpu.sem_alloc : memref<!tpu.dma_semaphore, #tpu.memory_space<semaphore_mem>>
        %dma_start3A_219 = arith.constant 0 : i32
        %dma_start3A_220 = tpu.memref_slice %arg19[%add3A_204, %dma_start3A_219] : memref<10240x8xf32, #tpu.memory_space<vmem_shared>> -> memref<128x8xf32, #tpu.memory_space<vmem_shared>>
        %dma_start3A_221 = arith.constant 0 : i32
        %dma_start3A_222 = arith.constant 0 : i32
        %dma_start3A_223 = tpu.memref_slice %arg7[%run_scoped3A_205, %dma_start3A_221, %dma_start3A_222] : memref<2x128x8xf32, #tpu.memory_space<hbm>> -> memref<1x128x8xf32, #tpu.memory_space<hbm>>
        %dma_start3A_224 = tpu.memref_squeeze %dma_start3A_223 : memref<1x128x8xf32, #tpu.memory_space<hbm>> -> memref<128x8xf32, #tpu.memory_space<hbm>>
        tpu.enqueue_dma source(%dma_start3A_224 : memref<128x8xf32, #tpu.memory_space<hbm>>) target(%dma_start3A_220 : memref<128x8xf32, #tpu.memory_space<vmem_shared>>) target_semaphore(%run_scoped3A_218 : memref<!tpu.dma_semaphore, #tpu.memory_space<semaphore_mem>>)
        %dma_wait3A_225 = arith.constant 0 : i32
        %dma_wait3A_226 = tpu.memref_slice %arg19[%add3A_204, %dma_wait3A_225] : memref<10240x8xf32, #tpu.memory_space<vmem_shared>> -> memref<128x8xf32, #tpu.memory_space<vmem_shared>>
        %dma_wait3A_227 = arith.constant 0 : i32
        %dma_wait3A_228 = arith.constant 0 : i32
        %dma_wait3A_229 = tpu.memref_slice %arg7[%run_scoped3A_205, %dma_wait3A_227, %dma_wait3A_228] : memref<2x128x8xf32, #tpu.memory_space<hbm>> -> memref<1x128x8xf32, #tpu.memory_space<hbm>>
        %dma_wait3A_230 = tpu.memref_squeeze %dma_wait3A_229 : memref<1x128x8xf32, #tpu.memory_space<hbm>> -> memref<128x8xf32, #tpu.memory_space<hbm>>
        tpu.wait_dma2 semaphore(%run_scoped3A_218 : memref<!tpu.dma_semaphore, #tpu.memory_space<semaphore_mem>>) src(%dma_wait3A_230 : memref<128x8xf32, #tpu.memory_space<hbm>>) dst(%dma_wait3A_226 : memref<128x8xf32, #tpu.memory_space<vmem_shared>>)
        tpu.yield
      }) : () -> ()
      %add3A_206 = arith.constant 128 : i32
      %add3A_207 = arith.addi %mul3A_0, %add3A_206 : i32
      %run_scoped3A_208 = arith.constant 1 : i32
      "tpu.region"() ({
        %run_scoped3A_218 = tpu.sem_alloc : memref<!tpu.dma_semaphore, #tpu.memory_space<semaphore_mem>>
        %dma_start3A_219 = arith.constant 0 : i32
        %dma_start3A_220 = tpu.memref_slice %arg19[%add3A_207, %dma_start3A_219] : memref<10240x8xf32, #tpu.memory_space<vmem_shared>> -> memref<128x8xf32, #tpu.memory_space<vmem_shared>>
        %dma_start3A_221 = arith.constant 0 : i32
        %dma_start3A_222 = arith.constant 0 : i32
        %dma_start3A_223 = tpu.memref_slice %arg7[%run_scoped3A_208, %dma_start3A_221, %dma_start3A_222] : memref<2x128x8xf32, #tpu.memory_space<hbm>> -> memref<1x128x8xf32, #tpu.memory_space<hbm>>
        %dma_start3A_224 = tpu.memref_squeeze %dma_start3A_223 : memref<1x128x8xf32, #tpu.memory_space<hbm>> -> memref<128x8xf32, #tpu.memory_space<hbm>>
        tpu.enqueue_dma source(%dma_start3A_224 : memref<128x8xf32, #tpu.memory_space<hbm>>) target(%dma_start3A_220 : memref<128x8xf32, #tpu.memory_space<vmem_shared>>) target_semaphore(%run_scoped3A_218 : memref<!tpu.dma_semaphore, #tpu.memory_space<semaphore_mem>>)
        %dma_wait3A_225 = arith.constant 0 : i32
        %dma_wait3A_226 = tpu.memref_slice %arg19[%add3A_207, %dma_wait3A_225] : memref<10240x8xf32, #tpu.memory_space<vmem_shared>> -> memref<128x8xf32, #tpu.memory_space<vmem_shared>>
        %dma_wait3A_227 = arith.constant 0 : i32
        %dma_wait3A_228 = arith.constant 0 : i32
        %dma_wait3A_229 = tpu.memref_slice %arg7[%run_scoped3A_208, %dma_wait3A_227, %dma_wait3A_228] : memref<2x128x8xf32, #tpu.memory_space<hbm>> -> memref<1x128x8xf32, #tpu.memory_space<hbm>>
        %dma_wait3A_230 = tpu.memref_squeeze %dma_wait3A_229 : memref<1x128x8xf32, #tpu.memory_space<hbm>> -> memref<128x8xf32, #tpu.memory_space<hbm>>
        tpu.wait_dma2 semaphore(%run_scoped3A_218 : memref<!tpu.dma_semaphore, #tpu.memory_space<semaphore_mem>>) src(%dma_wait3A_230 : memref<128x8xf32, #tpu.memory_space<hbm>>) dst(%dma_wait3A_226 : memref<128x8xf32, #tpu.memory_space<vmem_shared>>)
        tpu.yield
      }) : () -> ()
      %add3A_209 = arith.constant 256 : i32
      %add3A_210 = arith.addi %mul3A_0, %add3A_209 : i32
      %run_scoped3A_211 = arith.constant 1 : i32
      "tpu.region"() ({
        %run_scoped3A_218 = tpu.sem_alloc : memref<!tpu.dma_semaphore, #tpu.memory_space<semaphore_mem>>
        %dma_start3A_219 = arith.constant 0 : i32
        %dma_start3A_220 = tpu.memref_slice %arg19[%add3A_210, %dma_start3A_219] : memref<10240x8xf32, #tpu.memory_space<vmem_shared>> -> memref<128x8xf32, #tpu.memory_space<vmem_shared>>
        %dma_start3A_221 = arith.constant 0 : i32
        %dma_start3A_222 = arith.constant 0 : i32
        %dma_start3A_223 = tpu.memref_slice %arg7[%run_scoped3A_211, %dma_start3A_221, %dma_start3A_222] : memref<2x128x8xf32, #tpu.memory_space<hbm>> -> memref<1x128x8xf32, #tpu.memory_space<hbm>>
        %dma_start3A_224 = tpu.memref_squeeze %dma_start3A_223 : memref<1x128x8xf32, #tpu.memory_space<hbm>> -> memref<128x8xf32, #tpu.memory_space<hbm>>
        tpu.enqueue_dma source(%dma_start3A_224 : memref<128x8xf32, #tpu.memory_space<hbm>>) target(%dma_start3A_220 : memref<128x8xf32, #tpu.memory_space<vmem_shared>>) target_semaphore(%run_scoped3A_218 : memref<!tpu.dma_semaphore, #tpu.memory_space<semaphore_mem>>)
        %dma_wait3A_225 = arith.constant 0 : i32
        %dma_wait3A_226 = tpu.memref_slice %arg19[%add3A_210, %dma_wait3A_225] : memref<10240x8xf32, #tpu.memory_space<vmem_shared>> -> memref<128x8xf32, #tpu.memory_space<vmem_shared>>
        %dma_wait3A_227 = arith.constant 0 : i32
        %dma_wait3A_228 = arith.constant 0 : i32
        %dma_wait3A_229 = tpu.memref_slice %arg7[%run_scoped3A_211, %dma_wait3A_227, %dma_wait3A_228] : memref<2x128x8xf32, #tpu.memory_space<hbm>> -> memref<1x128x8xf32, #tpu.memory_space<hbm>>
        %dma_wait3A_230 = tpu.memref_squeeze %dma_wait3A_229 : memref<1x128x8xf32, #tpu.memory_space<hbm>> -> memref<128x8xf32, #tpu.memory_space<hbm>>
        tpu.wait_dma2 semaphore(%run_scoped3A_218 : memref<!tpu.dma_semaphore, #tpu.memory_space<semaphore_mem>>) src(%dma_wait3A_230 : memref<128x8xf32, #tpu.memory_space<hbm>>) dst(%dma_wait3A_226 : memref<128x8xf32, #tpu.memory_space<vmem_shared>>)
        tpu.yield
      }) : () -> ()
      %add3A_212 = arith.constant 384 : i32
      %add3A_213 = arith.addi %mul3A_0, %add3A_212 : i32
      %run_scoped3A_214 = arith.constant 1 : i32
      "tpu.region"() ({
        %run_scoped3A_218 = tpu.sem_alloc : memref<!tpu.dma_semaphore, #tpu.memory_space<semaphore_mem>>
        %dma_start3A_219 = arith.constant 0 : i32
        %dma_start3A_220 = tpu.memref_slice %arg19[%add3A_213, %dma_start3A_219] : memref<10240x8xf32, #tpu.memory_space<vmem_shared>> -> memref<128x8xf32, #tpu.memory_space<vmem_shared>>
        %dma_start3A_221 = arith.constant 0 : i32
        %dma_start3A_222 = arith.constant 0 : i32
        %dma_start3A_223 = tpu.memref_slice %arg7[%run_scoped3A_214, %dma_start3A_221, %dma_start3A_222] : memref<2x128x8xf32, #tpu.memory_space<hbm>> -> memref<1x128x8xf32, #tpu.memory_space<hbm>>
        %dma_start3A_224 = tpu.memref_squeeze %dma_start3A_223 : memref<1x128x8xf32, #tpu.memory_space<hbm>> -> memref<128x8xf32, #tpu.memory_space<hbm>>
        tpu.enqueue_dma source(%dma_start3A_224 : memref<128x8xf32, #tpu.memory_space<hbm>>) target(%dma_start3A_220 : memref<128x8xf32, #tpu.memory_space<vmem_shared>>) target_semaphore(%run_scoped3A_218 : memref<!tpu.dma_semaphore, #tpu.memory_space<semaphore_mem>>)
        %dma_wait3A_225 = arith.constant 0 : i32
        %dma_wait3A_226 = tpu.memref_slice %arg19[%add3A_213, %dma_wait3A_225] : memref<10240x8xf32, #tpu.memory_space<vmem_shared>> -> memref<128x8xf32, #tpu.memory_space<vmem_shared>>
        %dma_wait3A_227 = arith.constant 0 : i32
        %dma_wait3A_228 = arith.constant 0 : i32
        %dma_wait3A_229 = tpu.memref_slice %arg7[%run_scoped3A_214, %dma_wait3A_227, %dma_wait3A_228] : memref<2x128x8xf32, #tpu.memory_space<hbm>> -> memref<1x128x8xf32, #tpu.memory_space<hbm>>
        %dma_wait3A_230 = tpu.memref_squeeze %dma_wait3A_229 : memref<1x128x8xf32, #tpu.memory_space<hbm>> -> memref<128x8xf32, #tpu.memory_space<hbm>>
        tpu.wait_dma2 semaphore(%run_scoped3A_218 : memref<!tpu.dma_semaphore, #tpu.memory_space<semaphore_mem>>) src(%dma_wait3A_230 : memref<128x8xf32, #tpu.memory_space<hbm>>) dst(%dma_wait3A_226 : memref<128x8xf32, #tpu.memory_space<vmem_shared>>)
        tpu.yield
      }) : () -> ()
      %add3A_215 = arith.constant 512 : i32
      %add3A_216 = arith.addi %mul3A_0, %add3A_215 : i32
      %run_scoped3A_217 = arith.constant 1 : i32
      "tpu.region"() ({
        %run_scoped3A_218 = tpu.sem_alloc : memref<!tpu.dma_semaphore, #tpu.memory_space<semaphore_mem>>
        %dma_start3A_219 = arith.constant 0 : i32
        %dma_start3A_220 = tpu.memref_slice %arg19[%add3A_216, %dma_start3A_219] : memref<10240x8xf32, #tpu.memory_space<vmem_shared>> -> memref<128x8xf32, #tpu.memory_space<vmem_shared>>
        %dma_start3A_221 = arith.constant 0 : i32
        %dma_start3A_222 = arith.constant 0 : i32
        %dma_start3A_223 = tpu.memref_slice %arg7[%run_scoped3A_217, %dma_start3A_221, %dma_start3A_222] : memref<2x128x8xf32, #tpu.memory_space<hbm>> -> memref<1x128x8xf32, #tpu.memory_space<hbm>>
        %dma_start3A_224 = tpu.memref_squeeze %dma_start3A_223 : memref<1x128x8xf32, #tpu.memory_space<hbm>> -> memref<128x8xf32, #tpu.memory_space<hbm>>
        tpu.enqueue_dma source(%dma_start3A_224 : memref<128x8xf32, #tpu.memory_space<hbm>>) target(%dma_start3A_220 : memref<128x8xf32, #tpu.memory_space<vmem_shared>>) target_semaphore(%run_scoped3A_218 : memref<!tpu.dma_semaphore, #tpu.memory_space<semaphore_mem>>)
        %dma_wait3A_225 = arith.constant 0 : i32
        %dma_wait3A_226 = tpu.memref_slice %arg19[%add3A_216, %dma_wait3A_225] : memref<10240x8xf32, #tpu.memory_space<vmem_shared>> -> memref<128x8xf32, #tpu.memory_space<vmem_shared>>
        %dma_wait3A_227 = arith.constant 0 : i32
        %dma_wait3A_228 = arith.constant 0 : i32
        %dma_wait3A_229 = tpu.memref_slice %arg7[%run_scoped3A_217, %dma_wait3A_227, %dma_wait3A_228] : memref<2x128x8xf32, #tpu.memory_space<hbm>> -> memref<1x128x8xf32, #tpu.memory_space<hbm>>
        %dma_wait3A_230 = tpu.memref_squeeze %dma_wait3A_229 : memref<1x128x8xf32, #tpu.memory_space<hbm>> -> memref<128x8xf32, #tpu.memory_space<hbm>>
        tpu.wait_dma2 semaphore(%run_scoped3A_218 : memref<!tpu.dma_semaphore, #tpu.memory_space<semaphore_mem>>) src(%dma_wait3A_230 : memref<128x8xf32, #tpu.memory_space<hbm>>) dst(%dma_wait3A_226 : memref<128x8xf32, #tpu.memory_space<vmem_shared>>)
        tpu.yield
      }) : () -> ()
    } else {
    }
    %run_scoped3A = arith.constant 0 : i32
    "tpu.region"() ({
      %run_scoped3A_203 = tpu.sem_alloc : memref<!tpu.dma_semaphore, #tpu.memory_space<semaphore_mem>>
      %dma_start3A_204 = arith.constant 0 : i32
      %dma_start3A_205 = arith.constant 0 : i32
      %dma_start3A_206 = tpu.memref_slice %arg7[%run_scoped3A, %dma_start3A_204, %dma_start3A_205] : memref<2x128x8xf32, #tpu.memory_space<hbm>> -> memref<1x128x8xf32, #tpu.memory_space<hbm>>
      %dma_start3A_207 = tpu.memref_squeeze %dma_start3A_206 : memref<1x128x8xf32, #tpu.memory_space<hbm>> -> memref<128x8xf32, #tpu.memory_space<hbm>>
      %dma_start3A_208 = arith.constant 0 : i32
      %dma_start3A_209 = arith.constant 0 : i32
      %dma_start3A_210 = tpu.memref_slice %arg7[%run_scoped3A, %dma_start3A_208, %dma_start3A_209] : memref<2x128x8xf32, #tpu.memory_space<hbm>> -> memref<1x128x8xf32, #tpu.memory_space<hbm>>
      %dma_start3A_211 = tpu.memref_squeeze %dma_start3A_210 : memref<1x128x8xf32, #tpu.memory_space<hbm>> -> memref<128x8xf32, #tpu.memory_space<hbm>>
      tpu.enqueue_dma source(%dma_start3A_211 : memref<128x8xf32, #tpu.memory_space<hbm>>) target(%arg17 : memref<128x8xf32, #tpu.memory_space<vmem>>) target_semaphore(%run_scoped3A_203 : memref<!tpu.dma_semaphore, #tpu.memory_space<semaphore_mem>>)
      %dma_wait3A_212 = arith.constant 0 : i32
      %dma_wait3A_213 = arith.constant 0 : i32
      %dma_wait3A_214 = tpu.memref_slice %arg7[%run_scoped3A, %dma_wait3A_212, %dma_wait3A_213] : memref<2x128x8xf32, #tpu.memory_space<hbm>> -> memref<1x128x8xf32, #tpu.memory_space<hbm>>
      %dma_wait3A_215 = tpu.memref_squeeze %dma_wait3A_214 : memref<1x128x8xf32, #tpu.memory_space<hbm>> -> memref<128x8xf32, #tpu.memory_space<hbm>>
      %dma_wait3A_216 = arith.constant 0 : i32
      %dma_wait3A_217 = arith.constant 0 : i32
      %dma_wait3A_218 = tpu.memref_slice %arg7[%run_scoped3A, %dma_wait3A_216, %dma_wait3A_217] : memref<2x128x8xf32, #tpu.memory_space<hbm>> -> memref<1x128x8xf32, #tpu.memory_space<hbm>>
      %dma_wait3A_219 = tpu.memref_squeeze %dma_wait3A_218 : memref<1x128x8xf32, #tpu.memory_space<hbm>> -> memref<128x8xf32, #tpu.memory_space<hbm>>
      tpu.wait_dma2 semaphore(%run_scoped3A_203 : memref<!tpu.dma_semaphore, #tpu.memory_space<semaphore_mem>>) src(%dma_wait3A_219 : memref<128x8xf32, #tpu.memory_space<hbm>>) dst(%arg17 : memref<128x8xf32, #tpu.memory_space<vmem>>)
      tpu.yield
    }) : () -> ()
    %barrier3A = arith.constant 0 : index
    tpu.barrier barrier_id(%barrier3A)
    %scan3A = arith.constant 0 : i32
    %scan3A_12 = arith.constant 0 : i32
    %scan3A_13 = arith.constant 5 : i32
    %scan3A_14 = arith.addi %scan3A_12, %scan3A_13 : i32
    %scan3A_15 = arith.constant 1 : i32
    %scan3A_16 = scf.for %scan3A_203 = %scan3A_12 to %scan3A_14 step %scan3A_15 iter_args(%scan3A_204 = %scan3A) -> (i32)  : i32 {
      %ge3A = arith.constant 1 : i32
      %ge3A_205 = arith.cmpi sge, %scan3A_203, %ge3A : i32
      %convert_element_type3A_206 = arith.extui %ge3A_205 : i1 to i32
      %cond3A_207 = arith.constant 0 : i32
      %cond3A_208 = arith.cmpi ne, %convert_element_type3A_206, %cond3A_207 : i32
      scf.if %cond3A_208 {
        %dma_wait3A_228 = arith.constant 0 : i32
        %dma_wait3A_229 = arith.constant 0 : i32
        %dma_wait3A_230 = tpu.memref_slice %arg11[%dma_wait3A_228, %dma_wait3A_229] : memref<16x128xi32, #tpu.memory_space<vmem>> -> memref<1x128xi32, #tpu.memory_space<vmem>>
        %dma_wait3A_231 = tpu.memref_squeeze %dma_wait3A_230 : memref<1x128xi32, #tpu.memory_space<vmem>> -> memref<128xi32, #tpu.memory_space<vmem>>
        %dma_wait3A_232 = arith.constant 0 : i32
        %dma_wait3A_233 = arith.constant 0 : i32
        %dma_wait3A_234 = tpu.memref_slice %arg2[%dma_wait3A_232, %dma_wait3A_233] : memref<40960x64xf32, #tpu.memory_space<hbm>> -> memref<40960x64xf32, #tpu.memory_space<hbm>>
        tpu.wait_indirect_dma semaphore(%arg27 : memref<!tpu.dma_semaphore, #tpu.memory_space<semaphore_mem>>) src(%dma_wait3A_234 : memref<40960x64xf32, #tpu.memory_space<hbm>>) dst(%arg16 : memref<128x64xf32, #tpu.memory_space<vmem>>)
        %run_scoped3A_235 = arith.constant 15 : i32
        "tpu.region"() ({
          %run_scoped3A_262 = tpu.sem_alloc : memref<!tpu.dma_semaphore, #tpu.memory_space<semaphore_mem>>
          %dma_start3A_263 = arith.constant 0 : i32
          %dma_start3A_264 = tpu.memref_slice %arg12[%run_scoped3A_235, %dma_start3A_263] : memref<16x128xi32, #tpu.memory_space<vmem>> -> memref<1x128xi32, #tpu.memory_space<vmem>>
          %dma_start3A_265 = tpu.memref_squeeze %dma_start3A_264 : memref<1x128xi32, #tpu.memory_space<vmem>> -> memref<128xi32, #tpu.memory_space<vmem>>
          %dma_start3A_266 = arith.constant 0 : i32
          %dma_start3A_267 = arith.constant 0 : i32
          %dma_start3A_268 = tpu.memref_slice %arg18[%dma_start3A_266, %dma_start3A_267] : memref<10240x64xf32, #tpu.memory_space<vmem_shared>> -> memref<10240x64xf32, #tpu.memory_space<vmem_shared>>
          tpu.enqueue_indirect_dma source(%arg16 : memref<128x64xf32, #tpu.memory_space<vmem>>) target(%dma_start3A_268 : memref<10240x64xf32, #tpu.memory_space<vmem_shared>>) offsets(%dma_start3A_265 : memref<128xi32, #tpu.memory_space<vmem>>) semaphore(%run_scoped3A_262 : memref<!tpu.dma_semaphore, #tpu.memory_space<semaphore_mem>>) {add = true}
          %dma_wait3A_269 = arith.constant 0 : i32
          %dma_wait3A_270 = tpu.memref_slice %arg12[%run_scoped3A_235, %dma_wait3A_269] : memref<16x128xi32, #tpu.memory_space<vmem>> -> memref<1x128xi32, #tpu.memory_space<vmem>>
          %dma_wait3A_271 = tpu.memref_squeeze %dma_wait3A_270 : memref<1x128xi32, #tpu.memory_space<vmem>> -> memref<128xi32, #tpu.memory_space<vmem>>
          %dma_wait3A_272 = arith.constant 0 : i32
          %dma_wait3A_273 = arith.constant 0 : i32
          %dma_wait3A_274 = tpu.memref_slice %arg18[%dma_wait3A_272, %dma_wait3A_273] : memref<10240x64xf32, #tpu.memory_space<vmem_shared>> -> memref<10240x64xf32, #tpu.memory_space<vmem_shared>>
          tpu.wait_indirect_dma semaphore(%run_scoped3A_262 : memref<!tpu.dma_semaphore, #tpu.memory_space<semaphore_mem>>) src(%arg16 : memref<128x64xf32, #tpu.memory_space<vmem>>) dst(%dma_wait3A_274 : memref<10240x64xf32, #tpu.memory_space<vmem_shared>>)
          tpu.yield
        }) : () -> ()
        %eq3A_236 = arith.constant 0 : i32
        %eq3A_237 = arith.cmpi eq, %arg0, %eq3A_236 : i32
        %convert_element_type3A_238 = arith.extui %eq3A_237 : i1 to i32
        %cond3A_239 = arith.constant 0 : i32
        %cond3A_240 = arith.cmpi ne, %convert_element_type3A_238, %cond3A_239 : i32
        scf.if %cond3A_240 {
          %run_scoped3A_262 = arith.constant 15 : i32
          "tpu.region"() ({
            %run_scoped3A_263 = tpu.sem_alloc : memref<!tpu.dma_semaphore, #tpu.memory_space<semaphore_mem>>
            %dma_start3A_264 = arith.constant 0 : i32
            %dma_start3A_265 = tpu.memref_slice %arg12[%run_scoped3A_262, %dma_start3A_264] : memref<16x128xi32, #tpu.memory_space<vmem>> -> memref<1x128xi32, #tpu.memory_space<vmem>>
            %dma_start3A_266 = tpu.memref_squeeze %dma_start3A_265 : memref<1x128xi32, #tpu.memory_space<vmem>> -> memref<128xi32, #tpu.memory_space<vmem>>
            %dma_start3A_267 = arith.constant 0 : i32
            %dma_start3A_268 = arith.constant 0 : i32
            %dma_start3A_269 = tpu.memref_slice %arg19[%dma_start3A_267, %dma_start3A_268] : memref<10240x8xf32, #tpu.memory_space<vmem_shared>> -> memref<10240x8xf32, #tpu.memory_space<vmem_shared>>
            tpu.enqueue_indirect_dma source(%arg17 : memref<128x8xf32, #tpu.memory_space<vmem>>) target(%dma_start3A_269 : memref<10240x8xf32, #tpu.memory_space<vmem_shared>>) offsets(%dma_start3A_266 : memref<128xi32, #tpu.memory_space<vmem>>) semaphore(%run_scoped3A_263 : memref<!tpu.dma_semaphore, #tpu.memory_space<semaphore_mem>>) {add = true}
            %dma_wait3A_270 = arith.constant 0 : i32
            %dma_wait3A_271 = tpu.memref_slice %arg12[%run_scoped3A_262, %dma_wait3A_270] : memref<16x128xi32, #tpu.memory_space<vmem>> -> memref<1x128xi32, #tpu.memory_space<vmem>>
            %dma_wait3A_272 = tpu.memref_squeeze %dma_wait3A_271 : memref<1x128xi32, #tpu.memory_space<vmem>> -> memref<128xi32, #tpu.memory_space<vmem>>
            %dma_wait3A_273 = arith.constant 0 : i32
            %dma_wait3A_274 = arith.constant 0 : i32
            %dma_wait3A_275 = tpu.memref_slice %arg19[%dma_wait3A_273, %dma_wait3A_274] : memref<10240x8xf32, #tpu.memory_space<vmem_shared>> -> memref<10240x8xf32, #tpu.memory_space<vmem_shared>>
            tpu.wait_indirect_dma semaphore(%run_scoped3A_263 : memref<!tpu.dma_semaphore, #tpu.memory_space<semaphore_mem>>) src(%arg17 : memref<128x8xf32, #tpu.memory_space<vmem>>) dst(%dma_wait3A_275 : memref<10240x8xf32, #tpu.memory_space<vmem_shared>>)
            tpu.yield
          }) : () -> ()
        } else {
        }
        %dma_wait3A_241 = arith.constant 0 : i32
        %dma_wait3A_242 = arith.constant 0 : i32
        %dma_wait3A_243 = tpu.memref_slice %arg12[%dma_wait3A_241, %dma_wait3A_242] : memref<16x128xi32, #tpu.memory_space<vmem>> -> memref<1x128xi32, #tpu.memory_space<vmem>>
        %dma_wait3A_244 = tpu.memref_squeeze %dma_wait3A_243 : memref<1x128xi32, #tpu.memory_space<vmem>> -> memref<128xi32, #tpu.memory_space<vmem>>
        %dma_wait3A_245 = arith.constant 0 : i32
        %dma_wait3A_246 = arith.constant 0 : i32
        %dma_wait3A_247 = tpu.memref_slice %arg18[%dma_wait3A_245, %dma_wait3A_246] : memref<10240x64xf32, #tpu.memory_space<vmem_shared>> -> memref<10240x64xf32, #tpu.memory_space<vmem_shared>>
        tpu.wait_indirect_dma semaphore(%arg20 : memref<!tpu.dma_semaphore, #tpu.memory_space<semaphore_mem>>) src(%arg13 : memref<128x64xf32, #tpu.memory_space<vmem>>) dst(%dma_wait3A_247 : memref<10240x64xf32, #tpu.memory_space<vmem_shared>>)
        %dma_wait3A_248 = arith.constant 0 : i32
        %dma_wait3A_249 = arith.constant 0 : i32
        %dma_wait3A_250 = tpu.memref_slice %arg12[%dma_wait3A_248, %dma_wait3A_249] : memref<16x128xi32, #tpu.memory_space<vmem>> -> memref<1x128xi32, #tpu.memory_space<vmem>>
        %dma_wait3A_251 = tpu.memref_squeeze %dma_wait3A_250 : memref<1x128xi32, #tpu.memory_space<vmem>> -> memref<128xi32, #tpu.memory_space<vmem>>
        %dma_wait3A_252 = arith.constant 0 : i32
        %dma_wait3A_253 = arith.constant 0 : i32
        %dma_wait3A_254 = tpu.memref_slice %arg18[%dma_wait3A_252, %dma_wait3A_253] : memref<10240x64xf32, #tpu.memory_space<vmem_shared>> -> memref<10240x64xf32, #tpu.memory_space<vmem_shared>>
        tpu.wait_indirect_dma semaphore(%arg21 : memref<!tpu.dma_semaphore, #tpu.memory_space<semaphore_mem>>) src(%arg14 : memref<128x64xf32, #tpu.memory_space<vmem>>) dst(%dma_wait3A_254 : memref<10240x64xf32, #tpu.memory_space<vmem_shared>>)
        %dma_wait3A_255 = arith.constant 0 : i32
        %dma_wait3A_256 = arith.constant 0 : i32
        %dma_wait3A_257 = tpu.memref_slice %arg12[%dma_wait3A_255, %dma_wait3A_256] : memref<16x128xi32, #tpu.memory_space<vmem>> -> memref<1x128xi32, #tpu.memory_space<vmem>>
        %dma_wait3A_258 = tpu.memref_squeeze %dma_wait3A_257 : memref<1x128xi32, #tpu.memory_space<vmem>> -> memref<128xi32, #tpu.memory_space<vmem>>
        %dma_wait3A_259 = arith.constant 0 : i32
        %dma_wait3A_260 = arith.constant 0 : i32
        %dma_wait3A_261 = tpu.memref_slice %arg18[%dma_wait3A_259, %dma_wait3A_260] : memref<10240x64xf32, #tpu.memory_space<vmem_shared>> -> memref<10240x64xf32, #tpu.memory_space<vmem_shared>>
        tpu.wait_indirect_dma semaphore(%arg22 : memref<!tpu.dma_semaphore, #tpu.memory_space<semaphore_mem>>) src(%arg15 : memref<128x64xf32, #tpu.memory_space<vmem>>) dst(%dma_wait3A_261 : memref<10240x64xf32, #tpu.memory_space<vmem_shared>>)
      } else {
      }
      %mul3A_209 = arith.constant 16 : i32
      %mul3A_210 = arith.muli %scan3A_203, %mul3A_209 : i32
      "tpu.region"() ({
        %run_scoped3A_228 = tpu.sem_alloc : memref<!tpu.dma_semaphore, #tpu.memory_space<semaphore_mem>>
        %dma_start3A_229 = arith.constant 0 : i32
        %dma_start3A_230 = tpu.memref_slice %arg3[%arg1, %mul3A_210, %dma_start3A_229] : memref<16x80x128xi32, #tpu.memory_space<hbm>> -> memref<1x16x128xi32, #tpu.memory_space<hbm>>
        %dma_start3A_231 = tpu.memref_squeeze %dma_start3A_230 : memref<1x16x128xi32, #tpu.memory_space<hbm>> -> memref<16x128xi32, #tpu.memory_space<hbm>>
        %dma_start3A_232 = arith.constant 0 : i32
        %dma_start3A_233 = tpu.memref_slice %arg3[%arg1, %mul3A_210, %dma_start3A_232] : memref<16x80x128xi32, #tpu.memory_space<hbm>> -> memref<1x16x128xi32, #tpu.memory_space<hbm>>
        %dma_start3A_234 = tpu.memref_squeeze %dma_start3A_233 : memref<1x16x128xi32, #tpu.memory_space<hbm>> -> memref<16x128xi32, #tpu.memory_space<hbm>>
        tpu.enqueue_dma source(%dma_start3A_234 : memref<16x128xi32, #tpu.memory_space<hbm>>) target(%arg11 : memref<16x128xi32, #tpu.memory_space<vmem>>) target_semaphore(%run_scoped3A_228 : memref<!tpu.dma_semaphore, #tpu.memory_space<semaphore_mem>>)
        %dma_wait3A_235 = arith.constant 0 : i32
        %dma_wait3A_236 = tpu.memref_slice %arg3[%arg1, %mul3A_210, %dma_wait3A_235] : memref<16x80x128xi32, #tpu.memory_space<hbm>> -> memref<1x16x128xi32, #tpu.memory_space<hbm>>
        %dma_wait3A_237 = tpu.memref_squeeze %dma_wait3A_236 : memref<1x16x128xi32, #tpu.memory_space<hbm>> -> memref<16x128xi32, #tpu.memory_space<hbm>>
        %dma_wait3A_238 = arith.constant 0 : i32
        %dma_wait3A_239 = tpu.memref_slice %arg3[%arg1, %mul3A_210, %dma_wait3A_238] : memref<16x80x128xi32, #tpu.memory_space<hbm>> -> memref<1x16x128xi32, #tpu.memory_space<hbm>>
        %dma_wait3A_240 = tpu.memref_squeeze %dma_wait3A_239 : memref<1x16x128xi32, #tpu.memory_space<hbm>> -> memref<16x128xi32, #tpu.memory_space<hbm>>
        tpu.wait_dma2 semaphore(%run_scoped3A_228 : memref<!tpu.dma_semaphore, #tpu.memory_space<semaphore_mem>>) src(%dma_wait3A_240 : memref<16x128xi32, #tpu.memory_space<hbm>>) dst(%arg11 : memref<16x128xi32, #tpu.memory_space<vmem>>)
        tpu.yield
      }) : () -> ()
      %mul3A_211 = arith.constant 16 : i32
      %mul3A_212 = arith.muli %scan3A_203, %mul3A_211 : i32
      "tpu.region"() ({
        %run_scoped3A_228 = tpu.sem_alloc : memref<!tpu.dma_semaphore, #tpu.memory_space<semaphore_mem>>
        %dma_start3A_229 = arith.constant 0 : i32
        %dma_start3A_230 = tpu.memref_slice %arg4[%arg1, %mul3A_212, %dma_start3A_229] : memref<16x80x128xi32, #tpu.memory_space<hbm>> -> memref<1x16x128xi32, #tpu.memory_space<hbm>>
        %dma_start3A_231 = tpu.memref_squeeze %dma_start3A_230 : memref<1x16x128xi32, #tpu.memory_space<hbm>> -> memref<16x128xi32, #tpu.memory_space<hbm>>
        %dma_start3A_232 = arith.constant 0 : i32
        %dma_start3A_233 = tpu.memref_slice %arg4[%arg1, %mul3A_212, %dma_start3A_232] : memref<16x80x128xi32, #tpu.memory_space<hbm>> -> memref<1x16x128xi32, #tpu.memory_space<hbm>>
        %dma_start3A_234 = tpu.memref_squeeze %dma_start3A_233 : memref<1x16x128xi32, #tpu.memory_space<hbm>> -> memref<16x128xi32, #tpu.memory_space<hbm>>
        tpu.enqueue_dma source(%dma_start3A_234 : memref<16x128xi32, #tpu.memory_space<hbm>>) target(%arg12 : memref<16x128xi32, #tpu.memory_space<vmem>>) target_semaphore(%run_scoped3A_228 : memref<!tpu.dma_semaphore, #tpu.memory_space<semaphore_mem>>)
        %dma_wait3A_235 = arith.constant 0 : i32
        %dma_wait3A_236 = tpu.memref_slice %arg4[%arg1, %mul3A_212, %dma_wait3A_235] : memref<16x80x128xi32, #tpu.memory_space<hbm>> -> memref<1x16x128xi32, #tpu.memory_space<hbm>>
        %dma_wait3A_237 = tpu.memref_squeeze %dma_wait3A_236 : memref<1x16x128xi32, #tpu.memory_space<hbm>> -> memref<16x128xi32, #tpu.memory_space<hbm>>
        %dma_wait3A_238 = arith.constant 0 : i32
        %dma_wait3A_239 = tpu.memref_slice %arg4[%arg1, %mul3A_212, %dma_wait3A_238] : memref<16x80x128xi32, #tpu.memory_space<hbm>> -> memref<1x16x128xi32, #tpu.memory_space<hbm>>
        %dma_wait3A_240 = tpu.memref_squeeze %dma_wait3A_239 : memref<1x16x128xi32, #tpu.memory_space<hbm>> -> memref<16x128xi32, #tpu.memory_space<hbm>>
        tpu.wait_dma2 semaphore(%run_scoped3A_228 : memref<!tpu.dma_semaphore, #tpu.memory_space<semaphore_mem>>) src(%dma_wait3A_240 : memref<16x128xi32, #tpu.memory_space<hbm>>) dst(%arg12 : memref<16x128xi32, #tpu.memory_space<vmem>>)
        tpu.yield
      }) : () -> ()
      %scan3A_213 = arith.constant 0 : i32
      %scan3A_214 = arith.constant 0 : i32
      %scan3A_215 = arith.constant 16 : i32
      %scan3A_216 = arith.addi %scan3A_214, %scan3A_215 : i32
      %scan3A_217 = arith.constant 1 : i32
      %scan3A_218 = scf.for %scan3A_228 = %scan3A_214 to %scan3A_216 step %scan3A_217 iter_args(%scan3A_229 = %scan3A_213) -> (i32)  : i32 {
        %get3A = arith.index_cast %scan3A_228 : i32 to index
        %get3A_230 = arith.constant 0 : index
        %get3A_231 = tpu.vector_load %arg11[%get3A, %get3A_230] {strides = array<i32>} : memref<16x128xi32, #tpu.memory_space<vmem>>, vector<1x16xi32>,
        %get3A_232 = vector.shape_cast %get3A_231 : vector<1x16xi32> to vector<16xi32>
        %mul3A_233 = arith.constant 2 : i32
        %mul3A_234 = vector.broadcast %mul3A_233 : i32 to vector<16xi32>
        %mul3A_235 = arith.muli %get3A_232, %mul3A_234 : vector<16xi32>
        %add3A_236 = vector.broadcast %arg0 : i32 to vector<16xi32>
        %add3A_237 = arith.addi %mul3A_235, %add3A_236 : vector<16xi32>
        %swap3A = arith.index_cast %scan3A_228 : i32 to index
        %swap3A_238 = arith.constant 0 : index
        %swap3A_239 = tpu.vector_load %arg11[%swap3A, %swap3A_238] {strides = array<i32>} : memref<16x128xi32, #tpu.memory_space<vmem>>, vector<1x16xi32>,
        %swap3A_240 = vector.shape_cast %swap3A_239 : vector<1x16xi32> to vector<16xi32>
        %swap3A_241 = vector.shape_cast %add3A_237 : vector<16xi32> to vector<1x16xi32>
        tpu.vector_store %arg11[%swap3A, %swap3A_238], %swap3A_241 {strides = array<i32>} : memref<16x128xi32, #tpu.memory_space<vmem>>, vector<1x16xi32>,
        %get3A_242 = arith.index_cast %scan3A_228 : i32 to index
        %get3A_243 = arith.constant 16 : index
        %get3A_244 = tpu.vector_load %arg11[%get3A_242, %get3A_243] {strides = array<i32>} : memref<16x128xi32, #tpu.memory_space<vmem>>, vector<1x16xi32>,
        %get3A_245 = vector.shape_cast %get3A_244 : vector<1x16xi32> to vector<16xi32>
        %mul3A_246 = arith.constant 2 : i32
        %mul3A_247 = vector.broadcast %mul3A_246 : i32 to vector<16xi32>
        %mul3A_248 = arith.muli %get3A_245, %mul3A_247 : vector<16xi32>
        %add3A_249 = vector.broadcast %arg0 : i32 to vector<16xi32>
        %add3A_250 = arith.addi %mul3A_248, %add3A_249 : vector<16xi32>
        %swap3A_251 = arith.index_cast %scan3A_228 : i32 to index
        %swap3A_252 = arith.constant 16 : index
        %swap3A_253 = tpu.vector_load %arg11[%swap3A_251, %swap3A_252] {strides = array<i32>} : memref<16x128xi32, #tpu.memory_space<vmem>>, vector<1x16xi32>,
        %swap3A_254 = vector.shape_cast %swap3A_253 : vector<1x16xi32> to vector<16xi32>
        %swap3A_255 = vector.shape_cast %add3A_250 : vector<16xi32> to vector<1x16xi32>
        tpu.vector_store %arg11[%swap3A_251, %swap3A_252], %swap3A_255 {strides = array<i32>} : memref<16x128xi32, #tpu.memory_space<vmem>>, vector<1x16xi32>,
        %get3A_256 = arith.index_cast %scan3A_228 : i32 to index
        %get3A_257 = arith.constant 32 : index
        %get3A_258 = tpu.vector_load %arg11[%get3A_256, %get3A_257] {strides = array<i32>} : memref<16x128xi32, #tpu.memory_space<vmem>>, vector<1x16xi32>,
        %get3A_259 = vector.shape_cast %get3A_258 : vector<1x16xi32> to vector<16xi32>
        %mul3A_260 = arith.constant 2 : i32
        %mul3A_261 = vector.broadcast %mul3A_260 : i32 to vector<16xi32>
        %mul3A_262 = arith.muli %get3A_259, %mul3A_261 : vector<16xi32>
        %add3A_263 = vector.broadcast %arg0 : i32 to vector<16xi32>
        %add3A_264 = arith.addi %mul3A_262, %add3A_263 : vector<16xi32>
        %swap3A_265 = arith.index_cast %scan3A_228 : i32 to index
        %swap3A_266 = arith.constant 32 : index
        %swap3A_267 = tpu.vector_load %arg11[%swap3A_265, %swap3A_266] {strides = array<i32>} : memref<16x128xi32, #tpu.memory_space<vmem>>, vector<1x16xi32>,
        %swap3A_268 = vector.shape_cast %swap3A_267 : vector<1x16xi32> to vector<16xi32>
        %swap3A_269 = vector.shape_cast %add3A_264 : vector<16xi32> to vector<1x16xi32>
        tpu.vector_store %arg11[%swap3A_265, %swap3A_266], %swap3A_269 {strides = array<i32>} : memref<16x128xi32, #tpu.memory_space<vmem>>, vector<1x16xi32>,
        %get3A_270 = arith.index_cast %scan3A_228 : i32 to index
        %get3A_271 = arith.constant 48 : index
        %get3A_272 = tpu.vector_load %arg11[%get3A_270, %get3A_271] {strides = array<i32>} : memref<16x128xi32, #tpu.memory_space<vmem>>, vector<1x16xi32>,
        %get3A_273 = vector.shape_cast %get3A_272 : vector<1x16xi32> to vector<16xi32>
        %mul3A_274 = arith.constant 2 : i32
        %mul3A_275 = vector.broadcast %mul3A_274 : i32 to vector<16xi32>
        %mul3A_276 = arith.muli %get3A_273, %mul3A_275 : vector<16xi32>
        %add3A_277 = vector.broadcast %arg0 : i32 to vector<16xi32>
        %add3A_278 = arith.addi %mul3A_276, %add3A_277 : vector<16xi32>
        %swap3A_279 = arith.index_cast %scan3A_228 : i32 to index
        %swap3A_280 = arith.constant 48 : index
        %swap3A_281 = tpu.vector_load %arg11[%swap3A_279, %swap3A_280] {strides = array<i32>} : memref<16x128xi32, #tpu.memory_space<vmem>>, vector<1x16xi32>,
        %swap3A_282 = vector.shape_cast %swap3A_281 : vector<1x16xi32> to vector<16xi32>
        %swap3A_283 = vector.shape_cast %add3A_278 : vector<16xi32> to vector<1x16xi32>
        tpu.vector_store %arg11[%swap3A_279, %swap3A_280], %swap3A_283 {strides = array<i32>} : memref<16x128xi32, #tpu.memory_space<vmem>>, vector<1x16xi32>,
        %get3A_284 = arith.index_cast %scan3A_228 : i32 to index
        %get3A_285 = arith.constant 64 : index
        %get3A_286 = tpu.vector_load %arg11[%get3A_284, %get3A_285] {strides = array<i32>} : memref<16x128xi32, #tpu.memory_space<vmem>>, vector<1x16xi32>,
        %get3A_287 = vector.shape_cast %get3A_286 : vector<1x16xi32> to vector<16xi32>
        %mul3A_288 = arith.constant 2 : i32
        %mul3A_289 = vector.broadcast %mul3A_288 : i32 to vector<16xi32>
        %mul3A_290 = arith.muli %get3A_287, %mul3A_289 : vector<16xi32>
        %add3A_291 = vector.broadcast %arg0 : i32 to vector<16xi32>
        %add3A_292 = arith.addi %mul3A_290, %add3A_291 : vector<16xi32>
        %swap3A_293 = arith.index_cast %scan3A_228 : i32 to index
        %swap3A_294 = arith.constant 64 : index
        %swap3A_295 = tpu.vector_load %arg11[%swap3A_293, %swap3A_294] {strides = array<i32>} : memref<16x128xi32, #tpu.memory_space<vmem>>, vector<1x16xi32>,
        %swap3A_296 = vector.shape_cast %swap3A_295 : vector<1x16xi32> to vector<16xi32>
        %swap3A_297 = vector.shape_cast %add3A_292 : vector<16xi32> to vector<1x16xi32>
        tpu.vector_store %arg11[%swap3A_293, %swap3A_294], %swap3A_297 {strides = array<i32>} : memref<16x128xi32, #tpu.memory_space<vmem>>, vector<1x16xi32>,
        %get3A_298 = arith.index_cast %scan3A_228 : i32 to index
        %get3A_299 = arith.constant 80 : index
        %get3A_300 = tpu.vector_load %arg11[%get3A_298, %get3A_299] {strides = array<i32>} : memref<16x128xi32, #tpu.memory_space<vmem>>, vector<1x16xi32>,
        %get3A_301 = vector.shape_cast %get3A_300 : vector<1x16xi32> to vector<16xi32>
        %mul3A_302 = arith.constant 2 : i32
        %mul3A_303 = vector.broadcast %mul3A_302 : i32 to vector<16xi32>
        %mul3A_304 = arith.muli %get3A_301, %mul3A_303 : vector<16xi32>
        %add3A_305 = vector.broadcast %arg0 : i32 to vector<16xi32>
        %add3A_306 = arith.addi %mul3A_304, %add3A_305 : vector<16xi32>
        %swap3A_307 = arith.index_cast %scan3A_228 : i32 to index
        %swap3A_308 = arith.constant 80 : index
        %swap3A_309 = tpu.vector_load %arg11[%swap3A_307, %swap3A_308] {strides = array<i32>} : memref<16x128xi32, #tpu.memory_space<vmem>>, vector<1x16xi32>,
        %swap3A_310 = vector.shape_cast %swap3A_309 : vector<1x16xi32> to vector<16xi32>
        %swap3A_311 = vector.shape_cast %add3A_306 : vector<16xi32> to vector<1x16xi32>
        tpu.vector_store %arg11[%swap3A_307, %swap3A_308], %swap3A_311 {strides = array<i32>} : memref<16x128xi32, #tpu.memory_space<vmem>>, vector<1x16xi32>,
        %get3A_312 = arith.index_cast %scan3A_228 : i32 to index
        %get3A_313 = arith.constant 96 : index
        %get3A_314 = tpu.vector_load %arg11[%get3A_312, %get3A_313] {strides = array<i32>} : memref<16x128xi32, #tpu.memory_space<vmem>>, vector<1x16xi32>,
        %get3A_315 = vector.shape_cast %get3A_314 : vector<1x16xi32> to vector<16xi32>
        %mul3A_316 = arith.constant 2 : i32
        %mul3A_317 = vector.broadcast %mul3A_316 : i32 to vector<16xi32>
        %mul3A_318 = arith.muli %get3A_315, %mul3A_317 : vector<16xi32>
        %add3A_319 = vector.broadcast %arg0 : i32 to vector<16xi32>
        %add3A_320 = arith.addi %mul3A_318, %add3A_319 : vector<16xi32>
        %swap3A_321 = arith.index_cast %scan3A_228 : i32 to index
        %swap3A_322 = arith.constant 96 : index
        %swap3A_323 = tpu.vector_load %arg11[%swap3A_321, %swap3A_322] {strides = array<i32>} : memref<16x128xi32, #tpu.memory_space<vmem>>, vector<1x16xi32>,
        %swap3A_324 = vector.shape_cast %swap3A_323 : vector<1x16xi32> to vector<16xi32>
        %swap3A_325 = vector.shape_cast %add3A_320 : vector<16xi32> to vector<1x16xi32>
        tpu.vector_store %arg11[%swap3A_321, %swap3A_322], %swap3A_325 {strides = array<i32>} : memref<16x128xi32, #tpu.memory_space<vmem>>, vector<1x16xi32>,
        %get3A_326 = arith.index_cast %scan3A_228 : i32 to index
        %get3A_327 = arith.constant 112 : index
        %get3A_328 = tpu.vector_load %arg11[%get3A_326, %get3A_327] {strides = array<i32>} : memref<16x128xi32, #tpu.memory_space<vmem>>, vector<1x16xi32>,
        %get3A_329 = vector.shape_cast %get3A_328 : vector<1x16xi32> to vector<16xi32>
        %mul3A_330 = arith.constant 2 : i32
        %mul3A_331 = vector.broadcast %mul3A_330 : i32 to vector<16xi32>
        %mul3A_332 = arith.muli %get3A_329, %mul3A_331 : vector<16xi32>
        %add3A_333 = vector.broadcast %arg0 : i32 to vector<16xi32>
        %add3A_334 = arith.addi %mul3A_332, %add3A_333 : vector<16xi32>
        %swap3A_335 = arith.index_cast %scan3A_228 : i32 to index
        %swap3A_336 = arith.constant 112 : index
        %swap3A_337 = tpu.vector_load %arg11[%swap3A_335, %swap3A_336] {strides = array<i32>} : memref<16x128xi32, #tpu.memory_space<vmem>>, vector<1x16xi32>,
        %swap3A_338 = vector.shape_cast %swap3A_337 : vector<1x16xi32> to vector<16xi32>
        %swap3A_339 = vector.shape_cast %add3A_334 : vector<16xi32> to vector<1x16xi32>
        tpu.vector_store %arg11[%swap3A_335, %swap3A_336], %swap3A_339 {strides = array<i32>} : memref<16x128xi32, #tpu.memory_space<vmem>>, vector<1x16xi32>,
        %scan3A_340 = arith.constant 0 : i32
        scf.yield %scan3A_340 : i32
      }
      %scan3A_219 = arith.constant 16 : i32
      %scan3A_220 = arith.constant 0 : i32
      %scan3A_221 = arith.constant 0 : i32
      %scan3A_222 = arith.constant 4 : i32
      %scan3A_223 = arith.addi %scan3A_221, %scan3A_222 : i32
      %scan3A_224 = arith.constant 1 : i32
      %scan3A_225 = scf.for %scan3A_228 = %scan3A_221 to %scan3A_223 step %scan3A_224 iter_args(%scan3A_229 = %scan3A_220) -> (i32)  : i32 {
        %mul3A_230 = arith.constant 4 : i32
        %mul3A_231 = arith.muli %scan3A_228, %mul3A_230 : i32
        %add3A_232 = arith.constant 0 : i32
        %add3A_233 = arith.addi %mul3A_231, %add3A_232 : i32
        %ge3A_234 = arith.constant 1 : i32
        %ge3A_235 = arith.cmpi sge, %scan3A_228, %ge3A_234 : i32
        %convert_element_type3A_236 = arith.extui %ge3A_235 : i1 to i32
        %cond3A_237 = arith.constant 0 : i32
        %cond3A_238 = arith.cmpi ne, %convert_element_type3A_236, %cond3A_237 : i32
        scf.if %cond3A_238 {
          %dma_wait3A_355 = arith.constant 0 : i32
          %dma_wait3A_356 = arith.constant 0 : i32
          %dma_wait3A_357 = tpu.memref_slice %arg12[%dma_wait3A_355, %dma_wait3A_356] : memref<16x128xi32, #tpu.memory_space<vmem>> -> memref<1x128xi32, #tpu.memory_space<vmem>>
          %dma_wait3A_358 = tpu.memref_squeeze %dma_wait3A_357 : memref<1x128xi32, #tpu.memory_space<vmem>> -> memref<128xi32, #tpu.memory_space<vmem>>
          %dma_wait3A_359 = arith.constant 0 : i32
          %dma_wait3A_360 = arith.constant 0 : i32
          %dma_wait3A_361 = tpu.memref_slice %arg18[%dma_wait3A_359, %dma_wait3A_360] : memref<10240x64xf32, #tpu.memory_space<vmem_shared>> -> memref<10240x64xf32, #tpu.memory_space<vmem_shared>>
          tpu.wait_indirect_dma semaphore(%arg20 : memref<!tpu.dma_semaphore, #tpu.memory_space<semaphore_mem>>) src(%arg13 : memref<128x64xf32, #tpu.memory_space<vmem>>) dst(%dma_wait3A_361 : memref<10240x64xf32, #tpu.memory_space<vmem_shared>>)
        } else {
        }
        %dma_start3A_239 = arith.constant 0 : i32
        %dma_start3A_240 = tpu.memref_slice %arg11[%add3A_233, %dma_start3A_239] : memref<16x128xi32, #tpu.memory_space<vmem>> -> memref<1x128xi32, #tpu.memory_space<vmem>>
        %dma_start3A_241 = tpu.memref_squeeze %dma_start3A_240 : memref<1x128xi32, #tpu.memory_space<vmem>> -> memref<128xi32, #tpu.memory_space<vmem>>
        %dma_start3A_242 = arith.constant 0 : i32
        %dma_start3A_243 = arith.constant 0 : i32
        %dma_start3A_244 = tpu.memref_slice %arg2[%dma_start3A_242, %dma_start3A_243] : memref<40960x64xf32, #tpu.memory_space<hbm>> -> memref<40960x64xf32, #tpu.memory_space<hbm>>
        tpu.enqueue_indirect_dma source(%dma_start3A_244 : memref<40960x64xf32, #tpu.memory_space<hbm>>) target(%arg13 : memref<128x64xf32, #tpu.memory_space<vmem>>) offsets(%dma_start3A_241 : memref<128xi32, #tpu.memory_space<vmem>>) semaphore(%arg24 : memref<!tpu.dma_semaphore, #tpu.memory_space<semaphore_mem>>)
        %ge3A_245 = arith.constant 1 : i32
        %ge3A_246 = arith.cmpi sge, %scan3A_228, %ge3A_245 : i32
        %convert_element_type3A_247 = arith.extui %ge3A_246 : i1 to i32
        %cond3A_248 = arith.constant 0 : i32
        %cond3A_249 = arith.cmpi ne, %convert_element_type3A_247, %cond3A_248 : i32
        scf.if %cond3A_249 {
          %sub3A_355 = arith.constant 1 : i32
          %sub3A_356 = arith.subi %add3A_233, %sub3A_355 : i32
          %dma_wait3A_357 = arith.constant 0 : i32
          %dma_wait3A_358 = arith.constant 0 : i32
          %dma_wait3A_359 = tpu.memref_slice %arg11[%dma_wait3A_357, %dma_wait3A_358] : memref<16x128xi32, #tpu.memory_space<vmem>> -> memref<1x128xi32, #tpu.memory_space<vmem>>
          %dma_wait3A_360 = tpu.memref_squeeze %dma_wait3A_359 : memref<1x128xi32, #tpu.memory_space<vmem>> -> memref<128xi32, #tpu.memory_space<vmem>>
          %dma_wait3A_361 = arith.constant 0 : i32
          %dma_wait3A_362 = arith.constant 0 : i32
          %dma_wait3A_363 = tpu.memref_slice %arg2[%dma_wait3A_361, %dma_wait3A_362] : memref<40960x64xf32, #tpu.memory_space<hbm>> -> memref<40960x64xf32, #tpu.memory_space<hbm>>
          tpu.wait_indirect_dma semaphore(%arg27 : memref<!tpu.dma_semaphore, #tpu.memory_space<semaphore_mem>>) src(%dma_wait3A_363 : memref<40960x64xf32, #tpu.memory_space<hbm>>) dst(%arg16 : memref<128x64xf32, #tpu.memory_space<vmem>>)
          %dma_start3A_364 = arith.constant 0 : i32
          %dma_start3A_365 = tpu.memref_slice %arg12[%sub3A_356, %dma_start3A_364] : memref<16x128xi32, #tpu.memory_space<vmem>> -> memref<1x128xi32, #tpu.memory_space<vmem>>
          %dma_start3A_366 = tpu.memref_squeeze %dma_start3A_365 : memref<1x128xi32, #tpu.memory_space<vmem>> -> memref<128xi32, #tpu.memory_space<vmem>>
          %dma_start3A_367 = arith.constant 0 : i32
          %dma_start3A_368 = arith.constant 0 : i32
          %dma_start3A_369 = tpu.memref_slice %arg18[%dma_start3A_367, %dma_start3A_368] : memref<10240x64xf32, #tpu.memory_space<vmem_shared>> -> memref<10240x64xf32, #tpu.memory_space<vmem_shared>>
          tpu.enqueue_indirect_dma source(%arg16 : memref<128x64xf32, #tpu.memory_space<vmem>>) target(%dma_start3A_369 : memref<10240x64xf32, #tpu.memory_space<vmem_shared>>) offsets(%dma_start3A_366 : memref<128xi32, #tpu.memory_space<vmem>>) semaphore(%arg23 : memref<!tpu.dma_semaphore, #tpu.memory_space<semaphore_mem>>) {add = true}
          %eq3A_370 = arith.constant 0 : i32
          %eq3A_371 = arith.cmpi eq, %arg0, %eq3A_370 : i32
          %convert_element_type3A_372 = arith.extui %eq3A_371 : i1 to i32
          %cond3A_373 = arith.constant 0 : i32
          %cond3A_374 = arith.cmpi ne, %convert_element_type3A_372, %cond3A_373 : i32
          scf.if %cond3A_374 {
            "tpu.region"() ({
              %run_scoped3A_375 = tpu.sem_alloc : memref<!tpu.dma_semaphore, #tpu.memory_space<semaphore_mem>>
              %dma_start3A_376 = arith.constant 0 : i32
              %dma_start3A_377 = tpu.memref_slice %arg12[%sub3A_356, %dma_start3A_376] : memref<16x128xi32, #tpu.memory_space<vmem>> -> memref<1x128xi32, #tpu.memory_space<vmem>>
              %dma_start3A_378 = tpu.memref_squeeze %dma_start3A_377 : memref<1x128xi32, #tpu.memory_space<vmem>> -> memref<128xi32, #tpu.memory_space<vmem>>
              %dma_start3A_379 = arith.constant 0 : i32
              %dma_start3A_380 = arith.constant 0 : i32
              %dma_start3A_381 = tpu.memref_slice %arg19[%dma_start3A_379, %dma_start3A_380] : memref<10240x8xf32, #tpu.memory_space<vmem_shared>> -> memref<10240x8xf32, #tpu.memory_space<vmem_shared>>
              tpu.enqueue_indirect_dma source(%arg17 : memref<128x8xf32, #tpu.memory_space<vmem>>) target(%dma_start3A_381 : memref<10240x8xf32, #tpu.memory_space<vmem_shared>>) offsets(%dma_start3A_378 : memref<128xi32, #tpu.memory_space<vmem>>) semaphore(%run_scoped3A_375 : memref<!tpu.dma_semaphore, #tpu.memory_space<semaphore_mem>>) {add = true}
              %dma_wait3A_382 = arith.constant 0 : i32
              %dma_wait3A_383 = tpu.memref_slice %arg12[%sub3A_356, %dma_wait3A_382] : memref<16x128xi32, #tpu.memory_space<vmem>> -> memref<1x128xi32, #tpu.memory_space<vmem>>
              %dma_wait3A_384 = tpu.memref_squeeze %dma_wait3A_383 : memref<1x128xi32, #tpu.memory_space<vmem>> -> memref<128xi32, #tpu.memory_space<vmem>>
              %dma_wait3A_385 = arith.constant 0 : i32
              %dma_wait3A_386 = arith.constant 0 : i32
              %dma_wait3A_387 = tpu.memref_slice %arg19[%dma_wait3A_385, %dma_wait3A_386] : memref<10240x8xf32, #tpu.memory_space<vmem_shared>> -> memref<10240x8xf32, #tpu.memory_space<vmem_shared>>
              tpu.wait_indirect_dma semaphore(%run_scoped3A_375 : memref<!tpu.dma_semaphore, #tpu.memory_space<semaphore_mem>>) src(%arg17 : memref<128x8xf32, #tpu.memory_space<vmem>>) dst(%dma_wait3A_387 : memref<10240x8xf32, #tpu.memory_space<vmem_shared>>)
              tpu.yield
            }) : () -> ()
          } else {
          }
        } else {
        }
        %mul3A_250 = arith.constant 4 : i32
        %mul3A_251 = arith.muli %scan3A_228, %mul3A_250 : i32
        %add3A_252 = arith.constant 1 : i32
        %add3A_253 = arith.addi %mul3A_251, %add3A_252 : i32
        %ge3A_254 = arith.constant 1 : i32
        %ge3A_255 = arith.cmpi sge, %scan3A_228, %ge3A_254 : i32
        %convert_element_type3A_256 = arith.extui %ge3A_255 : i1 to i32
        %cond3A_257 = arith.constant 0 : i32
        %cond3A_258 = arith.cmpi ne, %convert_element_type3A_256, %cond3A_257 : i32
        scf.if %cond3A_258 {
          %dma_wait3A_355 = arith.constant 0 : i32
          %dma_wait3A_356 = arith.constant 0 : i32
          %dma_wait3A_357 = tpu.memref_slice %arg12[%dma_wait3A_355, %dma_wait3A_356] : memref<16x128xi32, #tpu.memory_space<vmem>> -> memref<1x128xi32, #tpu.memory_space<vmem>>
          %dma_wait3A_358 = tpu.memref_squeeze %dma_wait3A_357 : memref<1x128xi32, #tpu.memory_space<vmem>> -> memref<128xi32, #tpu.memory_space<vmem>>
          %dma_wait3A_359 = arith.constant 0 : i32
          %dma_wait3A_360 = arith.constant 0 : i32
          %dma_wait3A_361 = tpu.memref_slice %arg18[%dma_wait3A_359, %dma_wait3A_360] : memref<10240x64xf32, #tpu.memory_space<vmem_shared>> -> memref<10240x64xf32, #tpu.memory_space<vmem_shared>>
          tpu.wait_indirect_dma semaphore(%arg21 : memref<!tpu.dma_semaphore, #tpu.memory_space<semaphore_mem>>) src(%arg14 : memref<128x64xf32, #tpu.memory_space<vmem>>) dst(%dma_wait3A_361 : memref<10240x64xf32, #tpu.memory_space<vmem_shared>>)
        } else {
        }
        %dma_start3A_259 = arith.constant 0 : i32
        %dma_start3A_260 = tpu.memref_slice %arg11[%add3A_253, %dma_start3A_259] : memref<16x128xi32, #tpu.memory_space<vmem>> -> memref<1x128xi32, #tpu.memory_space<vmem>>
        %dma_start3A_261 = tpu.memref_squeeze %dma_start3A_260 : memref<1x128xi32, #tpu.memory_space<vmem>> -> memref<128xi32, #tpu.memory_space<vmem>>
        %dma_start3A_262 = arith.constant 0 : i32
        %dma_start3A_263 = arith.constant 0 : i32
        %dma_start3A_264 = tpu.memref_slice %arg2[%dma_start3A_262, %dma_start3A_263] : memref<40960x64xf32, #tpu.memory_space<hbm>> -> memref<40960x64xf32, #tpu.memory_space<hbm>>
        tpu.enqueue_indirect_dma source(%dma_start3A_264 : memref<40960x64xf32, #tpu.memory_space<hbm>>) target(%arg14 : memref<128x64xf32, #tpu.memory_space<vmem>>) offsets(%dma_start3A_261 : memref<128xi32, #tpu.memory_space<vmem>>) semaphore(%arg25 : memref<!tpu.dma_semaphore, #tpu.memory_space<semaphore_mem>>)
        %sub3A = arith.constant 1 : i32
        %sub3A_265 = arith.subi %add3A_253, %sub3A : i32
        %dma_wait3A_266 = arith.constant 0 : i32
        %dma_wait3A_267 = arith.constant 0 : i32
        %dma_wait3A_268 = tpu.memref_slice %arg11[%dma_wait3A_266, %dma_wait3A_267] : memref<16x128xi32, #tpu.memory_space<vmem>> -> memref<1x128xi32, #tpu.memory_space<vmem>>
        %dma_wait3A_269 = tpu.memref_squeeze %dma_wait3A_268 : memref<1x128xi32, #tpu.memory_space<vmem>> -> memref<128xi32, #tpu.memory_space<vmem>>
        %dma_wait3A_270 = arith.constant 0 : i32
        %dma_wait3A_271 = arith.constant 0 : i32
        %dma_wait3A_272 = tpu.memref_slice %arg2[%dma_wait3A_270, %dma_wait3A_271] : memref<40960x64xf32, #tpu.memory_space<hbm>> -> memref<40960x64xf32, #tpu.memory_space<hbm>>
        tpu.wait_indirect_dma semaphore(%arg24 : memref<!tpu.dma_semaphore, #tpu.memory_space<semaphore_mem>>) src(%dma_wait3A_272 : memref<40960x64xf32, #tpu.memory_space<hbm>>) dst(%arg13 : memref<128x64xf32, #tpu.memory_space<vmem>>)
        %dma_start3A_273 = arith.constant 0 : i32
        %dma_start3A_274 = tpu.memref_slice %arg12[%sub3A_265, %dma_start3A_273] : memref<16x128xi32, #tpu.memory_space<vmem>> -> memref<1x128xi32, #tpu.memory_space<vmem>>
        %dma_start3A_275 = tpu.memref_squeeze %dma_start3A_274 : memref<1x128xi32, #tpu.memory_space<vmem>> -> memref<128xi32, #tpu.memory_space<vmem>>
        %dma_start3A_276 = arith.constant 0 : i32
        %dma_start3A_277 = arith.constant 0 : i32
        %dma_start3A_278 = tpu.memref_slice %arg18[%dma_start3A_276, %dma_start3A_277] : memref<10240x64xf32, #tpu.memory_space<vmem_shared>> -> memref<10240x64xf32, #tpu.memory_space<vmem_shared>>
        tpu.enqueue_indirect_dma source(%arg13 : memref<128x64xf32, #tpu.memory_space<vmem>>) target(%dma_start3A_278 : memref<10240x64xf32, #tpu.memory_space<vmem_shared>>) offsets(%dma_start3A_275 : memref<128xi32, #tpu.memory_space<vmem>>) semaphore(%arg20 : memref<!tpu.dma_semaphore, #tpu.memory_space<semaphore_mem>>) {add = true}
        %eq3A_279 = arith.constant 0 : i32
        %eq3A_280 = arith.cmpi eq, %arg0, %eq3A_279 : i32
        %convert_element_type3A_281 = arith.extui %eq3A_280 : i1 to i32
        %cond3A_282 = arith.constant 0 : i32
        %cond3A_283 = arith.cmpi ne, %convert_element_type3A_281, %cond3A_282 : i32
        scf.if %cond3A_283 {
          "tpu.region"() ({
            %run_scoped3A_355 = tpu.sem_alloc : memref<!tpu.dma_semaphore, #tpu.memory_space<semaphore_mem>>
            %dma_start3A_356 = arith.constant 0 : i32
            %dma_start3A_357 = tpu.memref_slice %arg12[%sub3A_265, %dma_start3A_356] : memref<16x128xi32, #tpu.memory_space<vmem>> -> memref<1x128xi32, #tpu.memory_space<vmem>>
            %dma_start3A_358 = tpu.memref_squeeze %dma_start3A_357 : memref<1x128xi32, #tpu.memory_space<vmem>> -> memref<128xi32, #tpu.memory_space<vmem>>
            %dma_start3A_359 = arith.constant 0 : i32
            %dma_start3A_360 = arith.constant 0 : i32
            %dma_start3A_361 = tpu.memref_slice %arg19[%dma_start3A_359, %dma_start3A_360] : memref<10240x8xf32, #tpu.memory_space<vmem_shared>> -> memref<10240x8xf32, #tpu.memory_space<vmem_shared>>
            tpu.enqueue_indirect_dma source(%arg17 : memref<128x8xf32, #tpu.memory_space<vmem>>) target(%dma_start3A_361 : memref<10240x8xf32, #tpu.memory_space<vmem_shared>>) offsets(%dma_start3A_358 : memref<128xi32, #tpu.memory_space<vmem>>) semaphore(%run_scoped3A_355 : memref<!tpu.dma_semaphore, #tpu.memory_space<semaphore_mem>>) {add = true}
            %dma_wait3A_362 = arith.constant 0 : i32
            %dma_wait3A_363 = tpu.memref_slice %arg12[%sub3A_265, %dma_wait3A_362] : memref<16x128xi32, #tpu.memory_space<vmem>> -> memref<1x128xi32, #tpu.memory_space<vmem>>
            %dma_wait3A_364 = tpu.memref_squeeze %dma_wait3A_363 : memref<1x128xi32, #tpu.memory_space<vmem>> -> memref<128xi32, #tpu.memory_space<vmem>>
            %dma_wait3A_365 = arith.constant 0 : i32
            %dma_wait3A_366 = arith.constant 0 : i32
            %dma_wait3A_367 = tpu.memref_slice %arg19[%dma_wait3A_365, %dma_wait3A_366] : memref<10240x8xf32, #tpu.memory_space<vmem_shared>> -> memref<10240x8xf32, #tpu.memory_space<vmem_shared>>
            tpu.wait_indirect_dma semaphore(%run_scoped3A_355 : memref<!tpu.dma_semaphore, #tpu.memory_space<semaphore_mem>>) src(%arg17 : memref<128x8xf32, #tpu.memory_space<vmem>>) dst(%dma_wait3A_367 : memref<10240x8xf32, #tpu.memory_space<vmem_shared>>)
            tpu.yield
          }) : () -> ()
        } else {
        }
        %mul3A_284 = arith.constant 4 : i32
        %mul3A_285 = arith.muli %scan3A_228, %mul3A_284 : i32
        %add3A_286 = arith.constant 2 : i32
        %add3A_287 = arith.addi %mul3A_285, %add3A_286 : i32
        %ge3A_288 = arith.constant 1 : i32
        %ge3A_289 = arith.cmpi sge, %scan3A_228, %ge3A_288 : i32
        %convert_element_type3A_290 = arith.extui %ge3A_289 : i1 to i32
        %cond3A_291 = arith.constant 0 : i32
        %cond3A_292 = arith.cmpi ne, %convert_element_type3A_290, %cond3A_291 : i32
        scf.if %cond3A_292 {
          %dma_wait3A_355 = arith.constant 0 : i32
          %dma_wait3A_356 = arith.constant 0 : i32
          %dma_wait3A_357 = tpu.memref_slice %arg12[%dma_wait3A_355, %dma_wait3A_356] : memref<16x128xi32, #tpu.memory_space<vmem>> -> memref<1x128xi32, #tpu.memory_space<vmem>>
          %dma_wait3A_358 = tpu.memref_squeeze %dma_wait3A_357 : memref<1x128xi32, #tpu.memory_space<vmem>> -> memref<128xi32, #tpu.memory_space<vmem>>
          %dma_wait3A_359 = arith.constant 0 : i32
          %dma_wait3A_360 = arith.constant 0 : i32
          %dma_wait3A_361 = tpu.memref_slice %arg18[%dma_wait3A_359, %dma_wait3A_360] : memref<10240x64xf32, #tpu.memory_space<vmem_shared>> -> memref<10240x64xf32, #tpu.memory_space<vmem_shared>>
          tpu.wait_indirect_dma semaphore(%arg22 : memref<!tpu.dma_semaphore, #tpu.memory_space<semaphore_mem>>) src(%arg15 : memref<128x64xf32, #tpu.memory_space<vmem>>) dst(%dma_wait3A_361 : memref<10240x64xf32, #tpu.memory_space<vmem_shared>>)
        } else {
        }
        %dma_start3A_293 = arith.constant 0 : i32
        %dma_start3A_294 = tpu.memref_slice %arg11[%add3A_287, %dma_start3A_293] : memref<16x128xi32, #tpu.memory_space<vmem>> -> memref<1x128xi32, #tpu.memory_space<vmem>>
        %dma_start3A_295 = tpu.memref_squeeze %dma_start3A_294 : memref<1x128xi32, #tpu.memory_space<vmem>> -> memref<128xi32, #tpu.memory_space<vmem>>
        %dma_start3A_296 = arith.constant 0 : i32
        %dma_start3A_297 = arith.constant 0 : i32
        %dma_start3A_298 = tpu.memref_slice %arg2[%dma_start3A_296, %dma_start3A_297] : memref<40960x64xf32, #tpu.memory_space<hbm>> -> memref<40960x64xf32, #tpu.memory_space<hbm>>
        tpu.enqueue_indirect_dma source(%dma_start3A_298 : memref<40960x64xf32, #tpu.memory_space<hbm>>) target(%arg15 : memref<128x64xf32, #tpu.memory_space<vmem>>) offsets(%dma_start3A_295 : memref<128xi32, #tpu.memory_space<vmem>>) semaphore(%arg26 : memref<!tpu.dma_semaphore, #tpu.memory_space<semaphore_mem>>)
        %sub3A_299 = arith.constant 1 : i32
        %sub3A_300 = arith.subi %add3A_287, %sub3A_299 : i32
        %dma_wait3A_301 = arith.constant 0 : i32
        %dma_wait3A_302 = arith.constant 0 : i32
        %dma_wait3A_303 = tpu.memref_slice %arg11[%dma_wait3A_301, %dma_wait3A_302] : memref<16x128xi32, #tpu.memory_space<vmem>> -> memref<1x128xi32, #tpu.memory_space<vmem>>
        %dma_wait3A_304 = tpu.memref_squeeze %dma_wait3A_303 : memref<1x128xi32, #tpu.memory_space<vmem>> -> memref<128xi32, #tpu.memory_space<vmem>>
        %dma_wait3A_305 = arith.constant 0 : i32
        %dma_wait3A_306 = arith.constant 0 : i32
        %dma_wait3A_307 = tpu.memref_slice %arg2[%dma_wait3A_305, %dma_wait3A_306] : memref<40960x64xf32, #tpu.memory_space<hbm>> -> memref<40960x64xf32, #tpu.memory_space<hbm>>
        tpu.wait_indirect_dma semaphore(%arg25 : memref<!tpu.dma_semaphore, #tpu.memory_space<semaphore_mem>>) src(%dma_wait3A_307 : memref<40960x64xf32, #tpu.memory_space<hbm>>) dst(%arg14 : memref<128x64xf32, #tpu.memory_space<vmem>>)
        %dma_start3A_308 = arith.constant 0 : i32
        %dma_start3A_309 = tpu.memref_slice %arg12[%sub3A_300, %dma_start3A_308] : memref<16x128xi32, #tpu.memory_space<vmem>> -> memref<1x128xi32, #tpu.memory_space<vmem>>
        %dma_start3A_310 = tpu.memref_squeeze %dma_start3A_309 : memref<1x128xi32, #tpu.memory_space<vmem>> -> memref<128xi32, #tpu.memory_space<vmem>>
        %dma_start3A_311 = arith.constant 0 : i32
        %dma_start3A_312 = arith.constant 0 : i32
        %dma_start3A_313 = tpu.memref_slice %arg18[%dma_start3A_311, %dma_start3A_312] : memref<10240x64xf32, #tpu.memory_space<vmem_shared>> -> memref<10240x64xf32, #tpu.memory_space<vmem_shared>>
        tpu.enqueue_indirect_dma source(%arg14 : memref<128x64xf32, #tpu.memory_space<vmem>>) target(%dma_start3A_313 : memref<10240x64xf32, #tpu.memory_space<vmem_shared>>) offsets(%dma_start3A_310 : memref<128xi32, #tpu.memory_space<vmem>>) semaphore(%arg21 : memref<!tpu.dma_semaphore, #tpu.memory_space<semaphore_mem>>) {add = true}
        %eq3A_314 = arith.constant 0 : i32
        %eq3A_315 = arith.cmpi eq, %arg0, %eq3A_314 : i32
        %convert_element_type3A_316 = arith.extui %eq3A_315 : i1 to i32
        %cond3A_317 = arith.constant 0 : i32
        %cond3A_318 = arith.cmpi ne, %convert_element_type3A_316, %cond3A_317 : i32
        scf.if %cond3A_318 {
          "tpu.region"() ({
            %run_scoped3A_355 = tpu.sem_alloc : memref<!tpu.dma_semaphore, #tpu.memory_space<semaphore_mem>>
            %dma_start3A_356 = arith.constant 0 : i32
            %dma_start3A_357 = tpu.memref_slice %arg12[%sub3A_300, %dma_start3A_356] : memref<16x128xi32, #tpu.memory_space<vmem>> -> memref<1x128xi32, #tpu.memory_space<vmem>>
            %dma_start3A_358 = tpu.memref_squeeze %dma_start3A_357 : memref<1x128xi32, #tpu.memory_space<vmem>> -> memref<128xi32, #tpu.memory_space<vmem>>
            %dma_start3A_359 = arith.constant 0 : i32
            %dma_start3A_360 = arith.constant 0 : i32
            %dma_start3A_361 = tpu.memref_slice %arg19[%dma_start3A_359, %dma_start3A_360] : memref<10240x8xf32, #tpu.memory_space<vmem_shared>> -> memref<10240x8xf32, #tpu.memory_space<vmem_shared>>
            tpu.enqueue_indirect_dma source(%arg17 : memref<128x8xf32, #tpu.memory_space<vmem>>) target(%dma_start3A_361 : memref<10240x8xf32, #tpu.memory_space<vmem_shared>>) offsets(%dma_start3A_358 : memref<128xi32, #tpu.memory_space<vmem>>) semaphore(%run_scoped3A_355 : memref<!tpu.dma_semaphore, #tpu.memory_space<semaphore_mem>>) {add = true}
            %dma_wait3A_362 = arith.constant 0 : i32
            %dma_wait3A_363 = tpu.memref_slice %arg12[%sub3A_300, %dma_wait3A_362] : memref<16x128xi32, #tpu.memory_space<vmem>> -> memref<1x128xi32, #tpu.memory_space<vmem>>
            %dma_wait3A_364 = tpu.memref_squeeze %dma_wait3A_363 : memref<1x128xi32, #tpu.memory_space<vmem>> -> memref<128xi32, #tpu.memory_space<vmem>>
            %dma_wait3A_365 = arith.constant 0 : i32
            %dma_wait3A_366 = arith.constant 0 : i32
            %dma_wait3A_367 = tpu.memref_slice %arg19[%dma_wait3A_365, %dma_wait3A_366] : memref<10240x8xf32, #tpu.memory_space<vmem_shared>> -> memref<10240x8xf32, #tpu.memory_space<vmem_shared>>
            tpu.wait_indirect_dma semaphore(%run_scoped3A_355 : memref<!tpu.dma_semaphore, #tpu.memory_space<semaphore_mem>>) src(%arg17 : memref<128x8xf32, #tpu.memory_space<vmem>>) dst(%dma_wait3A_367 : memref<10240x8xf32, #tpu.memory_space<vmem_shared>>)
            tpu.yield
          }) : () -> ()
        } else {
        }
        %mul3A_319 = arith.constant 4 : i32
        %mul3A_320 = arith.muli %scan3A_228, %mul3A_319 : i32
        %add3A_321 = arith.constant 3 : i32
        %add3A_322 = arith.addi %mul3A_320, %add3A_321 : i32
        %ge3A_323 = arith.constant 1 : i32
        %ge3A_324 = arith.cmpi sge, %scan3A_228, %ge3A_323 : i32
        %convert_element_type3A_325 = arith.extui %ge3A_324 : i1 to i32
        %cond3A_326 = arith.constant 0 : i32
        %cond3A_327 = arith.cmpi ne, %convert_element_type3A_325, %cond3A_326 : i32
        scf.if %cond3A_327 {
          %dma_wait3A_355 = arith.constant 0 : i32
          %dma_wait3A_356 = arith.constant 0 : i32
          %dma_wait3A_357 = tpu.memref_slice %arg12[%dma_wait3A_355, %dma_wait3A_356] : memref<16x128xi32, #tpu.memory_space<vmem>> -> memref<1x128xi32, #tpu.memory_space<vmem>>
          %dma_wait3A_358 = tpu.memref_squeeze %dma_wait3A_357 : memref<1x128xi32, #tpu.memory_space<vmem>> -> memref<128xi32, #tpu.memory_space<vmem>>
          %dma_wait3A_359 = arith.constant 0 : i32
          %dma_wait3A_360 = arith.constant 0 : i32
          %dma_wait3A_361 = tpu.memref_slice %arg18[%dma_wait3A_359, %dma_wait3A_360] : memref<10240x64xf32, #tpu.memory_space<vmem_shared>> -> memref<10240x64xf32, #tpu.memory_space<vmem_shared>>
          tpu.wait_indirect_dma semaphore(%arg23 : memref<!tpu.dma_semaphore, #tpu.memory_space<semaphore_mem>>) src(%arg16 : memref<128x64xf32, #tpu.memory_space<vmem>>) dst(%dma_wait3A_361 : memref<10240x64xf32, #tpu.memory_space<vmem_shared>>)
        } else {
        }
        %dma_start3A_328 = arith.constant 0 : i32
        %dma_start3A_329 = tpu.memref_slice %arg11[%add3A_322, %dma_start3A_328] : memref<16x128xi32, #tpu.memory_space<vmem>> -> memref<1x128xi32, #tpu.memory_space<vmem>>
        %dma_start3A_330 = tpu.memref_squeeze %dma_start3A_329 : memref<1x128xi32, #tpu.memory_space<vmem>> -> memref<128xi32, #tpu.memory_space<vmem>>
        %dma_start3A_331 = arith.constant 0 : i32
        %dma_start3A_332 = arith.constant 0 : i32
        %dma_start3A_333 = tpu.memref_slice %arg2[%dma_start3A_331, %dma_start3A_332] : memref<40960x64xf32, #tpu.memory_space<hbm>> -> memref<40960x64xf32, #tpu.memory_space<hbm>>
        tpu.enqueue_indirect_dma source(%dma_start3A_333 : memref<40960x64xf32, #tpu.memory_space<hbm>>) target(%arg16 : memref<128x64xf32, #tpu.memory_space<vmem>>) offsets(%dma_start3A_330 : memref<128xi32, #tpu.memory_space<vmem>>) semaphore(%arg27 : memref<!tpu.dma_semaphore, #tpu.memory_space<semaphore_mem>>)
        %sub3A_334 = arith.constant 1 : i32
        %sub3A_335 = arith.subi %add3A_322, %sub3A_334 : i32
        %dma_wait3A_336 = arith.constant 0 : i32
        %dma_wait3A_337 = arith.constant 0 : i32
        %dma_wait3A_338 = tpu.memref_slice %arg11[%dma_wait3A_336, %dma_wait3A_337] : memref<16x128xi32, #tpu.memory_space<vmem>> -> memref<1x128xi32, #tpu.memory_space<vmem>>
        %dma_wait3A_339 = tpu.memref_squeeze %dma_wait3A_338 : memref<1x128xi32, #tpu.memory_space<vmem>> -> memref<128xi32, #tpu.memory_space<vmem>>
        %dma_wait3A_340 = arith.constant 0 : i32
        %dma_wait3A_341 = arith.constant 0 : i32
        %dma_wait3A_342 = tpu.memref_slice %arg2[%dma_wait3A_340, %dma_wait3A_341] : memref<40960x64xf32, #tpu.memory_space<hbm>> -> memref<40960x64xf32, #tpu.memory_space<hbm>>
        tpu.wait_indirect_dma semaphore(%arg26 : memref<!tpu.dma_semaphore, #tpu.memory_space<semaphore_mem>>) src(%dma_wait3A_342 : memref<40960x64xf32, #tpu.memory_space<hbm>>) dst(%arg15 : memref<128x64xf32, #tpu.memory_space<vmem>>)
        %dma_start3A_343 = arith.constant 0 : i32
        %dma_start3A_344 = tpu.memref_slice %arg12[%sub3A_335, %dma_start3A_343] : memref<16x128xi32, #tpu.memory_space<vmem>> -> memref<1x128xi32, #tpu.memory_space<vmem>>
        %dma_start3A_345 = tpu.memref_squeeze %dma_start3A_344 : memref<1x128xi32, #tpu.memory_space<vmem>> -> memref<128xi32, #tpu.memory_space<vmem>>
        %dma_start3A_346 = arith.constant 0 : i32
        %dma_start3A_347 = arith.constant 0 : i32
        %dma_start3A_348 = tpu.memref_slice %arg18[%dma_start3A_346, %dma_start3A_347] : memref<10240x64xf32, #tpu.memory_space<vmem_shared>> -> memref<10240x64xf32, #tpu.memory_space<vmem_shared>>
        tpu.enqueue_indirect_dma source(%arg15 : memref<128x64xf32, #tpu.memory_space<vmem>>) target(%dma_start3A_348 : memref<10240x64xf32, #tpu.memory_space<vmem_shared>>) offsets(%dma_start3A_345 : memref<128xi32, #tpu.memory_space<vmem>>) semaphore(%arg22 : memref<!tpu.dma_semaphore, #tpu.memory_space<semaphore_mem>>) {add = true}
        %eq3A_349 = arith.constant 0 : i32
        %eq3A_350 = arith.cmpi eq, %arg0, %eq3A_349 : i32
        %convert_element_type3A_351 = arith.extui %eq3A_350 : i1 to i32
        %cond3A_352 = arith.constant 0 : i32
        %cond3A_353 = arith.cmpi ne, %convert_element_type3A_351, %cond3A_352 : i32
        scf.if %cond3A_353 {
          "tpu.region"() ({
            %run_scoped3A_355 = tpu.sem_alloc : memref<!tpu.dma_semaphore, #tpu.memory_space<semaphore_mem>>
            %dma_start3A_356 = arith.constant 0 : i32
            %dma_start3A_357 = tpu.memref_slice %arg12[%sub3A_335, %dma_start3A_356] : memref<16x128xi32, #tpu.memory_space<vmem>> -> memref<1x128xi32, #tpu.memory_space<vmem>>
            %dma_start3A_358 = tpu.memref_squeeze %dma_start3A_357 : memref<1x128xi32, #tpu.memory_space<vmem>> -> memref<128xi32, #tpu.memory_space<vmem>>
            %dma_start3A_359 = arith.constant 0 : i32
            %dma_start3A_360 = arith.constant 0 : i32
            %dma_start3A_361 = tpu.memref_slice %arg19[%dma_start3A_359, %dma_start3A_360] : memref<10240x8xf32, #tpu.memory_space<vmem_shared>> -> memref<10240x8xf32, #tpu.memory_space<vmem_shared>>
            tpu.enqueue_indirect_dma source(%arg17 : memref<128x8xf32, #tpu.memory_space<vmem>>) target(%dma_start3A_361 : memref<10240x8xf32, #tpu.memory_space<vmem_shared>>) offsets(%dma_start3A_358 : memref<128xi32, #tpu.memory_space<vmem>>) semaphore(%run_scoped3A_355 : memref<!tpu.dma_semaphore, #tpu.memory_space<semaphore_mem>>) {add = true}
            %dma_wait3A_362 = arith.constant 0 : i32
            %dma_wait3A_363 = tpu.memref_slice %arg12[%sub3A_335, %dma_wait3A_362] : memref<16x128xi32, #tpu.memory_space<vmem>> -> memref<1x128xi32, #tpu.memory_space<vmem>>
            %dma_wait3A_364 = tpu.memref_squeeze %dma_wait3A_363 : memref<1x128xi32, #tpu.memory_space<vmem>> -> memref<128xi32, #tpu.memory_space<vmem>>
            %dma_wait3A_365 = arith.constant 0 : i32
            %dma_wait3A_366 = arith.constant 0 : i32
            %dma_wait3A_367 = tpu.memref_slice %arg19[%dma_wait3A_365, %dma_wait3A_366] : memref<10240x8xf32, #tpu.memory_space<vmem_shared>> -> memref<10240x8xf32, #tpu.memory_space<vmem_shared>>
            tpu.wait_indirect_dma semaphore(%run_scoped3A_355 : memref<!tpu.dma_semaphore, #tpu.memory_space<semaphore_mem>>) src(%arg17 : memref<128x8xf32, #tpu.memory_space<vmem>>) dst(%dma_wait3A_367 : memref<10240x8xf32, #tpu.memory_space<vmem_shared>>)
            tpu.yield
          }) : () -> ()
        } else {
        }
        %scan3A_354 = arith.constant 0 : i32
        scf.yield %scan3A_354 : i32
      }
      %scan3A_226 = arith.constant 4 : i32
      %scan3A_227 = arith.constant 0 : i32
      scf.yield %scan3A_227 : i32
    }
    %scan3A_17 = arith.constant 5 : i32
    %dma_wait3A = arith.constant 0 : i32
    %dma_wait3A_18 = arith.constant 0 : i32
    %dma_wait3A_19 = tpu.memref_slice %arg11[%dma_wait3A, %dma_wait3A_18] : memref<16x128xi32, #tpu.memory_space<vmem>> -> memref<1x128xi32, #tpu.memory_space<vmem>>
    %dma_wait3A_20 = tpu.memref_squeeze %dma_wait3A_19 : memref<1x128xi32, #tpu.memory_space<vmem>> -> memref<128xi32, #tpu.memory_space<vmem>>
    %dma_wait3A_21 = arith.constant 0 : i32
    %dma_wait3A_22 = arith.constant 0 : i32
    %dma_wait3A_23 = tpu.memref_slice %arg2[%dma_wait3A_21, %dma_wait3A_22] : memref<40960x64xf32, #tpu.memory_space<hbm>> -> memref<40960x64xf32, #tpu.memory_space<hbm>>
    tpu.wait_indirect_dma semaphore(%arg27 : memref<!tpu.dma_semaphore, #tpu.memory_space<semaphore_mem>>) src(%dma_wait3A_23 : memref<40960x64xf32, #tpu.memory_space<hbm>>) dst(%arg16 : memref<128x64xf32, #tpu.memory_space<vmem>>)
    %run_scoped3A_24 = arith.constant 15 : i32
    "tpu.region"() ({
      %run_scoped3A_203 = tpu.sem_alloc : memref<!tpu.dma_semaphore, #tpu.memory_space<semaphore_mem>>
      %dma_start3A_204 = arith.constant 0 : i32
      %dma_start3A_205 = tpu.memref_slice %arg12[%run_scoped3A_24, %dma_start3A_204] : memref<16x128xi32, #tpu.memory_space<vmem>> -> memref<1x128xi32, #tpu.memory_space<vmem>>
      %dma_start3A_206 = tpu.memref_squeeze %dma_start3A_205 : memref<1x128xi32, #tpu.memory_space<vmem>> -> memref<128xi32, #tpu.memory_space<vmem>>
      %dma_start3A_207 = arith.constant 0 : i32
      %dma_start3A_208 = arith.constant 0 : i32
      %dma_start3A_209 = tpu.memref_slice %arg18[%dma_start3A_207, %dma_start3A_208] : memref<10240x64xf32, #tpu.memory_space<vmem_shared>> -> memref<10240x64xf32, #tpu.memory_space<vmem_shared>>
      tpu.enqueue_indirect_dma source(%arg16 : memref<128x64xf32, #tpu.memory_space<vmem>>) target(%dma_start3A_209 : memref<10240x64xf32, #tpu.memory_space<vmem_shared>>) offsets(%dma_start3A_206 : memref<128xi32, #tpu.memory_space<vmem>>) semaphore(%run_scoped3A_203 : memref<!tpu.dma_semaphore, #tpu.memory_space<semaphore_mem>>) {add = true}
      %dma_wait3A_210 = arith.constant 0 : i32
      %dma_wait3A_211 = tpu.memref_slice %arg12[%run_scoped3A_24, %dma_wait3A_210] : memref<16x128xi32, #tpu.memory_space<vmem>> -> memref<1x128xi32, #tpu.memory_space<vmem>>
      %dma_wait3A_212 = tpu.memref_squeeze %dma_wait3A_211 : memref<1x128xi32, #tpu.memory_space<vmem>> -> memref<128xi32, #tpu.memory_space<vmem>>
      %dma_wait3A_213 = arith.constant 0 : i32
      %dma_wait3A_214 = arith.constant 0 : i32
      %dma_wait3A_215 = tpu.memref_slice %arg18[%dma_wait3A_213, %dma_wait3A_214] : memref<10240x64xf32, #tpu.memory_space<vmem_shared>> -> memref<10240x64xf32, #tpu.memory_space<vmem_shared>>
      tpu.wait_indirect_dma semaphore(%run_scoped3A_203 : memref<!tpu.dma_semaphore, #tpu.memory_space<semaphore_mem>>) src(%arg16 : memref<128x64xf32, #tpu.memory_space<vmem>>) dst(%dma_wait3A_215 : memref<10240x64xf32, #tpu.memory_space<vmem_shared>>)
      tpu.yield
    }) : () -> ()
    %eq3A_25 = arith.constant 0 : i32
    %eq3A_26 = arith.cmpi eq, %arg0, %eq3A_25 : i32
    %convert_element_type3A_27 = arith.extui %eq3A_26 : i1 to i32
    %cond3A_28 = arith.constant 0 : i32
    %cond3A_29 = arith.cmpi ne, %convert_element_type3A_27, %cond3A_28 : i32
    scf.if %cond3A_29 {
      %run_scoped3A_203 = arith.constant 15 : i32
      "tpu.region"() ({
        %run_scoped3A_204 = tpu.sem_alloc : memref<!tpu.dma_semaphore, #tpu.memory_space<semaphore_mem>>
        %dma_start3A_205 = arith.constant 0 : i32
        %dma_start3A_206 = tpu.memref_slice %arg12[%run_scoped3A_203, %dma_start3A_205] : memref<16x128xi32, #tpu.memory_space<vmem>> -> memref<1x128xi32, #tpu.memory_space<vmem>>
        %dma_start3A_207 = tpu.memref_squeeze %dma_start3A_206 : memref<1x128xi32, #tpu.memory_space<vmem>> -> memref<128xi32, #tpu.memory_space<vmem>>
        %dma_start3A_208 = arith.constant 0 : i32
        %dma_start3A_209 = arith.constant 0 : i32
        %dma_start3A_210 = tpu.memref_slice %arg19[%dma_start3A_208, %dma_start3A_209] : memref<10240x8xf32, #tpu.memory_space<vmem_shared>> -> memref<10240x8xf32, #tpu.memory_space<vmem_shared>>
        tpu.enqueue_indirect_dma source(%arg17 : memref<128x8xf32, #tpu.memory_space<vmem>>) target(%dma_start3A_210 : memref<10240x8xf32, #tpu.memory_space<vmem_shared>>) offsets(%dma_start3A_207 : memref<128xi32, #tpu.memory_space<vmem>>) semaphore(%run_scoped3A_204 : memref<!tpu.dma_semaphore, #tpu.memory_space<semaphore_mem>>) {add = true}
        %dma_wait3A_211 = arith.constant 0 : i32
        %dma_wait3A_212 = tpu.memref_slice %arg12[%run_scoped3A_203, %dma_wait3A_211] : memref<16x128xi32, #tpu.memory_space<vmem>> -> memref<1x128xi32, #tpu.memory_space<vmem>>
        %dma_wait3A_213 = tpu.memref_squeeze %dma_wait3A_212 : memref<1x128xi32, #tpu.memory_space<vmem>> -> memref<128xi32, #tpu.memory_space<vmem>>
        %dma_wait3A_214 = arith.constant 0 : i32
        %dma_wait3A_215 = arith.constant 0 : i32
        %dma_wait3A_216 = tpu.memref_slice %arg19[%dma_wait3A_214, %dma_wait3A_215] : memref<10240x8xf32, #tpu.memory_space<vmem_shared>> -> memref<10240x8xf32, #tpu.memory_space<vmem_shared>>
        tpu.wait_indirect_dma semaphore(%run_scoped3A_204 : memref<!tpu.dma_semaphore, #tpu.memory_space<semaphore_mem>>) src(%arg17 : memref<128x8xf32, #tpu.memory_space<vmem>>) dst(%dma_wait3A_216 : memref<10240x8xf32, #tpu.memory_space<vmem_shared>>)
        tpu.yield
      }) : () -> ()
    } else {
    }
    %dma_wait3A_30 = arith.constant 0 : i32
    %dma_wait3A_31 = arith.constant 0 : i32
    %dma_wait3A_32 = tpu.memref_slice %arg12[%dma_wait3A_30, %dma_wait3A_31] : memref<16x128xi32, #tpu.memory_space<vmem>> -> memref<1x128xi32, #tpu.memory_space<vmem>>
    %dma_wait3A_33 = tpu.memref_squeeze %dma_wait3A_32 : memref<1x128xi32, #tpu.memory_space<vmem>> -> memref<128xi32, #tpu.memory_space<vmem>>
    %dma_wait3A_34 = arith.constant 0 : i32
    %dma_wait3A_35 = arith.constant 0 : i32
    %dma_wait3A_36 = tpu.memref_slice %arg18[%dma_wait3A_34, %dma_wait3A_35] : memref<10240x64xf32, #tpu.memory_space<vmem_shared>> -> memref<10240x64xf32, #tpu.memory_space<vmem_shared>>
    tpu.wait_indirect_dma semaphore(%arg20 : memref<!tpu.dma_semaphore, #tpu.memory_space<semaphore_mem>>) src(%arg13 : memref<128x64xf32, #tpu.memory_space<vmem>>) dst(%dma_wait3A_36 : memref<10240x64xf32, #tpu.memory_space<vmem_shared>>)
    %dma_wait3A_37 = arith.constant 0 : i32
    %dma_wait3A_38 = arith.constant 0 : i32
    %dma_wait3A_39 = tpu.memref_slice %arg12[%dma_wait3A_37, %dma_wait3A_38] : memref<16x128xi32, #tpu.memory_space<vmem>> -> memref<1x128xi32, #tpu.memory_space<vmem>>
    %dma_wait3A_40 = tpu.memref_squeeze %dma_wait3A_39 : memref<1x128xi32, #tpu.memory_space<vmem>> -> memref<128xi32, #tpu.memory_space<vmem>>
    %dma_wait3A_41 = arith.constant 0 : i32
    %dma_wait3A_42 = arith.constant 0 : i32
    %dma_wait3A_43 = tpu.memref_slice %arg18[%dma_wait3A_41, %dma_wait3A_42] : memref<10240x64xf32, #tpu.memory_space<vmem_shared>> -> memref<10240x64xf32, #tpu.memory_space<vmem_shared>>
    tpu.wait_indirect_dma semaphore(%arg21 : memref<!tpu.dma_semaphore, #tpu.memory_space<semaphore_mem>>) src(%arg14 : memref<128x64xf32, #tpu.memory_space<vmem>>) dst(%dma_wait3A_43 : memref<10240x64xf32, #tpu.memory_space<vmem_shared>>)
    %dma_wait3A_44 = arith.constant 0 : i32
    %dma_wait3A_45 = arith.constant 0 : i32
    %dma_wait3A_46 = tpu.memref_slice %arg12[%dma_wait3A_44, %dma_wait3A_45] : memref<16x128xi32, #tpu.memory_space<vmem>> -> memref<1x128xi32, #tpu.memory_space<vmem>>
    %dma_wait3A_47 = tpu.memref_squeeze %dma_wait3A_46 : memref<1x128xi32, #tpu.memory_space<vmem>> -> memref<128xi32, #tpu.memory_space<vmem>>
    %dma_wait3A_48 = arith.constant 0 : i32
    %dma_wait3A_49 = arith.constant 0 : i32
    %dma_wait3A_50 = tpu.memref_slice %arg18[%dma_wait3A_48, %dma_wait3A_49] : memref<10240x64xf32, #tpu.memory_space<vmem_shared>> -> memref<10240x64xf32, #tpu.memory_space<vmem_shared>>
    tpu.wait_indirect_dma semaphore(%arg22 : memref<!tpu.dma_semaphore, #tpu.memory_space<semaphore_mem>>) src(%arg15 : memref<128x64xf32, #tpu.memory_space<vmem>>) dst(%dma_wait3A_50 : memref<10240x64xf32, #tpu.memory_space<vmem_shared>>)
    "tpu.region"() ({
      %run_scoped3A_203 = tpu.sem_alloc : memref<!tpu.dma_semaphore, #tpu.memory_space<semaphore_mem>>
      %dma_start3A_204 = arith.constant 0 : i32
      %dma_start3A_205 = arith.constant 0 : i32
      %dma_start3A_206 = tpu.memref_slice %arg11[%dma_start3A_204, %dma_start3A_205] : memref<16x128xi32, #tpu.memory_space<vmem>> -> memref<5x128xi32, #tpu.memory_space<vmem>>
      %dma_start3A_207 = arith.constant 0 : i32
      %dma_start3A_208 = arith.constant 0 : i32
      %dma_start3A_209 = tpu.memref_slice %arg5[%arg1, %dma_start3A_207, %dma_start3A_208] : memref<16x5x128xi32, #tpu.memory_space<hbm>> -> memref<1x5x128xi32, #tpu.memory_space<hbm>>
      %dma_start3A_210 = tpu.memref_squeeze %dma_start3A_209 : memref<1x5x128xi32, #tpu.memory_space<hbm>> -> memref<5x128xi32, #tpu.memory_space<hbm>>
      %dma_start3A_211 = arith.constant 0 : i32
      %dma_start3A_212 = arith.constant 0 : i32
      %dma_start3A_213 = tpu.memref_slice %arg11[%dma_start3A_211, %dma_start3A_212] : memref<16x128xi32, #tpu.memory_space<vmem>> -> memref<5x128xi32, #tpu.memory_space<vmem>>
      %dma_start3A_214 = arith.constant 0 : i32
      %dma_start3A_215 = arith.constant 0 : i32
      %dma_start3A_216 = tpu.memref_slice %arg5[%arg1, %dma_start3A_214, %dma_start3A_215] : memref<16x5x128xi32, #tpu.memory_space<hbm>> -> memref<1x5x128xi32, #tpu.memory_space<hbm>>
      %dma_start3A_217 = tpu.memref_squeeze %dma_start3A_216 : memref<1x5x128xi32, #tpu.memory_space<hbm>> -> memref<5x128xi32, #tpu.memory_space<hbm>>
      tpu.enqueue_dma source(%dma_start3A_217 : memref<5x128xi32, #tpu.memory_space<hbm>>) target(%dma_start3A_213 : memref<5x128xi32, #tpu.memory_space<vmem>>) target_semaphore(%run_scoped3A_203 : memref<!tpu.dma_semaphore, #tpu.memory_space<semaphore_mem>>)
      %dma_wait3A_218 = arith.constant 0 : i32
      %dma_wait3A_219 = arith.constant 0 : i32
      %dma_wait3A_220 = tpu.memref_slice %arg11[%dma_wait3A_218, %dma_wait3A_219] : memref<16x128xi32, #tpu.memory_space<vmem>> -> memref<5x128xi32, #tpu.memory_space<vmem>>
      %dma_wait3A_221 = arith.constant 0 : i32
      %dma_wait3A_222 = arith.constant 0 : i32
      %dma_wait3A_223 = tpu.memref_slice %arg5[%arg1, %dma_wait3A_221, %dma_wait3A_222] : memref<16x5x128xi32, #tpu.memory_space<hbm>> -> memref<1x5x128xi32, #tpu.memory_space<hbm>>
      %dma_wait3A_224 = tpu.memref_squeeze %dma_wait3A_223 : memref<1x5x128xi32, #tpu.memory_space<hbm>> -> memref<5x128xi32, #tpu.memory_space<hbm>>
      %dma_wait3A_225 = arith.constant 0 : i32
      %dma_wait3A_226 = arith.constant 0 : i32
      %dma_wait3A_227 = tpu.memref_slice %arg11[%dma_wait3A_225, %dma_wait3A_226] : memref<16x128xi32, #tpu.memory_space<vmem>> -> memref<5x128xi32, #tpu.memory_space<vmem>>
      %dma_wait3A_228 = arith.constant 0 : i32
      %dma_wait3A_229 = arith.constant 0 : i32
      %dma_wait3A_230 = tpu.memref_slice %arg5[%arg1, %dma_wait3A_228, %dma_wait3A_229] : memref<16x5x128xi32, #tpu.memory_space<hbm>> -> memref<1x5x128xi32, #tpu.memory_space<hbm>>
      %dma_wait3A_231 = tpu.memref_squeeze %dma_wait3A_230 : memref<1x5x128xi32, #tpu.memory_space<hbm>> -> memref<5x128xi32, #tpu.memory_space<hbm>>
      tpu.wait_dma2 semaphore(%run_scoped3A_203 : memref<!tpu.dma_semaphore, #tpu.memory_space<semaphore_mem>>) src(%dma_wait3A_231 : memref<5x128xi32, #tpu.memory_space<hbm>>) dst(%dma_wait3A_227 : memref<5x128xi32, #tpu.memory_space<vmem>>)
      tpu.yield
    }) : () -> ()
    %scan3A_51 = arith.constant 0 : i32
    %scan3A_52 = arith.constant 0 : i32
    %scan3A_53 = arith.constant 5 : i32
    %scan3A_54 = arith.addi %scan3A_52, %scan3A_53 : i32
    %scan3A_55 = arith.constant 1 : i32
    %scan3A_56 = scf.for %scan3A_203 = %scan3A_52 to %scan3A_54 step %scan3A_55 iter_args(%scan3A_204 = %scan3A_51) -> (i32)  : i32 {
      %get3A = arith.index_cast %scan3A_203 : i32 to index
      %get3A_205 = arith.constant 0 : index
      %get3A_206 = tpu.vector_load %arg11[%get3A, %get3A_205] {strides = array<i32>} : memref<16x128xi32, #tpu.memory_space<vmem>>, vector<1x16xi32>,
      %get3A_207 = vector.shape_cast %get3A_206 : vector<1x16xi32> to vector<16xi32>
      %mul3A_208 = arith.constant 2 : i32
      %mul3A_209 = vector.broadcast %mul3A_208 : i32 to vector<16xi32>
      %mul3A_210 = arith.muli %get3A_207, %mul3A_209 : vector<16xi32>
      %add3A_211 = vector.broadcast %arg0 : i32 to vector<16xi32>
      %add3A_212 = arith.addi %mul3A_210, %add3A_211 : vector<16xi32>
      %swap3A = arith.index_cast %scan3A_203 : i32 to index
      %swap3A_213 = arith.constant 0 : index
      %swap3A_214 = tpu.vector_load %arg11[%swap3A, %swap3A_213] {strides = array<i32>} : memref<16x128xi32, #tpu.memory_space<vmem>>, vector<1x16xi32>,
      %swap3A_215 = vector.shape_cast %swap3A_214 : vector<1x16xi32> to vector<16xi32>
      %swap3A_216 = vector.shape_cast %add3A_212 : vector<16xi32> to vector<1x16xi32>
      tpu.vector_store %arg11[%swap3A, %swap3A_213], %swap3A_216 {strides = array<i32>} : memref<16x128xi32, #tpu.memory_space<vmem>>, vector<1x16xi32>,
      %get3A_217 = arith.index_cast %scan3A_203 : i32 to index
      %get3A_218 = arith.constant 16 : index
      %get3A_219 = tpu.vector_load %arg11[%get3A_217, %get3A_218] {strides = array<i32>} : memref<16x128xi32, #tpu.memory_space<vmem>>, vector<1x16xi32>,
      %get3A_220 = vector.shape_cast %get3A_219 : vector<1x16xi32> to vector<16xi32>
      %mul3A_221 = arith.constant 2 : i32
      %mul3A_222 = vector.broadcast %mul3A_221 : i32 to vector<16xi32>
      %mul3A_223 = arith.muli %get3A_220, %mul3A_222 : vector<16xi32>
      %add3A_224 = vector.broadcast %arg0 : i32 to vector<16xi32>
      %add3A_225 = arith.addi %mul3A_223, %add3A_224 : vector<16xi32>
      %swap3A_226 = arith.index_cast %scan3A_203 : i32 to index
      %swap3A_227 = arith.constant 16 : index
      %swap3A_228 = tpu.vector_load %arg11[%swap3A_226, %swap3A_227] {strides = array<i32>} : memref<16x128xi32, #tpu.memory_space<vmem>>, vector<1x16xi32>,
      %swap3A_229 = vector.shape_cast %swap3A_228 : vector<1x16xi32> to vector<16xi32>
      %swap3A_230 = vector.shape_cast %add3A_225 : vector<16xi32> to vector<1x16xi32>
      tpu.vector_store %arg11[%swap3A_226, %swap3A_227], %swap3A_230 {strides = array<i32>} : memref<16x128xi32, #tpu.memory_space<vmem>>, vector<1x16xi32>,
      %get3A_231 = arith.index_cast %scan3A_203 : i32 to index
      %get3A_232 = arith.constant 32 : index
      %get3A_233 = tpu.vector_load %arg11[%get3A_231, %get3A_232] {strides = array<i32>} : memref<16x128xi32, #tpu.memory_space<vmem>>, vector<1x16xi32>,
      %get3A_234 = vector.shape_cast %get3A_233 : vector<1x16xi32> to vector<16xi32>
      %mul3A_235 = arith.constant 2 : i32
      %mul3A_236 = vector.broadcast %mul3A_235 : i32 to vector<16xi32>
      %mul3A_237 = arith.muli %get3A_234, %mul3A_236 : vector<16xi32>
      %add3A_238 = vector.broadcast %arg0 : i32 to vector<16xi32>
      %add3A_239 = arith.addi %mul3A_237, %add3A_238 : vector<16xi32>
      %swap3A_240 = arith.index_cast %scan3A_203 : i32 to index
      %swap3A_241 = arith.constant 32 : index
      %swap3A_242 = tpu.vector_load %arg11[%swap3A_240, %swap3A_241] {strides = array<i32>} : memref<16x128xi32, #tpu.memory_space<vmem>>, vector<1x16xi32>,
      %swap3A_243 = vector.shape_cast %swap3A_242 : vector<1x16xi32> to vector<16xi32>
      %swap3A_244 = vector.shape_cast %add3A_239 : vector<16xi32> to vector<1x16xi32>
      tpu.vector_store %arg11[%swap3A_240, %swap3A_241], %swap3A_244 {strides = array<i32>} : memref<16x128xi32, #tpu.memory_space<vmem>>, vector<1x16xi32>,
      %get3A_245 = arith.index_cast %scan3A_203 : i32 to index
      %get3A_246 = arith.constant 48 : index
      %get3A_247 = tpu.vector_load %arg11[%get3A_245, %get3A_246] {strides = array<i32>} : memref<16x128xi32, #tpu.memory_space<vmem>>, vector<1x16xi32>,
      %get3A_248 = vector.shape_cast %get3A_247 : vector<1x16xi32> to vector<16xi32>
      %mul3A_249 = arith.constant 2 : i32
      %mul3A_250 = vector.broadcast %mul3A_249 : i32 to vector<16xi32>
      %mul3A_251 = arith.muli %get3A_248, %mul3A_250 : vector<16xi32>
      %add3A_252 = vector.broadcast %arg0 : i32 to vector<16xi32>
      %add3A_253 = arith.addi %mul3A_251, %add3A_252 : vector<16xi32>
      %swap3A_254 = arith.index_cast %scan3A_203 : i32 to index
      %swap3A_255 = arith.constant 48 : index
      %swap3A_256 = tpu.vector_load %arg11[%swap3A_254, %swap3A_255] {strides = array<i32>} : memref<16x128xi32, #tpu.memory_space<vmem>>, vector<1x16xi32>,
      %swap3A_257 = vector.shape_cast %swap3A_256 : vector<1x16xi32> to vector<16xi32>
      %swap3A_258 = vector.shape_cast %add3A_253 : vector<16xi32> to vector<1x16xi32>
      tpu.vector_store %arg11[%swap3A_254, %swap3A_255], %swap3A_258 {strides = array<i32>} : memref<16x128xi32, #tpu.memory_space<vmem>>, vector<1x16xi32>,
      %get3A_259 = arith.index_cast %scan3A_203 : i32 to index
      %get3A_260 = arith.constant 64 : index
      %get3A_261 = tpu.vector_load %arg11[%get3A_259, %get3A_260] {strides = array<i32>} : memref<16x128xi32, #tpu.memory_space<vmem>>, vector<1x16xi32>,
      %get3A_262 = vector.shape_cast %get3A_261 : vector<1x16xi32> to vector<16xi32>
      %mul3A_263 = arith.constant 2 : i32
      %mul3A_264 = vector.broadcast %mul3A_263 : i32 to vector<16xi32>
      %mul3A_265 = arith.muli %get3A_262, %mul3A_264 : vector<16xi32>
      %add3A_266 = vector.broadcast %arg0 : i32 to vector<16xi32>
      %add3A_267 = arith.addi %mul3A_265, %add3A_266 : vector<16xi32>
      %swap3A_268 = arith.index_cast %scan3A_203 : i32 to index
      %swap3A_269 = arith.constant 64 : index
      %swap3A_270 = tpu.vector_load %arg11[%swap3A_268, %swap3A_269] {strides = array<i32>} : memref<16x128xi32, #tpu.memory_space<vmem>>, vector<1x16xi32>,
      %swap3A_271 = vector.shape_cast %swap3A_270 : vector<1x16xi32> to vector<16xi32>
      %swap3A_272 = vector.shape_cast %add3A_267 : vector<16xi32> to vector<1x16xi32>
      tpu.vector_store %arg11[%swap3A_268, %swap3A_269], %swap3A_272 {strides = array<i32>} : memref<16x128xi32, #tpu.memory_space<vmem>>, vector<1x16xi32>,
      %get3A_273 = arith.index_cast %scan3A_203 : i32 to index
      %get3A_274 = arith.constant 80 : index
      %get3A_275 = tpu.vector_load %arg11[%get3A_273, %get3A_274] {strides = array<i32>} : memref<16x128xi32, #tpu.memory_space<vmem>>, vector<1x16xi32>,
      %get3A_276 = vector.shape_cast %get3A_275 : vector<1x16xi32> to vector<16xi32>
      %mul3A_277 = arith.constant 2 : i32
      %mul3A_278 = vector.broadcast %mul3A_277 : i32 to vector<16xi32>
      %mul3A_279 = arith.muli %get3A_276, %mul3A_278 : vector<16xi32>
      %add3A_280 = vector.broadcast %arg0 : i32 to vector<16xi32>
      %add3A_281 = arith.addi %mul3A_279, %add3A_280 : vector<16xi32>
      %swap3A_282 = arith.index_cast %scan3A_203 : i32 to index
      %swap3A_283 = arith.constant 80 : index
      %swap3A_284 = tpu.vector_load %arg11[%swap3A_282, %swap3A_283] {strides = array<i32>} : memref<16x128xi32, #tpu.memory_space<vmem>>, vector<1x16xi32>,
      %swap3A_285 = vector.shape_cast %swap3A_284 : vector<1x16xi32> to vector<16xi32>
      %swap3A_286 = vector.shape_cast %add3A_281 : vector<16xi32> to vector<1x16xi32>
      tpu.vector_store %arg11[%swap3A_282, %swap3A_283], %swap3A_286 {strides = array<i32>} : memref<16x128xi32, #tpu.memory_space<vmem>>, vector<1x16xi32>,
      %get3A_287 = arith.index_cast %scan3A_203 : i32 to index
      %get3A_288 = arith.constant 96 : index
      %get3A_289 = tpu.vector_load %arg11[%get3A_287, %get3A_288] {strides = array<i32>} : memref<16x128xi32, #tpu.memory_space<vmem>>, vector<1x16xi32>,
      %get3A_290 = vector.shape_cast %get3A_289 : vector<1x16xi32> to vector<16xi32>
      %mul3A_291 = arith.constant 2 : i32
      %mul3A_292 = vector.broadcast %mul3A_291 : i32 to vector<16xi32>
      %mul3A_293 = arith.muli %get3A_290, %mul3A_292 : vector<16xi32>
      %add3A_294 = vector.broadcast %arg0 : i32 to vector<16xi32>
      %add3A_295 = arith.addi %mul3A_293, %add3A_294 : vector<16xi32>
      %swap3A_296 = arith.index_cast %scan3A_203 : i32 to index
      %swap3A_297 = arith.constant 96 : index
      %swap3A_298 = tpu.vector_load %arg11[%swap3A_296, %swap3A_297] {strides = array<i32>} : memref<16x128xi32, #tpu.memory_space<vmem>>, vector<1x16xi32>,
      %swap3A_299 = vector.shape_cast %swap3A_298 : vector<1x16xi32> to vector<16xi32>
      %swap3A_300 = vector.shape_cast %add3A_295 : vector<16xi32> to vector<1x16xi32>
      tpu.vector_store %arg11[%swap3A_296, %swap3A_297], %swap3A_300 {strides = array<i32>} : memref<16x128xi32, #tpu.memory_space<vmem>>, vector<1x16xi32>,
      %get3A_301 = arith.index_cast %scan3A_203 : i32 to index
      %get3A_302 = arith.constant 112 : index
      %get3A_303 = tpu.vector_load %arg11[%get3A_301, %get3A_302] {strides = array<i32>} : memref<16x128xi32, #tpu.memory_space<vmem>>, vector<1x16xi32>,
      %get3A_304 = vector.shape_cast %get3A_303 : vector<1x16xi32> to vector<16xi32>
      %mul3A_305 = arith.constant 2 : i32
      %mul3A_306 = vector.broadcast %mul3A_305 : i32 to vector<16xi32>
      %mul3A_307 = arith.muli %get3A_304, %mul3A_306 : vector<16xi32>
      %add3A_308 = vector.broadcast %arg0 : i32 to vector<16xi32>
      %add3A_309 = arith.addi %mul3A_307, %add3A_308 : vector<16xi32>
      %swap3A_310 = arith.index_cast %scan3A_203 : i32 to index
      %swap3A_311 = arith.constant 112 : index
      %swap3A_312 = tpu.vector_load %arg11[%swap3A_310, %swap3A_311] {strides = array<i32>} : memref<16x128xi32, #tpu.memory_space<vmem>>, vector<1x16xi32>,
      %swap3A_313 = vector.shape_cast %swap3A_312 : vector<1x16xi32> to vector<16xi32>
      %swap3A_314 = vector.shape_cast %add3A_309 : vector<16xi32> to vector<1x16xi32>
      tpu.vector_store %arg11[%swap3A_310, %swap3A_311], %swap3A_314 {strides = array<i32>} : memref<16x128xi32, #tpu.memory_space<vmem>>, vector<1x16xi32>,
      %scan3A_315 = arith.constant 0 : i32
      scf.yield %scan3A_315 : i32
    }
    %scan3A_57 = arith.constant 5 : i32
    %dma_start3A = arith.constant 0 : i32
    %dma_start3A_58 = arith.constant 0 : i32
    %dma_start3A_59 = tpu.memref_slice %arg11[%dma_start3A, %dma_start3A_58] : memref<16x128xi32, #tpu.memory_space<vmem>> -> memref<1x128xi32, #tpu.memory_space<vmem>>
    %dma_start3A_60 = tpu.memref_squeeze %dma_start3A_59 : memref<1x128xi32, #tpu.memory_space<vmem>> -> memref<128xi32, #tpu.memory_space<vmem>>
    %dma_start3A_61 = arith.constant 0 : i32
    %dma_start3A_62 = arith.constant 0 : i32
    %dma_start3A_63 = tpu.memref_slice %arg2[%dma_start3A_61, %dma_start3A_62] : memref<40960x64xf32, #tpu.memory_space<hbm>> -> memref<40960x64xf32, #tpu.memory_space<hbm>>
    tpu.enqueue_indirect_dma source(%dma_start3A_63 : memref<40960x64xf32, #tpu.memory_space<hbm>>) target(%arg13 : memref<128x64xf32, #tpu.memory_space<vmem>>) offsets(%dma_start3A_60 : memref<128xi32, #tpu.memory_space<vmem>>) semaphore(%arg24 : memref<!tpu.dma_semaphore, #tpu.memory_space<semaphore_mem>>)
    %dma_start3A_64 = arith.constant 1 : i32
    %dma_start3A_65 = arith.constant 0 : i32
    %dma_start3A_66 = tpu.memref_slice %arg11[%dma_start3A_64, %dma_start3A_65] : memref<16x128xi32, #tpu.memory_space<vmem>> -> memref<1x128xi32, #tpu.memory_space<vmem>>
    %dma_start3A_67 = tpu.memref_squeeze %dma_start3A_66 : memref<1x128xi32, #tpu.memory_space<vmem>> -> memref<128xi32, #tpu.memory_space<vmem>>
    %dma_start3A_68 = arith.constant 0 : i32
    %dma_start3A_69 = arith.constant 0 : i32
    %dma_start3A_70 = tpu.memref_slice %arg2[%dma_start3A_68, %dma_start3A_69] : memref<40960x64xf32, #tpu.memory_space<hbm>> -> memref<40960x64xf32, #tpu.memory_space<hbm>>
    tpu.enqueue_indirect_dma source(%dma_start3A_70 : memref<40960x64xf32, #tpu.memory_space<hbm>>) target(%arg14 : memref<128x64xf32, #tpu.memory_space<vmem>>) offsets(%dma_start3A_67 : memref<128xi32, #tpu.memory_space<vmem>>) semaphore(%arg25 : memref<!tpu.dma_semaphore, #tpu.memory_space<semaphore_mem>>)
    %dma_wait3A_71 = arith.constant 0 : i32
    %dma_wait3A_72 = arith.constant 0 : i32
    %dma_wait3A_73 = tpu.memref_slice %arg11[%dma_wait3A_71, %dma_wait3A_72] : memref<16x128xi32, #tpu.memory_space<vmem>> -> memref<1x128xi32, #tpu.memory_space<vmem>>
    %dma_wait3A_74 = tpu.memref_squeeze %dma_wait3A_73 : memref<1x128xi32, #tpu.memory_space<vmem>> -> memref<128xi32, #tpu.memory_space<vmem>>
    %dma_wait3A_75 = arith.constant 0 : i32
    %dma_wait3A_76 = arith.constant 0 : i32
    %dma_wait3A_77 = tpu.memref_slice %arg2[%dma_wait3A_75, %dma_wait3A_76] : memref<40960x64xf32, #tpu.memory_space<hbm>> -> memref<40960x64xf32, #tpu.memory_space<hbm>>
    tpu.wait_indirect_dma semaphore(%arg24 : memref<!tpu.dma_semaphore, #tpu.memory_space<semaphore_mem>>) src(%dma_wait3A_77 : memref<40960x64xf32, #tpu.memory_space<hbm>>) dst(%arg13 : memref<128x64xf32, #tpu.memory_space<vmem>>)
    %add3A_78 = arith.constant 0 : i32
    %add3A_79 = arith.addi %mul3A_0, %add3A_78 : i32
    %dma_start3A_80 = arith.constant 0 : i32
    %dma_start3A_81 = tpu.memref_slice %arg10[%arg0, %add3A_79, %dma_start3A_80] : memref<2x10240x64xf32, #tpu.memory_space<hbm>> -> memref<1x128x64xf32, #tpu.memory_space<hbm>>
    %dma_start3A_82 = tpu.memref_squeeze %dma_start3A_81 : memref<1x128x64xf32, #tpu.memory_space<hbm>> -> memref<128x64xf32, #tpu.memory_space<hbm>>
    %dma_start3A_83 = arith.constant 0 : i32
    %dma_start3A_84 = tpu.memref_slice %arg10[%arg0, %add3A_79, %dma_start3A_83] : memref<2x10240x64xf32, #tpu.memory_space<hbm>> -> memref<1x128x64xf32, #tpu.memory_space<hbm>>
    %dma_start3A_85 = tpu.memref_squeeze %dma_start3A_84 : memref<1x128x64xf32, #tpu.memory_space<hbm>> -> memref<128x64xf32, #tpu.memory_space<hbm>>
    tpu.enqueue_dma source(%arg13 : memref<128x64xf32, #tpu.memory_space<vmem>>) target(%dma_start3A_85 : memref<128x64xf32, #tpu.memory_space<hbm>>) target_semaphore(%arg20 : memref<!tpu.dma_semaphore, #tpu.memory_space<semaphore_mem>>)
    %dma_start3A_86 = arith.constant 2 : i32
    %dma_start3A_87 = arith.constant 0 : i32
    %dma_start3A_88 = tpu.memref_slice %arg11[%dma_start3A_86, %dma_start3A_87] : memref<16x128xi32, #tpu.memory_space<vmem>> -> memref<1x128xi32, #tpu.memory_space<vmem>>
    %dma_start3A_89 = tpu.memref_squeeze %dma_start3A_88 : memref<1x128xi32, #tpu.memory_space<vmem>> -> memref<128xi32, #tpu.memory_space<vmem>>
    %dma_start3A_90 = arith.constant 0 : i32
    %dma_start3A_91 = arith.constant 0 : i32
    %dma_start3A_92 = tpu.memref_slice %arg2[%dma_start3A_90, %dma_start3A_91] : memref<40960x64xf32, #tpu.memory_space<hbm>> -> memref<40960x64xf32, #tpu.memory_space<hbm>>
    tpu.enqueue_indirect_dma source(%dma_start3A_92 : memref<40960x64xf32, #tpu.memory_space<hbm>>) target(%arg15 : memref<128x64xf32, #tpu.memory_space<vmem>>) offsets(%dma_start3A_89 : memref<128xi32, #tpu.memory_space<vmem>>) semaphore(%arg26 : memref<!tpu.dma_semaphore, #tpu.memory_space<semaphore_mem>>)
    %dma_wait3A_93 = arith.constant 0 : i32
    %dma_wait3A_94 = arith.constant 0 : i32
    %dma_wait3A_95 = tpu.memref_slice %arg11[%dma_wait3A_93, %dma_wait3A_94] : memref<16x128xi32, #tpu.memory_space<vmem>> -> memref<1x128xi32, #tpu.memory_space<vmem>>
    %dma_wait3A_96 = tpu.memref_squeeze %dma_wait3A_95 : memref<1x128xi32, #tpu.memory_space<vmem>> -> memref<128xi32, #tpu.memory_space<vmem>>
    %dma_wait3A_97 = arith.constant 0 : i32
    %dma_wait3A_98 = arith.constant 0 : i32
    %dma_wait3A_99 = tpu.memref_slice %arg2[%dma_wait3A_97, %dma_wait3A_98] : memref<40960x64xf32, #tpu.memory_space<hbm>> -> memref<40960x64xf32, #tpu.memory_space<hbm>>
    tpu.wait_indirect_dma semaphore(%arg25 : memref<!tpu.dma_semaphore, #tpu.memory_space<semaphore_mem>>) src(%dma_wait3A_99 : memref<40960x64xf32, #tpu.memory_space<hbm>>) dst(%arg14 : memref<128x64xf32, #tpu.memory_space<vmem>>)
    %add3A_100 = arith.constant 128 : i32
    %add3A_101 = arith.addi %mul3A_0, %add3A_100 : i32
    %dma_start3A_102 = arith.constant 0 : i32
    %dma_start3A_103 = tpu.memref_slice %arg10[%arg0, %add3A_101, %dma_start3A_102] : memref<2x10240x64xf32, #tpu.memory_space<hbm>> -> memref<1x128x64xf32, #tpu.memory_space<hbm>>
    %dma_start3A_104 = tpu.memref_squeeze %dma_start3A_103 : memref<1x128x64xf32, #tpu.memory_space<hbm>> -> memref<128x64xf32, #tpu.memory_space<hbm>>
    %dma_start3A_105 = arith.constant 0 : i32
    %dma_start3A_106 = tpu.memref_slice %arg10[%arg0, %add3A_101, %dma_start3A_105] : memref<2x10240x64xf32, #tpu.memory_space<hbm>> -> memref<1x128x64xf32, #tpu.memory_space<hbm>>
    %dma_start3A_107 = tpu.memref_squeeze %dma_start3A_106 : memref<1x128x64xf32, #tpu.memory_space<hbm>> -> memref<128x64xf32, #tpu.memory_space<hbm>>
    tpu.enqueue_dma source(%arg14 : memref<128x64xf32, #tpu.memory_space<vmem>>) target(%dma_start3A_107 : memref<128x64xf32, #tpu.memory_space<hbm>>) target_semaphore(%arg21 : memref<!tpu.dma_semaphore, #tpu.memory_space<semaphore_mem>>)
    %dma_start3A_108 = arith.constant 3 : i32
    %dma_start3A_109 = arith.constant 0 : i32
    %dma_start3A_110 = tpu.memref_slice %arg11[%dma_start3A_108, %dma_start3A_109] : memref<16x128xi32, #tpu.memory_space<vmem>> -> memref<1x128xi32, #tpu.memory_space<vmem>>
    %dma_start3A_111 = tpu.memref_squeeze %dma_start3A_110 : memref<1x128xi32, #tpu.memory_space<vmem>> -> memref<128xi32, #tpu.memory_space<vmem>>
    %dma_start3A_112 = arith.constant 0 : i32
    %dma_start3A_113 = arith.constant 0 : i32
    %dma_start3A_114 = tpu.memref_slice %arg2[%dma_start3A_112, %dma_start3A_113] : memref<40960x64xf32, #tpu.memory_space<hbm>> -> memref<40960x64xf32, #tpu.memory_space<hbm>>
    tpu.enqueue_indirect_dma source(%dma_start3A_114 : memref<40960x64xf32, #tpu.memory_space<hbm>>) target(%arg16 : memref<128x64xf32, #tpu.memory_space<vmem>>) offsets(%dma_start3A_111 : memref<128xi32, #tpu.memory_space<vmem>>) semaphore(%arg27 : memref<!tpu.dma_semaphore, #tpu.memory_space<semaphore_mem>>)
    %dma_wait3A_115 = arith.constant 0 : i32
    %dma_wait3A_116 = arith.constant 0 : i32
    %dma_wait3A_117 = tpu.memref_slice %arg11[%dma_wait3A_115, %dma_wait3A_116] : memref<16x128xi32, #tpu.memory_space<vmem>> -> memref<1x128xi32, #tpu.memory_space<vmem>>
    %dma_wait3A_118 = tpu.memref_squeeze %dma_wait3A_117 : memref<1x128xi32, #tpu.memory_space<vmem>> -> memref<128xi32, #tpu.memory_space<vmem>>
    %dma_wait3A_119 = arith.constant 0 : i32
    %dma_wait3A_120 = arith.constant 0 : i32
    %dma_wait3A_121 = tpu.memref_slice %arg2[%dma_wait3A_119, %dma_wait3A_120] : memref<40960x64xf32, #tpu.memory_space<hbm>> -> memref<40960x64xf32, #tpu.memory_space<hbm>>
    tpu.wait_indirect_dma semaphore(%arg26 : memref<!tpu.dma_semaphore, #tpu.memory_space<semaphore_mem>>) src(%dma_wait3A_121 : memref<40960x64xf32, #tpu.memory_space<hbm>>) dst(%arg15 : memref<128x64xf32, #tpu.memory_space<vmem>>)
    %add3A_122 = arith.constant 256 : i32
    %add3A_123 = arith.addi %mul3A_0, %add3A_122 : i32
    %dma_start3A_124 = arith.constant 0 : i32
    %dma_start3A_125 = tpu.memref_slice %arg10[%arg0, %add3A_123, %dma_start3A_124] : memref<2x10240x64xf32, #tpu.memory_space<hbm>> -> memref<1x128x64xf32, #tpu.memory_space<hbm>>
    %dma_start3A_126 = tpu.memref_squeeze %dma_start3A_125 : memref<1x128x64xf32, #tpu.memory_space<hbm>> -> memref<128x64xf32, #tpu.memory_space<hbm>>
    %dma_start3A_127 = arith.constant 0 : i32
    %dma_start3A_128 = tpu.memref_slice %arg10[%arg0, %add3A_123, %dma_start3A_127] : memref<2x10240x64xf32, #tpu.memory_space<hbm>> -> memref<1x128x64xf32, #tpu.memory_space<hbm>>
    %dma_start3A_129 = tpu.memref_squeeze %dma_start3A_128 : memref<1x128x64xf32, #tpu.memory_space<hbm>> -> memref<128x64xf32, #tpu.memory_space<hbm>>
    tpu.enqueue_dma source(%arg15 : memref<128x64xf32, #tpu.memory_space<vmem>>) target(%dma_start3A_129 : memref<128x64xf32, #tpu.memory_space<hbm>>) target_semaphore(%arg22 : memref<!tpu.dma_semaphore, #tpu.memory_space<semaphore_mem>>)
    %dma_wait3A_130 = arith.constant 0 : i32
    %dma_wait3A_131 = tpu.memref_slice %arg10[%arg0, %mul3A_0, %dma_wait3A_130] : memref<2x10240x64xf32, #tpu.memory_space<hbm>> -> memref<1x128x64xf32, #tpu.memory_space<hbm>>
    %dma_wait3A_132 = tpu.memref_squeeze %dma_wait3A_131 : memref<1x128x64xf32, #tpu.memory_space<hbm>> -> memref<128x64xf32, #tpu.memory_space<hbm>>
    %dma_wait3A_133 = arith.constant 0 : i32
    %dma_wait3A_134 = tpu.memref_slice %arg10[%arg0, %mul3A_0, %dma_wait3A_133] : memref<2x10240x64xf32, #tpu.memory_space<hbm>> -> memref<1x128x64xf32, #tpu.memory_space<hbm>>
    %dma_wait3A_135 = tpu.memref_squeeze %dma_wait3A_134 : memref<1x128x64xf32, #tpu.memory_space<hbm>> -> memref<128x64xf32, #tpu.memory_space<hbm>>
    tpu.wait_dma2 semaphore(%arg20 : memref<!tpu.dma_semaphore, #tpu.memory_space<semaphore_mem>>) src(%arg13 : memref<128x64xf32, #tpu.memory_space<vmem>>) dst(%dma_wait3A_135 : memref<128x64xf32, #tpu.memory_space<hbm>>)
    %dma_start3A_136 = arith.constant 4 : i32
    %dma_start3A_137 = arith.constant 0 : i32
    %dma_start3A_138 = tpu.memref_slice %arg11[%dma_start3A_136, %dma_start3A_137] : memref<16x128xi32, #tpu.memory_space<vmem>> -> memref<1x128xi32, #tpu.memory_space<vmem>>
    %dma_start3A_139 = tpu.memref_squeeze %dma_start3A_138 : memref<1x128xi32, #tpu.memory_space<vmem>> -> memref<128xi32, #tpu.memory_space<vmem>>
    %dma_start3A_140 = arith.constant 0 : i32
    %dma_start3A_141 = arith.constant 0 : i32
    %dma_start3A_142 = tpu.memref_slice %arg2[%dma_start3A_140, %dma_start3A_141] : memref<40960x64xf32, #tpu.memory_space<hbm>> -> memref<40960x64xf32, #tpu.memory_space<hbm>>
    tpu.enqueue_indirect_dma source(%dma_start3A_142 : memref<40960x64xf32, #tpu.memory_space<hbm>>) target(%arg13 : memref<128x64xf32, #tpu.memory_space<vmem>>) offsets(%dma_start3A_139 : memref<128xi32, #tpu.memory_space<vmem>>) semaphore(%arg24 : memref<!tpu.dma_semaphore, #tpu.memory_space<semaphore_mem>>)
    %dma_wait3A_143 = arith.constant 0 : i32
    %dma_wait3A_144 = arith.constant 0 : i32
    %dma_wait3A_145 = tpu.memref_slice %arg11[%dma_wait3A_143, %dma_wait3A_144] : memref<16x128xi32, #tpu.memory_space<vmem>> -> memref<1x128xi32, #tpu.memory_space<vmem>>
    %dma_wait3A_146 = tpu.memref_squeeze %dma_wait3A_145 : memref<1x128xi32, #tpu.memory_space<vmem>> -> memref<128xi32, #tpu.memory_space<vmem>>
    %dma_wait3A_147 = arith.constant 0 : i32
    %dma_wait3A_148 = arith.constant 0 : i32
    %dma_wait3A_149 = tpu.memref_slice %arg2[%dma_wait3A_147, %dma_wait3A_148] : memref<40960x64xf32, #tpu.memory_space<hbm>> -> memref<40960x64xf32, #tpu.memory_space<hbm>>
    tpu.wait_indirect_dma semaphore(%arg27 : memref<!tpu.dma_semaphore, #tpu.memory_space<semaphore_mem>>) src(%dma_wait3A_149 : memref<40960x64xf32, #tpu.memory_space<hbm>>) dst(%arg16 : memref<128x64xf32, #tpu.memory_space<vmem>>)
    %add3A_150 = arith.constant 384 : i32
    %add3A_151 = arith.addi %mul3A_0, %add3A_150 : i32
    %dma_start3A_152 = arith.constant 0 : i32
    %dma_start3A_153 = tpu.memref_slice %arg10[%arg0, %add3A_151, %dma_start3A_152] : memref<2x10240x64xf32, #tpu.memory_space<hbm>> -> memref<1x128x64xf32, #tpu.memory_space<hbm>>
    %dma_start3A_154 = tpu.memref_squeeze %dma_start3A_153 : memref<1x128x64xf32, #tpu.memory_space<hbm>> -> memref<128x64xf32, #tpu.memory_space<hbm>>
    %dma_start3A_155 = arith.constant 0 : i32
    %dma_start3A_156 = tpu.memref_slice %arg10[%arg0, %add3A_151, %dma_start3A_155] : memref<2x10240x64xf32, #tpu.memory_space<hbm>> -> memref<1x128x64xf32, #tpu.memory_space<hbm>>
    %dma_start3A_157 = tpu.memref_squeeze %dma_start3A_156 : memref<1x128x64xf32, #tpu.memory_space<hbm>> -> memref<128x64xf32, #tpu.memory_space<hbm>>
    tpu.enqueue_dma source(%arg16 : memref<128x64xf32, #tpu.memory_space<vmem>>) target(%dma_start3A_157 : memref<128x64xf32, #tpu.memory_space<hbm>>) target_semaphore(%arg23 : memref<!tpu.dma_semaphore, #tpu.memory_space<semaphore_mem>>)
    %dma_wait3A_158 = arith.constant 0 : i32
    %dma_wait3A_159 = arith.constant 0 : i32
    %dma_wait3A_160 = tpu.memref_slice %arg11[%dma_wait3A_158, %dma_wait3A_159] : memref<16x128xi32, #tpu.memory_space<vmem>> -> memref<1x128xi32, #tpu.memory_space<vmem>>
    %dma_wait3A_161 = tpu.memref_squeeze %dma_wait3A_160 : memref<1x128xi32, #tpu.memory_space<vmem>> -> memref<128xi32, #tpu.memory_space<vmem>>
    %dma_wait3A_162 = arith.constant 0 : i32
    %dma_wait3A_163 = arith.constant 0 : i32
    %dma_wait3A_164 = tpu.memref_slice %arg2[%dma_wait3A_162, %dma_wait3A_163] : memref<40960x64xf32, #tpu.memory_space<hbm>> -> memref<40960x64xf32, #tpu.memory_space<hbm>>
    tpu.wait_indirect_dma semaphore(%arg24 : memref<!tpu.dma_semaphore, #tpu.memory_space<semaphore_mem>>) src(%dma_wait3A_164 : memref<40960x64xf32, #tpu.memory_space<hbm>>) dst(%arg13 : memref<128x64xf32, #tpu.memory_space<vmem>>)
    %add3A_165 = arith.constant 512 : i32
    %add3A_166 = arith.addi %mul3A_0, %add3A_165 : i32
    %dma_start3A_167 = arith.constant 0 : i32
    %dma_start3A_168 = tpu.memref_slice %arg10[%arg0, %add3A_166, %dma_start3A_167] : memref<2x10240x64xf32, #tpu.memory_space<hbm>> -> memref<1x128x64xf32, #tpu.memory_space<hbm>>
    %dma_start3A_169 = tpu.memref_squeeze %dma_start3A_168 : memref<1x128x64xf32, #tpu.memory_space<hbm>> -> memref<128x64xf32, #tpu.memory_space<hbm>>
    %dma_start3A_170 = arith.constant 0 : i32
    %dma_start3A_171 = tpu.memref_slice %arg10[%arg0, %add3A_166, %dma_start3A_170] : memref<2x10240x64xf32, #tpu.memory_space<hbm>> -> memref<1x128x64xf32, #tpu.memory_space<hbm>>
    %dma_start3A_172 = tpu.memref_squeeze %dma_start3A_171 : memref<1x128x64xf32, #tpu.memory_space<hbm>> -> memref<128x64xf32, #tpu.memory_space<hbm>>
    tpu.enqueue_dma source(%arg13 : memref<128x64xf32, #tpu.memory_space<vmem>>) target(%dma_start3A_172 : memref<128x64xf32, #tpu.memory_space<hbm>>) target_semaphore(%arg20 : memref<!tpu.dma_semaphore, #tpu.memory_space<semaphore_mem>>)
    %dma_wait3A_173 = arith.constant 0 : i32
    %dma_wait3A_174 = tpu.memref_slice %arg10[%arg0, %mul3A_0, %dma_wait3A_173] : memref<2x10240x64xf32, #tpu.memory_space<hbm>> -> memref<1x128x64xf32, #tpu.memory_space<hbm>>
    %dma_wait3A_175 = tpu.memref_squeeze %dma_wait3A_174 : memref<1x128x64xf32, #tpu.memory_space<hbm>> -> memref<128x64xf32, #tpu.memory_space<hbm>>
    %dma_wait3A_176 = arith.constant 0 : i32
    %dma_wait3A_177 = tpu.memref_slice %arg10[%arg0, %mul3A_0, %dma_wait3A_176] : memref<2x10240x64xf32, #tpu.memory_space<hbm>> -> memref<1x128x64xf32, #tpu.memory_space<hbm>>
    %dma_wait3A_178 = tpu.memref_squeeze %dma_wait3A_177 : memref<1x128x64xf32, #tpu.memory_space<hbm>> -> memref<128x64xf32, #tpu.memory_space<hbm>>
    tpu.wait_dma2 semaphore(%arg21 : memref<!tpu.dma_semaphore, #tpu.memory_space<semaphore_mem>>) src(%arg14 : memref<128x64xf32, #tpu.memory_space<vmem>>) dst(%dma_wait3A_178 : memref<128x64xf32, #tpu.memory_space<hbm>>)
    %dma_wait3A_179 = arith.constant 0 : i32
    %dma_wait3A_180 = tpu.memref_slice %arg10[%arg0, %mul3A_0, %dma_wait3A_179] : memref<2x10240x64xf32, #tpu.memory_space<hbm>> -> memref<1x128x64xf32, #tpu.memory_space<hbm>>
    %dma_wait3A_181 = tpu.memref_squeeze %dma_wait3A_180 : memref<1x128x64xf32, #tpu.memory_space<hbm>> -> memref<128x64xf32, #tpu.memory_space<hbm>>
    %dma_wait3A_182 = arith.constant 0 : i32
    %dma_wait3A_183 = tpu.memref_slice %arg10[%arg0, %mul3A_0, %dma_wait3A_182] : memref<2x10240x64xf32, #tpu.memory_space<hbm>> -> memref<1x128x64xf32, #tpu.memory_space<hbm>>
    %dma_wait3A_184 = tpu.memref_squeeze %dma_wait3A_183 : memref<1x128x64xf32, #tpu.memory_space<hbm>> -> memref<128x64xf32, #tpu.memory_space<hbm>>
    tpu.wait_dma2 semaphore(%arg22 : memref<!tpu.dma_semaphore, #tpu.memory_space<semaphore_mem>>) src(%arg15 : memref<128x64xf32, #tpu.memory_space<vmem>>) dst(%dma_wait3A_184 : memref<128x64xf32, #tpu.memory_space<hbm>>)
    %dma_wait3A_185 = arith.constant 0 : i32
    %dma_wait3A_186 = tpu.memref_slice %arg10[%arg0, %mul3A_0, %dma_wait3A_185] : memref<2x10240x64xf32, #tpu.memory_space<hbm>> -> memref<1x128x64xf32, #tpu.memory_space<hbm>>
    %dma_wait3A_187 = tpu.memref_squeeze %dma_wait3A_186 : memref<1x128x64xf32, #tpu.memory_space<hbm>> -> memref<128x64xf32, #tpu.memory_space<hbm>>
    %dma_wait3A_188 = arith.constant 0 : i32
    %dma_wait3A_189 = tpu.memref_slice %arg10[%arg0, %mul3A_0, %dma_wait3A_188] : memref<2x10240x64xf32, #tpu.memory_space<hbm>> -> memref<1x128x64xf32, #tpu.memory_space<hbm>>
    %dma_wait3A_190 = tpu.memref_squeeze %dma_wait3A_189 : memref<1x128x64xf32, #tpu.memory_space<hbm>> -> memref<128x64xf32, #tpu.memory_space<hbm>>
    tpu.wait_dma2 semaphore(%arg23 : memref<!tpu.dma_semaphore, #tpu.memory_space<semaphore_mem>>) src(%arg16 : memref<128x64xf32, #tpu.memory_space<vmem>>) dst(%dma_wait3A_190 : memref<128x64xf32, #tpu.memory_space<hbm>>)
    %dma_wait3A_191 = arith.constant 0 : i32
    %dma_wait3A_192 = tpu.memref_slice %arg10[%arg0, %mul3A_0, %dma_wait3A_191] : memref<2x10240x64xf32, #tpu.memory_space<hbm>> -> memref<1x128x64xf32, #tpu.memory_space<hbm>>
    %dma_wait3A_193 = tpu.memref_squeeze %dma_wait3A_192 : memref<1x128x64xf32, #tpu.memory_space<hbm>> -> memref<128x64xf32, #tpu.memory_space<hbm>>
    %dma_wait3A_194 = arith.constant 0 : i32
    %dma_wait3A_195 = tpu.memref_slice %arg10[%arg0, %mul3A_0, %dma_wait3A_194] : memref<2x10240x64xf32, #tpu.memory_space<hbm>> -> memref<1x128x64xf32, #tpu.memory_space<hbm>>
    %dma_wait3A_196 = tpu.memref_squeeze %dma_wait3A_195 : memref<1x128x64xf32, #tpu.memory_space<hbm>> -> memref<128x64xf32, #tpu.memory_space<hbm>>
    tpu.wait_dma2 semaphore(%arg20 : memref<!tpu.dma_semaphore, #tpu.memory_space<semaphore_mem>>) src(%arg13 : memref<128x64xf32, #tpu.memory_space<vmem>>) dst(%dma_wait3A_196 : memref<128x64xf32, #tpu.memory_space<hbm>>)
    %barrier3A_197 = arith.constant 0 : index
    tpu.barrier barrier_id(%barrier3A_197)
    "tpu.region"() ({
      %run_scoped3A_203 = tpu.sem_alloc : memref<!tpu.dma_semaphore, #tpu.memory_space<semaphore_mem>>
      %dma_start3A_204 = arith.constant 0 : i32
      %dma_start3A_205 = tpu.memref_slice %arg8[%arg0, %mul3A_0, %dma_start3A_204] : memref<2x10240x64xf32, #tpu.memory_space<hbm>> -> memref<1x640x64xf32, #tpu.memory_space<hbm>>
      %dma_start3A_206 = tpu.memref_squeeze %dma_start3A_205 : memref<1x640x64xf32, #tpu.memory_space<hbm>> -> memref<640x64xf32, #tpu.memory_space<hbm>>
      %dma_start3A_207 = arith.constant 0 : i32
      %dma_start3A_208 = tpu.memref_slice %arg18[%mul3A_0, %dma_start3A_207] : memref<10240x64xf32, #tpu.memory_space<vmem_shared>> -> memref<640x64xf32, #tpu.memory_space<vmem_shared>>
      tpu.enqueue_dma source(%dma_start3A_208 : memref<640x64xf32, #tpu.memory_space<vmem_shared>>) target(%dma_start3A_206 : memref<640x64xf32, #tpu.memory_space<hbm>>) target_semaphore(%run_scoped3A_203 : memref<!tpu.dma_semaphore, #tpu.memory_space<semaphore_mem>>)
      %dma_wait3A_209 = arith.constant 0 : i32
      %dma_wait3A_210 = tpu.memref_slice %arg8[%arg0, %mul3A_0, %dma_wait3A_209] : memref<2x10240x64xf32, #tpu.memory_space<hbm>> -> memref<1x640x64xf32, #tpu.memory_space<hbm>>
      %dma_wait3A_211 = tpu.memref_squeeze %dma_wait3A_210 : memref<1x640x64xf32, #tpu.memory_space<hbm>> -> memref<640x64xf32, #tpu.memory_space<hbm>>
      %dma_wait3A_212 = arith.constant 0 : i32
      %dma_wait3A_213 = tpu.memref_slice %arg18[%mul3A_0, %dma_wait3A_212] : memref<10240x64xf32, #tpu.memory_space<vmem_shared>> -> memref<640x64xf32, #tpu.memory_space<vmem_shared>>
      tpu.wait_dma2 semaphore(%run_scoped3A_203 : memref<!tpu.dma_semaphore, #tpu.memory_space<semaphore_mem>>) src(%dma_wait3A_213 : memref<640x64xf32, #tpu.memory_space<vmem_shared>>) dst(%dma_wait3A_211 : memref<640x64xf32, #tpu.memory_space<hbm>>)
      tpu.yield
    }) : () -> ()
    %eq3A_198 = arith.constant 0 : i32
    %eq3A_199 = arith.cmpi eq, %arg0, %eq3A_198 : i32
    %convert_element_type3A_200 = arith.extui %eq3A_199 : i1 to i32
    %cond3A_201 = arith.constant 0 : i32
    %cond3A_202 = arith.cmpi ne, %convert_element_type3A_200, %cond3A_201 : i32
    scf.if %cond3A_202 {
      "tpu.region"() ({
        %run_scoped3A_203 = tpu.sem_alloc : memref<!tpu.dma_semaphore, #tpu.memory_space<semaphore_mem>>
        %dma_start3A_204 = arith.constant 0 : i32
        %dma_start3A_205 = tpu.memref_slice %arg9[%mul3A_0, %dma_start3A_204] : memref<10240x8xf32, #tpu.memory_space<hbm>> -> memref<640x8xf32, #tpu.memory_space<hbm>>
        %dma_start3A_206 = arith.constant 0 : i32
        %dma_start3A_207 = tpu.memref_slice %arg19[%mul3A_0, %dma_start3A_206] : memref<10240x8xf32, #tpu.memory_space<vmem_shared>> -> memref<640x8xf32, #tpu.memory_space<vmem_shared>>
        tpu.enqueue_dma source(%dma_start3A_207 : memref<640x8xf32, #tpu.memory_space<vmem_shared>>) target(%dma_start3A_205 : memref<640x8xf32, #tpu.memory_space<hbm>>) target_semaphore(%run_scoped3A_203 : memref<!tpu.dma_semaphore, #tpu.memory_space<semaphore_mem>>)
        %dma_wait3A_208 = arith.constant 0 : i32
        %dma_wait3A_209 = tpu.memref_slice %arg9[%mul3A_0, %dma_wait3A_208] : memref<10240x8xf32, #tpu.memory_space<hbm>> -> memref<640x8xf32, #tpu.memory_space<hbm>>
        %dma_wait3A_210 = arith.constant 0 : i32
        %dma_wait3A_211 = tpu.memref_slice %arg19[%mul3A_0, %dma_wait3A_210] : memref<10240x8xf32, #tpu.memory_space<vmem_shared>> -> memref<640x8xf32, #tpu.memory_space<vmem_shared>>
        tpu.wait_dma2 semaphore(%run_scoped3A_203 : memref<!tpu.dma_semaphore, #tpu.memory_space<semaphore_mem>>) src(%dma_wait3A_211 : memref<640x8xf32, #tpu.memory_space<vmem_shared>>) dst(%dma_wait3A_209 : memref<640x8xf32, #tpu.memory_space<hbm>>)
        tpu.yield
      }) : () -> ()
    } else {
    }
    return
  }
}

#map = affine_map<(d0, d1) -> (0, 0)>
#map1 = affine_map<(d0, d1) -> (0, 0, 0)>
module attributes {stable_mosaic.version = 14 : i64} {
  func.func @body(%arg0: i32, %arg1: i32, %arg2: memref<106496x64xf32, #tpu.memory_space<hbm>>, %arg3: memref<16x160x128xi32, #tpu.memory_space<hbm>>, %arg4: memref<16x160x128xi32, #tpu.memory_space<hbm>>, %arg5: memref<16x10x128xi32, #tpu.memory_space<hbm>>, %arg6: memref<128x64xf32, #tpu.memory_space<hbm>>, %arg7: memref<2x128x8xf32, #tpu.memory_space<hbm>>, %arg8: memref<2x20480x64xf32, #tpu.memory_space<hbm>>, %arg9: memref<20480x8xf32, #tpu.memory_space<hbm>>, %arg10: memref<2x20480x64xf32, #tpu.memory_space<hbm>>, %arg11: memref<16x128xi32, #tpu.memory_space<vmem>>, %arg12: memref<16x128xi32, #tpu.memory_space<vmem>>, %arg13: memref<128x64xf32, #tpu.memory_space<vmem>>, %arg14: memref<128x64xf32, #tpu.memory_space<vmem>>, %arg15: memref<128x64xf32, #tpu.memory_space<vmem>>, %arg16: memref<128x64xf32, #tpu.memory_space<vmem>>, %arg17: memref<128x8xf32, #tpu.memory_space<vmem>>, %arg18: memref<20480x64xf32, #tpu.memory_space<vmem_shared>>, %arg19: memref<20480x8xf32, #tpu.memory_space<vmem_shared>>, %arg20: memref<!tpu.dma_semaphore, #tpu.memory_space<semaphore_mem>>, %arg21: memref<!tpu.dma_semaphore, #tpu.memory_space<semaphore_mem>>, %arg22: memref<!tpu.dma_semaphore, #tpu.memory_space<semaphore_mem>>, %arg23: memref<!tpu.dma_semaphore, #tpu.memory_space<semaphore_mem>>, %arg24: memref<!tpu.dma_semaphore, #tpu.memory_space<semaphore_mem>>, %arg25: memref<!tpu.dma_semaphore, #tpu.memory_space<semaphore_mem>>, %arg26: memref<!tpu.dma_semaphore, #tpu.memory_space<semaphore_mem>>, %arg27: memref<!tpu.dma_semaphore, #tpu.memory_space<semaphore_mem>>) attributes {dimension_semantics = [#tpu.dimension_semantics<core_parallel>, #tpu.dimension_semantics<subcore_parallel>], iteration_bounds = array<i64: 2, 16>, scalar_prefetch = 0 : i64, scratch_operands = 17 : i64, tpu.core_type = #tpu.core_type<sc_vector_subcore>, window_params = [{transform_indices = #map}, {transform_indices = #map1}, {transform_indices = #map1}, {transform_indices = #map1}, {transform_indices = #map}, {transform_indices = #map1}, {transform_indices = #map1}, {transform_indices = #map}, {transform_indices = #map1}]} {
    %mul3A = arith.constant 1280 : i32
    %mul3A_0 = arith.muli %arg1, %mul3A : i32
    "tpu.region"() ({
      %run_scoped3A_353 = tpu.sem_alloc : memref<!tpu.dma_semaphore, #tpu.memory_space<semaphore_mem>>
      tpu.enqueue_dma source(%arg6 : memref<128x64xf32, #tpu.memory_space<hbm>>) target(%arg13 : memref<128x64xf32, #tpu.memory_space<vmem>>) target_semaphore(%run_scoped3A_353 : memref<!tpu.dma_semaphore, #tpu.memory_space<semaphore_mem>>)
      tpu.wait_dma2 semaphore(%run_scoped3A_353 : memref<!tpu.dma_semaphore, #tpu.memory_space<semaphore_mem>>) src(%arg6 : memref<128x64xf32, #tpu.memory_space<hbm>>) dst(%arg13 : memref<128x64xf32, #tpu.memory_space<vmem>>)
      tpu.yield
    }) : () -> ()
    %add3A = arith.constant 0 : i32
    %add3A_1 = arith.addi %mul3A_0, %add3A : i32
    "tpu.region"() ({
      %run_scoped3A_353 = tpu.sem_alloc : memref<!tpu.dma_semaphore, #tpu.memory_space<semaphore_mem>>
      %dma_start3A_354 = arith.constant 0 : i32
      %dma_start3A_355 = tpu.memref_slice %arg18[%add3A_1, %dma_start3A_354] : memref<20480x64xf32, #tpu.memory_space<vmem_shared>> -> memref<128x64xf32, #tpu.memory_space<vmem_shared>>
      %dma_start3A_356 = arith.constant 0 : i32
      %dma_start3A_357 = tpu.memref_slice %arg18[%add3A_1, %dma_start3A_356] : memref<20480x64xf32, #tpu.memory_space<vmem_shared>> -> memref<128x64xf32, #tpu.memory_space<vmem_shared>>
      tpu.enqueue_dma source(%arg13 : memref<128x64xf32, #tpu.memory_space<vmem>>) target(%dma_start3A_357 : memref<128x64xf32, #tpu.memory_space<vmem_shared>>) target_semaphore(%run_scoped3A_353 : memref<!tpu.dma_semaphore, #tpu.memory_space<semaphore_mem>>)
      %dma_wait3A_358 = arith.constant 0 : i32
      %dma_wait3A_359 = tpu.memref_slice %arg18[%add3A_1, %dma_wait3A_358] : memref<20480x64xf32, #tpu.memory_space<vmem_shared>> -> memref<128x64xf32, #tpu.memory_space<vmem_shared>>
      %dma_wait3A_360 = arith.constant 0 : i32
      %dma_wait3A_361 = tpu.memref_slice %arg18[%add3A_1, %dma_wait3A_360] : memref<20480x64xf32, #tpu.memory_space<vmem_shared>> -> memref<128x64xf32, #tpu.memory_space<vmem_shared>>
      tpu.wait_dma2 semaphore(%run_scoped3A_353 : memref<!tpu.dma_semaphore, #tpu.memory_space<semaphore_mem>>) src(%arg13 : memref<128x64xf32, #tpu.memory_space<vmem>>) dst(%dma_wait3A_361 : memref<128x64xf32, #tpu.memory_space<vmem_shared>>)
      tpu.yield
    }) : () -> ()
    %add3A_2 = arith.constant 128 : i32
    %add3A_3 = arith.addi %mul3A_0, %add3A_2 : i32
    "tpu.region"() ({
      %run_scoped3A_353 = tpu.sem_alloc : memref<!tpu.dma_semaphore, #tpu.memory_space<semaphore_mem>>
      %dma_start3A_354 = arith.constant 0 : i32
      %dma_start3A_355 = tpu.memref_slice %arg18[%add3A_3, %dma_start3A_354] : memref<20480x64xf32, #tpu.memory_space<vmem_shared>> -> memref<128x64xf32, #tpu.memory_space<vmem_shared>>
      %dma_start3A_356 = arith.constant 0 : i32
      %dma_start3A_357 = tpu.memref_slice %arg18[%add3A_3, %dma_start3A_356] : memref<20480x64xf32, #tpu.memory_space<vmem_shared>> -> memref<128x64xf32, #tpu.memory_space<vmem_shared>>
      tpu.enqueue_dma source(%arg13 : memref<128x64xf32, #tpu.memory_space<vmem>>) target(%dma_start3A_357 : memref<128x64xf32, #tpu.memory_space<vmem_shared>>) target_semaphore(%run_scoped3A_353 : memref<!tpu.dma_semaphore, #tpu.memory_space<semaphore_mem>>)
      %dma_wait3A_358 = arith.constant 0 : i32
      %dma_wait3A_359 = tpu.memref_slice %arg18[%add3A_3, %dma_wait3A_358] : memref<20480x64xf32, #tpu.memory_space<vmem_shared>> -> memref<128x64xf32, #tpu.memory_space<vmem_shared>>
      %dma_wait3A_360 = arith.constant 0 : i32
      %dma_wait3A_361 = tpu.memref_slice %arg18[%add3A_3, %dma_wait3A_360] : memref<20480x64xf32, #tpu.memory_space<vmem_shared>> -> memref<128x64xf32, #tpu.memory_space<vmem_shared>>
      tpu.wait_dma2 semaphore(%run_scoped3A_353 : memref<!tpu.dma_semaphore, #tpu.memory_space<semaphore_mem>>) src(%arg13 : memref<128x64xf32, #tpu.memory_space<vmem>>) dst(%dma_wait3A_361 : memref<128x64xf32, #tpu.memory_space<vmem_shared>>)
      tpu.yield
    }) : () -> ()
    %add3A_4 = arith.constant 256 : i32
    %add3A_5 = arith.addi %mul3A_0, %add3A_4 : i32
    "tpu.region"() ({
      %run_scoped3A_353 = tpu.sem_alloc : memref<!tpu.dma_semaphore, #tpu.memory_space<semaphore_mem>>
      %dma_start3A_354 = arith.constant 0 : i32
      %dma_start3A_355 = tpu.memref_slice %arg18[%add3A_5, %dma_start3A_354] : memref<20480x64xf32, #tpu.memory_space<vmem_shared>> -> memref<128x64xf32, #tpu.memory_space<vmem_shared>>
      %dma_start3A_356 = arith.constant 0 : i32
      %dma_start3A_357 = tpu.memref_slice %arg18[%add3A_5, %dma_start3A_356] : memref<20480x64xf32, #tpu.memory_space<vmem_shared>> -> memref<128x64xf32, #tpu.memory_space<vmem_shared>>
      tpu.enqueue_dma source(%arg13 : memref<128x64xf32, #tpu.memory_space<vmem>>) target(%dma_start3A_357 : memref<128x64xf32, #tpu.memory_space<vmem_shared>>) target_semaphore(%run_scoped3A_353 : memref<!tpu.dma_semaphore, #tpu.memory_space<semaphore_mem>>)
      %dma_wait3A_358 = arith.constant 0 : i32
      %dma_wait3A_359 = tpu.memref_slice %arg18[%add3A_5, %dma_wait3A_358] : memref<20480x64xf32, #tpu.memory_space<vmem_shared>> -> memref<128x64xf32, #tpu.memory_space<vmem_shared>>
      %dma_wait3A_360 = arith.constant 0 : i32
      %dma_wait3A_361 = tpu.memref_slice %arg18[%add3A_5, %dma_wait3A_360] : memref<20480x64xf32, #tpu.memory_space<vmem_shared>> -> memref<128x64xf32, #tpu.memory_space<vmem_shared>>
      tpu.wait_dma2 semaphore(%run_scoped3A_353 : memref<!tpu.dma_semaphore, #tpu.memory_space<semaphore_mem>>) src(%arg13 : memref<128x64xf32, #tpu.memory_space<vmem>>) dst(%dma_wait3A_361 : memref<128x64xf32, #tpu.memory_space<vmem_shared>>)
      tpu.yield
    }) : () -> ()
    %add3A_6 = arith.constant 384 : i32
    %add3A_7 = arith.addi %mul3A_0, %add3A_6 : i32
    "tpu.region"() ({
      %run_scoped3A_353 = tpu.sem_alloc : memref<!tpu.dma_semaphore, #tpu.memory_space<semaphore_mem>>
      %dma_start3A_354 = arith.constant 0 : i32
      %dma_start3A_355 = tpu.memref_slice %arg18[%add3A_7, %dma_start3A_354] : memref<20480x64xf32, #tpu.memory_space<vmem_shared>> -> memref<128x64xf32, #tpu.memory_space<vmem_shared>>
      %dma_start3A_356 = arith.constant 0 : i32
      %dma_start3A_357 = tpu.memref_slice %arg18[%add3A_7, %dma_start3A_356] : memref<20480x64xf32, #tpu.memory_space<vmem_shared>> -> memref<128x64xf32, #tpu.memory_space<vmem_shared>>
      tpu.enqueue_dma source(%arg13 : memref<128x64xf32, #tpu.memory_space<vmem>>) target(%dma_start3A_357 : memref<128x64xf32, #tpu.memory_space<vmem_shared>>) target_semaphore(%run_scoped3A_353 : memref<!tpu.dma_semaphore, #tpu.memory_space<semaphore_mem>>)
      %dma_wait3A_358 = arith.constant 0 : i32
      %dma_wait3A_359 = tpu.memref_slice %arg18[%add3A_7, %dma_wait3A_358] : memref<20480x64xf32, #tpu.memory_space<vmem_shared>> -> memref<128x64xf32, #tpu.memory_space<vmem_shared>>
      %dma_wait3A_360 = arith.constant 0 : i32
      %dma_wait3A_361 = tpu.memref_slice %arg18[%add3A_7, %dma_wait3A_360] : memref<20480x64xf32, #tpu.memory_space<vmem_shared>> -> memref<128x64xf32, #tpu.memory_space<vmem_shared>>
      tpu.wait_dma2 semaphore(%run_scoped3A_353 : memref<!tpu.dma_semaphore, #tpu.memory_space<semaphore_mem>>) src(%arg13 : memref<128x64xf32, #tpu.memory_space<vmem>>) dst(%dma_wait3A_361 : memref<128x64xf32, #tpu.memory_space<vmem_shared>>)
      tpu.yield
    }) : () -> ()
    %add3A_8 = arith.constant 512 : i32
    %add3A_9 = arith.addi %mul3A_0, %add3A_8 : i32
    "tpu.region"() ({
      %run_scoped3A_353 = tpu.sem_alloc : memref<!tpu.dma_semaphore, #tpu.memory_space<semaphore_mem>>
      %dma_start3A_354 = arith.constant 0 : i32
      %dma_start3A_355 = tpu.memref_slice %arg18[%add3A_9, %dma_start3A_354] : memref<20480x64xf32, #tpu.memory_space<vmem_shared>> -> memref<128x64xf32, #tpu.memory_space<vmem_shared>>
      %dma_start3A_356 = arith.constant 0 : i32
      %dma_start3A_357 = tpu.memref_slice %arg18[%add3A_9, %dma_start3A_356] : memref<20480x64xf32, #tpu.memory_space<vmem_shared>> -> memref<128x64xf32, #tpu.memory_space<vmem_shared>>
      tpu.enqueue_dma source(%arg13 : memref<128x64xf32, #tpu.memory_space<vmem>>) target(%dma_start3A_357 : memref<128x64xf32, #tpu.memory_space<vmem_shared>>) target_semaphore(%run_scoped3A_353 : memref<!tpu.dma_semaphore, #tpu.memory_space<semaphore_mem>>)
      %dma_wait3A_358 = arith.constant 0 : i32
      %dma_wait3A_359 = tpu.memref_slice %arg18[%add3A_9, %dma_wait3A_358] : memref<20480x64xf32, #tpu.memory_space<vmem_shared>> -> memref<128x64xf32, #tpu.memory_space<vmem_shared>>
      %dma_wait3A_360 = arith.constant 0 : i32
      %dma_wait3A_361 = tpu.memref_slice %arg18[%add3A_9, %dma_wait3A_360] : memref<20480x64xf32, #tpu.memory_space<vmem_shared>> -> memref<128x64xf32, #tpu.memory_space<vmem_shared>>
      tpu.wait_dma2 semaphore(%run_scoped3A_353 : memref<!tpu.dma_semaphore, #tpu.memory_space<semaphore_mem>>) src(%arg13 : memref<128x64xf32, #tpu.memory_space<vmem>>) dst(%dma_wait3A_361 : memref<128x64xf32, #tpu.memory_space<vmem_shared>>)
      tpu.yield
    }) : () -> ()
    %add3A_10 = arith.constant 640 : i32
    %add3A_11 = arith.addi %mul3A_0, %add3A_10 : i32
    "tpu.region"() ({
      %run_scoped3A_353 = tpu.sem_alloc : memref<!tpu.dma_semaphore, #tpu.memory_space<semaphore_mem>>
      %dma_start3A_354 = arith.constant 0 : i32
      %dma_start3A_355 = tpu.memref_slice %arg18[%add3A_11, %dma_start3A_354] : memref<20480x64xf32, #tpu.memory_space<vmem_shared>> -> memref<128x64xf32, #tpu.memory_space<vmem_shared>>
      %dma_start3A_356 = arith.constant 0 : i32
      %dma_start3A_357 = tpu.memref_slice %arg18[%add3A_11, %dma_start3A_356] : memref<20480x64xf32, #tpu.memory_space<vmem_shared>> -> memref<128x64xf32, #tpu.memory_space<vmem_shared>>
      tpu.enqueue_dma source(%arg13 : memref<128x64xf32, #tpu.memory_space<vmem>>) target(%dma_start3A_357 : memref<128x64xf32, #tpu.memory_space<vmem_shared>>) target_semaphore(%run_scoped3A_353 : memref<!tpu.dma_semaphore, #tpu.memory_space<semaphore_mem>>)
      %dma_wait3A_358 = arith.constant 0 : i32
      %dma_wait3A_359 = tpu.memref_slice %arg18[%add3A_11, %dma_wait3A_358] : memref<20480x64xf32, #tpu.memory_space<vmem_shared>> -> memref<128x64xf32, #tpu.memory_space<vmem_shared>>
      %dma_wait3A_360 = arith.constant 0 : i32
      %dma_wait3A_361 = tpu.memref_slice %arg18[%add3A_11, %dma_wait3A_360] : memref<20480x64xf32, #tpu.memory_space<vmem_shared>> -> memref<128x64xf32, #tpu.memory_space<vmem_shared>>
      tpu.wait_dma2 semaphore(%run_scoped3A_353 : memref<!tpu.dma_semaphore, #tpu.memory_space<semaphore_mem>>) src(%arg13 : memref<128x64xf32, #tpu.memory_space<vmem>>) dst(%dma_wait3A_361 : memref<128x64xf32, #tpu.memory_space<vmem_shared>>)
      tpu.yield
    }) : () -> ()
    %add3A_12 = arith.constant 768 : i32
    %add3A_13 = arith.addi %mul3A_0, %add3A_12 : i32
    "tpu.region"() ({
      %run_scoped3A_353 = tpu.sem_alloc : memref<!tpu.dma_semaphore, #tpu.memory_space<semaphore_mem>>
      %dma_start3A_354 = arith.constant 0 : i32
      %dma_start3A_355 = tpu.memref_slice %arg18[%add3A_13, %dma_start3A_354] : memref<20480x64xf32, #tpu.memory_space<vmem_shared>> -> memref<128x64xf32, #tpu.memory_space<vmem_shared>>
      %dma_start3A_356 = arith.constant 0 : i32
      %dma_start3A_357 = tpu.memref_slice %arg18[%add3A_13, %dma_start3A_356] : memref<20480x64xf32, #tpu.memory_space<vmem_shared>> -> memref<128x64xf32, #tpu.memory_space<vmem_shared>>
      tpu.enqueue_dma source(%arg13 : memref<128x64xf32, #tpu.memory_space<vmem>>) target(%dma_start3A_357 : memref<128x64xf32, #tpu.memory_space<vmem_shared>>) target_semaphore(%run_scoped3A_353 : memref<!tpu.dma_semaphore, #tpu.memory_space<semaphore_mem>>)
      %dma_wait3A_358 = arith.constant 0 : i32
      %dma_wait3A_359 = tpu.memref_slice %arg18[%add3A_13, %dma_wait3A_358] : memref<20480x64xf32, #tpu.memory_space<vmem_shared>> -> memref<128x64xf32, #tpu.memory_space<vmem_shared>>
      %dma_wait3A_360 = arith.constant 0 : i32
      %dma_wait3A_361 = tpu.memref_slice %arg18[%add3A_13, %dma_wait3A_360] : memref<20480x64xf32, #tpu.memory_space<vmem_shared>> -> memref<128x64xf32, #tpu.memory_space<vmem_shared>>
      tpu.wait_dma2 semaphore(%run_scoped3A_353 : memref<!tpu.dma_semaphore, #tpu.memory_space<semaphore_mem>>) src(%arg13 : memref<128x64xf32, #tpu.memory_space<vmem>>) dst(%dma_wait3A_361 : memref<128x64xf32, #tpu.memory_space<vmem_shared>>)
      tpu.yield
    }) : () -> ()
    %add3A_14 = arith.constant 896 : i32
    %add3A_15 = arith.addi %mul3A_0, %add3A_14 : i32
    "tpu.region"() ({
      %run_scoped3A_353 = tpu.sem_alloc : memref<!tpu.dma_semaphore, #tpu.memory_space<semaphore_mem>>
      %dma_start3A_354 = arith.constant 0 : i32
      %dma_start3A_355 = tpu.memref_slice %arg18[%add3A_15, %dma_start3A_354] : memref<20480x64xf32, #tpu.memory_space<vmem_shared>> -> memref<128x64xf32, #tpu.memory_space<vmem_shared>>
      %dma_start3A_356 = arith.constant 0 : i32
      %dma_start3A_357 = tpu.memref_slice %arg18[%add3A_15, %dma_start3A_356] : memref<20480x64xf32, #tpu.memory_space<vmem_shared>> -> memref<128x64xf32, #tpu.memory_space<vmem_shared>>
      tpu.enqueue_dma source(%arg13 : memref<128x64xf32, #tpu.memory_space<vmem>>) target(%dma_start3A_357 : memref<128x64xf32, #tpu.memory_space<vmem_shared>>) target_semaphore(%run_scoped3A_353 : memref<!tpu.dma_semaphore, #tpu.memory_space<semaphore_mem>>)
      %dma_wait3A_358 = arith.constant 0 : i32
      %dma_wait3A_359 = tpu.memref_slice %arg18[%add3A_15, %dma_wait3A_358] : memref<20480x64xf32, #tpu.memory_space<vmem_shared>> -> memref<128x64xf32, #tpu.memory_space<vmem_shared>>
      %dma_wait3A_360 = arith.constant 0 : i32
      %dma_wait3A_361 = tpu.memref_slice %arg18[%add3A_15, %dma_wait3A_360] : memref<20480x64xf32, #tpu.memory_space<vmem_shared>> -> memref<128x64xf32, #tpu.memory_space<vmem_shared>>
      tpu.wait_dma2 semaphore(%run_scoped3A_353 : memref<!tpu.dma_semaphore, #tpu.memory_space<semaphore_mem>>) src(%arg13 : memref<128x64xf32, #tpu.memory_space<vmem>>) dst(%dma_wait3A_361 : memref<128x64xf32, #tpu.memory_space<vmem_shared>>)
      tpu.yield
    }) : () -> ()
    %add3A_16 = arith.constant 1024 : i32
    %add3A_17 = arith.addi %mul3A_0, %add3A_16 : i32
    "tpu.region"() ({
      %run_scoped3A_353 = tpu.sem_alloc : memref<!tpu.dma_semaphore, #tpu.memory_space<semaphore_mem>>
      %dma_start3A_354 = arith.constant 0 : i32
      %dma_start3A_355 = tpu.memref_slice %arg18[%add3A_17, %dma_start3A_354] : memref<20480x64xf32, #tpu.memory_space<vmem_shared>> -> memref<128x64xf32, #tpu.memory_space<vmem_shared>>
      %dma_start3A_356 = arith.constant 0 : i32
      %dma_start3A_357 = tpu.memref_slice %arg18[%add3A_17, %dma_start3A_356] : memref<20480x64xf32, #tpu.memory_space<vmem_shared>> -> memref<128x64xf32, #tpu.memory_space<vmem_shared>>
      tpu.enqueue_dma source(%arg13 : memref<128x64xf32, #tpu.memory_space<vmem>>) target(%dma_start3A_357 : memref<128x64xf32, #tpu.memory_space<vmem_shared>>) target_semaphore(%run_scoped3A_353 : memref<!tpu.dma_semaphore, #tpu.memory_space<semaphore_mem>>)
      %dma_wait3A_358 = arith.constant 0 : i32
      %dma_wait3A_359 = tpu.memref_slice %arg18[%add3A_17, %dma_wait3A_358] : memref<20480x64xf32, #tpu.memory_space<vmem_shared>> -> memref<128x64xf32, #tpu.memory_space<vmem_shared>>
      %dma_wait3A_360 = arith.constant 0 : i32
      %dma_wait3A_361 = tpu.memref_slice %arg18[%add3A_17, %dma_wait3A_360] : memref<20480x64xf32, #tpu.memory_space<vmem_shared>> -> memref<128x64xf32, #tpu.memory_space<vmem_shared>>
      tpu.wait_dma2 semaphore(%run_scoped3A_353 : memref<!tpu.dma_semaphore, #tpu.memory_space<semaphore_mem>>) src(%arg13 : memref<128x64xf32, #tpu.memory_space<vmem>>) dst(%dma_wait3A_361 : memref<128x64xf32, #tpu.memory_space<vmem_shared>>)
      tpu.yield
    }) : () -> ()
    %add3A_18 = arith.constant 1152 : i32
    %add3A_19 = arith.addi %mul3A_0, %add3A_18 : i32
    "tpu.region"() ({
      %run_scoped3A_353 = tpu.sem_alloc : memref<!tpu.dma_semaphore, #tpu.memory_space<semaphore_mem>>
      %dma_start3A_354 = arith.constant 0 : i32
      %dma_start3A_355 = tpu.memref_slice %arg18[%add3A_19, %dma_start3A_354] : memref<20480x64xf32, #tpu.memory_space<vmem_shared>> -> memref<128x64xf32, #tpu.memory_space<vmem_shared>>
      %dma_start3A_356 = arith.constant 0 : i32
      %dma_start3A_357 = tpu.memref_slice %arg18[%add3A_19, %dma_start3A_356] : memref<20480x64xf32, #tpu.memory_space<vmem_shared>> -> memref<128x64xf32, #tpu.memory_space<vmem_shared>>
      tpu.enqueue_dma source(%arg13 : memref<128x64xf32, #tpu.memory_space<vmem>>) target(%dma_start3A_357 : memref<128x64xf32, #tpu.memory_space<vmem_shared>>) target_semaphore(%run_scoped3A_353 : memref<!tpu.dma_semaphore, #tpu.memory_space<semaphore_mem>>)
      %dma_wait3A_358 = arith.constant 0 : i32
      %dma_wait3A_359 = tpu.memref_slice %arg18[%add3A_19, %dma_wait3A_358] : memref<20480x64xf32, #tpu.memory_space<vmem_shared>> -> memref<128x64xf32, #tpu.memory_space<vmem_shared>>
      %dma_wait3A_360 = arith.constant 0 : i32
      %dma_wait3A_361 = tpu.memref_slice %arg18[%add3A_19, %dma_wait3A_360] : memref<20480x64xf32, #tpu.memory_space<vmem_shared>> -> memref<128x64xf32, #tpu.memory_space<vmem_shared>>
      tpu.wait_dma2 semaphore(%run_scoped3A_353 : memref<!tpu.dma_semaphore, #tpu.memory_space<semaphore_mem>>) src(%arg13 : memref<128x64xf32, #tpu.memory_space<vmem>>) dst(%dma_wait3A_361 : memref<128x64xf32, #tpu.memory_space<vmem_shared>>)
      tpu.yield
    }) : () -> ()
    %eq3A = arith.constant 0 : i32
    %eq3A_20 = arith.cmpi eq, %arg0, %eq3A : i32
    %convert_element_type3A = arith.extui %eq3A_20 : i1 to i32
    %cond3A = arith.constant 0 : i32
    %cond3A_21 = arith.cmpi ne, %convert_element_type3A, %cond3A : i32
    scf.if %cond3A_21 {
      %add3A_353 = arith.constant 0 : i32
      %add3A_354 = arith.addi %mul3A_0, %add3A_353 : i32
      %run_scoped3A_355 = arith.constant 1 : i32
      "tpu.region"() ({
        %run_scoped3A_383 = tpu.sem_alloc : memref<!tpu.dma_semaphore, #tpu.memory_space<semaphore_mem>>
        %dma_start3A_384 = arith.constant 0 : i32
        %dma_start3A_385 = tpu.memref_slice %arg19[%add3A_354, %dma_start3A_384] : memref<20480x8xf32, #tpu.memory_space<vmem_shared>> -> memref<128x8xf32, #tpu.memory_space<vmem_shared>>
        %dma_start3A_386 = arith.constant 0 : i32
        %dma_start3A_387 = arith.constant 0 : i32
        %dma_start3A_388 = tpu.memref_slice %arg7[%run_scoped3A_355, %dma_start3A_386, %dma_start3A_387] : memref<2x128x8xf32, #tpu.memory_space<hbm>> -> memref<1x128x8xf32, #tpu.memory_space<hbm>>
        %dma_start3A_389 = tpu.memref_squeeze %dma_start3A_388 : memref<1x128x8xf32, #tpu.memory_space<hbm>> -> memref<128x8xf32, #tpu.memory_space<hbm>>
        tpu.enqueue_dma source(%dma_start3A_389 : memref<128x8xf32, #tpu.memory_space<hbm>>) target(%dma_start3A_385 : memref<128x8xf32, #tpu.memory_space<vmem_shared>>) target_semaphore(%run_scoped3A_383 : memref<!tpu.dma_semaphore, #tpu.memory_space<semaphore_mem>>)
        %dma_wait3A_390 = arith.constant 0 : i32
        %dma_wait3A_391 = tpu.memref_slice %arg19[%add3A_354, %dma_wait3A_390] : memref<20480x8xf32, #tpu.memory_space<vmem_shared>> -> memref<128x8xf32, #tpu.memory_space<vmem_shared>>
        %dma_wait3A_392 = arith.constant 0 : i32
        %dma_wait3A_393 = arith.constant 0 : i32
        %dma_wait3A_394 = tpu.memref_slice %arg7[%run_scoped3A_355, %dma_wait3A_392, %dma_wait3A_393] : memref<2x128x8xf32, #tpu.memory_space<hbm>> -> memref<1x128x8xf32, #tpu.memory_space<hbm>>
        %dma_wait3A_395 = tpu.memref_squeeze %dma_wait3A_394 : memref<1x128x8xf32, #tpu.memory_space<hbm>> -> memref<128x8xf32, #tpu.memory_space<hbm>>
        tpu.wait_dma2 semaphore(%run_scoped3A_383 : memref<!tpu.dma_semaphore, #tpu.memory_space<semaphore_mem>>) src(%dma_wait3A_395 : memref<128x8xf32, #tpu.memory_space<hbm>>) dst(%dma_wait3A_391 : memref<128x8xf32, #tpu.memory_space<vmem_shared>>)
        tpu.yield
      }) : () -> ()
      %add3A_356 = arith.constant 128 : i32
      %add3A_357 = arith.addi %mul3A_0, %add3A_356 : i32
      %run_scoped3A_358 = arith.constant 1 : i32
      "tpu.region"() ({
        %run_scoped3A_383 = tpu.sem_alloc : memref<!tpu.dma_semaphore, #tpu.memory_space<semaphore_mem>>
        %dma_start3A_384 = arith.constant 0 : i32
        %dma_start3A_385 = tpu.memref_slice %arg19[%add3A_357, %dma_start3A_384] : memref<20480x8xf32, #tpu.memory_space<vmem_shared>> -> memref<128x8xf32, #tpu.memory_space<vmem_shared>>
        %dma_start3A_386 = arith.constant 0 : i32
        %dma_start3A_387 = arith.constant 0 : i32
        %dma_start3A_388 = tpu.memref_slice %arg7[%run_scoped3A_358, %dma_start3A_386, %dma_start3A_387] : memref<2x128x8xf32, #tpu.memory_space<hbm>> -> memref<1x128x8xf32, #tpu.memory_space<hbm>>
        %dma_start3A_389 = tpu.memref_squeeze %dma_start3A_388 : memref<1x128x8xf32, #tpu.memory_space<hbm>> -> memref<128x8xf32, #tpu.memory_space<hbm>>
        tpu.enqueue_dma source(%dma_start3A_389 : memref<128x8xf32, #tpu.memory_space<hbm>>) target(%dma_start3A_385 : memref<128x8xf32, #tpu.memory_space<vmem_shared>>) target_semaphore(%run_scoped3A_383 : memref<!tpu.dma_semaphore, #tpu.memory_space<semaphore_mem>>)
        %dma_wait3A_390 = arith.constant 0 : i32
        %dma_wait3A_391 = tpu.memref_slice %arg19[%add3A_357, %dma_wait3A_390] : memref<20480x8xf32, #tpu.memory_space<vmem_shared>> -> memref<128x8xf32, #tpu.memory_space<vmem_shared>>
        %dma_wait3A_392 = arith.constant 0 : i32
        %dma_wait3A_393 = arith.constant 0 : i32
        %dma_wait3A_394 = tpu.memref_slice %arg7[%run_scoped3A_358, %dma_wait3A_392, %dma_wait3A_393] : memref<2x128x8xf32, #tpu.memory_space<hbm>> -> memref<1x128x8xf32, #tpu.memory_space<hbm>>
        %dma_wait3A_395 = tpu.memref_squeeze %dma_wait3A_394 : memref<1x128x8xf32, #tpu.memory_space<hbm>> -> memref<128x8xf32, #tpu.memory_space<hbm>>
        tpu.wait_dma2 semaphore(%run_scoped3A_383 : memref<!tpu.dma_semaphore, #tpu.memory_space<semaphore_mem>>) src(%dma_wait3A_395 : memref<128x8xf32, #tpu.memory_space<hbm>>) dst(%dma_wait3A_391 : memref<128x8xf32, #tpu.memory_space<vmem_shared>>)
        tpu.yield
      }) : () -> ()
      %add3A_359 = arith.constant 256 : i32
      %add3A_360 = arith.addi %mul3A_0, %add3A_359 : i32
      %run_scoped3A_361 = arith.constant 1 : i32
      "tpu.region"() ({
        %run_scoped3A_383 = tpu.sem_alloc : memref<!tpu.dma_semaphore, #tpu.memory_space<semaphore_mem>>
        %dma_start3A_384 = arith.constant 0 : i32
        %dma_start3A_385 = tpu.memref_slice %arg19[%add3A_360, %dma_start3A_384] : memref<20480x8xf32, #tpu.memory_space<vmem_shared>> -> memref<128x8xf32, #tpu.memory_space<vmem_shared>>
        %dma_start3A_386 = arith.constant 0 : i32
        %dma_start3A_387 = arith.constant 0 : i32
        %dma_start3A_388 = tpu.memref_slice %arg7[%run_scoped3A_361, %dma_start3A_386, %dma_start3A_387] : memref<2x128x8xf32, #tpu.memory_space<hbm>> -> memref<1x128x8xf32, #tpu.memory_space<hbm>>
        %dma_start3A_389 = tpu.memref_squeeze %dma_start3A_388 : memref<1x128x8xf32, #tpu.memory_space<hbm>> -> memref<128x8xf32, #tpu.memory_space<hbm>>
        tpu.enqueue_dma source(%dma_start3A_389 : memref<128x8xf32, #tpu.memory_space<hbm>>) target(%dma_start3A_385 : memref<128x8xf32, #tpu.memory_space<vmem_shared>>) target_semaphore(%run_scoped3A_383 : memref<!tpu.dma_semaphore, #tpu.memory_space<semaphore_mem>>)
        %dma_wait3A_390 = arith.constant 0 : i32
        %dma_wait3A_391 = tpu.memref_slice %arg19[%add3A_360, %dma_wait3A_390] : memref<20480x8xf32, #tpu.memory_space<vmem_shared>> -> memref<128x8xf32, #tpu.memory_space<vmem_shared>>
        %dma_wait3A_392 = arith.constant 0 : i32
        %dma_wait3A_393 = arith.constant 0 : i32
        %dma_wait3A_394 = tpu.memref_slice %arg7[%run_scoped3A_361, %dma_wait3A_392, %dma_wait3A_393] : memref<2x128x8xf32, #tpu.memory_space<hbm>> -> memref<1x128x8xf32, #tpu.memory_space<hbm>>
        %dma_wait3A_395 = tpu.memref_squeeze %dma_wait3A_394 : memref<1x128x8xf32, #tpu.memory_space<hbm>> -> memref<128x8xf32, #tpu.memory_space<hbm>>
        tpu.wait_dma2 semaphore(%run_scoped3A_383 : memref<!tpu.dma_semaphore, #tpu.memory_space<semaphore_mem>>) src(%dma_wait3A_395 : memref<128x8xf32, #tpu.memory_space<hbm>>) dst(%dma_wait3A_391 : memref<128x8xf32, #tpu.memory_space<vmem_shared>>)
        tpu.yield
      }) : () -> ()
      %add3A_362 = arith.constant 384 : i32
      %add3A_363 = arith.addi %mul3A_0, %add3A_362 : i32
      %run_scoped3A_364 = arith.constant 1 : i32
      "tpu.region"() ({
        %run_scoped3A_383 = tpu.sem_alloc : memref<!tpu.dma_semaphore, #tpu.memory_space<semaphore_mem>>
        %dma_start3A_384 = arith.constant 0 : i32
        %dma_start3A_385 = tpu.memref_slice %arg19[%add3A_363, %dma_start3A_384] : memref<20480x8xf32, #tpu.memory_space<vmem_shared>> -> memref<128x8xf32, #tpu.memory_space<vmem_shared>>
        %dma_start3A_386 = arith.constant 0 : i32
        %dma_start3A_387 = arith.constant 0 : i32
        %dma_start3A_388 = tpu.memref_slice %arg7[%run_scoped3A_364, %dma_start3A_386, %dma_start3A_387] : memref<2x128x8xf32, #tpu.memory_space<hbm>> -> memref<1x128x8xf32, #tpu.memory_space<hbm>>
        %dma_start3A_389 = tpu.memref_squeeze %dma_start3A_388 : memref<1x128x8xf32, #tpu.memory_space<hbm>> -> memref<128x8xf32, #tpu.memory_space<hbm>>
        tpu.enqueue_dma source(%dma_start3A_389 : memref<128x8xf32, #tpu.memory_space<hbm>>) target(%dma_start3A_385 : memref<128x8xf32, #tpu.memory_space<vmem_shared>>) target_semaphore(%run_scoped3A_383 : memref<!tpu.dma_semaphore, #tpu.memory_space<semaphore_mem>>)
        %dma_wait3A_390 = arith.constant 0 : i32
        %dma_wait3A_391 = tpu.memref_slice %arg19[%add3A_363, %dma_wait3A_390] : memref<20480x8xf32, #tpu.memory_space<vmem_shared>> -> memref<128x8xf32, #tpu.memory_space<vmem_shared>>
        %dma_wait3A_392 = arith.constant 0 : i32
        %dma_wait3A_393 = arith.constant 0 : i32
        %dma_wait3A_394 = tpu.memref_slice %arg7[%run_scoped3A_364, %dma_wait3A_392, %dma_wait3A_393] : memref<2x128x8xf32, #tpu.memory_space<hbm>> -> memref<1x128x8xf32, #tpu.memory_space<hbm>>
        %dma_wait3A_395 = tpu.memref_squeeze %dma_wait3A_394 : memref<1x128x8xf32, #tpu.memory_space<hbm>> -> memref<128x8xf32, #tpu.memory_space<hbm>>
        tpu.wait_dma2 semaphore(%run_scoped3A_383 : memref<!tpu.dma_semaphore, #tpu.memory_space<semaphore_mem>>) src(%dma_wait3A_395 : memref<128x8xf32, #tpu.memory_space<hbm>>) dst(%dma_wait3A_391 : memref<128x8xf32, #tpu.memory_space<vmem_shared>>)
        tpu.yield
      }) : () -> ()
      %add3A_365 = arith.constant 512 : i32
      %add3A_366 = arith.addi %mul3A_0, %add3A_365 : i32
      %run_scoped3A_367 = arith.constant 1 : i32
      "tpu.region"() ({
        %run_scoped3A_383 = tpu.sem_alloc : memref<!tpu.dma_semaphore, #tpu.memory_space<semaphore_mem>>
        %dma_start3A_384 = arith.constant 0 : i32
        %dma_start3A_385 = tpu.memref_slice %arg19[%add3A_366, %dma_start3A_384] : memref<20480x8xf32, #tpu.memory_space<vmem_shared>> -> memref<128x8xf32, #tpu.memory_space<vmem_shared>>
        %dma_start3A_386 = arith.constant 0 : i32
        %dma_start3A_387 = arith.constant 0 : i32
        %dma_start3A_388 = tpu.memref_slice %arg7[%run_scoped3A_367, %dma_start3A_386, %dma_start3A_387] : memref<2x128x8xf32, #tpu.memory_space<hbm>> -> memref<1x128x8xf32, #tpu.memory_space<hbm>>
        %dma_start3A_389 = tpu.memref_squeeze %dma_start3A_388 : memref<1x128x8xf32, #tpu.memory_space<hbm>> -> memref<128x8xf32, #tpu.memory_space<hbm>>
        tpu.enqueue_dma source(%dma_start3A_389 : memref<128x8xf32, #tpu.memory_space<hbm>>) target(%dma_start3A_385 : memref<128x8xf32, #tpu.memory_space<vmem_shared>>) target_semaphore(%run_scoped3A_383 : memref<!tpu.dma_semaphore, #tpu.memory_space<semaphore_mem>>)
        %dma_wait3A_390 = arith.constant 0 : i32
        %dma_wait3A_391 = tpu.memref_slice %arg19[%add3A_366, %dma_wait3A_390] : memref<20480x8xf32, #tpu.memory_space<vmem_shared>> -> memref<128x8xf32, #tpu.memory_space<vmem_shared>>
        %dma_wait3A_392 = arith.constant 0 : i32
        %dma_wait3A_393 = arith.constant 0 : i32
        %dma_wait3A_394 = tpu.memref_slice %arg7[%run_scoped3A_367, %dma_wait3A_392, %dma_wait3A_393] : memref<2x128x8xf32, #tpu.memory_space<hbm>> -> memref<1x128x8xf32, #tpu.memory_space<hbm>>
        %dma_wait3A_395 = tpu.memref_squeeze %dma_wait3A_394 : memref<1x128x8xf32, #tpu.memory_space<hbm>> -> memref<128x8xf32, #tpu.memory_space<hbm>>
        tpu.wait_dma2 semaphore(%run_scoped3A_383 : memref<!tpu.dma_semaphore, #tpu.memory_space<semaphore_mem>>) src(%dma_wait3A_395 : memref<128x8xf32, #tpu.memory_space<hbm>>) dst(%dma_wait3A_391 : memref<128x8xf32, #tpu.memory_space<vmem_shared>>)
        tpu.yield
      }) : () -> ()
      %add3A_368 = arith.constant 640 : i32
      %add3A_369 = arith.addi %mul3A_0, %add3A_368 : i32
      %run_scoped3A_370 = arith.constant 1 : i32
      "tpu.region"() ({
        %run_scoped3A_383 = tpu.sem_alloc : memref<!tpu.dma_semaphore, #tpu.memory_space<semaphore_mem>>
        %dma_start3A_384 = arith.constant 0 : i32
        %dma_start3A_385 = tpu.memref_slice %arg19[%add3A_369, %dma_start3A_384] : memref<20480x8xf32, #tpu.memory_space<vmem_shared>> -> memref<128x8xf32, #tpu.memory_space<vmem_shared>>
        %dma_start3A_386 = arith.constant 0 : i32
        %dma_start3A_387 = arith.constant 0 : i32
        %dma_start3A_388 = tpu.memref_slice %arg7[%run_scoped3A_370, %dma_start3A_386, %dma_start3A_387] : memref<2x128x8xf32, #tpu.memory_space<hbm>> -> memref<1x128x8xf32, #tpu.memory_space<hbm>>
        %dma_start3A_389 = tpu.memref_squeeze %dma_start3A_388 : memref<1x128x8xf32, #tpu.memory_space<hbm>> -> memref<128x8xf32, #tpu.memory_space<hbm>>
        tpu.enqueue_dma source(%dma_start3A_389 : memref<128x8xf32, #tpu.memory_space<hbm>>) target(%dma_start3A_385 : memref<128x8xf32, #tpu.memory_space<vmem_shared>>) target_semaphore(%run_scoped3A_383 : memref<!tpu.dma_semaphore, #tpu.memory_space<semaphore_mem>>)
        %dma_wait3A_390 = arith.constant 0 : i32
        %dma_wait3A_391 = tpu.memref_slice %arg19[%add3A_369, %dma_wait3A_390] : memref<20480x8xf32, #tpu.memory_space<vmem_shared>> -> memref<128x8xf32, #tpu.memory_space<vmem_shared>>
        %dma_wait3A_392 = arith.constant 0 : i32
        %dma_wait3A_393 = arith.constant 0 : i32
        %dma_wait3A_394 = tpu.memref_slice %arg7[%run_scoped3A_370, %dma_wait3A_392, %dma_wait3A_393] : memref<2x128x8xf32, #tpu.memory_space<hbm>> -> memref<1x128x8xf32, #tpu.memory_space<hbm>>
        %dma_wait3A_395 = tpu.memref_squeeze %dma_wait3A_394 : memref<1x128x8xf32, #tpu.memory_space<hbm>> -> memref<128x8xf32, #tpu.memory_space<hbm>>
        tpu.wait_dma2 semaphore(%run_scoped3A_383 : memref<!tpu.dma_semaphore, #tpu.memory_space<semaphore_mem>>) src(%dma_wait3A_395 : memref<128x8xf32, #tpu.memory_space<hbm>>) dst(%dma_wait3A_391 : memref<128x8xf32, #tpu.memory_space<vmem_shared>>)
        tpu.yield
      }) : () -> ()
      %add3A_371 = arith.constant 768 : i32
      %add3A_372 = arith.addi %mul3A_0, %add3A_371 : i32
      %run_scoped3A_373 = arith.constant 1 : i32
      "tpu.region"() ({
        %run_scoped3A_383 = tpu.sem_alloc : memref<!tpu.dma_semaphore, #tpu.memory_space<semaphore_mem>>
        %dma_start3A_384 = arith.constant 0 : i32
        %dma_start3A_385 = tpu.memref_slice %arg19[%add3A_372, %dma_start3A_384] : memref<20480x8xf32, #tpu.memory_space<vmem_shared>> -> memref<128x8xf32, #tpu.memory_space<vmem_shared>>
        %dma_start3A_386 = arith.constant 0 : i32
        %dma_start3A_387 = arith.constant 0 : i32
        %dma_start3A_388 = tpu.memref_slice %arg7[%run_scoped3A_373, %dma_start3A_386, %dma_start3A_387] : memref<2x128x8xf32, #tpu.memory_space<hbm>> -> memref<1x128x8xf32, #tpu.memory_space<hbm>>
        %dma_start3A_389 = tpu.memref_squeeze %dma_start3A_388 : memref<1x128x8xf32, #tpu.memory_space<hbm>> -> memref<128x8xf32, #tpu.memory_space<hbm>>
        tpu.enqueue_dma source(%dma_start3A_389 : memref<128x8xf32, #tpu.memory_space<hbm>>) target(%dma_start3A_385 : memref<128x8xf32, #tpu.memory_space<vmem_shared>>) target_semaphore(%run_scoped3A_383 : memref<!tpu.dma_semaphore, #tpu.memory_space<semaphore_mem>>)
        %dma_wait3A_390 = arith.constant 0 : i32
        %dma_wait3A_391 = tpu.memref_slice %arg19[%add3A_372, %dma_wait3A_390] : memref<20480x8xf32, #tpu.memory_space<vmem_shared>> -> memref<128x8xf32, #tpu.memory_space<vmem_shared>>
        %dma_wait3A_392 = arith.constant 0 : i32
        %dma_wait3A_393 = arith.constant 0 : i32
        %dma_wait3A_394 = tpu.memref_slice %arg7[%run_scoped3A_373, %dma_wait3A_392, %dma_wait3A_393] : memref<2x128x8xf32, #tpu.memory_space<hbm>> -> memref<1x128x8xf32, #tpu.memory_space<hbm>>
        %dma_wait3A_395 = tpu.memref_squeeze %dma_wait3A_394 : memref<1x128x8xf32, #tpu.memory_space<hbm>> -> memref<128x8xf32, #tpu.memory_space<hbm>>
        tpu.wait_dma2 semaphore(%run_scoped3A_383 : memref<!tpu.dma_semaphore, #tpu.memory_space<semaphore_mem>>) src(%dma_wait3A_395 : memref<128x8xf32, #tpu.memory_space<hbm>>) dst(%dma_wait3A_391 : memref<128x8xf32, #tpu.memory_space<vmem_shared>>)
        tpu.yield
      }) : () -> ()
      %add3A_374 = arith.constant 896 : i32
      %add3A_375 = arith.addi %mul3A_0, %add3A_374 : i32
      %run_scoped3A_376 = arith.constant 1 : i32
      "tpu.region"() ({
        %run_scoped3A_383 = tpu.sem_alloc : memref<!tpu.dma_semaphore, #tpu.memory_space<semaphore_mem>>
        %dma_start3A_384 = arith.constant 0 : i32
        %dma_start3A_385 = tpu.memref_slice %arg19[%add3A_375, %dma_start3A_384] : memref<20480x8xf32, #tpu.memory_space<vmem_shared>> -> memref<128x8xf32, #tpu.memory_space<vmem_shared>>
        %dma_start3A_386 = arith.constant 0 : i32
        %dma_start3A_387 = arith.constant 0 : i32
        %dma_start3A_388 = tpu.memref_slice %arg7[%run_scoped3A_376, %dma_start3A_386, %dma_start3A_387] : memref<2x128x8xf32, #tpu.memory_space<hbm>> -> memref<1x128x8xf32, #tpu.memory_space<hbm>>
        %dma_start3A_389 = tpu.memref_squeeze %dma_start3A_388 : memref<1x128x8xf32, #tpu.memory_space<hbm>> -> memref<128x8xf32, #tpu.memory_space<hbm>>
        tpu.enqueue_dma source(%dma_start3A_389 : memref<128x8xf32, #tpu.memory_space<hbm>>) target(%dma_start3A_385 : memref<128x8xf32, #tpu.memory_space<vmem_shared>>) target_semaphore(%run_scoped3A_383 : memref<!tpu.dma_semaphore, #tpu.memory_space<semaphore_mem>>)
        %dma_wait3A_390 = arith.constant 0 : i32
        %dma_wait3A_391 = tpu.memref_slice %arg19[%add3A_375, %dma_wait3A_390] : memref<20480x8xf32, #tpu.memory_space<vmem_shared>> -> memref<128x8xf32, #tpu.memory_space<vmem_shared>>
        %dma_wait3A_392 = arith.constant 0 : i32
        %dma_wait3A_393 = arith.constant 0 : i32
        %dma_wait3A_394 = tpu.memref_slice %arg7[%run_scoped3A_376, %dma_wait3A_392, %dma_wait3A_393] : memref<2x128x8xf32, #tpu.memory_space<hbm>> -> memref<1x128x8xf32, #tpu.memory_space<hbm>>
        %dma_wait3A_395 = tpu.memref_squeeze %dma_wait3A_394 : memref<1x128x8xf32, #tpu.memory_space<hbm>> -> memref<128x8xf32, #tpu.memory_space<hbm>>
        tpu.wait_dma2 semaphore(%run_scoped3A_383 : memref<!tpu.dma_semaphore, #tpu.memory_space<semaphore_mem>>) src(%dma_wait3A_395 : memref<128x8xf32, #tpu.memory_space<hbm>>) dst(%dma_wait3A_391 : memref<128x8xf32, #tpu.memory_space<vmem_shared>>)
        tpu.yield
      }) : () -> ()
      %add3A_377 = arith.constant 1024 : i32
      %add3A_378 = arith.addi %mul3A_0, %add3A_377 : i32
      %run_scoped3A_379 = arith.constant 1 : i32
      "tpu.region"() ({
        %run_scoped3A_383 = tpu.sem_alloc : memref<!tpu.dma_semaphore, #tpu.memory_space<semaphore_mem>>
        %dma_start3A_384 = arith.constant 0 : i32
        %dma_start3A_385 = tpu.memref_slice %arg19[%add3A_378, %dma_start3A_384] : memref<20480x8xf32, #tpu.memory_space<vmem_shared>> -> memref<128x8xf32, #tpu.memory_space<vmem_shared>>
        %dma_start3A_386 = arith.constant 0 : i32
        %dma_start3A_387 = arith.constant 0 : i32
        %dma_start3A_388 = tpu.memref_slice %arg7[%run_scoped3A_379, %dma_start3A_386, %dma_start3A_387] : memref<2x128x8xf32, #tpu.memory_space<hbm>> -> memref<1x128x8xf32, #tpu.memory_space<hbm>>
        %dma_start3A_389 = tpu.memref_squeeze %dma_start3A_388 : memref<1x128x8xf32, #tpu.memory_space<hbm>> -> memref<128x8xf32, #tpu.memory_space<hbm>>
        tpu.enqueue_dma source(%dma_start3A_389 : memref<128x8xf32, #tpu.memory_space<hbm>>) target(%dma_start3A_385 : memref<128x8xf32, #tpu.memory_space<vmem_shared>>) target_semaphore(%run_scoped3A_383 : memref<!tpu.dma_semaphore, #tpu.memory_space<semaphore_mem>>)
        %dma_wait3A_390 = arith.constant 0 : i32
        %dma_wait3A_391 = tpu.memref_slice %arg19[%add3A_378, %dma_wait3A_390] : memref<20480x8xf32, #tpu.memory_space<vmem_shared>> -> memref<128x8xf32, #tpu.memory_space<vmem_shared>>
        %dma_wait3A_392 = arith.constant 0 : i32
        %dma_wait3A_393 = arith.constant 0 : i32
        %dma_wait3A_394 = tpu.memref_slice %arg7[%run_scoped3A_379, %dma_wait3A_392, %dma_wait3A_393] : memref<2x128x8xf32, #tpu.memory_space<hbm>> -> memref<1x128x8xf32, #tpu.memory_space<hbm>>
        %dma_wait3A_395 = tpu.memref_squeeze %dma_wait3A_394 : memref<1x128x8xf32, #tpu.memory_space<hbm>> -> memref<128x8xf32, #tpu.memory_space<hbm>>
        tpu.wait_dma2 semaphore(%run_scoped3A_383 : memref<!tpu.dma_semaphore, #tpu.memory_space<semaphore_mem>>) src(%dma_wait3A_395 : memref<128x8xf32, #tpu.memory_space<hbm>>) dst(%dma_wait3A_391 : memref<128x8xf32, #tpu.memory_space<vmem_shared>>)
        tpu.yield
      }) : () -> ()
      %add3A_380 = arith.constant 1152 : i32
      %add3A_381 = arith.addi %mul3A_0, %add3A_380 : i32
      %run_scoped3A_382 = arith.constant 1 : i32
      "tpu.region"() ({
        %run_scoped3A_383 = tpu.sem_alloc : memref<!tpu.dma_semaphore, #tpu.memory_space<semaphore_mem>>
        %dma_start3A_384 = arith.constant 0 : i32
        %dma_start3A_385 = tpu.memref_slice %arg19[%add3A_381, %dma_start3A_384] : memref<20480x8xf32, #tpu.memory_space<vmem_shared>> -> memref<128x8xf32, #tpu.memory_space<vmem_shared>>
        %dma_start3A_386 = arith.constant 0 : i32
        %dma_start3A_387 = arith.constant 0 : i32
        %dma_start3A_388 = tpu.memref_slice %arg7[%run_scoped3A_382, %dma_start3A_386, %dma_start3A_387] : memref<2x128x8xf32, #tpu.memory_space<hbm>> -> memref<1x128x8xf32, #tpu.memory_space<hbm>>
        %dma_start3A_389 = tpu.memref_squeeze %dma_start3A_388 : memref<1x128x8xf32, #tpu.memory_space<hbm>> -> memref<128x8xf32, #tpu.memory_space<hbm>>
        tpu.enqueue_dma source(%dma_start3A_389 : memref<128x8xf32, #tpu.memory_space<hbm>>) target(%dma_start3A_385 : memref<128x8xf32, #tpu.memory_space<vmem_shared>>) target_semaphore(%run_scoped3A_383 : memref<!tpu.dma_semaphore, #tpu.memory_space<semaphore_mem>>)
        %dma_wait3A_390 = arith.constant 0 : i32
        %dma_wait3A_391 = tpu.memref_slice %arg19[%add3A_381, %dma_wait3A_390] : memref<20480x8xf32, #tpu.memory_space<vmem_shared>> -> memref<128x8xf32, #tpu.memory_space<vmem_shared>>
        %dma_wait3A_392 = arith.constant 0 : i32
        %dma_wait3A_393 = arith.constant 0 : i32
        %dma_wait3A_394 = tpu.memref_slice %arg7[%run_scoped3A_382, %dma_wait3A_392, %dma_wait3A_393] : memref<2x128x8xf32, #tpu.memory_space<hbm>> -> memref<1x128x8xf32, #tpu.memory_space<hbm>>
        %dma_wait3A_395 = tpu.memref_squeeze %dma_wait3A_394 : memref<1x128x8xf32, #tpu.memory_space<hbm>> -> memref<128x8xf32, #tpu.memory_space<hbm>>
        tpu.wait_dma2 semaphore(%run_scoped3A_383 : memref<!tpu.dma_semaphore, #tpu.memory_space<semaphore_mem>>) src(%dma_wait3A_395 : memref<128x8xf32, #tpu.memory_space<hbm>>) dst(%dma_wait3A_391 : memref<128x8xf32, #tpu.memory_space<vmem_shared>>)
        tpu.yield
      }) : () -> ()
    } else {
    }
    %run_scoped3A = arith.constant 0 : i32
    "tpu.region"() ({
      %run_scoped3A_353 = tpu.sem_alloc : memref<!tpu.dma_semaphore, #tpu.memory_space<semaphore_mem>>
      %dma_start3A_354 = arith.constant 0 : i32
      %dma_start3A_355 = arith.constant 0 : i32
      %dma_start3A_356 = tpu.memref_slice %arg7[%run_scoped3A, %dma_start3A_354, %dma_start3A_355] : memref<2x128x8xf32, #tpu.memory_space<hbm>> -> memref<1x128x8xf32, #tpu.memory_space<hbm>>
      %dma_start3A_357 = tpu.memref_squeeze %dma_start3A_356 : memref<1x128x8xf32, #tpu.memory_space<hbm>> -> memref<128x8xf32, #tpu.memory_space<hbm>>
      %dma_start3A_358 = arith.constant 0 : i32
      %dma_start3A_359 = arith.constant 0 : i32
      %dma_start3A_360 = tpu.memref_slice %arg7[%run_scoped3A, %dma_start3A_358, %dma_start3A_359] : memref<2x128x8xf32, #tpu.memory_space<hbm>> -> memref<1x128x8xf32, #tpu.memory_space<hbm>>
      %dma_start3A_361 = tpu.memref_squeeze %dma_start3A_360 : memref<1x128x8xf32, #tpu.memory_space<hbm>> -> memref<128x8xf32, #tpu.memory_space<hbm>>
      tpu.enqueue_dma source(%dma_start3A_361 : memref<128x8xf32, #tpu.memory_space<hbm>>) target(%arg17 : memref<128x8xf32, #tpu.memory_space<vmem>>) target_semaphore(%run_scoped3A_353 : memref<!tpu.dma_semaphore, #tpu.memory_space<semaphore_mem>>)
      %dma_wait3A_362 = arith.constant 0 : i32
      %dma_wait3A_363 = arith.constant 0 : i32
      %dma_wait3A_364 = tpu.memref_slice %arg7[%run_scoped3A, %dma_wait3A_362, %dma_wait3A_363] : memref<2x128x8xf32, #tpu.memory_space<hbm>> -> memref<1x128x8xf32, #tpu.memory_space<hbm>>
      %dma_wait3A_365 = tpu.memref_squeeze %dma_wait3A_364 : memref<1x128x8xf32, #tpu.memory_space<hbm>> -> memref<128x8xf32, #tpu.memory_space<hbm>>
      %dma_wait3A_366 = arith.constant 0 : i32
      %dma_wait3A_367 = arith.constant 0 : i32
      %dma_wait3A_368 = tpu.memref_slice %arg7[%run_scoped3A, %dma_wait3A_366, %dma_wait3A_367] : memref<2x128x8xf32, #tpu.memory_space<hbm>> -> memref<1x128x8xf32, #tpu.memory_space<hbm>>
      %dma_wait3A_369 = tpu.memref_squeeze %dma_wait3A_368 : memref<1x128x8xf32, #tpu.memory_space<hbm>> -> memref<128x8xf32, #tpu.memory_space<hbm>>
      tpu.wait_dma2 semaphore(%run_scoped3A_353 : memref<!tpu.dma_semaphore, #tpu.memory_space<semaphore_mem>>) src(%dma_wait3A_369 : memref<128x8xf32, #tpu.memory_space<hbm>>) dst(%arg17 : memref<128x8xf32, #tpu.memory_space<vmem>>)
      tpu.yield
    }) : () -> ()
    %barrier3A = arith.constant 0 : index
    tpu.barrier barrier_id(%barrier3A)
    %scan3A = arith.constant 0 : i32
    %scan3A_22 = arith.constant 0 : i32
    %scan3A_23 = arith.constant 10 : i32
    %scan3A_24 = arith.addi %scan3A_22, %scan3A_23 : i32
    %scan3A_25 = arith.constant 1 : i32
    %scan3A_26 = scf.for %scan3A_353 = %scan3A_22 to %scan3A_24 step %scan3A_25 iter_args(%scan3A_354 = %scan3A) -> (i32)  : i32 {
      %ge3A = arith.constant 1 : i32
      %ge3A_355 = arith.cmpi sge, %scan3A_353, %ge3A : i32
      %convert_element_type3A_356 = arith.extui %ge3A_355 : i1 to i32
      %cond3A_357 = arith.constant 0 : i32
      %cond3A_358 = arith.cmpi ne, %convert_element_type3A_356, %cond3A_357 : i32
      scf.if %cond3A_358 {
        %dma_wait3A_378 = arith.constant 0 : i32
        %dma_wait3A_379 = arith.constant 0 : i32
        %dma_wait3A_380 = tpu.memref_slice %arg11[%dma_wait3A_378, %dma_wait3A_379] : memref<16x128xi32, #tpu.memory_space<vmem>> -> memref<1x128xi32, #tpu.memory_space<vmem>>
        %dma_wait3A_381 = tpu.memref_squeeze %dma_wait3A_380 : memref<1x128xi32, #tpu.memory_space<vmem>> -> memref<128xi32, #tpu.memory_space<vmem>>
        %dma_wait3A_382 = arith.constant 0 : i32
        %dma_wait3A_383 = arith.constant 0 : i32
        %dma_wait3A_384 = tpu.memref_slice %arg2[%dma_wait3A_382, %dma_wait3A_383] : memref<106496x64xf32, #tpu.memory_space<hbm>> -> memref<106496x64xf32, #tpu.memory_space<hbm>>
        tpu.wait_indirect_dma semaphore(%arg27 : memref<!tpu.dma_semaphore, #tpu.memory_space<semaphore_mem>>) src(%dma_wait3A_384 : memref<106496x64xf32, #tpu.memory_space<hbm>>) dst(%arg16 : memref<128x64xf32, #tpu.memory_space<vmem>>)
        %run_scoped3A_385 = arith.constant 15 : i32
        "tpu.region"() ({
          %run_scoped3A_412 = tpu.sem_alloc : memref<!tpu.dma_semaphore, #tpu.memory_space<semaphore_mem>>
          %dma_start3A_413 = arith.constant 0 : i32
          %dma_start3A_414 = tpu.memref_slice %arg12[%run_scoped3A_385, %dma_start3A_413] : memref<16x128xi32, #tpu.memory_space<vmem>> -> memref<1x128xi32, #tpu.memory_space<vmem>>
          %dma_start3A_415 = tpu.memref_squeeze %dma_start3A_414 : memref<1x128xi32, #tpu.memory_space<vmem>> -> memref<128xi32, #tpu.memory_space<vmem>>
          %dma_start3A_416 = arith.constant 0 : i32
          %dma_start3A_417 = arith.constant 0 : i32
          %dma_start3A_418 = tpu.memref_slice %arg18[%dma_start3A_416, %dma_start3A_417] : memref<20480x64xf32, #tpu.memory_space<vmem_shared>> -> memref<20480x64xf32, #tpu.memory_space<vmem_shared>>
          tpu.enqueue_indirect_dma source(%arg16 : memref<128x64xf32, #tpu.memory_space<vmem>>) target(%dma_start3A_418 : memref<20480x64xf32, #tpu.memory_space<vmem_shared>>) offsets(%dma_start3A_415 : memref<128xi32, #tpu.memory_space<vmem>>) semaphore(%run_scoped3A_412 : memref<!tpu.dma_semaphore, #tpu.memory_space<semaphore_mem>>) {add = true}
          %dma_wait3A_419 = arith.constant 0 : i32
          %dma_wait3A_420 = tpu.memref_slice %arg12[%run_scoped3A_385, %dma_wait3A_419] : memref<16x128xi32, #tpu.memory_space<vmem>> -> memref<1x128xi32, #tpu.memory_space<vmem>>
          %dma_wait3A_421 = tpu.memref_squeeze %dma_wait3A_420 : memref<1x128xi32, #tpu.memory_space<vmem>> -> memref<128xi32, #tpu.memory_space<vmem>>
          %dma_wait3A_422 = arith.constant 0 : i32
          %dma_wait3A_423 = arith.constant 0 : i32
          %dma_wait3A_424 = tpu.memref_slice %arg18[%dma_wait3A_422, %dma_wait3A_423] : memref<20480x64xf32, #tpu.memory_space<vmem_shared>> -> memref<20480x64xf32, #tpu.memory_space<vmem_shared>>
          tpu.wait_indirect_dma semaphore(%run_scoped3A_412 : memref<!tpu.dma_semaphore, #tpu.memory_space<semaphore_mem>>) src(%arg16 : memref<128x64xf32, #tpu.memory_space<vmem>>) dst(%dma_wait3A_424 : memref<20480x64xf32, #tpu.memory_space<vmem_shared>>)
          tpu.yield
        }) : () -> ()
        %eq3A_386 = arith.constant 0 : i32
        %eq3A_387 = arith.cmpi eq, %arg0, %eq3A_386 : i32
        %convert_element_type3A_388 = arith.extui %eq3A_387 : i1 to i32
        %cond3A_389 = arith.constant 0 : i32
        %cond3A_390 = arith.cmpi ne, %convert_element_type3A_388, %cond3A_389 : i32
        scf.if %cond3A_390 {
          %run_scoped3A_412 = arith.constant 15 : i32
          "tpu.region"() ({
            %run_scoped3A_413 = tpu.sem_alloc : memref<!tpu.dma_semaphore, #tpu.memory_space<semaphore_mem>>
            %dma_start3A_414 = arith.constant 0 : i32
            %dma_start3A_415 = tpu.memref_slice %arg12[%run_scoped3A_412, %dma_start3A_414] : memref<16x128xi32, #tpu.memory_space<vmem>> -> memref<1x128xi32, #tpu.memory_space<vmem>>
            %dma_start3A_416 = tpu.memref_squeeze %dma_start3A_415 : memref<1x128xi32, #tpu.memory_space<vmem>> -> memref<128xi32, #tpu.memory_space<vmem>>
            %dma_start3A_417 = arith.constant 0 : i32
            %dma_start3A_418 = arith.constant 0 : i32
            %dma_start3A_419 = tpu.memref_slice %arg19[%dma_start3A_417, %dma_start3A_418] : memref<20480x8xf32, #tpu.memory_space<vmem_shared>> -> memref<20480x8xf32, #tpu.memory_space<vmem_shared>>
            tpu.enqueue_indirect_dma source(%arg17 : memref<128x8xf32, #tpu.memory_space<vmem>>) target(%dma_start3A_419 : memref<20480x8xf32, #tpu.memory_space<vmem_shared>>) offsets(%dma_start3A_416 : memref<128xi32, #tpu.memory_space<vmem>>) semaphore(%run_scoped3A_413 : memref<!tpu.dma_semaphore, #tpu.memory_space<semaphore_mem>>) {add = true}
            %dma_wait3A_420 = arith.constant 0 : i32
            %dma_wait3A_421 = tpu.memref_slice %arg12[%run_scoped3A_412, %dma_wait3A_420] : memref<16x128xi32, #tpu.memory_space<vmem>> -> memref<1x128xi32, #tpu.memory_space<vmem>>
            %dma_wait3A_422 = tpu.memref_squeeze %dma_wait3A_421 : memref<1x128xi32, #tpu.memory_space<vmem>> -> memref<128xi32, #tpu.memory_space<vmem>>
            %dma_wait3A_423 = arith.constant 0 : i32
            %dma_wait3A_424 = arith.constant 0 : i32
            %dma_wait3A_425 = tpu.memref_slice %arg19[%dma_wait3A_423, %dma_wait3A_424] : memref<20480x8xf32, #tpu.memory_space<vmem_shared>> -> memref<20480x8xf32, #tpu.memory_space<vmem_shared>>
            tpu.wait_indirect_dma semaphore(%run_scoped3A_413 : memref<!tpu.dma_semaphore, #tpu.memory_space<semaphore_mem>>) src(%arg17 : memref<128x8xf32, #tpu.memory_space<vmem>>) dst(%dma_wait3A_425 : memref<20480x8xf32, #tpu.memory_space<vmem_shared>>)
            tpu.yield
          }) : () -> ()
        } else {
        }
        %dma_wait3A_391 = arith.constant 0 : i32
        %dma_wait3A_392 = arith.constant 0 : i32
        %dma_wait3A_393 = tpu.memref_slice %arg12[%dma_wait3A_391, %dma_wait3A_392] : memref<16x128xi32, #tpu.memory_space<vmem>> -> memref<1x128xi32, #tpu.memory_space<vmem>>
        %dma_wait3A_394 = tpu.memref_squeeze %dma_wait3A_393 : memref<1x128xi32, #tpu.memory_space<vmem>> -> memref<128xi32, #tpu.memory_space<vmem>>
        %dma_wait3A_395 = arith.constant 0 : i32
        %dma_wait3A_396 = arith.constant 0 : i32
        %dma_wait3A_397 = tpu.memref_slice %arg18[%dma_wait3A_395, %dma_wait3A_396] : memref<20480x64xf32, #tpu.memory_space<vmem_shared>> -> memref<20480x64xf32, #tpu.memory_space<vmem_shared>>
        tpu.wait_indirect_dma semaphore(%arg20 : memref<!tpu.dma_semaphore, #tpu.memory_space<semaphore_mem>>) src(%arg13 : memref<128x64xf32, #tpu.memory_space<vmem>>) dst(%dma_wait3A_397 : memref<20480x64xf32, #tpu.memory_space<vmem_shared>>)
        %dma_wait3A_398 = arith.constant 0 : i32
        %dma_wait3A_399 = arith.constant 0 : i32
        %dma_wait3A_400 = tpu.memref_slice %arg12[%dma_wait3A_398, %dma_wait3A_399] : memref<16x128xi32, #tpu.memory_space<vmem>> -> memref<1x128xi32, #tpu.memory_space<vmem>>
        %dma_wait3A_401 = tpu.memref_squeeze %dma_wait3A_400 : memref<1x128xi32, #tpu.memory_space<vmem>> -> memref<128xi32, #tpu.memory_space<vmem>>
        %dma_wait3A_402 = arith.constant 0 : i32
        %dma_wait3A_403 = arith.constant 0 : i32
        %dma_wait3A_404 = tpu.memref_slice %arg18[%dma_wait3A_402, %dma_wait3A_403] : memref<20480x64xf32, #tpu.memory_space<vmem_shared>> -> memref<20480x64xf32, #tpu.memory_space<vmem_shared>>
        tpu.wait_indirect_dma semaphore(%arg21 : memref<!tpu.dma_semaphore, #tpu.memory_space<semaphore_mem>>) src(%arg14 : memref<128x64xf32, #tpu.memory_space<vmem>>) dst(%dma_wait3A_404 : memref<20480x64xf32, #tpu.memory_space<vmem_shared>>)
        %dma_wait3A_405 = arith.constant 0 : i32
        %dma_wait3A_406 = arith.constant 0 : i32
        %dma_wait3A_407 = tpu.memref_slice %arg12[%dma_wait3A_405, %dma_wait3A_406] : memref<16x128xi32, #tpu.memory_space<vmem>> -> memref<1x128xi32, #tpu.memory_space<vmem>>
        %dma_wait3A_408 = tpu.memref_squeeze %dma_wait3A_407 : memref<1x128xi32, #tpu.memory_space<vmem>> -> memref<128xi32, #tpu.memory_space<vmem>>
        %dma_wait3A_409 = arith.constant 0 : i32
        %dma_wait3A_410 = arith.constant 0 : i32
        %dma_wait3A_411 = tpu.memref_slice %arg18[%dma_wait3A_409, %dma_wait3A_410] : memref<20480x64xf32, #tpu.memory_space<vmem_shared>> -> memref<20480x64xf32, #tpu.memory_space<vmem_shared>>
        tpu.wait_indirect_dma semaphore(%arg22 : memref<!tpu.dma_semaphore, #tpu.memory_space<semaphore_mem>>) src(%arg15 : memref<128x64xf32, #tpu.memory_space<vmem>>) dst(%dma_wait3A_411 : memref<20480x64xf32, #tpu.memory_space<vmem_shared>>)
      } else {
      }
      %mul3A_359 = arith.constant 16 : i32
      %mul3A_360 = arith.muli %scan3A_353, %mul3A_359 : i32
      "tpu.region"() ({
        %run_scoped3A_378 = tpu.sem_alloc : memref<!tpu.dma_semaphore, #tpu.memory_space<semaphore_mem>>
        %dma_start3A_379 = arith.constant 0 : i32
        %dma_start3A_380 = tpu.memref_slice %arg3[%arg1, %mul3A_360, %dma_start3A_379] : memref<16x160x128xi32, #tpu.memory_space<hbm>> -> memref<1x16x128xi32, #tpu.memory_space<hbm>>
        %dma_start3A_381 = tpu.memref_squeeze %dma_start3A_380 : memref<1x16x128xi32, #tpu.memory_space<hbm>> -> memref<16x128xi32, #tpu.memory_space<hbm>>
        %dma_start3A_382 = arith.constant 0 : i32
        %dma_start3A_383 = tpu.memref_slice %arg3[%arg1, %mul3A_360, %dma_start3A_382] : memref<16x160x128xi32, #tpu.memory_space<hbm>> -> memref<1x16x128xi32, #tpu.memory_space<hbm>>
        %dma_start3A_384 = tpu.memref_squeeze %dma_start3A_383 : memref<1x16x128xi32, #tpu.memory_space<hbm>> -> memref<16x128xi32, #tpu.memory_space<hbm>>
        tpu.enqueue_dma source(%dma_start3A_384 : memref<16x128xi32, #tpu.memory_space<hbm>>) target(%arg11 : memref<16x128xi32, #tpu.memory_space<vmem>>) target_semaphore(%run_scoped3A_378 : memref<!tpu.dma_semaphore, #tpu.memory_space<semaphore_mem>>)
        %dma_wait3A_385 = arith.constant 0 : i32
        %dma_wait3A_386 = tpu.memref_slice %arg3[%arg1, %mul3A_360, %dma_wait3A_385] : memref<16x160x128xi32, #tpu.memory_space<hbm>> -> memref<1x16x128xi32, #tpu.memory_space<hbm>>
        %dma_wait3A_387 = tpu.memref_squeeze %dma_wait3A_386 : memref<1x16x128xi32, #tpu.memory_space<hbm>> -> memref<16x128xi32, #tpu.memory_space<hbm>>
        %dma_wait3A_388 = arith.constant 0 : i32
        %dma_wait3A_389 = tpu.memref_slice %arg3[%arg1, %mul3A_360, %dma_wait3A_388] : memref<16x160x128xi32, #tpu.memory_space<hbm>> -> memref<1x16x128xi32, #tpu.memory_space<hbm>>
        %dma_wait3A_390 = tpu.memref_squeeze %dma_wait3A_389 : memref<1x16x128xi32, #tpu.memory_space<hbm>> -> memref<16x128xi32, #tpu.memory_space<hbm>>
        tpu.wait_dma2 semaphore(%run_scoped3A_378 : memref<!tpu.dma_semaphore, #tpu.memory_space<semaphore_mem>>) src(%dma_wait3A_390 : memref<16x128xi32, #tpu.memory_space<hbm>>) dst(%arg11 : memref<16x128xi32, #tpu.memory_space<vmem>>)
        tpu.yield
      }) : () -> ()
      %mul3A_361 = arith.constant 16 : i32
      %mul3A_362 = arith.muli %scan3A_353, %mul3A_361 : i32
      "tpu.region"() ({
        %run_scoped3A_378 = tpu.sem_alloc : memref<!tpu.dma_semaphore, #tpu.memory_space<semaphore_mem>>
        %dma_start3A_379 = arith.constant 0 : i32
        %dma_start3A_380 = tpu.memref_slice %arg4[%arg1, %mul3A_362, %dma_start3A_379] : memref<16x160x128xi32, #tpu.memory_space<hbm>> -> memref<1x16x128xi32, #tpu.memory_space<hbm>>
        %dma_start3A_381 = tpu.memref_squeeze %dma_start3A_380 : memref<1x16x128xi32, #tpu.memory_space<hbm>> -> memref<16x128xi32, #tpu.memory_space<hbm>>
        %dma_start3A_382 = arith.constant 0 : i32
        %dma_start3A_383 = tpu.memref_slice %arg4[%arg1, %mul3A_362, %dma_start3A_382] : memref<16x160x128xi32, #tpu.memory_space<hbm>> -> memref<1x16x128xi32, #tpu.memory_space<hbm>>
        %dma_start3A_384 = tpu.memref_squeeze %dma_start3A_383 : memref<1x16x128xi32, #tpu.memory_space<hbm>> -> memref<16x128xi32, #tpu.memory_space<hbm>>
        tpu.enqueue_dma source(%dma_start3A_384 : memref<16x128xi32, #tpu.memory_space<hbm>>) target(%arg12 : memref<16x128xi32, #tpu.memory_space<vmem>>) target_semaphore(%run_scoped3A_378 : memref<!tpu.dma_semaphore, #tpu.memory_space<semaphore_mem>>)
        %dma_wait3A_385 = arith.constant 0 : i32
        %dma_wait3A_386 = tpu.memref_slice %arg4[%arg1, %mul3A_362, %dma_wait3A_385] : memref<16x160x128xi32, #tpu.memory_space<hbm>> -> memref<1x16x128xi32, #tpu.memory_space<hbm>>
        %dma_wait3A_387 = tpu.memref_squeeze %dma_wait3A_386 : memref<1x16x128xi32, #tpu.memory_space<hbm>> -> memref<16x128xi32, #tpu.memory_space<hbm>>
        %dma_wait3A_388 = arith.constant 0 : i32
        %dma_wait3A_389 = tpu.memref_slice %arg4[%arg1, %mul3A_362, %dma_wait3A_388] : memref<16x160x128xi32, #tpu.memory_space<hbm>> -> memref<1x16x128xi32, #tpu.memory_space<hbm>>
        %dma_wait3A_390 = tpu.memref_squeeze %dma_wait3A_389 : memref<1x16x128xi32, #tpu.memory_space<hbm>> -> memref<16x128xi32, #tpu.memory_space<hbm>>
        tpu.wait_dma2 semaphore(%run_scoped3A_378 : memref<!tpu.dma_semaphore, #tpu.memory_space<semaphore_mem>>) src(%dma_wait3A_390 : memref<16x128xi32, #tpu.memory_space<hbm>>) dst(%arg12 : memref<16x128xi32, #tpu.memory_space<vmem>>)
        tpu.yield
      }) : () -> ()
      %scan3A_363 = arith.constant 0 : i32
      %scan3A_364 = arith.constant 0 : i32
      %scan3A_365 = arith.constant 16 : i32
      %scan3A_366 = arith.addi %scan3A_364, %scan3A_365 : i32
      %scan3A_367 = arith.constant 1 : i32
      %scan3A_368 = scf.for %scan3A_378 = %scan3A_364 to %scan3A_366 step %scan3A_367 iter_args(%scan3A_379 = %scan3A_363) -> (i32)  : i32 {
        %get3A = arith.index_cast %scan3A_378 : i32 to index
        %get3A_380 = arith.constant 0 : index
        %get3A_381 = tpu.vector_load %arg11[%get3A, %get3A_380] {strides = array<i32>} : memref<16x128xi32, #tpu.memory_space<vmem>>, vector<1x16xi32>,
        %get3A_382 = vector.shape_cast %get3A_381 : vector<1x16xi32> to vector<16xi32>
        %mul3A_383 = arith.constant 2 : i32
        %mul3A_384 = vector.broadcast %mul3A_383 : i32 to vector<16xi32>
        %mul3A_385 = arith.muli %get3A_382, %mul3A_384 : vector<16xi32>
        %add3A_386 = vector.broadcast %arg0 : i32 to vector<16xi32>
        %add3A_387 = arith.addi %mul3A_385, %add3A_386 : vector<16xi32>
        %swap3A = arith.index_cast %scan3A_378 : i32 to index
        %swap3A_388 = arith.constant 0 : index
        %swap3A_389 = tpu.vector_load %arg11[%swap3A, %swap3A_388] {strides = array<i32>} : memref<16x128xi32, #tpu.memory_space<vmem>>, vector<1x16xi32>,
        %swap3A_390 = vector.shape_cast %swap3A_389 : vector<1x16xi32> to vector<16xi32>
        %swap3A_391 = vector.shape_cast %add3A_387 : vector<16xi32> to vector<1x16xi32>
        tpu.vector_store %arg11[%swap3A, %swap3A_388], %swap3A_391 {strides = array<i32>} : memref<16x128xi32, #tpu.memory_space<vmem>>, vector<1x16xi32>,
        %get3A_392 = arith.index_cast %scan3A_378 : i32 to index
        %get3A_393 = arith.constant 16 : index
        %get3A_394 = tpu.vector_load %arg11[%get3A_392, %get3A_393] {strides = array<i32>} : memref<16x128xi32, #tpu.memory_space<vmem>>, vector<1x16xi32>,
        %get3A_395 = vector.shape_cast %get3A_394 : vector<1x16xi32> to vector<16xi32>
        %mul3A_396 = arith.constant 2 : i32
        %mul3A_397 = vector.broadcast %mul3A_396 : i32 to vector<16xi32>
        %mul3A_398 = arith.muli %get3A_395, %mul3A_397 : vector<16xi32>
        %add3A_399 = vector.broadcast %arg0 : i32 to vector<16xi32>
        %add3A_400 = arith.addi %mul3A_398, %add3A_399 : vector<16xi32>
        %swap3A_401 = arith.index_cast %scan3A_378 : i32 to index
        %swap3A_402 = arith.constant 16 : index
        %swap3A_403 = tpu.vector_load %arg11[%swap3A_401, %swap3A_402] {strides = array<i32>} : memref<16x128xi32, #tpu.memory_space<vmem>>, vector<1x16xi32>,
        %swap3A_404 = vector.shape_cast %swap3A_403 : vector<1x16xi32> to vector<16xi32>
        %swap3A_405 = vector.shape_cast %add3A_400 : vector<16xi32> to vector<1x16xi32>
        tpu.vector_store %arg11[%swap3A_401, %swap3A_402], %swap3A_405 {strides = array<i32>} : memref<16x128xi32, #tpu.memory_space<vmem>>, vector<1x16xi32>,
        %get3A_406 = arith.index_cast %scan3A_378 : i32 to index
        %get3A_407 = arith.constant 32 : index
        %get3A_408 = tpu.vector_load %arg11[%get3A_406, %get3A_407] {strides = array<i32>} : memref<16x128xi32, #tpu.memory_space<vmem>>, vector<1x16xi32>,
        %get3A_409 = vector.shape_cast %get3A_408 : vector<1x16xi32> to vector<16xi32>
        %mul3A_410 = arith.constant 2 : i32
        %mul3A_411 = vector.broadcast %mul3A_410 : i32 to vector<16xi32>
        %mul3A_412 = arith.muli %get3A_409, %mul3A_411 : vector<16xi32>
        %add3A_413 = vector.broadcast %arg0 : i32 to vector<16xi32>
        %add3A_414 = arith.addi %mul3A_412, %add3A_413 : vector<16xi32>
        %swap3A_415 = arith.index_cast %scan3A_378 : i32 to index
        %swap3A_416 = arith.constant 32 : index
        %swap3A_417 = tpu.vector_load %arg11[%swap3A_415, %swap3A_416] {strides = array<i32>} : memref<16x128xi32, #tpu.memory_space<vmem>>, vector<1x16xi32>,
        %swap3A_418 = vector.shape_cast %swap3A_417 : vector<1x16xi32> to vector<16xi32>
        %swap3A_419 = vector.shape_cast %add3A_414 : vector<16xi32> to vector<1x16xi32>
        tpu.vector_store %arg11[%swap3A_415, %swap3A_416], %swap3A_419 {strides = array<i32>} : memref<16x128xi32, #tpu.memory_space<vmem>>, vector<1x16xi32>,
        %get3A_420 = arith.index_cast %scan3A_378 : i32 to index
        %get3A_421 = arith.constant 48 : index
        %get3A_422 = tpu.vector_load %arg11[%get3A_420, %get3A_421] {strides = array<i32>} : memref<16x128xi32, #tpu.memory_space<vmem>>, vector<1x16xi32>,
        %get3A_423 = vector.shape_cast %get3A_422 : vector<1x16xi32> to vector<16xi32>
        %mul3A_424 = arith.constant 2 : i32
        %mul3A_425 = vector.broadcast %mul3A_424 : i32 to vector<16xi32>
        %mul3A_426 = arith.muli %get3A_423, %mul3A_425 : vector<16xi32>
        %add3A_427 = vector.broadcast %arg0 : i32 to vector<16xi32>
        %add3A_428 = arith.addi %mul3A_426, %add3A_427 : vector<16xi32>
        %swap3A_429 = arith.index_cast %scan3A_378 : i32 to index
        %swap3A_430 = arith.constant 48 : index
        %swap3A_431 = tpu.vector_load %arg11[%swap3A_429, %swap3A_430] {strides = array<i32>} : memref<16x128xi32, #tpu.memory_space<vmem>>, vector<1x16xi32>,
        %swap3A_432 = vector.shape_cast %swap3A_431 : vector<1x16xi32> to vector<16xi32>
        %swap3A_433 = vector.shape_cast %add3A_428 : vector<16xi32> to vector<1x16xi32>
        tpu.vector_store %arg11[%swap3A_429, %swap3A_430], %swap3A_433 {strides = array<i32>} : memref<16x128xi32, #tpu.memory_space<vmem>>, vector<1x16xi32>,
        %get3A_434 = arith.index_cast %scan3A_378 : i32 to index
        %get3A_435 = arith.constant 64 : index
        %get3A_436 = tpu.vector_load %arg11[%get3A_434, %get3A_435] {strides = array<i32>} : memref<16x128xi32, #tpu.memory_space<vmem>>, vector<1x16xi32>,
        %get3A_437 = vector.shape_cast %get3A_436 : vector<1x16xi32> to vector<16xi32>
        %mul3A_438 = arith.constant 2 : i32
        %mul3A_439 = vector.broadcast %mul3A_438 : i32 to vector<16xi32>
        %mul3A_440 = arith.muli %get3A_437, %mul3A_439 : vector<16xi32>
        %add3A_441 = vector.broadcast %arg0 : i32 to vector<16xi32>
        %add3A_442 = arith.addi %mul3A_440, %add3A_441 : vector<16xi32>
        %swap3A_443 = arith.index_cast %scan3A_378 : i32 to index
        %swap3A_444 = arith.constant 64 : index
        %swap3A_445 = tpu.vector_load %arg11[%swap3A_443, %swap3A_444] {strides = array<i32>} : memref<16x128xi32, #tpu.memory_space<vmem>>, vector<1x16xi32>,
        %swap3A_446 = vector.shape_cast %swap3A_445 : vector<1x16xi32> to vector<16xi32>
        %swap3A_447 = vector.shape_cast %add3A_442 : vector<16xi32> to vector<1x16xi32>
        tpu.vector_store %arg11[%swap3A_443, %swap3A_444], %swap3A_447 {strides = array<i32>} : memref<16x128xi32, #tpu.memory_space<vmem>>, vector<1x16xi32>,
        %get3A_448 = arith.index_cast %scan3A_378 : i32 to index
        %get3A_449 = arith.constant 80 : index
        %get3A_450 = tpu.vector_load %arg11[%get3A_448, %get3A_449] {strides = array<i32>} : memref<16x128xi32, #tpu.memory_space<vmem>>, vector<1x16xi32>,
        %get3A_451 = vector.shape_cast %get3A_450 : vector<1x16xi32> to vector<16xi32>
        %mul3A_452 = arith.constant 2 : i32
        %mul3A_453 = vector.broadcast %mul3A_452 : i32 to vector<16xi32>
        %mul3A_454 = arith.muli %get3A_451, %mul3A_453 : vector<16xi32>
        %add3A_455 = vector.broadcast %arg0 : i32 to vector<16xi32>
        %add3A_456 = arith.addi %mul3A_454, %add3A_455 : vector<16xi32>
        %swap3A_457 = arith.index_cast %scan3A_378 : i32 to index
        %swap3A_458 = arith.constant 80 : index
        %swap3A_459 = tpu.vector_load %arg11[%swap3A_457, %swap3A_458] {strides = array<i32>} : memref<16x128xi32, #tpu.memory_space<vmem>>, vector<1x16xi32>,
        %swap3A_460 = vector.shape_cast %swap3A_459 : vector<1x16xi32> to vector<16xi32>
        %swap3A_461 = vector.shape_cast %add3A_456 : vector<16xi32> to vector<1x16xi32>
        tpu.vector_store %arg11[%swap3A_457, %swap3A_458], %swap3A_461 {strides = array<i32>} : memref<16x128xi32, #tpu.memory_space<vmem>>, vector<1x16xi32>,
        %get3A_462 = arith.index_cast %scan3A_378 : i32 to index
        %get3A_463 = arith.constant 96 : index
        %get3A_464 = tpu.vector_load %arg11[%get3A_462, %get3A_463] {strides = array<i32>} : memref<16x128xi32, #tpu.memory_space<vmem>>, vector<1x16xi32>,
        %get3A_465 = vector.shape_cast %get3A_464 : vector<1x16xi32> to vector<16xi32>
        %mul3A_466 = arith.constant 2 : i32
        %mul3A_467 = vector.broadcast %mul3A_466 : i32 to vector<16xi32>
        %mul3A_468 = arith.muli %get3A_465, %mul3A_467 : vector<16xi32>
        %add3A_469 = vector.broadcast %arg0 : i32 to vector<16xi32>
        %add3A_470 = arith.addi %mul3A_468, %add3A_469 : vector<16xi32>
        %swap3A_471 = arith.index_cast %scan3A_378 : i32 to index
        %swap3A_472 = arith.constant 96 : index
        %swap3A_473 = tpu.vector_load %arg11[%swap3A_471, %swap3A_472] {strides = array<i32>} : memref<16x128xi32, #tpu.memory_space<vmem>>, vector<1x16xi32>,
        %swap3A_474 = vector.shape_cast %swap3A_473 : vector<1x16xi32> to vector<16xi32>
        %swap3A_475 = vector.shape_cast %add3A_470 : vector<16xi32> to vector<1x16xi32>
        tpu.vector_store %arg11[%swap3A_471, %swap3A_472], %swap3A_475 {strides = array<i32>} : memref<16x128xi32, #tpu.memory_space<vmem>>, vector<1x16xi32>,
        %get3A_476 = arith.index_cast %scan3A_378 : i32 to index
        %get3A_477 = arith.constant 112 : index
        %get3A_478 = tpu.vector_load %arg11[%get3A_476, %get3A_477] {strides = array<i32>} : memref<16x128xi32, #tpu.memory_space<vmem>>, vector<1x16xi32>,
        %get3A_479 = vector.shape_cast %get3A_478 : vector<1x16xi32> to vector<16xi32>
        %mul3A_480 = arith.constant 2 : i32
        %mul3A_481 = vector.broadcast %mul3A_480 : i32 to vector<16xi32>
        %mul3A_482 = arith.muli %get3A_479, %mul3A_481 : vector<16xi32>
        %add3A_483 = vector.broadcast %arg0 : i32 to vector<16xi32>
        %add3A_484 = arith.addi %mul3A_482, %add3A_483 : vector<16xi32>
        %swap3A_485 = arith.index_cast %scan3A_378 : i32 to index
        %swap3A_486 = arith.constant 112 : index
        %swap3A_487 = tpu.vector_load %arg11[%swap3A_485, %swap3A_486] {strides = array<i32>} : memref<16x128xi32, #tpu.memory_space<vmem>>, vector<1x16xi32>,
        %swap3A_488 = vector.shape_cast %swap3A_487 : vector<1x16xi32> to vector<16xi32>
        %swap3A_489 = vector.shape_cast %add3A_484 : vector<16xi32> to vector<1x16xi32>
        tpu.vector_store %arg11[%swap3A_485, %swap3A_486], %swap3A_489 {strides = array<i32>} : memref<16x128xi32, #tpu.memory_space<vmem>>, vector<1x16xi32>,
        %scan3A_490 = arith.constant 0 : i32
        scf.yield %scan3A_490 : i32
      }
      %scan3A_369 = arith.constant 16 : i32
      %scan3A_370 = arith.constant 0 : i32
      %scan3A_371 = arith.constant 0 : i32
      %scan3A_372 = arith.constant 4 : i32
      %scan3A_373 = arith.addi %scan3A_371, %scan3A_372 : i32
      %scan3A_374 = arith.constant 1 : i32
      %scan3A_375 = scf.for %scan3A_378 = %scan3A_371 to %scan3A_373 step %scan3A_374 iter_args(%scan3A_379 = %scan3A_370) -> (i32)  : i32 {
        %mul3A_380 = arith.constant 4 : i32
        %mul3A_381 = arith.muli %scan3A_378, %mul3A_380 : i32
        %add3A_382 = arith.constant 0 : i32
        %add3A_383 = arith.addi %mul3A_381, %add3A_382 : i32
        %ge3A_384 = arith.constant 1 : i32
        %ge3A_385 = arith.cmpi sge, %scan3A_378, %ge3A_384 : i32
        %convert_element_type3A_386 = arith.extui %ge3A_385 : i1 to i32
        %cond3A_387 = arith.constant 0 : i32
        %cond3A_388 = arith.cmpi ne, %convert_element_type3A_386, %cond3A_387 : i32
        scf.if %cond3A_388 {
          %dma_wait3A_505 = arith.constant 0 : i32
          %dma_wait3A_506 = arith.constant 0 : i32
          %dma_wait3A_507 = tpu.memref_slice %arg12[%dma_wait3A_505, %dma_wait3A_506] : memref<16x128xi32, #tpu.memory_space<vmem>> -> memref<1x128xi32, #tpu.memory_space<vmem>>
          %dma_wait3A_508 = tpu.memref_squeeze %dma_wait3A_507 : memref<1x128xi32, #tpu.memory_space<vmem>> -> memref<128xi32, #tpu.memory_space<vmem>>
          %dma_wait3A_509 = arith.constant 0 : i32
          %dma_wait3A_510 = arith.constant 0 : i32
          %dma_wait3A_511 = tpu.memref_slice %arg18[%dma_wait3A_509, %dma_wait3A_510] : memref<20480x64xf32, #tpu.memory_space<vmem_shared>> -> memref<20480x64xf32, #tpu.memory_space<vmem_shared>>
          tpu.wait_indirect_dma semaphore(%arg20 : memref<!tpu.dma_semaphore, #tpu.memory_space<semaphore_mem>>) src(%arg13 : memref<128x64xf32, #tpu.memory_space<vmem>>) dst(%dma_wait3A_511 : memref<20480x64xf32, #tpu.memory_space<vmem_shared>>)
        } else {
        }
        %dma_start3A_389 = arith.constant 0 : i32
        %dma_start3A_390 = tpu.memref_slice %arg11[%add3A_383, %dma_start3A_389] : memref<16x128xi32, #tpu.memory_space<vmem>> -> memref<1x128xi32, #tpu.memory_space<vmem>>
        %dma_start3A_391 = tpu.memref_squeeze %dma_start3A_390 : memref<1x128xi32, #tpu.memory_space<vmem>> -> memref<128xi32, #tpu.memory_space<vmem>>
        %dma_start3A_392 = arith.constant 0 : i32
        %dma_start3A_393 = arith.constant 0 : i32
        %dma_start3A_394 = tpu.memref_slice %arg2[%dma_start3A_392, %dma_start3A_393] : memref<106496x64xf32, #tpu.memory_space<hbm>> -> memref<106496x64xf32, #tpu.memory_space<hbm>>
        tpu.enqueue_indirect_dma source(%dma_start3A_394 : memref<106496x64xf32, #tpu.memory_space<hbm>>) target(%arg13 : memref<128x64xf32, #tpu.memory_space<vmem>>) offsets(%dma_start3A_391 : memref<128xi32, #tpu.memory_space<vmem>>) semaphore(%arg24 : memref<!tpu.dma_semaphore, #tpu.memory_space<semaphore_mem>>)
        %ge3A_395 = arith.constant 1 : i32
        %ge3A_396 = arith.cmpi sge, %scan3A_378, %ge3A_395 : i32
        %convert_element_type3A_397 = arith.extui %ge3A_396 : i1 to i32
        %cond3A_398 = arith.constant 0 : i32
        %cond3A_399 = arith.cmpi ne, %convert_element_type3A_397, %cond3A_398 : i32
        scf.if %cond3A_399 {
          %sub3A_505 = arith.constant 1 : i32
          %sub3A_506 = arith.subi %add3A_383, %sub3A_505 : i32
          %dma_wait3A_507 = arith.constant 0 : i32
          %dma_wait3A_508 = arith.constant 0 : i32
          %dma_wait3A_509 = tpu.memref_slice %arg11[%dma_wait3A_507, %dma_wait3A_508] : memref<16x128xi32, #tpu.memory_space<vmem>> -> memref<1x128xi32, #tpu.memory_space<vmem>>
          %dma_wait3A_510 = tpu.memref_squeeze %dma_wait3A_509 : memref<1x128xi32, #tpu.memory_space<vmem>> -> memref<128xi32, #tpu.memory_space<vmem>>
          %dma_wait3A_511 = arith.constant 0 : i32
          %dma_wait3A_512 = arith.constant 0 : i32
          %dma_wait3A_513 = tpu.memref_slice %arg2[%dma_wait3A_511, %dma_wait3A_512] : memref<106496x64xf32, #tpu.memory_space<hbm>> -> memref<106496x64xf32, #tpu.memory_space<hbm>>
          tpu.wait_indirect_dma semaphore(%arg27 : memref<!tpu.dma_semaphore, #tpu.memory_space<semaphore_mem>>) src(%dma_wait3A_513 : memref<106496x64xf32, #tpu.memory_space<hbm>>) dst(%arg16 : memref<128x64xf32, #tpu.memory_space<vmem>>)
          %dma_start3A_514 = arith.constant 0 : i32
          %dma_start3A_515 = tpu.memref_slice %arg12[%sub3A_506, %dma_start3A_514] : memref<16x128xi32, #tpu.memory_space<vmem>> -> memref<1x128xi32, #tpu.memory_space<vmem>>
          %dma_start3A_516 = tpu.memref_squeeze %dma_start3A_515 : memref<1x128xi32, #tpu.memory_space<vmem>> -> memref<128xi32, #tpu.memory_space<vmem>>
          %dma_start3A_517 = arith.constant 0 : i32
          %dma_start3A_518 = arith.constant 0 : i32
          %dma_start3A_519 = tpu.memref_slice %arg18[%dma_start3A_517, %dma_start3A_518] : memref<20480x64xf32, #tpu.memory_space<vmem_shared>> -> memref<20480x64xf32, #tpu.memory_space<vmem_shared>>
          tpu.enqueue_indirect_dma source(%arg16 : memref<128x64xf32, #tpu.memory_space<vmem>>) target(%dma_start3A_519 : memref<20480x64xf32, #tpu.memory_space<vmem_shared>>) offsets(%dma_start3A_516 : memref<128xi32, #tpu.memory_space<vmem>>) semaphore(%arg23 : memref<!tpu.dma_semaphore, #tpu.memory_space<semaphore_mem>>) {add = true}
          %eq3A_520 = arith.constant 0 : i32
          %eq3A_521 = arith.cmpi eq, %arg0, %eq3A_520 : i32
          %convert_element_type3A_522 = arith.extui %eq3A_521 : i1 to i32
          %cond3A_523 = arith.constant 0 : i32
          %cond3A_524 = arith.cmpi ne, %convert_element_type3A_522, %cond3A_523 : i32
          scf.if %cond3A_524 {
            "tpu.region"() ({
              %run_scoped3A_525 = tpu.sem_alloc : memref<!tpu.dma_semaphore, #tpu.memory_space<semaphore_mem>>
              %dma_start3A_526 = arith.constant 0 : i32
              %dma_start3A_527 = tpu.memref_slice %arg12[%sub3A_506, %dma_start3A_526] : memref<16x128xi32, #tpu.memory_space<vmem>> -> memref<1x128xi32, #tpu.memory_space<vmem>>
              %dma_start3A_528 = tpu.memref_squeeze %dma_start3A_527 : memref<1x128xi32, #tpu.memory_space<vmem>> -> memref<128xi32, #tpu.memory_space<vmem>>
              %dma_start3A_529 = arith.constant 0 : i32
              %dma_start3A_530 = arith.constant 0 : i32
              %dma_start3A_531 = tpu.memref_slice %arg19[%dma_start3A_529, %dma_start3A_530] : memref<20480x8xf32, #tpu.memory_space<vmem_shared>> -> memref<20480x8xf32, #tpu.memory_space<vmem_shared>>
              tpu.enqueue_indirect_dma source(%arg17 : memref<128x8xf32, #tpu.memory_space<vmem>>) target(%dma_start3A_531 : memref<20480x8xf32, #tpu.memory_space<vmem_shared>>) offsets(%dma_start3A_528 : memref<128xi32, #tpu.memory_space<vmem>>) semaphore(%run_scoped3A_525 : memref<!tpu.dma_semaphore, #tpu.memory_space<semaphore_mem>>) {add = true}
              %dma_wait3A_532 = arith.constant 0 : i32
              %dma_wait3A_533 = tpu.memref_slice %arg12[%sub3A_506, %dma_wait3A_532] : memref<16x128xi32, #tpu.memory_space<vmem>> -> memref<1x128xi32, #tpu.memory_space<vmem>>
              %dma_wait3A_534 = tpu.memref_squeeze %dma_wait3A_533 : memref<1x128xi32, #tpu.memory_space<vmem>> -> memref<128xi32, #tpu.memory_space<vmem>>
              %dma_wait3A_535 = arith.constant 0 : i32
              %dma_wait3A_536 = arith.constant 0 : i32
              %dma_wait3A_537 = tpu.memref_slice %arg19[%dma_wait3A_535, %dma_wait3A_536] : memref<20480x8xf32, #tpu.memory_space<vmem_shared>> -> memref<20480x8xf32, #tpu.memory_space<vmem_shared>>
              tpu.wait_indirect_dma semaphore(%run_scoped3A_525 : memref<!tpu.dma_semaphore, #tpu.memory_space<semaphore_mem>>) src(%arg17 : memref<128x8xf32, #tpu.memory_space<vmem>>) dst(%dma_wait3A_537 : memref<20480x8xf32, #tpu.memory_space<vmem_shared>>)
              tpu.yield
            }) : () -> ()
          } else {
          }
        } else {
        }
        %mul3A_400 = arith.constant 4 : i32
        %mul3A_401 = arith.muli %scan3A_378, %mul3A_400 : i32
        %add3A_402 = arith.constant 1 : i32
        %add3A_403 = arith.addi %mul3A_401, %add3A_402 : i32
        %ge3A_404 = arith.constant 1 : i32
        %ge3A_405 = arith.cmpi sge, %scan3A_378, %ge3A_404 : i32
        %convert_element_type3A_406 = arith.extui %ge3A_405 : i1 to i32
        %cond3A_407 = arith.constant 0 : i32
        %cond3A_408 = arith.cmpi ne, %convert_element_type3A_406, %cond3A_407 : i32
        scf.if %cond3A_408 {
          %dma_wait3A_505 = arith.constant 0 : i32
          %dma_wait3A_506 = arith.constant 0 : i32
          %dma_wait3A_507 = tpu.memref_slice %arg12[%dma_wait3A_505, %dma_wait3A_506] : memref<16x128xi32, #tpu.memory_space<vmem>> -> memref<1x128xi32, #tpu.memory_space<vmem>>
          %dma_wait3A_508 = tpu.memref_squeeze %dma_wait3A_507 : memref<1x128xi32, #tpu.memory_space<vmem>> -> memref<128xi32, #tpu.memory_space<vmem>>
          %dma_wait3A_509 = arith.constant 0 : i32
          %dma_wait3A_510 = arith.constant 0 : i32
          %dma_wait3A_511 = tpu.memref_slice %arg18[%dma_wait3A_509, %dma_wait3A_510] : memref<20480x64xf32, #tpu.memory_space<vmem_shared>> -> memref<20480x64xf32, #tpu.memory_space<vmem_shared>>
          tpu.wait_indirect_dma semaphore(%arg21 : memref<!tpu.dma_semaphore, #tpu.memory_space<semaphore_mem>>) src(%arg14 : memref<128x64xf32, #tpu.memory_space<vmem>>) dst(%dma_wait3A_511 : memref<20480x64xf32, #tpu.memory_space<vmem_shared>>)
        } else {
        }
        %dma_start3A_409 = arith.constant 0 : i32
        %dma_start3A_410 = tpu.memref_slice %arg11[%add3A_403, %dma_start3A_409] : memref<16x128xi32, #tpu.memory_space<vmem>> -> memref<1x128xi32, #tpu.memory_space<vmem>>
        %dma_start3A_411 = tpu.memref_squeeze %dma_start3A_410 : memref<1x128xi32, #tpu.memory_space<vmem>> -> memref<128xi32, #tpu.memory_space<vmem>>
        %dma_start3A_412 = arith.constant 0 : i32
        %dma_start3A_413 = arith.constant 0 : i32
        %dma_start3A_414 = tpu.memref_slice %arg2[%dma_start3A_412, %dma_start3A_413] : memref<106496x64xf32, #tpu.memory_space<hbm>> -> memref<106496x64xf32, #tpu.memory_space<hbm>>
        tpu.enqueue_indirect_dma source(%dma_start3A_414 : memref<106496x64xf32, #tpu.memory_space<hbm>>) target(%arg14 : memref<128x64xf32, #tpu.memory_space<vmem>>) offsets(%dma_start3A_411 : memref<128xi32, #tpu.memory_space<vmem>>) semaphore(%arg25 : memref<!tpu.dma_semaphore, #tpu.memory_space<semaphore_mem>>)
        %sub3A = arith.constant 1 : i32
        %sub3A_415 = arith.subi %add3A_403, %sub3A : i32
        %dma_wait3A_416 = arith.constant 0 : i32
        %dma_wait3A_417 = arith.constant 0 : i32
        %dma_wait3A_418 = tpu.memref_slice %arg11[%dma_wait3A_416, %dma_wait3A_417] : memref<16x128xi32, #tpu.memory_space<vmem>> -> memref<1x128xi32, #tpu.memory_space<vmem>>
        %dma_wait3A_419 = tpu.memref_squeeze %dma_wait3A_418 : memref<1x128xi32, #tpu.memory_space<vmem>> -> memref<128xi32, #tpu.memory_space<vmem>>
        %dma_wait3A_420 = arith.constant 0 : i32
        %dma_wait3A_421 = arith.constant 0 : i32
        %dma_wait3A_422 = tpu.memref_slice %arg2[%dma_wait3A_420, %dma_wait3A_421] : memref<106496x64xf32, #tpu.memory_space<hbm>> -> memref<106496x64xf32, #tpu.memory_space<hbm>>
        tpu.wait_indirect_dma semaphore(%arg24 : memref<!tpu.dma_semaphore, #tpu.memory_space<semaphore_mem>>) src(%dma_wait3A_422 : memref<106496x64xf32, #tpu.memory_space<hbm>>) dst(%arg13 : memref<128x64xf32, #tpu.memory_space<vmem>>)
        %dma_start3A_423 = arith.constant 0 : i32
        %dma_start3A_424 = tpu.memref_slice %arg12[%sub3A_415, %dma_start3A_423] : memref<16x128xi32, #tpu.memory_space<vmem>> -> memref<1x128xi32, #tpu.memory_space<vmem>>
        %dma_start3A_425 = tpu.memref_squeeze %dma_start3A_424 : memref<1x128xi32, #tpu.memory_space<vmem>> -> memref<128xi32, #tpu.memory_space<vmem>>
        %dma_start3A_426 = arith.constant 0 : i32
        %dma_start3A_427 = arith.constant 0 : i32
        %dma_start3A_428 = tpu.memref_slice %arg18[%dma_start3A_426, %dma_start3A_427] : memref<20480x64xf32, #tpu.memory_space<vmem_shared>> -> memref<20480x64xf32, #tpu.memory_space<vmem_shared>>
        tpu.enqueue_indirect_dma source(%arg13 : memref<128x64xf32, #tpu.memory_space<vmem>>) target(%dma_start3A_428 : memref<20480x64xf32, #tpu.memory_space<vmem_shared>>) offsets(%dma_start3A_425 : memref<128xi32, #tpu.memory_space<vmem>>) semaphore(%arg20 : memref<!tpu.dma_semaphore, #tpu.memory_space<semaphore_mem>>) {add = true}
        %eq3A_429 = arith.constant 0 : i32
        %eq3A_430 = arith.cmpi eq, %arg0, %eq3A_429 : i32
        %convert_element_type3A_431 = arith.extui %eq3A_430 : i1 to i32
        %cond3A_432 = arith.constant 0 : i32
        %cond3A_433 = arith.cmpi ne, %convert_element_type3A_431, %cond3A_432 : i32
        scf.if %cond3A_433 {
          "tpu.region"() ({
            %run_scoped3A_505 = tpu.sem_alloc : memref<!tpu.dma_semaphore, #tpu.memory_space<semaphore_mem>>
            %dma_start3A_506 = arith.constant 0 : i32
            %dma_start3A_507 = tpu.memref_slice %arg12[%sub3A_415, %dma_start3A_506] : memref<16x128xi32, #tpu.memory_space<vmem>> -> memref<1x128xi32, #tpu.memory_space<vmem>>
            %dma_start3A_508 = tpu.memref_squeeze %dma_start3A_507 : memref<1x128xi32, #tpu.memory_space<vmem>> -> memref<128xi32, #tpu.memory_space<vmem>>
            %dma_start3A_509 = arith.constant 0 : i32
            %dma_start3A_510 = arith.constant 0 : i32
            %dma_start3A_511 = tpu.memref_slice %arg19[%dma_start3A_509, %dma_start3A_510] : memref<20480x8xf32, #tpu.memory_space<vmem_shared>> -> memref<20480x8xf32, #tpu.memory_space<vmem_shared>>
            tpu.enqueue_indirect_dma source(%arg17 : memref<128x8xf32, #tpu.memory_space<vmem>>) target(%dma_start3A_511 : memref<20480x8xf32, #tpu.memory_space<vmem_shared>>) offsets(%dma_start3A_508 : memref<128xi32, #tpu.memory_space<vmem>>) semaphore(%run_scoped3A_505 : memref<!tpu.dma_semaphore, #tpu.memory_space<semaphore_mem>>) {add = true}
            %dma_wait3A_512 = arith.constant 0 : i32
            %dma_wait3A_513 = tpu.memref_slice %arg12[%sub3A_415, %dma_wait3A_512] : memref<16x128xi32, #tpu.memory_space<vmem>> -> memref<1x128xi32, #tpu.memory_space<vmem>>
            %dma_wait3A_514 = tpu.memref_squeeze %dma_wait3A_513 : memref<1x128xi32, #tpu.memory_space<vmem>> -> memref<128xi32, #tpu.memory_space<vmem>>
            %dma_wait3A_515 = arith.constant 0 : i32
            %dma_wait3A_516 = arith.constant 0 : i32
            %dma_wait3A_517 = tpu.memref_slice %arg19[%dma_wait3A_515, %dma_wait3A_516] : memref<20480x8xf32, #tpu.memory_space<vmem_shared>> -> memref<20480x8xf32, #tpu.memory_space<vmem_shared>>
            tpu.wait_indirect_dma semaphore(%run_scoped3A_505 : memref<!tpu.dma_semaphore, #tpu.memory_space<semaphore_mem>>) src(%arg17 : memref<128x8xf32, #tpu.memory_space<vmem>>) dst(%dma_wait3A_517 : memref<20480x8xf32, #tpu.memory_space<vmem_shared>>)
            tpu.yield
          }) : () -> ()
        } else {
        }
        %mul3A_434 = arith.constant 4 : i32
        %mul3A_435 = arith.muli %scan3A_378, %mul3A_434 : i32
        %add3A_436 = arith.constant 2 : i32
        %add3A_437 = arith.addi %mul3A_435, %add3A_436 : i32
        %ge3A_438 = arith.constant 1 : i32
        %ge3A_439 = arith.cmpi sge, %scan3A_378, %ge3A_438 : i32
        %convert_element_type3A_440 = arith.extui %ge3A_439 : i1 to i32
        %cond3A_441 = arith.constant 0 : i32
        %cond3A_442 = arith.cmpi ne, %convert_element_type3A_440, %cond3A_441 : i32
        scf.if %cond3A_442 {
          %dma_wait3A_505 = arith.constant 0 : i32
          %dma_wait3A_506 = arith.constant 0 : i32
          %dma_wait3A_507 = tpu.memref_slice %arg12[%dma_wait3A_505, %dma_wait3A_506] : memref<16x128xi32, #tpu.memory_space<vmem>> -> memref<1x128xi32, #tpu.memory_space<vmem>>
          %dma_wait3A_508 = tpu.memref_squeeze %dma_wait3A_507 : memref<1x128xi32, #tpu.memory_space<vmem>> -> memref<128xi32, #tpu.memory_space<vmem>>
          %dma_wait3A_509 = arith.constant 0 : i32
          %dma_wait3A_510 = arith.constant 0 : i32
          %dma_wait3A_511 = tpu.memref_slice %arg18[%dma_wait3A_509, %dma_wait3A_510] : memref<20480x64xf32, #tpu.memory_space<vmem_shared>> -> memref<20480x64xf32, #tpu.memory_space<vmem_shared>>
          tpu.wait_indirect_dma semaphore(%arg22 : memref<!tpu.dma_semaphore, #tpu.memory_space<semaphore_mem>>) src(%arg15 : memref<128x64xf32, #tpu.memory_space<vmem>>) dst(%dma_wait3A_511 : memref<20480x64xf32, #tpu.memory_space<vmem_shared>>)
        } else {
        }
        %dma_start3A_443 = arith.constant 0 : i32
        %dma_start3A_444 = tpu.memref_slice %arg11[%add3A_437, %dma_start3A_443] : memref<16x128xi32, #tpu.memory_space<vmem>> -> memref<1x128xi32, #tpu.memory_space<vmem>>
        %dma_start3A_445 = tpu.memref_squeeze %dma_start3A_444 : memref<1x128xi32, #tpu.memory_space<vmem>> -> memref<128xi32, #tpu.memory_space<vmem>>
        %dma_start3A_446 = arith.constant 0 : i32
        %dma_start3A_447 = arith.constant 0 : i32
        %dma_start3A_448 = tpu.memref_slice %arg2[%dma_start3A_446, %dma_start3A_447] : memref<106496x64xf32, #tpu.memory_space<hbm>> -> memref<106496x64xf32, #tpu.memory_space<hbm>>
        tpu.enqueue_indirect_dma source(%dma_start3A_448 : memref<106496x64xf32, #tpu.memory_space<hbm>>) target(%arg15 : memref<128x64xf32, #tpu.memory_space<vmem>>) offsets(%dma_start3A_445 : memref<128xi32, #tpu.memory_space<vmem>>) semaphore(%arg26 : memref<!tpu.dma_semaphore, #tpu.memory_space<semaphore_mem>>)
        %sub3A_449 = arith.constant 1 : i32
        %sub3A_450 = arith.subi %add3A_437, %sub3A_449 : i32
        %dma_wait3A_451 = arith.constant 0 : i32
        %dma_wait3A_452 = arith.constant 0 : i32
        %dma_wait3A_453 = tpu.memref_slice %arg11[%dma_wait3A_451, %dma_wait3A_452] : memref<16x128xi32, #tpu.memory_space<vmem>> -> memref<1x128xi32, #tpu.memory_space<vmem>>
        %dma_wait3A_454 = tpu.memref_squeeze %dma_wait3A_453 : memref<1x128xi32, #tpu.memory_space<vmem>> -> memref<128xi32, #tpu.memory_space<vmem>>
        %dma_wait3A_455 = arith.constant 0 : i32
        %dma_wait3A_456 = arith.constant 0 : i32
        %dma_wait3A_457 = tpu.memref_slice %arg2[%dma_wait3A_455, %dma_wait3A_456] : memref<106496x64xf32, #tpu.memory_space<hbm>> -> memref<106496x64xf32, #tpu.memory_space<hbm>>
        tpu.wait_indirect_dma semaphore(%arg25 : memref<!tpu.dma_semaphore, #tpu.memory_space<semaphore_mem>>) src(%dma_wait3A_457 : memref<106496x64xf32, #tpu.memory_space<hbm>>) dst(%arg14 : memref<128x64xf32, #tpu.memory_space<vmem>>)
        %dma_start3A_458 = arith.constant 0 : i32
        %dma_start3A_459 = tpu.memref_slice %arg12[%sub3A_450, %dma_start3A_458] : memref<16x128xi32, #tpu.memory_space<vmem>> -> memref<1x128xi32, #tpu.memory_space<vmem>>
        %dma_start3A_460 = tpu.memref_squeeze %dma_start3A_459 : memref<1x128xi32, #tpu.memory_space<vmem>> -> memref<128xi32, #tpu.memory_space<vmem>>
        %dma_start3A_461 = arith.constant 0 : i32
        %dma_start3A_462 = arith.constant 0 : i32
        %dma_start3A_463 = tpu.memref_slice %arg18[%dma_start3A_461, %dma_start3A_462] : memref<20480x64xf32, #tpu.memory_space<vmem_shared>> -> memref<20480x64xf32, #tpu.memory_space<vmem_shared>>
        tpu.enqueue_indirect_dma source(%arg14 : memref<128x64xf32, #tpu.memory_space<vmem>>) target(%dma_start3A_463 : memref<20480x64xf32, #tpu.memory_space<vmem_shared>>) offsets(%dma_start3A_460 : memref<128xi32, #tpu.memory_space<vmem>>) semaphore(%arg21 : memref<!tpu.dma_semaphore, #tpu.memory_space<semaphore_mem>>) {add = true}
        %eq3A_464 = arith.constant 0 : i32
        %eq3A_465 = arith.cmpi eq, %arg0, %eq3A_464 : i32
        %convert_element_type3A_466 = arith.extui %eq3A_465 : i1 to i32
        %cond3A_467 = arith.constant 0 : i32
        %cond3A_468 = arith.cmpi ne, %convert_element_type3A_466, %cond3A_467 : i32
        scf.if %cond3A_468 {
          "tpu.region"() ({
            %run_scoped3A_505 = tpu.sem_alloc : memref<!tpu.dma_semaphore, #tpu.memory_space<semaphore_mem>>
            %dma_start3A_506 = arith.constant 0 : i32
            %dma_start3A_507 = tpu.memref_slice %arg12[%sub3A_450, %dma_start3A_506] : memref<16x128xi32, #tpu.memory_space<vmem>> -> memref<1x128xi32, #tpu.memory_space<vmem>>
            %dma_start3A_508 = tpu.memref_squeeze %dma_start3A_507 : memref<1x128xi32, #tpu.memory_space<vmem>> -> memref<128xi32, #tpu.memory_space<vmem>>
            %dma_start3A_509 = arith.constant 0 : i32
            %dma_start3A_510 = arith.constant 0 : i32
            %dma_start3A_511 = tpu.memref_slice %arg19[%dma_start3A_509, %dma_start3A_510] : memref<20480x8xf32, #tpu.memory_space<vmem_shared>> -> memref<20480x8xf32, #tpu.memory_space<vmem_shared>>
            tpu.enqueue_indirect_dma source(%arg17 : memref<128x8xf32, #tpu.memory_space<vmem>>) target(%dma_start3A_511 : memref<20480x8xf32, #tpu.memory_space<vmem_shared>>) offsets(%dma_start3A_508 : memref<128xi32, #tpu.memory_space<vmem>>) semaphore(%run_scoped3A_505 : memref<!tpu.dma_semaphore, #tpu.memory_space<semaphore_mem>>) {add = true}
            %dma_wait3A_512 = arith.constant 0 : i32
            %dma_wait3A_513 = tpu.memref_slice %arg12[%sub3A_450, %dma_wait3A_512] : memref<16x128xi32, #tpu.memory_space<vmem>> -> memref<1x128xi32, #tpu.memory_space<vmem>>
            %dma_wait3A_514 = tpu.memref_squeeze %dma_wait3A_513 : memref<1x128xi32, #tpu.memory_space<vmem>> -> memref<128xi32, #tpu.memory_space<vmem>>
            %dma_wait3A_515 = arith.constant 0 : i32
            %dma_wait3A_516 = arith.constant 0 : i32
            %dma_wait3A_517 = tpu.memref_slice %arg19[%dma_wait3A_515, %dma_wait3A_516] : memref<20480x8xf32, #tpu.memory_space<vmem_shared>> -> memref<20480x8xf32, #tpu.memory_space<vmem_shared>>
            tpu.wait_indirect_dma semaphore(%run_scoped3A_505 : memref<!tpu.dma_semaphore, #tpu.memory_space<semaphore_mem>>) src(%arg17 : memref<128x8xf32, #tpu.memory_space<vmem>>) dst(%dma_wait3A_517 : memref<20480x8xf32, #tpu.memory_space<vmem_shared>>)
            tpu.yield
          }) : () -> ()
        } else {
        }
        %mul3A_469 = arith.constant 4 : i32
        %mul3A_470 = arith.muli %scan3A_378, %mul3A_469 : i32
        %add3A_471 = arith.constant 3 : i32
        %add3A_472 = arith.addi %mul3A_470, %add3A_471 : i32
        %ge3A_473 = arith.constant 1 : i32
        %ge3A_474 = arith.cmpi sge, %scan3A_378, %ge3A_473 : i32
        %convert_element_type3A_475 = arith.extui %ge3A_474 : i1 to i32
        %cond3A_476 = arith.constant 0 : i32
        %cond3A_477 = arith.cmpi ne, %convert_element_type3A_475, %cond3A_476 : i32
        scf.if %cond3A_477 {
          %dma_wait3A_505 = arith.constant 0 : i32
          %dma_wait3A_506 = arith.constant 0 : i32
          %dma_wait3A_507 = tpu.memref_slice %arg12[%dma_wait3A_505, %dma_wait3A_506] : memref<16x128xi32, #tpu.memory_space<vmem>> -> memref<1x128xi32, #tpu.memory_space<vmem>>
          %dma_wait3A_508 = tpu.memref_squeeze %dma_wait3A_507 : memref<1x128xi32, #tpu.memory_space<vmem>> -> memref<128xi32, #tpu.memory_space<vmem>>
          %dma_wait3A_509 = arith.constant 0 : i32
          %dma_wait3A_510 = arith.constant 0 : i32
          %dma_wait3A_511 = tpu.memref_slice %arg18[%dma_wait3A_509, %dma_wait3A_510] : memref<20480x64xf32, #tpu.memory_space<vmem_shared>> -> memref<20480x64xf32, #tpu.memory_space<vmem_shared>>
          tpu.wait_indirect_dma semaphore(%arg23 : memref<!tpu.dma_semaphore, #tpu.memory_space<semaphore_mem>>) src(%arg16 : memref<128x64xf32, #tpu.memory_space<vmem>>) dst(%dma_wait3A_511 : memref<20480x64xf32, #tpu.memory_space<vmem_shared>>)
        } else {
        }
        %dma_start3A_478 = arith.constant 0 : i32
        %dma_start3A_479 = tpu.memref_slice %arg11[%add3A_472, %dma_start3A_478] : memref<16x128xi32, #tpu.memory_space<vmem>> -> memref<1x128xi32, #tpu.memory_space<vmem>>
        %dma_start3A_480 = tpu.memref_squeeze %dma_start3A_479 : memref<1x128xi32, #tpu.memory_space<vmem>> -> memref<128xi32, #tpu.memory_space<vmem>>
        %dma_start3A_481 = arith.constant 0 : i32
        %dma_start3A_482 = arith.constant 0 : i32
        %dma_start3A_483 = tpu.memref_slice %arg2[%dma_start3A_481, %dma_start3A_482] : memref<106496x64xf32, #tpu.memory_space<hbm>> -> memref<106496x64xf32, #tpu.memory_space<hbm>>
        tpu.enqueue_indirect_dma source(%dma_start3A_483 : memref<106496x64xf32, #tpu.memory_space<hbm>>) target(%arg16 : memref<128x64xf32, #tpu.memory_space<vmem>>) offsets(%dma_start3A_480 : memref<128xi32, #tpu.memory_space<vmem>>) semaphore(%arg27 : memref<!tpu.dma_semaphore, #tpu.memory_space<semaphore_mem>>)
        %sub3A_484 = arith.constant 1 : i32
        %sub3A_485 = arith.subi %add3A_472, %sub3A_484 : i32
        %dma_wait3A_486 = arith.constant 0 : i32
        %dma_wait3A_487 = arith.constant 0 : i32
        %dma_wait3A_488 = tpu.memref_slice %arg11[%dma_wait3A_486, %dma_wait3A_487] : memref<16x128xi32, #tpu.memory_space<vmem>> -> memref<1x128xi32, #tpu.memory_space<vmem>>
        %dma_wait3A_489 = tpu.memref_squeeze %dma_wait3A_488 : memref<1x128xi32, #tpu.memory_space<vmem>> -> memref<128xi32, #tpu.memory_space<vmem>>
        %dma_wait3A_490 = arith.constant 0 : i32
        %dma_wait3A_491 = arith.constant 0 : i32
        %dma_wait3A_492 = tpu.memref_slice %arg2[%dma_wait3A_490, %dma_wait3A_491] : memref<106496x64xf32, #tpu.memory_space<hbm>> -> memref<106496x64xf32, #tpu.memory_space<hbm>>
        tpu.wait_indirect_dma semaphore(%arg26 : memref<!tpu.dma_semaphore, #tpu.memory_space<semaphore_mem>>) src(%dma_wait3A_492 : memref<106496x64xf32, #tpu.memory_space<hbm>>) dst(%arg15 : memref<128x64xf32, #tpu.memory_space<vmem>>)
        %dma_start3A_493 = arith.constant 0 : i32
        %dma_start3A_494 = tpu.memref_slice %arg12[%sub3A_485, %dma_start3A_493] : memref<16x128xi32, #tpu.memory_space<vmem>> -> memref<1x128xi32, #tpu.memory_space<vmem>>
        %dma_start3A_495 = tpu.memref_squeeze %dma_start3A_494 : memref<1x128xi32, #tpu.memory_space<vmem>> -> memref<128xi32, #tpu.memory_space<vmem>>
        %dma_start3A_496 = arith.constant 0 : i32
        %dma_start3A_497 = arith.constant 0 : i32
        %dma_start3A_498 = tpu.memref_slice %arg18[%dma_start3A_496, %dma_start3A_497] : memref<20480x64xf32, #tpu.memory_space<vmem_shared>> -> memref<20480x64xf32, #tpu.memory_space<vmem_shared>>
        tpu.enqueue_indirect_dma source(%arg15 : memref<128x64xf32, #tpu.memory_space<vmem>>) target(%dma_start3A_498 : memref<20480x64xf32, #tpu.memory_space<vmem_shared>>) offsets(%dma_start3A_495 : memref<128xi32, #tpu.memory_space<vmem>>) semaphore(%arg22 : memref<!tpu.dma_semaphore, #tpu.memory_space<semaphore_mem>>) {add = true}
        %eq3A_499 = arith.constant 0 : i32
        %eq3A_500 = arith.cmpi eq, %arg0, %eq3A_499 : i32
        %convert_element_type3A_501 = arith.extui %eq3A_500 : i1 to i32
        %cond3A_502 = arith.constant 0 : i32
        %cond3A_503 = arith.cmpi ne, %convert_element_type3A_501, %cond3A_502 : i32
        scf.if %cond3A_503 {
          "tpu.region"() ({
            %run_scoped3A_505 = tpu.sem_alloc : memref<!tpu.dma_semaphore, #tpu.memory_space<semaphore_mem>>
            %dma_start3A_506 = arith.constant 0 : i32
            %dma_start3A_507 = tpu.memref_slice %arg12[%sub3A_485, %dma_start3A_506] : memref<16x128xi32, #tpu.memory_space<vmem>> -> memref<1x128xi32, #tpu.memory_space<vmem>>
            %dma_start3A_508 = tpu.memref_squeeze %dma_start3A_507 : memref<1x128xi32, #tpu.memory_space<vmem>> -> memref<128xi32, #tpu.memory_space<vmem>>
            %dma_start3A_509 = arith.constant 0 : i32
            %dma_start3A_510 = arith.constant 0 : i32
            %dma_start3A_511 = tpu.memref_slice %arg19[%dma_start3A_509, %dma_start3A_510] : memref<20480x8xf32, #tpu.memory_space<vmem_shared>> -> memref<20480x8xf32, #tpu.memory_space<vmem_shared>>
            tpu.enqueue_indirect_dma source(%arg17 : memref<128x8xf32, #tpu.memory_space<vmem>>) target(%dma_start3A_511 : memref<20480x8xf32, #tpu.memory_space<vmem_shared>>) offsets(%dma_start3A_508 : memref<128xi32, #tpu.memory_space<vmem>>) semaphore(%run_scoped3A_505 : memref<!tpu.dma_semaphore, #tpu.memory_space<semaphore_mem>>) {add = true}
            %dma_wait3A_512 = arith.constant 0 : i32
            %dma_wait3A_513 = tpu.memref_slice %arg12[%sub3A_485, %dma_wait3A_512] : memref<16x128xi32, #tpu.memory_space<vmem>> -> memref<1x128xi32, #tpu.memory_space<vmem>>
            %dma_wait3A_514 = tpu.memref_squeeze %dma_wait3A_513 : memref<1x128xi32, #tpu.memory_space<vmem>> -> memref<128xi32, #tpu.memory_space<vmem>>
            %dma_wait3A_515 = arith.constant 0 : i32
            %dma_wait3A_516 = arith.constant 0 : i32
            %dma_wait3A_517 = tpu.memref_slice %arg19[%dma_wait3A_515, %dma_wait3A_516] : memref<20480x8xf32, #tpu.memory_space<vmem_shared>> -> memref<20480x8xf32, #tpu.memory_space<vmem_shared>>
            tpu.wait_indirect_dma semaphore(%run_scoped3A_505 : memref<!tpu.dma_semaphore, #tpu.memory_space<semaphore_mem>>) src(%arg17 : memref<128x8xf32, #tpu.memory_space<vmem>>) dst(%dma_wait3A_517 : memref<20480x8xf32, #tpu.memory_space<vmem_shared>>)
            tpu.yield
          }) : () -> ()
        } else {
        }
        %scan3A_504 = arith.constant 0 : i32
        scf.yield %scan3A_504 : i32
      }
      %scan3A_376 = arith.constant 4 : i32
      %scan3A_377 = arith.constant 0 : i32
      scf.yield %scan3A_377 : i32
    }
    %scan3A_27 = arith.constant 10 : i32
    %dma_wait3A = arith.constant 0 : i32
    %dma_wait3A_28 = arith.constant 0 : i32
    %dma_wait3A_29 = tpu.memref_slice %arg11[%dma_wait3A, %dma_wait3A_28] : memref<16x128xi32, #tpu.memory_space<vmem>> -> memref<1x128xi32, #tpu.memory_space<vmem>>
    %dma_wait3A_30 = tpu.memref_squeeze %dma_wait3A_29 : memref<1x128xi32, #tpu.memory_space<vmem>> -> memref<128xi32, #tpu.memory_space<vmem>>
    %dma_wait3A_31 = arith.constant 0 : i32
    %dma_wait3A_32 = arith.constant 0 : i32
    %dma_wait3A_33 = tpu.memref_slice %arg2[%dma_wait3A_31, %dma_wait3A_32] : memref<106496x64xf32, #tpu.memory_space<hbm>> -> memref<106496x64xf32, #tpu.memory_space<hbm>>
    tpu.wait_indirect_dma semaphore(%arg27 : memref<!tpu.dma_semaphore, #tpu.memory_space<semaphore_mem>>) src(%dma_wait3A_33 : memref<106496x64xf32, #tpu.memory_space<hbm>>) dst(%arg16 : memref<128x64xf32, #tpu.memory_space<vmem>>)
    %run_scoped3A_34 = arith.constant 15 : i32
    "tpu.region"() ({
      %run_scoped3A_353 = tpu.sem_alloc : memref<!tpu.dma_semaphore, #tpu.memory_space<semaphore_mem>>
      %dma_start3A_354 = arith.constant 0 : i32
      %dma_start3A_355 = tpu.memref_slice %arg12[%run_scoped3A_34, %dma_start3A_354] : memref<16x128xi32, #tpu.memory_space<vmem>> -> memref<1x128xi32, #tpu.memory_space<vmem>>
      %dma_start3A_356 = tpu.memref_squeeze %dma_start3A_355 : memref<1x128xi32, #tpu.memory_space<vmem>> -> memref<128xi32, #tpu.memory_space<vmem>>
      %dma_start3A_357 = arith.constant 0 : i32
      %dma_start3A_358 = arith.constant 0 : i32
      %dma_start3A_359 = tpu.memref_slice %arg18[%dma_start3A_357, %dma_start3A_358] : memref<20480x64xf32, #tpu.memory_space<vmem_shared>> -> memref<20480x64xf32, #tpu.memory_space<vmem_shared>>
      tpu.enqueue_indirect_dma source(%arg16 : memref<128x64xf32, #tpu.memory_space<vmem>>) target(%dma_start3A_359 : memref<20480x64xf32, #tpu.memory_space<vmem_shared>>) offsets(%dma_start3A_356 : memref<128xi32, #tpu.memory_space<vmem>>) semaphore(%run_scoped3A_353 : memref<!tpu.dma_semaphore, #tpu.memory_space<semaphore_mem>>) {add = true}
      %dma_wait3A_360 = arith.constant 0 : i32
      %dma_wait3A_361 = tpu.memref_slice %arg12[%run_scoped3A_34, %dma_wait3A_360] : memref<16x128xi32, #tpu.memory_space<vmem>> -> memref<1x128xi32, #tpu.memory_space<vmem>>
      %dma_wait3A_362 = tpu.memref_squeeze %dma_wait3A_361 : memref<1x128xi32, #tpu.memory_space<vmem>> -> memref<128xi32, #tpu.memory_space<vmem>>
      %dma_wait3A_363 = arith.constant 0 : i32
      %dma_wait3A_364 = arith.constant 0 : i32
      %dma_wait3A_365 = tpu.memref_slice %arg18[%dma_wait3A_363, %dma_wait3A_364] : memref<20480x64xf32, #tpu.memory_space<vmem_shared>> -> memref<20480x64xf32, #tpu.memory_space<vmem_shared>>
      tpu.wait_indirect_dma semaphore(%run_scoped3A_353 : memref<!tpu.dma_semaphore, #tpu.memory_space<semaphore_mem>>) src(%arg16 : memref<128x64xf32, #tpu.memory_space<vmem>>) dst(%dma_wait3A_365 : memref<20480x64xf32, #tpu.memory_space<vmem_shared>>)
      tpu.yield
    }) : () -> ()
    %eq3A_35 = arith.constant 0 : i32
    %eq3A_36 = arith.cmpi eq, %arg0, %eq3A_35 : i32
    %convert_element_type3A_37 = arith.extui %eq3A_36 : i1 to i32
    %cond3A_38 = arith.constant 0 : i32
    %cond3A_39 = arith.cmpi ne, %convert_element_type3A_37, %cond3A_38 : i32
    scf.if %cond3A_39 {
      %run_scoped3A_353 = arith.constant 15 : i32
      "tpu.region"() ({
        %run_scoped3A_354 = tpu.sem_alloc : memref<!tpu.dma_semaphore, #tpu.memory_space<semaphore_mem>>
        %dma_start3A_355 = arith.constant 0 : i32
        %dma_start3A_356 = tpu.memref_slice %arg12[%run_scoped3A_353, %dma_start3A_355] : memref<16x128xi32, #tpu.memory_space<vmem>> -> memref<1x128xi32, #tpu.memory_space<vmem>>
        %dma_start3A_357 = tpu.memref_squeeze %dma_start3A_356 : memref<1x128xi32, #tpu.memory_space<vmem>> -> memref<128xi32, #tpu.memory_space<vmem>>
        %dma_start3A_358 = arith.constant 0 : i32
        %dma_start3A_359 = arith.constant 0 : i32
        %dma_start3A_360 = tpu.memref_slice %arg19[%dma_start3A_358, %dma_start3A_359] : memref<20480x8xf32, #tpu.memory_space<vmem_shared>> -> memref<20480x8xf32, #tpu.memory_space<vmem_shared>>
        tpu.enqueue_indirect_dma source(%arg17 : memref<128x8xf32, #tpu.memory_space<vmem>>) target(%dma_start3A_360 : memref<20480x8xf32, #tpu.memory_space<vmem_shared>>) offsets(%dma_start3A_357 : memref<128xi32, #tpu.memory_space<vmem>>) semaphore(%run_scoped3A_354 : memref<!tpu.dma_semaphore, #tpu.memory_space<semaphore_mem>>) {add = true}
        %dma_wait3A_361 = arith.constant 0 : i32
        %dma_wait3A_362 = tpu.memref_slice %arg12[%run_scoped3A_353, %dma_wait3A_361] : memref<16x128xi32, #tpu.memory_space<vmem>> -> memref<1x128xi32, #tpu.memory_space<vmem>>
        %dma_wait3A_363 = tpu.memref_squeeze %dma_wait3A_362 : memref<1x128xi32, #tpu.memory_space<vmem>> -> memref<128xi32, #tpu.memory_space<vmem>>
        %dma_wait3A_364 = arith.constant 0 : i32
        %dma_wait3A_365 = arith.constant 0 : i32
        %dma_wait3A_366 = tpu.memref_slice %arg19[%dma_wait3A_364, %dma_wait3A_365] : memref<20480x8xf32, #tpu.memory_space<vmem_shared>> -> memref<20480x8xf32, #tpu.memory_space<vmem_shared>>
        tpu.wait_indirect_dma semaphore(%run_scoped3A_354 : memref<!tpu.dma_semaphore, #tpu.memory_space<semaphore_mem>>) src(%arg17 : memref<128x8xf32, #tpu.memory_space<vmem>>) dst(%dma_wait3A_366 : memref<20480x8xf32, #tpu.memory_space<vmem_shared>>)
        tpu.yield
      }) : () -> ()
    } else {
    }
    %dma_wait3A_40 = arith.constant 0 : i32
    %dma_wait3A_41 = arith.constant 0 : i32
    %dma_wait3A_42 = tpu.memref_slice %arg12[%dma_wait3A_40, %dma_wait3A_41] : memref<16x128xi32, #tpu.memory_space<vmem>> -> memref<1x128xi32, #tpu.memory_space<vmem>>
    %dma_wait3A_43 = tpu.memref_squeeze %dma_wait3A_42 : memref<1x128xi32, #tpu.memory_space<vmem>> -> memref<128xi32, #tpu.memory_space<vmem>>
    %dma_wait3A_44 = arith.constant 0 : i32
    %dma_wait3A_45 = arith.constant 0 : i32
    %dma_wait3A_46 = tpu.memref_slice %arg18[%dma_wait3A_44, %dma_wait3A_45] : memref<20480x64xf32, #tpu.memory_space<vmem_shared>> -> memref<20480x64xf32, #tpu.memory_space<vmem_shared>>
    tpu.wait_indirect_dma semaphore(%arg20 : memref<!tpu.dma_semaphore, #tpu.memory_space<semaphore_mem>>) src(%arg13 : memref<128x64xf32, #tpu.memory_space<vmem>>) dst(%dma_wait3A_46 : memref<20480x64xf32, #tpu.memory_space<vmem_shared>>)
    %dma_wait3A_47 = arith.constant 0 : i32
    %dma_wait3A_48 = arith.constant 0 : i32
    %dma_wait3A_49 = tpu.memref_slice %arg12[%dma_wait3A_47, %dma_wait3A_48] : memref<16x128xi32, #tpu.memory_space<vmem>> -> memref<1x128xi32, #tpu.memory_space<vmem>>
    %dma_wait3A_50 = tpu.memref_squeeze %dma_wait3A_49 : memref<1x128xi32, #tpu.memory_space<vmem>> -> memref<128xi32, #tpu.memory_space<vmem>>
    %dma_wait3A_51 = arith.constant 0 : i32
    %dma_wait3A_52 = arith.constant 0 : i32
    %dma_wait3A_53 = tpu.memref_slice %arg18[%dma_wait3A_51, %dma_wait3A_52] : memref<20480x64xf32, #tpu.memory_space<vmem_shared>> -> memref<20480x64xf32, #tpu.memory_space<vmem_shared>>
    tpu.wait_indirect_dma semaphore(%arg21 : memref<!tpu.dma_semaphore, #tpu.memory_space<semaphore_mem>>) src(%arg14 : memref<128x64xf32, #tpu.memory_space<vmem>>) dst(%dma_wait3A_53 : memref<20480x64xf32, #tpu.memory_space<vmem_shared>>)
    %dma_wait3A_54 = arith.constant 0 : i32
    %dma_wait3A_55 = arith.constant 0 : i32
    %dma_wait3A_56 = tpu.memref_slice %arg12[%dma_wait3A_54, %dma_wait3A_55] : memref<16x128xi32, #tpu.memory_space<vmem>> -> memref<1x128xi32, #tpu.memory_space<vmem>>
    %dma_wait3A_57 = tpu.memref_squeeze %dma_wait3A_56 : memref<1x128xi32, #tpu.memory_space<vmem>> -> memref<128xi32, #tpu.memory_space<vmem>>
    %dma_wait3A_58 = arith.constant 0 : i32
    %dma_wait3A_59 = arith.constant 0 : i32
    %dma_wait3A_60 = tpu.memref_slice %arg18[%dma_wait3A_58, %dma_wait3A_59] : memref<20480x64xf32, #tpu.memory_space<vmem_shared>> -> memref<20480x64xf32, #tpu.memory_space<vmem_shared>>
    tpu.wait_indirect_dma semaphore(%arg22 : memref<!tpu.dma_semaphore, #tpu.memory_space<semaphore_mem>>) src(%arg15 : memref<128x64xf32, #tpu.memory_space<vmem>>) dst(%dma_wait3A_60 : memref<20480x64xf32, #tpu.memory_space<vmem_shared>>)
    "tpu.region"() ({
      %run_scoped3A_353 = tpu.sem_alloc : memref<!tpu.dma_semaphore, #tpu.memory_space<semaphore_mem>>
      %dma_start3A_354 = arith.constant 0 : i32
      %dma_start3A_355 = arith.constant 0 : i32
      %dma_start3A_356 = tpu.memref_slice %arg11[%dma_start3A_354, %dma_start3A_355] : memref<16x128xi32, #tpu.memory_space<vmem>> -> memref<10x128xi32, #tpu.memory_space<vmem>>
      %dma_start3A_357 = arith.constant 0 : i32
      %dma_start3A_358 = arith.constant 0 : i32
      %dma_start3A_359 = tpu.memref_slice %arg5[%arg1, %dma_start3A_357, %dma_start3A_358] : memref<16x10x128xi32, #tpu.memory_space<hbm>> -> memref<1x10x128xi32, #tpu.memory_space<hbm>>
      %dma_start3A_360 = tpu.memref_squeeze %dma_start3A_359 : memref<1x10x128xi32, #tpu.memory_space<hbm>> -> memref<10x128xi32, #tpu.memory_space<hbm>>
      %dma_start3A_361 = arith.constant 0 : i32
      %dma_start3A_362 = arith.constant 0 : i32
      %dma_start3A_363 = tpu.memref_slice %arg11[%dma_start3A_361, %dma_start3A_362] : memref<16x128xi32, #tpu.memory_space<vmem>> -> memref<10x128xi32, #tpu.memory_space<vmem>>
      %dma_start3A_364 = arith.constant 0 : i32
      %dma_start3A_365 = arith.constant 0 : i32
      %dma_start3A_366 = tpu.memref_slice %arg5[%arg1, %dma_start3A_364, %dma_start3A_365] : memref<16x10x128xi32, #tpu.memory_space<hbm>> -> memref<1x10x128xi32, #tpu.memory_space<hbm>>
      %dma_start3A_367 = tpu.memref_squeeze %dma_start3A_366 : memref<1x10x128xi32, #tpu.memory_space<hbm>> -> memref<10x128xi32, #tpu.memory_space<hbm>>
      tpu.enqueue_dma source(%dma_start3A_367 : memref<10x128xi32, #tpu.memory_space<hbm>>) target(%dma_start3A_363 : memref<10x128xi32, #tpu.memory_space<vmem>>) target_semaphore(%run_scoped3A_353 : memref<!tpu.dma_semaphore, #tpu.memory_space<semaphore_mem>>)
      %dma_wait3A_368 = arith.constant 0 : i32
      %dma_wait3A_369 = arith.constant 0 : i32
      %dma_wait3A_370 = tpu.memref_slice %arg11[%dma_wait3A_368, %dma_wait3A_369] : memref<16x128xi32, #tpu.memory_space<vmem>> -> memref<10x128xi32, #tpu.memory_space<vmem>>
      %dma_wait3A_371 = arith.constant 0 : i32
      %dma_wait3A_372 = arith.constant 0 : i32
      %dma_wait3A_373 = tpu.memref_slice %arg5[%arg1, %dma_wait3A_371, %dma_wait3A_372] : memref<16x10x128xi32, #tpu.memory_space<hbm>> -> memref<1x10x128xi32, #tpu.memory_space<hbm>>
      %dma_wait3A_374 = tpu.memref_squeeze %dma_wait3A_373 : memref<1x10x128xi32, #tpu.memory_space<hbm>> -> memref<10x128xi32, #tpu.memory_space<hbm>>
      %dma_wait3A_375 = arith.constant 0 : i32
      %dma_wait3A_376 = arith.constant 0 : i32
      %dma_wait3A_377 = tpu.memref_slice %arg11[%dma_wait3A_375, %dma_wait3A_376] : memref<16x128xi32, #tpu.memory_space<vmem>> -> memref<10x128xi32, #tpu.memory_space<vmem>>
      %dma_wait3A_378 = arith.constant 0 : i32
      %dma_wait3A_379 = arith.constant 0 : i32
      %dma_wait3A_380 = tpu.memref_slice %arg5[%arg1, %dma_wait3A_378, %dma_wait3A_379] : memref<16x10x128xi32, #tpu.memory_space<hbm>> -> memref<1x10x128xi32, #tpu.memory_space<hbm>>
      %dma_wait3A_381 = tpu.memref_squeeze %dma_wait3A_380 : memref<1x10x128xi32, #tpu.memory_space<hbm>> -> memref<10x128xi32, #tpu.memory_space<hbm>>
      tpu.wait_dma2 semaphore(%run_scoped3A_353 : memref<!tpu.dma_semaphore, #tpu.memory_space<semaphore_mem>>) src(%dma_wait3A_381 : memref<10x128xi32, #tpu.memory_space<hbm>>) dst(%dma_wait3A_377 : memref<10x128xi32, #tpu.memory_space<vmem>>)
      tpu.yield
    }) : () -> ()
    %scan3A_61 = arith.constant 0 : i32
    %scan3A_62 = arith.constant 0 : i32
    %scan3A_63 = arith.constant 10 : i32
    %scan3A_64 = arith.addi %scan3A_62, %scan3A_63 : i32
    %scan3A_65 = arith.constant 1 : i32
    %scan3A_66 = scf.for %scan3A_353 = %scan3A_62 to %scan3A_64 step %scan3A_65 iter_args(%scan3A_354 = %scan3A_61) -> (i32)  : i32 {
      %get3A = arith.index_cast %scan3A_353 : i32 to index
      %get3A_355 = arith.constant 0 : index
      %get3A_356 = tpu.vector_load %arg11[%get3A, %get3A_355] {strides = array<i32>} : memref<16x128xi32, #tpu.memory_space<vmem>>, vector<1x16xi32>,
      %get3A_357 = vector.shape_cast %get3A_356 : vector<1x16xi32> to vector<16xi32>
      %mul3A_358 = arith.constant 2 : i32
      %mul3A_359 = vector.broadcast %mul3A_358 : i32 to vector<16xi32>
      %mul3A_360 = arith.muli %get3A_357, %mul3A_359 : vector<16xi32>
      %add3A_361 = vector.broadcast %arg0 : i32 to vector<16xi32>
      %add3A_362 = arith.addi %mul3A_360, %add3A_361 : vector<16xi32>
      %swap3A = arith.index_cast %scan3A_353 : i32 to index
      %swap3A_363 = arith.constant 0 : index
      %swap3A_364 = tpu.vector_load %arg11[%swap3A, %swap3A_363] {strides = array<i32>} : memref<16x128xi32, #tpu.memory_space<vmem>>, vector<1x16xi32>,
      %swap3A_365 = vector.shape_cast %swap3A_364 : vector<1x16xi32> to vector<16xi32>
      %swap3A_366 = vector.shape_cast %add3A_362 : vector<16xi32> to vector<1x16xi32>
      tpu.vector_store %arg11[%swap3A, %swap3A_363], %swap3A_366 {strides = array<i32>} : memref<16x128xi32, #tpu.memory_space<vmem>>, vector<1x16xi32>,
      %get3A_367 = arith.index_cast %scan3A_353 : i32 to index
      %get3A_368 = arith.constant 16 : index
      %get3A_369 = tpu.vector_load %arg11[%get3A_367, %get3A_368] {strides = array<i32>} : memref<16x128xi32, #tpu.memory_space<vmem>>, vector<1x16xi32>,
      %get3A_370 = vector.shape_cast %get3A_369 : vector<1x16xi32> to vector<16xi32>
      %mul3A_371 = arith.constant 2 : i32
      %mul3A_372 = vector.broadcast %mul3A_371 : i32 to vector<16xi32>
      %mul3A_373 = arith.muli %get3A_370, %mul3A_372 : vector<16xi32>
      %add3A_374 = vector.broadcast %arg0 : i32 to vector<16xi32>
      %add3A_375 = arith.addi %mul3A_373, %add3A_374 : vector<16xi32>
      %swap3A_376 = arith.index_cast %scan3A_353 : i32 to index
      %swap3A_377 = arith.constant 16 : index
      %swap3A_378 = tpu.vector_load %arg11[%swap3A_376, %swap3A_377] {strides = array<i32>} : memref<16x128xi32, #tpu.memory_space<vmem>>, vector<1x16xi32>,
      %swap3A_379 = vector.shape_cast %swap3A_378 : vector<1x16xi32> to vector<16xi32>
      %swap3A_380 = vector.shape_cast %add3A_375 : vector<16xi32> to vector<1x16xi32>
      tpu.vector_store %arg11[%swap3A_376, %swap3A_377], %swap3A_380 {strides = array<i32>} : memref<16x128xi32, #tpu.memory_space<vmem>>, vector<1x16xi32>,
      %get3A_381 = arith.index_cast %scan3A_353 : i32 to index
      %get3A_382 = arith.constant 32 : index
      %get3A_383 = tpu.vector_load %arg11[%get3A_381, %get3A_382] {strides = array<i32>} : memref<16x128xi32, #tpu.memory_space<vmem>>, vector<1x16xi32>,
      %get3A_384 = vector.shape_cast %get3A_383 : vector<1x16xi32> to vector<16xi32>
      %mul3A_385 = arith.constant 2 : i32
      %mul3A_386 = vector.broadcast %mul3A_385 : i32 to vector<16xi32>
      %mul3A_387 = arith.muli %get3A_384, %mul3A_386 : vector<16xi32>
      %add3A_388 = vector.broadcast %arg0 : i32 to vector<16xi32>
      %add3A_389 = arith.addi %mul3A_387, %add3A_388 : vector<16xi32>
      %swap3A_390 = arith.index_cast %scan3A_353 : i32 to index
      %swap3A_391 = arith.constant 32 : index
      %swap3A_392 = tpu.vector_load %arg11[%swap3A_390, %swap3A_391] {strides = array<i32>} : memref<16x128xi32, #tpu.memory_space<vmem>>, vector<1x16xi32>,
      %swap3A_393 = vector.shape_cast %swap3A_392 : vector<1x16xi32> to vector<16xi32>
      %swap3A_394 = vector.shape_cast %add3A_389 : vector<16xi32> to vector<1x16xi32>
      tpu.vector_store %arg11[%swap3A_390, %swap3A_391], %swap3A_394 {strides = array<i32>} : memref<16x128xi32, #tpu.memory_space<vmem>>, vector<1x16xi32>,
      %get3A_395 = arith.index_cast %scan3A_353 : i32 to index
      %get3A_396 = arith.constant 48 : index
      %get3A_397 = tpu.vector_load %arg11[%get3A_395, %get3A_396] {strides = array<i32>} : memref<16x128xi32, #tpu.memory_space<vmem>>, vector<1x16xi32>,
      %get3A_398 = vector.shape_cast %get3A_397 : vector<1x16xi32> to vector<16xi32>
      %mul3A_399 = arith.constant 2 : i32
      %mul3A_400 = vector.broadcast %mul3A_399 : i32 to vector<16xi32>
      %mul3A_401 = arith.muli %get3A_398, %mul3A_400 : vector<16xi32>
      %add3A_402 = vector.broadcast %arg0 : i32 to vector<16xi32>
      %add3A_403 = arith.addi %mul3A_401, %add3A_402 : vector<16xi32>
      %swap3A_404 = arith.index_cast %scan3A_353 : i32 to index
      %swap3A_405 = arith.constant 48 : index
      %swap3A_406 = tpu.vector_load %arg11[%swap3A_404, %swap3A_405] {strides = array<i32>} : memref<16x128xi32, #tpu.memory_space<vmem>>, vector<1x16xi32>,
      %swap3A_407 = vector.shape_cast %swap3A_406 : vector<1x16xi32> to vector<16xi32>
      %swap3A_408 = vector.shape_cast %add3A_403 : vector<16xi32> to vector<1x16xi32>
      tpu.vector_store %arg11[%swap3A_404, %swap3A_405], %swap3A_408 {strides = array<i32>} : memref<16x128xi32, #tpu.memory_space<vmem>>, vector<1x16xi32>,
      %get3A_409 = arith.index_cast %scan3A_353 : i32 to index
      %get3A_410 = arith.constant 64 : index
      %get3A_411 = tpu.vector_load %arg11[%get3A_409, %get3A_410] {strides = array<i32>} : memref<16x128xi32, #tpu.memory_space<vmem>>, vector<1x16xi32>,
      %get3A_412 = vector.shape_cast %get3A_411 : vector<1x16xi32> to vector<16xi32>
      %mul3A_413 = arith.constant 2 : i32
      %mul3A_414 = vector.broadcast %mul3A_413 : i32 to vector<16xi32>
      %mul3A_415 = arith.muli %get3A_412, %mul3A_414 : vector<16xi32>
      %add3A_416 = vector.broadcast %arg0 : i32 to vector<16xi32>
      %add3A_417 = arith.addi %mul3A_415, %add3A_416 : vector<16xi32>
      %swap3A_418 = arith.index_cast %scan3A_353 : i32 to index
      %swap3A_419 = arith.constant 64 : index
      %swap3A_420 = tpu.vector_load %arg11[%swap3A_418, %swap3A_419] {strides = array<i32>} : memref<16x128xi32, #tpu.memory_space<vmem>>, vector<1x16xi32>,
      %swap3A_421 = vector.shape_cast %swap3A_420 : vector<1x16xi32> to vector<16xi32>
      %swap3A_422 = vector.shape_cast %add3A_417 : vector<16xi32> to vector<1x16xi32>
      tpu.vector_store %arg11[%swap3A_418, %swap3A_419], %swap3A_422 {strides = array<i32>} : memref<16x128xi32, #tpu.memory_space<vmem>>, vector<1x16xi32>,
      %get3A_423 = arith.index_cast %scan3A_353 : i32 to index
      %get3A_424 = arith.constant 80 : index
      %get3A_425 = tpu.vector_load %arg11[%get3A_423, %get3A_424] {strides = array<i32>} : memref<16x128xi32, #tpu.memory_space<vmem>>, vector<1x16xi32>,
      %get3A_426 = vector.shape_cast %get3A_425 : vector<1x16xi32> to vector<16xi32>
      %mul3A_427 = arith.constant 2 : i32
      %mul3A_428 = vector.broadcast %mul3A_427 : i32 to vector<16xi32>
      %mul3A_429 = arith.muli %get3A_426, %mul3A_428 : vector<16xi32>
      %add3A_430 = vector.broadcast %arg0 : i32 to vector<16xi32>
      %add3A_431 = arith.addi %mul3A_429, %add3A_430 : vector<16xi32>
      %swap3A_432 = arith.index_cast %scan3A_353 : i32 to index
      %swap3A_433 = arith.constant 80 : index
      %swap3A_434 = tpu.vector_load %arg11[%swap3A_432, %swap3A_433] {strides = array<i32>} : memref<16x128xi32, #tpu.memory_space<vmem>>, vector<1x16xi32>,
      %swap3A_435 = vector.shape_cast %swap3A_434 : vector<1x16xi32> to vector<16xi32>
      %swap3A_436 = vector.shape_cast %add3A_431 : vector<16xi32> to vector<1x16xi32>
      tpu.vector_store %arg11[%swap3A_432, %swap3A_433], %swap3A_436 {strides = array<i32>} : memref<16x128xi32, #tpu.memory_space<vmem>>, vector<1x16xi32>,
      %get3A_437 = arith.index_cast %scan3A_353 : i32 to index
      %get3A_438 = arith.constant 96 : index
      %get3A_439 = tpu.vector_load %arg11[%get3A_437, %get3A_438] {strides = array<i32>} : memref<16x128xi32, #tpu.memory_space<vmem>>, vector<1x16xi32>,
      %get3A_440 = vector.shape_cast %get3A_439 : vector<1x16xi32> to vector<16xi32>
      %mul3A_441 = arith.constant 2 : i32
      %mul3A_442 = vector.broadcast %mul3A_441 : i32 to vector<16xi32>
      %mul3A_443 = arith.muli %get3A_440, %mul3A_442 : vector<16xi32>
      %add3A_444 = vector.broadcast %arg0 : i32 to vector<16xi32>
      %add3A_445 = arith.addi %mul3A_443, %add3A_444 : vector<16xi32>
      %swap3A_446 = arith.index_cast %scan3A_353 : i32 to index
      %swap3A_447 = arith.constant 96 : index
      %swap3A_448 = tpu.vector_load %arg11[%swap3A_446, %swap3A_447] {strides = array<i32>} : memref<16x128xi32, #tpu.memory_space<vmem>>, vector<1x16xi32>,
      %swap3A_449 = vector.shape_cast %swap3A_448 : vector<1x16xi32> to vector<16xi32>
      %swap3A_450 = vector.shape_cast %add3A_445 : vector<16xi32> to vector<1x16xi32>
      tpu.vector_store %arg11[%swap3A_446, %swap3A_447], %swap3A_450 {strides = array<i32>} : memref<16x128xi32, #tpu.memory_space<vmem>>, vector<1x16xi32>,
      %get3A_451 = arith.index_cast %scan3A_353 : i32 to index
      %get3A_452 = arith.constant 112 : index
      %get3A_453 = tpu.vector_load %arg11[%get3A_451, %get3A_452] {strides = array<i32>} : memref<16x128xi32, #tpu.memory_space<vmem>>, vector<1x16xi32>,
      %get3A_454 = vector.shape_cast %get3A_453 : vector<1x16xi32> to vector<16xi32>
      %mul3A_455 = arith.constant 2 : i32
      %mul3A_456 = vector.broadcast %mul3A_455 : i32 to vector<16xi32>
      %mul3A_457 = arith.muli %get3A_454, %mul3A_456 : vector<16xi32>
      %add3A_458 = vector.broadcast %arg0 : i32 to vector<16xi32>
      %add3A_459 = arith.addi %mul3A_457, %add3A_458 : vector<16xi32>
      %swap3A_460 = arith.index_cast %scan3A_353 : i32 to index
      %swap3A_461 = arith.constant 112 : index
      %swap3A_462 = tpu.vector_load %arg11[%swap3A_460, %swap3A_461] {strides = array<i32>} : memref<16x128xi32, #tpu.memory_space<vmem>>, vector<1x16xi32>,
      %swap3A_463 = vector.shape_cast %swap3A_462 : vector<1x16xi32> to vector<16xi32>
      %swap3A_464 = vector.shape_cast %add3A_459 : vector<16xi32> to vector<1x16xi32>
      tpu.vector_store %arg11[%swap3A_460, %swap3A_461], %swap3A_464 {strides = array<i32>} : memref<16x128xi32, #tpu.memory_space<vmem>>, vector<1x16xi32>,
      %scan3A_465 = arith.constant 0 : i32
      scf.yield %scan3A_465 : i32
    }
    %scan3A_67 = arith.constant 10 : i32
    %dma_start3A = arith.constant 0 : i32
    %dma_start3A_68 = arith.constant 0 : i32
    %dma_start3A_69 = tpu.memref_slice %arg11[%dma_start3A, %dma_start3A_68] : memref<16x128xi32, #tpu.memory_space<vmem>> -> memref<1x128xi32, #tpu.memory_space<vmem>>
    %dma_start3A_70 = tpu.memref_squeeze %dma_start3A_69 : memref<1x128xi32, #tpu.memory_space<vmem>> -> memref<128xi32, #tpu.memory_space<vmem>>
    %dma_start3A_71 = arith.constant 0 : i32
    %dma_start3A_72 = arith.constant 0 : i32
    %dma_start3A_73 = tpu.memref_slice %arg2[%dma_start3A_71, %dma_start3A_72] : memref<106496x64xf32, #tpu.memory_space<hbm>> -> memref<106496x64xf32, #tpu.memory_space<hbm>>
    tpu.enqueue_indirect_dma source(%dma_start3A_73 : memref<106496x64xf32, #tpu.memory_space<hbm>>) target(%arg13 : memref<128x64xf32, #tpu.memory_space<vmem>>) offsets(%dma_start3A_70 : memref<128xi32, #tpu.memory_space<vmem>>) semaphore(%arg24 : memref<!tpu.dma_semaphore, #tpu.memory_space<semaphore_mem>>)
    %dma_start3A_74 = arith.constant 1 : i32
    %dma_start3A_75 = arith.constant 0 : i32
    %dma_start3A_76 = tpu.memref_slice %arg11[%dma_start3A_74, %dma_start3A_75] : memref<16x128xi32, #tpu.memory_space<vmem>> -> memref<1x128xi32, #tpu.memory_space<vmem>>
    %dma_start3A_77 = tpu.memref_squeeze %dma_start3A_76 : memref<1x128xi32, #tpu.memory_space<vmem>> -> memref<128xi32, #tpu.memory_space<vmem>>
    %dma_start3A_78 = arith.constant 0 : i32
    %dma_start3A_79 = arith.constant 0 : i32
    %dma_start3A_80 = tpu.memref_slice %arg2[%dma_start3A_78, %dma_start3A_79] : memref<106496x64xf32, #tpu.memory_space<hbm>> -> memref<106496x64xf32, #tpu.memory_space<hbm>>
    tpu.enqueue_indirect_dma source(%dma_start3A_80 : memref<106496x64xf32, #tpu.memory_space<hbm>>) target(%arg14 : memref<128x64xf32, #tpu.memory_space<vmem>>) offsets(%dma_start3A_77 : memref<128xi32, #tpu.memory_space<vmem>>) semaphore(%arg25 : memref<!tpu.dma_semaphore, #tpu.memory_space<semaphore_mem>>)
    %dma_wait3A_81 = arith.constant 0 : i32
    %dma_wait3A_82 = arith.constant 0 : i32
    %dma_wait3A_83 = tpu.memref_slice %arg11[%dma_wait3A_81, %dma_wait3A_82] : memref<16x128xi32, #tpu.memory_space<vmem>> -> memref<1x128xi32, #tpu.memory_space<vmem>>
    %dma_wait3A_84 = tpu.memref_squeeze %dma_wait3A_83 : memref<1x128xi32, #tpu.memory_space<vmem>> -> memref<128xi32, #tpu.memory_space<vmem>>
    %dma_wait3A_85 = arith.constant 0 : i32
    %dma_wait3A_86 = arith.constant 0 : i32
    %dma_wait3A_87 = tpu.memref_slice %arg2[%dma_wait3A_85, %dma_wait3A_86] : memref<106496x64xf32, #tpu.memory_space<hbm>> -> memref<106496x64xf32, #tpu.memory_space<hbm>>
    tpu.wait_indirect_dma semaphore(%arg24 : memref<!tpu.dma_semaphore, #tpu.memory_space<semaphore_mem>>) src(%dma_wait3A_87 : memref<106496x64xf32, #tpu.memory_space<hbm>>) dst(%arg13 : memref<128x64xf32, #tpu.memory_space<vmem>>)
    %add3A_88 = arith.constant 0 : i32
    %add3A_89 = arith.addi %mul3A_0, %add3A_88 : i32
    %dma_start3A_90 = arith.constant 0 : i32
    %dma_start3A_91 = tpu.memref_slice %arg10[%arg0, %add3A_89, %dma_start3A_90] : memref<2x20480x64xf32, #tpu.memory_space<hbm>> -> memref<1x128x64xf32, #tpu.memory_space<hbm>>
    %dma_start3A_92 = tpu.memref_squeeze %dma_start3A_91 : memref<1x128x64xf32, #tpu.memory_space<hbm>> -> memref<128x64xf32, #tpu.memory_space<hbm>>
    %dma_start3A_93 = arith.constant 0 : i32
    %dma_start3A_94 = tpu.memref_slice %arg10[%arg0, %add3A_89, %dma_start3A_93] : memref<2x20480x64xf32, #tpu.memory_space<hbm>> -> memref<1x128x64xf32, #tpu.memory_space<hbm>>
    %dma_start3A_95 = tpu.memref_squeeze %dma_start3A_94 : memref<1x128x64xf32, #tpu.memory_space<hbm>> -> memref<128x64xf32, #tpu.memory_space<hbm>>
    tpu.enqueue_dma source(%arg13 : memref<128x64xf32, #tpu.memory_space<vmem>>) target(%dma_start3A_95 : memref<128x64xf32, #tpu.memory_space<hbm>>) target_semaphore(%arg20 : memref<!tpu.dma_semaphore, #tpu.memory_space<semaphore_mem>>)
    %dma_start3A_96 = arith.constant 2 : i32
    %dma_start3A_97 = arith.constant 0 : i32
    %dma_start3A_98 = tpu.memref_slice %arg11[%dma_start3A_96, %dma_start3A_97] : memref<16x128xi32, #tpu.memory_space<vmem>> -> memref<1x128xi32, #tpu.memory_space<vmem>>
    %dma_start3A_99 = tpu.memref_squeeze %dma_start3A_98 : memref<1x128xi32, #tpu.memory_space<vmem>> -> memref<128xi32, #tpu.memory_space<vmem>>
    %dma_start3A_100 = arith.constant 0 : i32
    %dma_start3A_101 = arith.constant 0 : i32
    %dma_start3A_102 = tpu.memref_slice %arg2[%dma_start3A_100, %dma_start3A_101] : memref<106496x64xf32, #tpu.memory_space<hbm>> -> memref<106496x64xf32, #tpu.memory_space<hbm>>
    tpu.enqueue_indirect_dma source(%dma_start3A_102 : memref<106496x64xf32, #tpu.memory_space<hbm>>) target(%arg15 : memref<128x64xf32, #tpu.memory_space<vmem>>) offsets(%dma_start3A_99 : memref<128xi32, #tpu.memory_space<vmem>>) semaphore(%arg26 : memref<!tpu.dma_semaphore, #tpu.memory_space<semaphore_mem>>)
    %dma_wait3A_103 = arith.constant 0 : i32
    %dma_wait3A_104 = arith.constant 0 : i32
    %dma_wait3A_105 = tpu.memref_slice %arg11[%dma_wait3A_103, %dma_wait3A_104] : memref<16x128xi32, #tpu.memory_space<vmem>> -> memref<1x128xi32, #tpu.memory_space<vmem>>
    %dma_wait3A_106 = tpu.memref_squeeze %dma_wait3A_105 : memref<1x128xi32, #tpu.memory_space<vmem>> -> memref<128xi32, #tpu.memory_space<vmem>>
    %dma_wait3A_107 = arith.constant 0 : i32
    %dma_wait3A_108 = arith.constant 0 : i32
    %dma_wait3A_109 = tpu.memref_slice %arg2[%dma_wait3A_107, %dma_wait3A_108] : memref<106496x64xf32, #tpu.memory_space<hbm>> -> memref<106496x64xf32, #tpu.memory_space<hbm>>
    tpu.wait_indirect_dma semaphore(%arg25 : memref<!tpu.dma_semaphore, #tpu.memory_space<semaphore_mem>>) src(%dma_wait3A_109 : memref<106496x64xf32, #tpu.memory_space<hbm>>) dst(%arg14 : memref<128x64xf32, #tpu.memory_space<vmem>>)
    %add3A_110 = arith.constant 128 : i32
    %add3A_111 = arith.addi %mul3A_0, %add3A_110 : i32
    %dma_start3A_112 = arith.constant 0 : i32
    %dma_start3A_113 = tpu.memref_slice %arg10[%arg0, %add3A_111, %dma_start3A_112] : memref<2x20480x64xf32, #tpu.memory_space<hbm>> -> memref<1x128x64xf32, #tpu.memory_space<hbm>>
    %dma_start3A_114 = tpu.memref_squeeze %dma_start3A_113 : memref<1x128x64xf32, #tpu.memory_space<hbm>> -> memref<128x64xf32, #tpu.memory_space<hbm>>
    %dma_start3A_115 = arith.constant 0 : i32
    %dma_start3A_116 = tpu.memref_slice %arg10[%arg0, %add3A_111, %dma_start3A_115] : memref<2x20480x64xf32, #tpu.memory_space<hbm>> -> memref<1x128x64xf32, #tpu.memory_space<hbm>>
    %dma_start3A_117 = tpu.memref_squeeze %dma_start3A_116 : memref<1x128x64xf32, #tpu.memory_space<hbm>> -> memref<128x64xf32, #tpu.memory_space<hbm>>
    tpu.enqueue_dma source(%arg14 : memref<128x64xf32, #tpu.memory_space<vmem>>) target(%dma_start3A_117 : memref<128x64xf32, #tpu.memory_space<hbm>>) target_semaphore(%arg21 : memref<!tpu.dma_semaphore, #tpu.memory_space<semaphore_mem>>)
    %dma_start3A_118 = arith.constant 3 : i32
    %dma_start3A_119 = arith.constant 0 : i32
    %dma_start3A_120 = tpu.memref_slice %arg11[%dma_start3A_118, %dma_start3A_119] : memref<16x128xi32, #tpu.memory_space<vmem>> -> memref<1x128xi32, #tpu.memory_space<vmem>>
    %dma_start3A_121 = tpu.memref_squeeze %dma_start3A_120 : memref<1x128xi32, #tpu.memory_space<vmem>> -> memref<128xi32, #tpu.memory_space<vmem>>
    %dma_start3A_122 = arith.constant 0 : i32
    %dma_start3A_123 = arith.constant 0 : i32
    %dma_start3A_124 = tpu.memref_slice %arg2[%dma_start3A_122, %dma_start3A_123] : memref<106496x64xf32, #tpu.memory_space<hbm>> -> memref<106496x64xf32, #tpu.memory_space<hbm>>
    tpu.enqueue_indirect_dma source(%dma_start3A_124 : memref<106496x64xf32, #tpu.memory_space<hbm>>) target(%arg16 : memref<128x64xf32, #tpu.memory_space<vmem>>) offsets(%dma_start3A_121 : memref<128xi32, #tpu.memory_space<vmem>>) semaphore(%arg27 : memref<!tpu.dma_semaphore, #tpu.memory_space<semaphore_mem>>)
    %dma_wait3A_125 = arith.constant 0 : i32
    %dma_wait3A_126 = arith.constant 0 : i32
    %dma_wait3A_127 = tpu.memref_slice %arg11[%dma_wait3A_125, %dma_wait3A_126] : memref<16x128xi32, #tpu.memory_space<vmem>> -> memref<1x128xi32, #tpu.memory_space<vmem>>
    %dma_wait3A_128 = tpu.memref_squeeze %dma_wait3A_127 : memref<1x128xi32, #tpu.memory_space<vmem>> -> memref<128xi32, #tpu.memory_space<vmem>>
    %dma_wait3A_129 = arith.constant 0 : i32
    %dma_wait3A_130 = arith.constant 0 : i32
    %dma_wait3A_131 = tpu.memref_slice %arg2[%dma_wait3A_129, %dma_wait3A_130] : memref<106496x64xf32, #tpu.memory_space<hbm>> -> memref<106496x64xf32, #tpu.memory_space<hbm>>
    tpu.wait_indirect_dma semaphore(%arg26 : memref<!tpu.dma_semaphore, #tpu.memory_space<semaphore_mem>>) src(%dma_wait3A_131 : memref<106496x64xf32, #tpu.memory_space<hbm>>) dst(%arg15 : memref<128x64xf32, #tpu.memory_space<vmem>>)
    %add3A_132 = arith.constant 256 : i32
    %add3A_133 = arith.addi %mul3A_0, %add3A_132 : i32
    %dma_start3A_134 = arith.constant 0 : i32
    %dma_start3A_135 = tpu.memref_slice %arg10[%arg0, %add3A_133, %dma_start3A_134] : memref<2x20480x64xf32, #tpu.memory_space<hbm>> -> memref<1x128x64xf32, #tpu.memory_space<hbm>>
    %dma_start3A_136 = tpu.memref_squeeze %dma_start3A_135 : memref<1x128x64xf32, #tpu.memory_space<hbm>> -> memref<128x64xf32, #tpu.memory_space<hbm>>
    %dma_start3A_137 = arith.constant 0 : i32
    %dma_start3A_138 = tpu.memref_slice %arg10[%arg0, %add3A_133, %dma_start3A_137] : memref<2x20480x64xf32, #tpu.memory_space<hbm>> -> memref<1x128x64xf32, #tpu.memory_space<hbm>>
    %dma_start3A_139 = tpu.memref_squeeze %dma_start3A_138 : memref<1x128x64xf32, #tpu.memory_space<hbm>> -> memref<128x64xf32, #tpu.memory_space<hbm>>
    tpu.enqueue_dma source(%arg15 : memref<128x64xf32, #tpu.memory_space<vmem>>) target(%dma_start3A_139 : memref<128x64xf32, #tpu.memory_space<hbm>>) target_semaphore(%arg22 : memref<!tpu.dma_semaphore, #tpu.memory_space<semaphore_mem>>)
    %dma_wait3A_140 = arith.constant 0 : i32
    %dma_wait3A_141 = tpu.memref_slice %arg10[%arg0, %mul3A_0, %dma_wait3A_140] : memref<2x20480x64xf32, #tpu.memory_space<hbm>> -> memref<1x128x64xf32, #tpu.memory_space<hbm>>
    %dma_wait3A_142 = tpu.memref_squeeze %dma_wait3A_141 : memref<1x128x64xf32, #tpu.memory_space<hbm>> -> memref<128x64xf32, #tpu.memory_space<hbm>>
    %dma_wait3A_143 = arith.constant 0 : i32
    %dma_wait3A_144 = tpu.memref_slice %arg10[%arg0, %mul3A_0, %dma_wait3A_143] : memref<2x20480x64xf32, #tpu.memory_space<hbm>> -> memref<1x128x64xf32, #tpu.memory_space<hbm>>
    %dma_wait3A_145 = tpu.memref_squeeze %dma_wait3A_144 : memref<1x128x64xf32, #tpu.memory_space<hbm>> -> memref<128x64xf32, #tpu.memory_space<hbm>>
    tpu.wait_dma2 semaphore(%arg20 : memref<!tpu.dma_semaphore, #tpu.memory_space<semaphore_mem>>) src(%arg13 : memref<128x64xf32, #tpu.memory_space<vmem>>) dst(%dma_wait3A_145 : memref<128x64xf32, #tpu.memory_space<hbm>>)
    %dma_start3A_146 = arith.constant 4 : i32
    %dma_start3A_147 = arith.constant 0 : i32
    %dma_start3A_148 = tpu.memref_slice %arg11[%dma_start3A_146, %dma_start3A_147] : memref<16x128xi32, #tpu.memory_space<vmem>> -> memref<1x128xi32, #tpu.memory_space<vmem>>
    %dma_start3A_149 = tpu.memref_squeeze %dma_start3A_148 : memref<1x128xi32, #tpu.memory_space<vmem>> -> memref<128xi32, #tpu.memory_space<vmem>>
    %dma_start3A_150 = arith.constant 0 : i32
    %dma_start3A_151 = arith.constant 0 : i32
    %dma_start3A_152 = tpu.memref_slice %arg2[%dma_start3A_150, %dma_start3A_151] : memref<106496x64xf32, #tpu.memory_space<hbm>> -> memref<106496x64xf32, #tpu.memory_space<hbm>>
    tpu.enqueue_indirect_dma source(%dma_start3A_152 : memref<106496x64xf32, #tpu.memory_space<hbm>>) target(%arg13 : memref<128x64xf32, #tpu.memory_space<vmem>>) offsets(%dma_start3A_149 : memref<128xi32, #tpu.memory_space<vmem>>) semaphore(%arg24 : memref<!tpu.dma_semaphore, #tpu.memory_space<semaphore_mem>>)
    %dma_wait3A_153 = arith.constant 0 : i32
    %dma_wait3A_154 = arith.constant 0 : i32
    %dma_wait3A_155 = tpu.memref_slice %arg11[%dma_wait3A_153, %dma_wait3A_154] : memref<16x128xi32, #tpu.memory_space<vmem>> -> memref<1x128xi32, #tpu.memory_space<vmem>>
    %dma_wait3A_156 = tpu.memref_squeeze %dma_wait3A_155 : memref<1x128xi32, #tpu.memory_space<vmem>> -> memref<128xi32, #tpu.memory_space<vmem>>
    %dma_wait3A_157 = arith.constant 0 : i32
    %dma_wait3A_158 = arith.constant 0 : i32
    %dma_wait3A_159 = tpu.memref_slice %arg2[%dma_wait3A_157, %dma_wait3A_158] : memref<106496x64xf32, #tpu.memory_space<hbm>> -> memref<106496x64xf32, #tpu.memory_space<hbm>>
    tpu.wait_indirect_dma semaphore(%arg27 : memref<!tpu.dma_semaphore, #tpu.memory_space<semaphore_mem>>) src(%dma_wait3A_159 : memref<106496x64xf32, #tpu.memory_space<hbm>>) dst(%arg16 : memref<128x64xf32, #tpu.memory_space<vmem>>)
    %add3A_160 = arith.constant 384 : i32
    %add3A_161 = arith.addi %mul3A_0, %add3A_160 : i32
    %dma_start3A_162 = arith.constant 0 : i32
    %dma_start3A_163 = tpu.memref_slice %arg10[%arg0, %add3A_161, %dma_start3A_162] : memref<2x20480x64xf32, #tpu.memory_space<hbm>> -> memref<1x128x64xf32, #tpu.memory_space<hbm>>
    %dma_start3A_164 = tpu.memref_squeeze %dma_start3A_163 : memref<1x128x64xf32, #tpu.memory_space<hbm>> -> memref<128x64xf32, #tpu.memory_space<hbm>>
    %dma_start3A_165 = arith.constant 0 : i32
    %dma_start3A_166 = tpu.memref_slice %arg10[%arg0, %add3A_161, %dma_start3A_165] : memref<2x20480x64xf32, #tpu.memory_space<hbm>> -> memref<1x128x64xf32, #tpu.memory_space<hbm>>
    %dma_start3A_167 = tpu.memref_squeeze %dma_start3A_166 : memref<1x128x64xf32, #tpu.memory_space<hbm>> -> memref<128x64xf32, #tpu.memory_space<hbm>>
    tpu.enqueue_dma source(%arg16 : memref<128x64xf32, #tpu.memory_space<vmem>>) target(%dma_start3A_167 : memref<128x64xf32, #tpu.memory_space<hbm>>) target_semaphore(%arg23 : memref<!tpu.dma_semaphore, #tpu.memory_space<semaphore_mem>>)
    %dma_wait3A_168 = arith.constant 0 : i32
    %dma_wait3A_169 = tpu.memref_slice %arg10[%arg0, %mul3A_0, %dma_wait3A_168] : memref<2x20480x64xf32, #tpu.memory_space<hbm>> -> memref<1x128x64xf32, #tpu.memory_space<hbm>>
    %dma_wait3A_170 = tpu.memref_squeeze %dma_wait3A_169 : memref<1x128x64xf32, #tpu.memory_space<hbm>> -> memref<128x64xf32, #tpu.memory_space<hbm>>
    %dma_wait3A_171 = arith.constant 0 : i32
    %dma_wait3A_172 = tpu.memref_slice %arg10[%arg0, %mul3A_0, %dma_wait3A_171] : memref<2x20480x64xf32, #tpu.memory_space<hbm>> -> memref<1x128x64xf32, #tpu.memory_space<hbm>>
    %dma_wait3A_173 = tpu.memref_squeeze %dma_wait3A_172 : memref<1x128x64xf32, #tpu.memory_space<hbm>> -> memref<128x64xf32, #tpu.memory_space<hbm>>
    tpu.wait_dma2 semaphore(%arg21 : memref<!tpu.dma_semaphore, #tpu.memory_space<semaphore_mem>>) src(%arg14 : memref<128x64xf32, #tpu.memory_space<vmem>>) dst(%dma_wait3A_173 : memref<128x64xf32, #tpu.memory_space<hbm>>)
    %dma_start3A_174 = arith.constant 5 : i32
    %dma_start3A_175 = arith.constant 0 : i32
    %dma_start3A_176 = tpu.memref_slice %arg11[%dma_start3A_174, %dma_start3A_175] : memref<16x128xi32, #tpu.memory_space<vmem>> -> memref<1x128xi32, #tpu.memory_space<vmem>>
    %dma_start3A_177 = tpu.memref_squeeze %dma_start3A_176 : memref<1x128xi32, #tpu.memory_space<vmem>> -> memref<128xi32, #tpu.memory_space<vmem>>
    %dma_start3A_178 = arith.constant 0 : i32
    %dma_start3A_179 = arith.constant 0 : i32
    %dma_start3A_180 = tpu.memref_slice %arg2[%dma_start3A_178, %dma_start3A_179] : memref<106496x64xf32, #tpu.memory_space<hbm>> -> memref<106496x64xf32, #tpu.memory_space<hbm>>
    tpu.enqueue_indirect_dma source(%dma_start3A_180 : memref<106496x64xf32, #tpu.memory_space<hbm>>) target(%arg14 : memref<128x64xf32, #tpu.memory_space<vmem>>) offsets(%dma_start3A_177 : memref<128xi32, #tpu.memory_space<vmem>>) semaphore(%arg25 : memref<!tpu.dma_semaphore, #tpu.memory_space<semaphore_mem>>)
    %dma_wait3A_181 = arith.constant 0 : i32
    %dma_wait3A_182 = arith.constant 0 : i32
    %dma_wait3A_183 = tpu.memref_slice %arg11[%dma_wait3A_181, %dma_wait3A_182] : memref<16x128xi32, #tpu.memory_space<vmem>> -> memref<1x128xi32, #tpu.memory_space<vmem>>
    %dma_wait3A_184 = tpu.memref_squeeze %dma_wait3A_183 : memref<1x128xi32, #tpu.memory_space<vmem>> -> memref<128xi32, #tpu.memory_space<vmem>>
    %dma_wait3A_185 = arith.constant 0 : i32
    %dma_wait3A_186 = arith.constant 0 : i32
    %dma_wait3A_187 = tpu.memref_slice %arg2[%dma_wait3A_185, %dma_wait3A_186] : memref<106496x64xf32, #tpu.memory_space<hbm>> -> memref<106496x64xf32, #tpu.memory_space<hbm>>
    tpu.wait_indirect_dma semaphore(%arg24 : memref<!tpu.dma_semaphore, #tpu.memory_space<semaphore_mem>>) src(%dma_wait3A_187 : memref<106496x64xf32, #tpu.memory_space<hbm>>) dst(%arg13 : memref<128x64xf32, #tpu.memory_space<vmem>>)
    %add3A_188 = arith.constant 512 : i32
    %add3A_189 = arith.addi %mul3A_0, %add3A_188 : i32
    %dma_start3A_190 = arith.constant 0 : i32
    %dma_start3A_191 = tpu.memref_slice %arg10[%arg0, %add3A_189, %dma_start3A_190] : memref<2x20480x64xf32, #tpu.memory_space<hbm>> -> memref<1x128x64xf32, #tpu.memory_space<hbm>>
    %dma_start3A_192 = tpu.memref_squeeze %dma_start3A_191 : memref<1x128x64xf32, #tpu.memory_space<hbm>> -> memref<128x64xf32, #tpu.memory_space<hbm>>
    %dma_start3A_193 = arith.constant 0 : i32
    %dma_start3A_194 = tpu.memref_slice %arg10[%arg0, %add3A_189, %dma_start3A_193] : memref<2x20480x64xf32, #tpu.memory_space<hbm>> -> memref<1x128x64xf32, #tpu.memory_space<hbm>>
    %dma_start3A_195 = tpu.memref_squeeze %dma_start3A_194 : memref<1x128x64xf32, #tpu.memory_space<hbm>> -> memref<128x64xf32, #tpu.memory_space<hbm>>
    tpu.enqueue_dma source(%arg13 : memref<128x64xf32, #tpu.memory_space<vmem>>) target(%dma_start3A_195 : memref<128x64xf32, #tpu.memory_space<hbm>>) target_semaphore(%arg20 : memref<!tpu.dma_semaphore, #tpu.memory_space<semaphore_mem>>)
    %dma_wait3A_196 = arith.constant 0 : i32
    %dma_wait3A_197 = tpu.memref_slice %arg10[%arg0, %mul3A_0, %dma_wait3A_196] : memref<2x20480x64xf32, #tpu.memory_space<hbm>> -> memref<1x128x64xf32, #tpu.memory_space<hbm>>
    %dma_wait3A_198 = tpu.memref_squeeze %dma_wait3A_197 : memref<1x128x64xf32, #tpu.memory_space<hbm>> -> memref<128x64xf32, #tpu.memory_space<hbm>>
    %dma_wait3A_199 = arith.constant 0 : i32
    %dma_wait3A_200 = tpu.memref_slice %arg10[%arg0, %mul3A_0, %dma_wait3A_199] : memref<2x20480x64xf32, #tpu.memory_space<hbm>> -> memref<1x128x64xf32, #tpu.memory_space<hbm>>
    %dma_wait3A_201 = tpu.memref_squeeze %dma_wait3A_200 : memref<1x128x64xf32, #tpu.memory_space<hbm>> -> memref<128x64xf32, #tpu.memory_space<hbm>>
    tpu.wait_dma2 semaphore(%arg22 : memref<!tpu.dma_semaphore, #tpu.memory_space<semaphore_mem>>) src(%arg15 : memref<128x64xf32, #tpu.memory_space<vmem>>) dst(%dma_wait3A_201 : memref<128x64xf32, #tpu.memory_space<hbm>>)
    %dma_start3A_202 = arith.constant 6 : i32
    %dma_start3A_203 = arith.constant 0 : i32
    %dma_start3A_204 = tpu.memref_slice %arg11[%dma_start3A_202, %dma_start3A_203] : memref<16x128xi32, #tpu.memory_space<vmem>> -> memref<1x128xi32, #tpu.memory_space<vmem>>
    %dma_start3A_205 = tpu.memref_squeeze %dma_start3A_204 : memref<1x128xi32, #tpu.memory_space<vmem>> -> memref<128xi32, #tpu.memory_space<vmem>>
    %dma_start3A_206 = arith.constant 0 : i32
    %dma_start3A_207 = arith.constant 0 : i32
    %dma_start3A_208 = tpu.memref_slice %arg2[%dma_start3A_206, %dma_start3A_207] : memref<106496x64xf32, #tpu.memory_space<hbm>> -> memref<106496x64xf32, #tpu.memory_space<hbm>>
    tpu.enqueue_indirect_dma source(%dma_start3A_208 : memref<106496x64xf32, #tpu.memory_space<hbm>>) target(%arg15 : memref<128x64xf32, #tpu.memory_space<vmem>>) offsets(%dma_start3A_205 : memref<128xi32, #tpu.memory_space<vmem>>) semaphore(%arg26 : memref<!tpu.dma_semaphore, #tpu.memory_space<semaphore_mem>>)
    %dma_wait3A_209 = arith.constant 0 : i32
    %dma_wait3A_210 = arith.constant 0 : i32
    %dma_wait3A_211 = tpu.memref_slice %arg11[%dma_wait3A_209, %dma_wait3A_210] : memref<16x128xi32, #tpu.memory_space<vmem>> -> memref<1x128xi32, #tpu.memory_space<vmem>>
    %dma_wait3A_212 = tpu.memref_squeeze %dma_wait3A_211 : memref<1x128xi32, #tpu.memory_space<vmem>> -> memref<128xi32, #tpu.memory_space<vmem>>
    %dma_wait3A_213 = arith.constant 0 : i32
    %dma_wait3A_214 = arith.constant 0 : i32
    %dma_wait3A_215 = tpu.memref_slice %arg2[%dma_wait3A_213, %dma_wait3A_214] : memref<106496x64xf32, #tpu.memory_space<hbm>> -> memref<106496x64xf32, #tpu.memory_space<hbm>>
    tpu.wait_indirect_dma semaphore(%arg25 : memref<!tpu.dma_semaphore, #tpu.memory_space<semaphore_mem>>) src(%dma_wait3A_215 : memref<106496x64xf32, #tpu.memory_space<hbm>>) dst(%arg14 : memref<128x64xf32, #tpu.memory_space<vmem>>)
    %add3A_216 = arith.constant 640 : i32
    %add3A_217 = arith.addi %mul3A_0, %add3A_216 : i32
    %dma_start3A_218 = arith.constant 0 : i32
    %dma_start3A_219 = tpu.memref_slice %arg10[%arg0, %add3A_217, %dma_start3A_218] : memref<2x20480x64xf32, #tpu.memory_space<hbm>> -> memref<1x128x64xf32, #tpu.memory_space<hbm>>
    %dma_start3A_220 = tpu.memref_squeeze %dma_start3A_219 : memref<1x128x64xf32, #tpu.memory_space<hbm>> -> memref<128x64xf32, #tpu.memory_space<hbm>>
    %dma_start3A_221 = arith.constant 0 : i32
    %dma_start3A_222 = tpu.memref_slice %arg10[%arg0, %add3A_217, %dma_start3A_221] : memref<2x20480x64xf32, #tpu.memory_space<hbm>> -> memref<1x128x64xf32, #tpu.memory_space<hbm>>
    %dma_start3A_223 = tpu.memref_squeeze %dma_start3A_222 : memref<1x128x64xf32, #tpu.memory_space<hbm>> -> memref<128x64xf32, #tpu.memory_space<hbm>>
    tpu.enqueue_dma source(%arg14 : memref<128x64xf32, #tpu.memory_space<vmem>>) target(%dma_start3A_223 : memref<128x64xf32, #tpu.memory_space<hbm>>) target_semaphore(%arg21 : memref<!tpu.dma_semaphore, #tpu.memory_space<semaphore_mem>>)
    %dma_wait3A_224 = arith.constant 0 : i32
    %dma_wait3A_225 = tpu.memref_slice %arg10[%arg0, %mul3A_0, %dma_wait3A_224] : memref<2x20480x64xf32, #tpu.memory_space<hbm>> -> memref<1x128x64xf32, #tpu.memory_space<hbm>>
    %dma_wait3A_226 = tpu.memref_squeeze %dma_wait3A_225 : memref<1x128x64xf32, #tpu.memory_space<hbm>> -> memref<128x64xf32, #tpu.memory_space<hbm>>
    %dma_wait3A_227 = arith.constant 0 : i32
    %dma_wait3A_228 = tpu.memref_slice %arg10[%arg0, %mul3A_0, %dma_wait3A_227] : memref<2x20480x64xf32, #tpu.memory_space<hbm>> -> memref<1x128x64xf32, #tpu.memory_space<hbm>>
    %dma_wait3A_229 = tpu.memref_squeeze %dma_wait3A_228 : memref<1x128x64xf32, #tpu.memory_space<hbm>> -> memref<128x64xf32, #tpu.memory_space<hbm>>
    tpu.wait_dma2 semaphore(%arg23 : memref<!tpu.dma_semaphore, #tpu.memory_space<semaphore_mem>>) src(%arg16 : memref<128x64xf32, #tpu.memory_space<vmem>>) dst(%dma_wait3A_229 : memref<128x64xf32, #tpu.memory_space<hbm>>)
    %dma_start3A_230 = arith.constant 7 : i32
    %dma_start3A_231 = arith.constant 0 : i32
    %dma_start3A_232 = tpu.memref_slice %arg11[%dma_start3A_230, %dma_start3A_231] : memref<16x128xi32, #tpu.memory_space<vmem>> -> memref<1x128xi32, #tpu.memory_space<vmem>>
    %dma_start3A_233 = tpu.memref_squeeze %dma_start3A_232 : memref<1x128xi32, #tpu.memory_space<vmem>> -> memref<128xi32, #tpu.memory_space<vmem>>
    %dma_start3A_234 = arith.constant 0 : i32
    %dma_start3A_235 = arith.constant 0 : i32
    %dma_start3A_236 = tpu.memref_slice %arg2[%dma_start3A_234, %dma_start3A_235] : memref<106496x64xf32, #tpu.memory_space<hbm>> -> memref<106496x64xf32, #tpu.memory_space<hbm>>
    tpu.enqueue_indirect_dma source(%dma_start3A_236 : memref<106496x64xf32, #tpu.memory_space<hbm>>) target(%arg16 : memref<128x64xf32, #tpu.memory_space<vmem>>) offsets(%dma_start3A_233 : memref<128xi32, #tpu.memory_space<vmem>>) semaphore(%arg27 : memref<!tpu.dma_semaphore, #tpu.memory_space<semaphore_mem>>)
    %dma_wait3A_237 = arith.constant 0 : i32
    %dma_wait3A_238 = arith.constant 0 : i32
    %dma_wait3A_239 = tpu.memref_slice %arg11[%dma_wait3A_237, %dma_wait3A_238] : memref<16x128xi32, #tpu.memory_space<vmem>> -> memref<1x128xi32, #tpu.memory_space<vmem>>
    %dma_wait3A_240 = tpu.memref_squeeze %dma_wait3A_239 : memref<1x128xi32, #tpu.memory_space<vmem>> -> memref<128xi32, #tpu.memory_space<vmem>>
    %dma_wait3A_241 = arith.constant 0 : i32
    %dma_wait3A_242 = arith.constant 0 : i32
    %dma_wait3A_243 = tpu.memref_slice %arg2[%dma_wait3A_241, %dma_wait3A_242] : memref<106496x64xf32, #tpu.memory_space<hbm>> -> memref<106496x64xf32, #tpu.memory_space<hbm>>
    tpu.wait_indirect_dma semaphore(%arg26 : memref<!tpu.dma_semaphore, #tpu.memory_space<semaphore_mem>>) src(%dma_wait3A_243 : memref<106496x64xf32, #tpu.memory_space<hbm>>) dst(%arg15 : memref<128x64xf32, #tpu.memory_space<vmem>>)
    %add3A_244 = arith.constant 768 : i32
    %add3A_245 = arith.addi %mul3A_0, %add3A_244 : i32
    %dma_start3A_246 = arith.constant 0 : i32
    %dma_start3A_247 = tpu.memref_slice %arg10[%arg0, %add3A_245, %dma_start3A_246] : memref<2x20480x64xf32, #tpu.memory_space<hbm>> -> memref<1x128x64xf32, #tpu.memory_space<hbm>>
    %dma_start3A_248 = tpu.memref_squeeze %dma_start3A_247 : memref<1x128x64xf32, #tpu.memory_space<hbm>> -> memref<128x64xf32, #tpu.memory_space<hbm>>
    %dma_start3A_249 = arith.constant 0 : i32
    %dma_start3A_250 = tpu.memref_slice %arg10[%arg0, %add3A_245, %dma_start3A_249] : memref<2x20480x64xf32, #tpu.memory_space<hbm>> -> memref<1x128x64xf32, #tpu.memory_space<hbm>>
    %dma_start3A_251 = tpu.memref_squeeze %dma_start3A_250 : memref<1x128x64xf32, #tpu.memory_space<hbm>> -> memref<128x64xf32, #tpu.memory_space<hbm>>
    tpu.enqueue_dma source(%arg15 : memref<128x64xf32, #tpu.memory_space<vmem>>) target(%dma_start3A_251 : memref<128x64xf32, #tpu.memory_space<hbm>>) target_semaphore(%arg22 : memref<!tpu.dma_semaphore, #tpu.memory_space<semaphore_mem>>)
    %dma_wait3A_252 = arith.constant 0 : i32
    %dma_wait3A_253 = tpu.memref_slice %arg10[%arg0, %mul3A_0, %dma_wait3A_252] : memref<2x20480x64xf32, #tpu.memory_space<hbm>> -> memref<1x128x64xf32, #tpu.memory_space<hbm>>
    %dma_wait3A_254 = tpu.memref_squeeze %dma_wait3A_253 : memref<1x128x64xf32, #tpu.memory_space<hbm>> -> memref<128x64xf32, #tpu.memory_space<hbm>>
    %dma_wait3A_255 = arith.constant 0 : i32
    %dma_wait3A_256 = tpu.memref_slice %arg10[%arg0, %mul3A_0, %dma_wait3A_255] : memref<2x20480x64xf32, #tpu.memory_space<hbm>> -> memref<1x128x64xf32, #tpu.memory_space<hbm>>
    %dma_wait3A_257 = tpu.memref_squeeze %dma_wait3A_256 : memref<1x128x64xf32, #tpu.memory_space<hbm>> -> memref<128x64xf32, #tpu.memory_space<hbm>>
    tpu.wait_dma2 semaphore(%arg20 : memref<!tpu.dma_semaphore, #tpu.memory_space<semaphore_mem>>) src(%arg13 : memref<128x64xf32, #tpu.memory_space<vmem>>) dst(%dma_wait3A_257 : memref<128x64xf32, #tpu.memory_space<hbm>>)
    %dma_start3A_258 = arith.constant 8 : i32
    %dma_start3A_259 = arith.constant 0 : i32
    %dma_start3A_260 = tpu.memref_slice %arg11[%dma_start3A_258, %dma_start3A_259] : memref<16x128xi32, #tpu.memory_space<vmem>> -> memref<1x128xi32, #tpu.memory_space<vmem>>
    %dma_start3A_261 = tpu.memref_squeeze %dma_start3A_260 : memref<1x128xi32, #tpu.memory_space<vmem>> -> memref<128xi32, #tpu.memory_space<vmem>>
    %dma_start3A_262 = arith.constant 0 : i32
    %dma_start3A_263 = arith.constant 0 : i32
    %dma_start3A_264 = tpu.memref_slice %arg2[%dma_start3A_262, %dma_start3A_263] : memref<106496x64xf32, #tpu.memory_space<hbm>> -> memref<106496x64xf32, #tpu.memory_space<hbm>>
    tpu.enqueue_indirect_dma source(%dma_start3A_264 : memref<106496x64xf32, #tpu.memory_space<hbm>>) target(%arg13 : memref<128x64xf32, #tpu.memory_space<vmem>>) offsets(%dma_start3A_261 : memref<128xi32, #tpu.memory_space<vmem>>) semaphore(%arg24 : memref<!tpu.dma_semaphore, #tpu.memory_space<semaphore_mem>>)
    %dma_wait3A_265 = arith.constant 0 : i32
    %dma_wait3A_266 = arith.constant 0 : i32
    %dma_wait3A_267 = tpu.memref_slice %arg11[%dma_wait3A_265, %dma_wait3A_266] : memref<16x128xi32, #tpu.memory_space<vmem>> -> memref<1x128xi32, #tpu.memory_space<vmem>>
    %dma_wait3A_268 = tpu.memref_squeeze %dma_wait3A_267 : memref<1x128xi32, #tpu.memory_space<vmem>> -> memref<128xi32, #tpu.memory_space<vmem>>
    %dma_wait3A_269 = arith.constant 0 : i32
    %dma_wait3A_270 = arith.constant 0 : i32
    %dma_wait3A_271 = tpu.memref_slice %arg2[%dma_wait3A_269, %dma_wait3A_270] : memref<106496x64xf32, #tpu.memory_space<hbm>> -> memref<106496x64xf32, #tpu.memory_space<hbm>>
    tpu.wait_indirect_dma semaphore(%arg27 : memref<!tpu.dma_semaphore, #tpu.memory_space<semaphore_mem>>) src(%dma_wait3A_271 : memref<106496x64xf32, #tpu.memory_space<hbm>>) dst(%arg16 : memref<128x64xf32, #tpu.memory_space<vmem>>)
    %add3A_272 = arith.constant 896 : i32
    %add3A_273 = arith.addi %mul3A_0, %add3A_272 : i32
    %dma_start3A_274 = arith.constant 0 : i32
    %dma_start3A_275 = tpu.memref_slice %arg10[%arg0, %add3A_273, %dma_start3A_274] : memref<2x20480x64xf32, #tpu.memory_space<hbm>> -> memref<1x128x64xf32, #tpu.memory_space<hbm>>
    %dma_start3A_276 = tpu.memref_squeeze %dma_start3A_275 : memref<1x128x64xf32, #tpu.memory_space<hbm>> -> memref<128x64xf32, #tpu.memory_space<hbm>>
    %dma_start3A_277 = arith.constant 0 : i32
    %dma_start3A_278 = tpu.memref_slice %arg10[%arg0, %add3A_273, %dma_start3A_277] : memref<2x20480x64xf32, #tpu.memory_space<hbm>> -> memref<1x128x64xf32, #tpu.memory_space<hbm>>
    %dma_start3A_279 = tpu.memref_squeeze %dma_start3A_278 : memref<1x128x64xf32, #tpu.memory_space<hbm>> -> memref<128x64xf32, #tpu.memory_space<hbm>>
    tpu.enqueue_dma source(%arg16 : memref<128x64xf32, #tpu.memory_space<vmem>>) target(%dma_start3A_279 : memref<128x64xf32, #tpu.memory_space<hbm>>) target_semaphore(%arg23 : memref<!tpu.dma_semaphore, #tpu.memory_space<semaphore_mem>>)
    %dma_wait3A_280 = arith.constant 0 : i32
    %dma_wait3A_281 = tpu.memref_slice %arg10[%arg0, %mul3A_0, %dma_wait3A_280] : memref<2x20480x64xf32, #tpu.memory_space<hbm>> -> memref<1x128x64xf32, #tpu.memory_space<hbm>>
    %dma_wait3A_282 = tpu.memref_squeeze %dma_wait3A_281 : memref<1x128x64xf32, #tpu.memory_space<hbm>> -> memref<128x64xf32, #tpu.memory_space<hbm>>
    %dma_wait3A_283 = arith.constant 0 : i32
    %dma_wait3A_284 = tpu.memref_slice %arg10[%arg0, %mul3A_0, %dma_wait3A_283] : memref<2x20480x64xf32, #tpu.memory_space<hbm>> -> memref<1x128x64xf32, #tpu.memory_space<hbm>>
    %dma_wait3A_285 = tpu.memref_squeeze %dma_wait3A_284 : memref<1x128x64xf32, #tpu.memory_space<hbm>> -> memref<128x64xf32, #tpu.memory_space<hbm>>
    tpu.wait_dma2 semaphore(%arg21 : memref<!tpu.dma_semaphore, #tpu.memory_space<semaphore_mem>>) src(%arg14 : memref<128x64xf32, #tpu.memory_space<vmem>>) dst(%dma_wait3A_285 : memref<128x64xf32, #tpu.memory_space<hbm>>)
    %dma_start3A_286 = arith.constant 9 : i32
    %dma_start3A_287 = arith.constant 0 : i32
    %dma_start3A_288 = tpu.memref_slice %arg11[%dma_start3A_286, %dma_start3A_287] : memref<16x128xi32, #tpu.memory_space<vmem>> -> memref<1x128xi32, #tpu.memory_space<vmem>>
    %dma_start3A_289 = tpu.memref_squeeze %dma_start3A_288 : memref<1x128xi32, #tpu.memory_space<vmem>> -> memref<128xi32, #tpu.memory_space<vmem>>
    %dma_start3A_290 = arith.constant 0 : i32
    %dma_start3A_291 = arith.constant 0 : i32
    %dma_start3A_292 = tpu.memref_slice %arg2[%dma_start3A_290, %dma_start3A_291] : memref<106496x64xf32, #tpu.memory_space<hbm>> -> memref<106496x64xf32, #tpu.memory_space<hbm>>
    tpu.enqueue_indirect_dma source(%dma_start3A_292 : memref<106496x64xf32, #tpu.memory_space<hbm>>) target(%arg14 : memref<128x64xf32, #tpu.memory_space<vmem>>) offsets(%dma_start3A_289 : memref<128xi32, #tpu.memory_space<vmem>>) semaphore(%arg25 : memref<!tpu.dma_semaphore, #tpu.memory_space<semaphore_mem>>)
    %dma_wait3A_293 = arith.constant 0 : i32
    %dma_wait3A_294 = arith.constant 0 : i32
    %dma_wait3A_295 = tpu.memref_slice %arg11[%dma_wait3A_293, %dma_wait3A_294] : memref<16x128xi32, #tpu.memory_space<vmem>> -> memref<1x128xi32, #tpu.memory_space<vmem>>
    %dma_wait3A_296 = tpu.memref_squeeze %dma_wait3A_295 : memref<1x128xi32, #tpu.memory_space<vmem>> -> memref<128xi32, #tpu.memory_space<vmem>>
    %dma_wait3A_297 = arith.constant 0 : i32
    %dma_wait3A_298 = arith.constant 0 : i32
    %dma_wait3A_299 = tpu.memref_slice %arg2[%dma_wait3A_297, %dma_wait3A_298] : memref<106496x64xf32, #tpu.memory_space<hbm>> -> memref<106496x64xf32, #tpu.memory_space<hbm>>
    tpu.wait_indirect_dma semaphore(%arg24 : memref<!tpu.dma_semaphore, #tpu.memory_space<semaphore_mem>>) src(%dma_wait3A_299 : memref<106496x64xf32, #tpu.memory_space<hbm>>) dst(%arg13 : memref<128x64xf32, #tpu.memory_space<vmem>>)
    %add3A_300 = arith.constant 1024 : i32
    %add3A_301 = arith.addi %mul3A_0, %add3A_300 : i32
    %dma_start3A_302 = arith.constant 0 : i32
    %dma_start3A_303 = tpu.memref_slice %arg10[%arg0, %add3A_301, %dma_start3A_302] : memref<2x20480x64xf32, #tpu.memory_space<hbm>> -> memref<1x128x64xf32, #tpu.memory_space<hbm>>
    %dma_start3A_304 = tpu.memref_squeeze %dma_start3A_303 : memref<1x128x64xf32, #tpu.memory_space<hbm>> -> memref<128x64xf32, #tpu.memory_space<hbm>>
    %dma_start3A_305 = arith.constant 0 : i32
    %dma_start3A_306 = tpu.memref_slice %arg10[%arg0, %add3A_301, %dma_start3A_305] : memref<2x20480x64xf32, #tpu.memory_space<hbm>> -> memref<1x128x64xf32, #tpu.memory_space<hbm>>
    %dma_start3A_307 = tpu.memref_squeeze %dma_start3A_306 : memref<1x128x64xf32, #tpu.memory_space<hbm>> -> memref<128x64xf32, #tpu.memory_space<hbm>>
    tpu.enqueue_dma source(%arg13 : memref<128x64xf32, #tpu.memory_space<vmem>>) target(%dma_start3A_307 : memref<128x64xf32, #tpu.memory_space<hbm>>) target_semaphore(%arg20 : memref<!tpu.dma_semaphore, #tpu.memory_space<semaphore_mem>>)
    %dma_wait3A_308 = arith.constant 0 : i32
    %dma_wait3A_309 = arith.constant 0 : i32
    %dma_wait3A_310 = tpu.memref_slice %arg11[%dma_wait3A_308, %dma_wait3A_309] : memref<16x128xi32, #tpu.memory_space<vmem>> -> memref<1x128xi32, #tpu.memory_space<vmem>>
    %dma_wait3A_311 = tpu.memref_squeeze %dma_wait3A_310 : memref<1x128xi32, #tpu.memory_space<vmem>> -> memref<128xi32, #tpu.memory_space<vmem>>
    %dma_wait3A_312 = arith.constant 0 : i32
    %dma_wait3A_313 = arith.constant 0 : i32
    %dma_wait3A_314 = tpu.memref_slice %arg2[%dma_wait3A_312, %dma_wait3A_313] : memref<106496x64xf32, #tpu.memory_space<hbm>> -> memref<106496x64xf32, #tpu.memory_space<hbm>>
    tpu.wait_indirect_dma semaphore(%arg25 : memref<!tpu.dma_semaphore, #tpu.memory_space<semaphore_mem>>) src(%dma_wait3A_314 : memref<106496x64xf32, #tpu.memory_space<hbm>>) dst(%arg14 : memref<128x64xf32, #tpu.memory_space<vmem>>)
    %add3A_315 = arith.constant 1152 : i32
    %add3A_316 = arith.addi %mul3A_0, %add3A_315 : i32
    %dma_start3A_317 = arith.constant 0 : i32
    %dma_start3A_318 = tpu.memref_slice %arg10[%arg0, %add3A_316, %dma_start3A_317] : memref<2x20480x64xf32, #tpu.memory_space<hbm>> -> memref<1x128x64xf32, #tpu.memory_space<hbm>>
    %dma_start3A_319 = tpu.memref_squeeze %dma_start3A_318 : memref<1x128x64xf32, #tpu.memory_space<hbm>> -> memref<128x64xf32, #tpu.memory_space<hbm>>
    %dma_start3A_320 = arith.constant 0 : i32
    %dma_start3A_321 = tpu.memref_slice %arg10[%arg0, %add3A_316, %dma_start3A_320] : memref<2x20480x64xf32, #tpu.memory_space<hbm>> -> memref<1x128x64xf32, #tpu.memory_space<hbm>>
    %dma_start3A_322 = tpu.memref_squeeze %dma_start3A_321 : memref<1x128x64xf32, #tpu.memory_space<hbm>> -> memref<128x64xf32, #tpu.memory_space<hbm>>
    tpu.enqueue_dma source(%arg14 : memref<128x64xf32, #tpu.memory_space<vmem>>) target(%dma_start3A_322 : memref<128x64xf32, #tpu.memory_space<hbm>>) target_semaphore(%arg21 : memref<!tpu.dma_semaphore, #tpu.memory_space<semaphore_mem>>)
    %dma_wait3A_323 = arith.constant 0 : i32
    %dma_wait3A_324 = tpu.memref_slice %arg10[%arg0, %mul3A_0, %dma_wait3A_323] : memref<2x20480x64xf32, #tpu.memory_space<hbm>> -> memref<1x128x64xf32, #tpu.memory_space<hbm>>
    %dma_wait3A_325 = tpu.memref_squeeze %dma_wait3A_324 : memref<1x128x64xf32, #tpu.memory_space<hbm>> -> memref<128x64xf32, #tpu.memory_space<hbm>>
    %dma_wait3A_326 = arith.constant 0 : i32
    %dma_wait3A_327 = tpu.memref_slice %arg10[%arg0, %mul3A_0, %dma_wait3A_326] : memref<2x20480x64xf32, #tpu.memory_space<hbm>> -> memref<1x128x64xf32, #tpu.memory_space<hbm>>
    %dma_wait3A_328 = tpu.memref_squeeze %dma_wait3A_327 : memref<1x128x64xf32, #tpu.memory_space<hbm>> -> memref<128x64xf32, #tpu.memory_space<hbm>>
    tpu.wait_dma2 semaphore(%arg22 : memref<!tpu.dma_semaphore, #tpu.memory_space<semaphore_mem>>) src(%arg15 : memref<128x64xf32, #tpu.memory_space<vmem>>) dst(%dma_wait3A_328 : memref<128x64xf32, #tpu.memory_space<hbm>>)
    %dma_wait3A_329 = arith.constant 0 : i32
    %dma_wait3A_330 = tpu.memref_slice %arg10[%arg0, %mul3A_0, %dma_wait3A_329] : memref<2x20480x64xf32, #tpu.memory_space<hbm>> -> memref<1x128x64xf32, #tpu.memory_space<hbm>>
    %dma_wait3A_331 = tpu.memref_squeeze %dma_wait3A_330 : memref<1x128x64xf32, #tpu.memory_space<hbm>> -> memref<128x64xf32, #tpu.memory_space<hbm>>
    %dma_wait3A_332 = arith.constant 0 : i32
    %dma_wait3A_333 = tpu.memref_slice %arg10[%arg0, %mul3A_0, %dma_wait3A_332] : memref<2x20480x64xf32, #tpu.memory_space<hbm>> -> memref<1x128x64xf32, #tpu.memory_space<hbm>>
    %dma_wait3A_334 = tpu.memref_squeeze %dma_wait3A_333 : memref<1x128x64xf32, #tpu.memory_space<hbm>> -> memref<128x64xf32, #tpu.memory_space<hbm>>
    tpu.wait_dma2 semaphore(%arg23 : memref<!tpu.dma_semaphore, #tpu.memory_space<semaphore_mem>>) src(%arg16 : memref<128x64xf32, #tpu.memory_space<vmem>>) dst(%dma_wait3A_334 : memref<128x64xf32, #tpu.memory_space<hbm>>)
    %dma_wait3A_335 = arith.constant 0 : i32
    %dma_wait3A_336 = tpu.memref_slice %arg10[%arg0, %mul3A_0, %dma_wait3A_335] : memref<2x20480x64xf32, #tpu.memory_space<hbm>> -> memref<1x128x64xf32, #tpu.memory_space<hbm>>
    %dma_wait3A_337 = tpu.memref_squeeze %dma_wait3A_336 : memref<1x128x64xf32, #tpu.memory_space<hbm>> -> memref<128x64xf32, #tpu.memory_space<hbm>>
    %dma_wait3A_338 = arith.constant 0 : i32
    %dma_wait3A_339 = tpu.memref_slice %arg10[%arg0, %mul3A_0, %dma_wait3A_338] : memref<2x20480x64xf32, #tpu.memory_space<hbm>> -> memref<1x128x64xf32, #tpu.memory_space<hbm>>
    %dma_wait3A_340 = tpu.memref_squeeze %dma_wait3A_339 : memref<1x128x64xf32, #tpu.memory_space<hbm>> -> memref<128x64xf32, #tpu.memory_space<hbm>>
    tpu.wait_dma2 semaphore(%arg20 : memref<!tpu.dma_semaphore, #tpu.memory_space<semaphore_mem>>) src(%arg13 : memref<128x64xf32, #tpu.memory_space<vmem>>) dst(%dma_wait3A_340 : memref<128x64xf32, #tpu.memory_space<hbm>>)
    %dma_wait3A_341 = arith.constant 0 : i32
    %dma_wait3A_342 = tpu.memref_slice %arg10[%arg0, %mul3A_0, %dma_wait3A_341] : memref<2x20480x64xf32, #tpu.memory_space<hbm>> -> memref<1x128x64xf32, #tpu.memory_space<hbm>>
    %dma_wait3A_343 = tpu.memref_squeeze %dma_wait3A_342 : memref<1x128x64xf32, #tpu.memory_space<hbm>> -> memref<128x64xf32, #tpu.memory_space<hbm>>
    %dma_wait3A_344 = arith.constant 0 : i32
    %dma_wait3A_345 = tpu.memref_slice %arg10[%arg0, %mul3A_0, %dma_wait3A_344] : memref<2x20480x64xf32, #tpu.memory_space<hbm>> -> memref<1x128x64xf32, #tpu.memory_space<hbm>>
    %dma_wait3A_346 = tpu.memref_squeeze %dma_wait3A_345 : memref<1x128x64xf32, #tpu.memory_space<hbm>> -> memref<128x64xf32, #tpu.memory_space<hbm>>
    tpu.wait_dma2 semaphore(%arg21 : memref<!tpu.dma_semaphore, #tpu.memory_space<semaphore_mem>>) src(%arg14 : memref<128x64xf32, #tpu.memory_space<vmem>>) dst(%dma_wait3A_346 : memref<128x64xf32, #tpu.memory_space<hbm>>)
    %barrier3A_347 = arith.constant 0 : index
    tpu.barrier barrier_id(%barrier3A_347)
    "tpu.region"() ({
      %run_scoped3A_353 = tpu.sem_alloc : memref<!tpu.dma_semaphore, #tpu.memory_space<semaphore_mem>>
      %dma_start3A_354 = arith.constant 0 : i32
      %dma_start3A_355 = tpu.memref_slice %arg8[%arg0, %mul3A_0, %dma_start3A_354] : memref<2x20480x64xf32, #tpu.memory_space<hbm>> -> memref<1x1280x64xf32, #tpu.memory_space<hbm>>
      %dma_start3A_356 = tpu.memref_squeeze %dma_start3A_355 : memref<1x1280x64xf32, #tpu.memory_space<hbm>> -> memref<1280x64xf32, #tpu.memory_space<hbm>>
      %dma_start3A_357 = arith.constant 0 : i32
      %dma_start3A_358 = tpu.memref_slice %arg18[%mul3A_0, %dma_start3A_357] : memref<20480x64xf32, #tpu.memory_space<vmem_shared>> -> memref<1280x64xf32, #tpu.memory_space<vmem_shared>>
      tpu.enqueue_dma source(%dma_start3A_358 : memref<1280x64xf32, #tpu.memory_space<vmem_shared>>) target(%dma_start3A_356 : memref<1280x64xf32, #tpu.memory_space<hbm>>) target_semaphore(%run_scoped3A_353 : memref<!tpu.dma_semaphore, #tpu.memory_space<semaphore_mem>>)
      %dma_wait3A_359 = arith.constant 0 : i32
      %dma_wait3A_360 = tpu.memref_slice %arg8[%arg0, %mul3A_0, %dma_wait3A_359] : memref<2x20480x64xf32, #tpu.memory_space<hbm>> -> memref<1x1280x64xf32, #tpu.memory_space<hbm>>
      %dma_wait3A_361 = tpu.memref_squeeze %dma_wait3A_360 : memref<1x1280x64xf32, #tpu.memory_space<hbm>> -> memref<1280x64xf32, #tpu.memory_space<hbm>>
      %dma_wait3A_362 = arith.constant 0 : i32
      %dma_wait3A_363 = tpu.memref_slice %arg18[%mul3A_0, %dma_wait3A_362] : memref<20480x64xf32, #tpu.memory_space<vmem_shared>> -> memref<1280x64xf32, #tpu.memory_space<vmem_shared>>
      tpu.wait_dma2 semaphore(%run_scoped3A_353 : memref<!tpu.dma_semaphore, #tpu.memory_space<semaphore_mem>>) src(%dma_wait3A_363 : memref<1280x64xf32, #tpu.memory_space<vmem_shared>>) dst(%dma_wait3A_361 : memref<1280x64xf32, #tpu.memory_space<hbm>>)
      tpu.yield
    }) : () -> ()
    %eq3A_348 = arith.constant 0 : i32
    %eq3A_349 = arith.cmpi eq, %arg0, %eq3A_348 : i32
    %convert_element_type3A_350 = arith.extui %eq3A_349 : i1 to i32
    %cond3A_351 = arith.constant 0 : i32
    %cond3A_352 = arith.cmpi ne, %convert_element_type3A_350, %cond3A_351 : i32
    scf.if %cond3A_352 {
      "tpu.region"() ({
        %run_scoped3A_353 = tpu.sem_alloc : memref<!tpu.dma_semaphore, #tpu.memory_space<semaphore_mem>>
        %dma_start3A_354 = arith.constant 0 : i32
        %dma_start3A_355 = tpu.memref_slice %arg9[%mul3A_0, %dma_start3A_354] : memref<20480x8xf32, #tpu.memory_space<hbm>> -> memref<1280x8xf32, #tpu.memory_space<hbm>>
        %dma_start3A_356 = arith.constant 0 : i32
        %dma_start3A_357 = tpu.memref_slice %arg19[%mul3A_0, %dma_start3A_356] : memref<20480x8xf32, #tpu.memory_space<vmem_shared>> -> memref<1280x8xf32, #tpu.memory_space<vmem_shared>>
        tpu.enqueue_dma source(%dma_start3A_357 : memref<1280x8xf32, #tpu.memory_space<vmem_shared>>) target(%dma_start3A_355 : memref<1280x8xf32, #tpu.memory_space<hbm>>) target_semaphore(%run_scoped3A_353 : memref<!tpu.dma_semaphore, #tpu.memory_space<semaphore_mem>>)
        %dma_wait3A_358 = arith.constant 0 : i32
        %dma_wait3A_359 = tpu.memref_slice %arg9[%mul3A_0, %dma_wait3A_358] : memref<20480x8xf32, #tpu.memory_space<hbm>> -> memref<1280x8xf32, #tpu.memory_space<hbm>>
        %dma_wait3A_360 = arith.constant 0 : i32
        %dma_wait3A_361 = tpu.memref_slice %arg19[%mul3A_0, %dma_wait3A_360] : memref<20480x8xf32, #tpu.memory_space<vmem_shared>> -> memref<1280x8xf32, #tpu.memory_space<vmem_shared>>
        tpu.wait_dma2 semaphore(%run_scoped3A_353 : memref<!tpu.dma_semaphore, #tpu.memory_space<semaphore_mem>>) src(%dma_wait3A_361 : memref<1280x8xf32, #tpu.memory_space<vmem_shared>>) dst(%dma_wait3A_359 : memref<1280x8xf32, #tpu.memory_space<hbm>>)
        tpu.yield
      }) : () -> ()
    } else {
    }
    return
  }
}

#map = affine_map<(d0, d1) -> (0, 0)>
#map1 = affine_map<(d0, d1) -> (0)>
module attributes {stable_mosaic.version = 14 : i64} {
  func.func @body(%arg0: i32, %arg1: i32, %arg2: memref<100000x128xf32, #tpu.memory_space<hbm>>, %arg3: memref<53248xi32, #tpu.memory_space<hbm>>, %arg4: memref<53248x128xf32, #tpu.memory_space<hbm>>, %arg5: memref<3328xi32, #tpu.memory_space<vmem>>, %arg6: memref<416x128xf32, #tpu.memory_space<vmem>>, %arg7: memref<416x128xf32, #tpu.memory_space<vmem>>, %arg8: memref<!tpu.dma_semaphore, #tpu.memory_space<semaphore_mem>>, %arg9: memref<!tpu.dma_semaphore, #tpu.memory_space<semaphore_mem>>, %arg10: memref<!tpu.dma_semaphore, #tpu.memory_space<semaphore_mem>>, %arg11: memref<!tpu.dma_semaphore, #tpu.memory_space<semaphore_mem>>) attributes {dimension_semantics = [#tpu.dimension_semantics<core_parallel>, #tpu.dimension_semantics<subcore_parallel>], iteration_bounds = array<i64: 1, 16>, scalar_prefetch = 0 : i64, scratch_operands = 7 : i64, tpu.core_type = #tpu.core_type<sc_vector_subcore>, window_params = [{transform_indices = #map}, {transform_indices = #map1}, {transform_indices = #map}]} {
    %mul3A = arith.constant 3328 : i32
    %mul3A_0 = arith.muli %arg1, %mul3A : i32
    "tpu.region"() ({
      %run_scoped3A = tpu.sem_alloc : memref<!tpu.dma_semaphore, #tpu.memory_space<semaphore_mem>>
      %dma_start3A_158 = tpu.memref_slice %arg3[%mul3A_0] : memref<53248xi32, #tpu.memory_space<hbm>> -> memref<3328xi32, #tpu.memory_space<hbm>>
      %dma_start3A_159 = tpu.memref_slice %arg3[%mul3A_0] : memref<53248xi32, #tpu.memory_space<hbm>> -> memref<3328xi32, #tpu.memory_space<hbm>>
      tpu.enqueue_dma source(%dma_start3A_159 : memref<3328xi32, #tpu.memory_space<hbm>>) target(%arg5 : memref<3328xi32, #tpu.memory_space<vmem>>) target_semaphore(%run_scoped3A : memref<!tpu.dma_semaphore, #tpu.memory_space<semaphore_mem>>)
      %dma_wait3A_160 = tpu.memref_slice %arg3[%mul3A_0] : memref<53248xi32, #tpu.memory_space<hbm>> -> memref<3328xi32, #tpu.memory_space<hbm>>
      %dma_wait3A_161 = tpu.memref_slice %arg3[%mul3A_0] : memref<53248xi32, #tpu.memory_space<hbm>> -> memref<3328xi32, #tpu.memory_space<hbm>>
      tpu.wait_dma2 semaphore(%run_scoped3A : memref<!tpu.dma_semaphore, #tpu.memory_space<semaphore_mem>>) src(%dma_wait3A_161 : memref<3328xi32, #tpu.memory_space<hbm>>) dst(%arg5 : memref<3328xi32, #tpu.memory_space<vmem>>)
      tpu.yield
    }) : () -> ()
    %dma_start3A = arith.constant 0 : i32
    %dma_start3A_1 = tpu.memref_slice %arg5[%dma_start3A] : memref<3328xi32, #tpu.memory_space<vmem>> -> memref<416xi32, #tpu.memory_space<vmem>>
    %dma_start3A_2 = arith.constant 0 : i32
    %dma_start3A_3 = arith.constant 0 : i32
    %dma_start3A_4 = tpu.memref_slice %arg2[%dma_start3A_2, %dma_start3A_3] : memref<100000x128xf32, #tpu.memory_space<hbm>> -> memref<100000x128xf32, #tpu.memory_space<hbm>>
    tpu.enqueue_indirect_dma source(%dma_start3A_4 : memref<100000x128xf32, #tpu.memory_space<hbm>>) target(%arg6 : memref<416x128xf32, #tpu.memory_space<vmem>>) offsets(%dma_start3A_1 : memref<416xi32, #tpu.memory_space<vmem>>) semaphore(%arg10 : memref<!tpu.dma_semaphore, #tpu.memory_space<semaphore_mem>>)
    %dma_start3A_5 = arith.constant 416 : i32
    %dma_start3A_6 = tpu.memref_slice %arg5[%dma_start3A_5] : memref<3328xi32, #tpu.memory_space<vmem>> -> memref<416xi32, #tpu.memory_space<vmem>>
    %dma_start3A_7 = arith.constant 0 : i32
    %dma_start3A_8 = arith.constant 0 : i32
    %dma_start3A_9 = tpu.memref_slice %arg2[%dma_start3A_7, %dma_start3A_8] : memref<100000x128xf32, #tpu.memory_space<hbm>> -> memref<100000x128xf32, #tpu.memory_space<hbm>>
    tpu.enqueue_indirect_dma source(%dma_start3A_9 : memref<100000x128xf32, #tpu.memory_space<hbm>>) target(%arg7 : memref<416x128xf32, #tpu.memory_space<vmem>>) offsets(%dma_start3A_6 : memref<416xi32, #tpu.memory_space<vmem>>) semaphore(%arg11 : memref<!tpu.dma_semaphore, #tpu.memory_space<semaphore_mem>>)
    %dma_wait3A = arith.constant 0 : i32
    %dma_wait3A_10 = tpu.memref_slice %arg5[%dma_wait3A] : memref<3328xi32, #tpu.memory_space<vmem>> -> memref<416xi32, #tpu.memory_space<vmem>>
    %dma_wait3A_11 = arith.constant 0 : i32
    %dma_wait3A_12 = arith.constant 0 : i32
    %dma_wait3A_13 = tpu.memref_slice %arg2[%dma_wait3A_11, %dma_wait3A_12] : memref<100000x128xf32, #tpu.memory_space<hbm>> -> memref<100000x128xf32, #tpu.memory_space<hbm>>
    tpu.wait_indirect_dma semaphore(%arg10 : memref<!tpu.dma_semaphore, #tpu.memory_space<semaphore_mem>>) src(%dma_wait3A_13 : memref<100000x128xf32, #tpu.memory_space<hbm>>) dst(%arg6 : memref<416x128xf32, #tpu.memory_space<vmem>>)
    %add3A = arith.constant 0 : i32
    %add3A_14 = arith.addi %mul3A_0, %add3A : i32
    %dma_start3A_15 = arith.constant 0 : i32
    %dma_start3A_16 = tpu.memref_slice %arg4[%add3A_14, %dma_start3A_15] : memref<53248x128xf32, #tpu.memory_space<hbm>> -> memref<416x128xf32, #tpu.memory_space<hbm>>
    %dma_start3A_17 = arith.constant 0 : i32
    %dma_start3A_18 = tpu.memref_slice %arg4[%add3A_14, %dma_start3A_17] : memref<53248x128xf32, #tpu.memory_space<hbm>> -> memref<416x128xf32, #tpu.memory_space<hbm>>
    tpu.enqueue_dma source(%arg6 : memref<416x128xf32, #tpu.memory_space<vmem>>) target(%dma_start3A_18 : memref<416x128xf32, #tpu.memory_space<hbm>>) target_semaphore(%arg8 : memref<!tpu.dma_semaphore, #tpu.memory_space<semaphore_mem>>)
    %dma_wait3A_19 = arith.constant 0 : i32
    %dma_wait3A_20 = tpu.memref_slice %arg4[%mul3A_0, %dma_wait3A_19] : memref<53248x128xf32, #tpu.memory_space<hbm>> -> memref<416x128xf32, #tpu.memory_space<hbm>>
    %dma_wait3A_21 = arith.constant 0 : i32
    %dma_wait3A_22 = tpu.memref_slice %arg4[%mul3A_0, %dma_wait3A_21] : memref<53248x128xf32, #tpu.memory_space<hbm>> -> memref<416x128xf32, #tpu.memory_space<hbm>>
    tpu.wait_dma2 semaphore(%arg8 : memref<!tpu.dma_semaphore, #tpu.memory_space<semaphore_mem>>) src(%arg6 : memref<416x128xf32, #tpu.memory_space<vmem>>) dst(%dma_wait3A_22 : memref<416x128xf32, #tpu.memory_space<hbm>>)
    %dma_start3A_23 = arith.constant 832 : i32
    %dma_start3A_24 = tpu.memref_slice %arg5[%dma_start3A_23] : memref<3328xi32, #tpu.memory_space<vmem>> -> memref<416xi32, #tpu.memory_space<vmem>>
    %dma_start3A_25 = arith.constant 0 : i32
    %dma_start3A_26 = arith.constant 0 : i32
    %dma_start3A_27 = tpu.memref_slice %arg2[%dma_start3A_25, %dma_start3A_26] : memref<100000x128xf32, #tpu.memory_space<hbm>> -> memref<100000x128xf32, #tpu.memory_space<hbm>>
    tpu.enqueue_indirect_dma source(%dma_start3A_27 : memref<100000x128xf32, #tpu.memory_space<hbm>>) target(%arg6 : memref<416x128xf32, #tpu.memory_space<vmem>>) offsets(%dma_start3A_24 : memref<416xi32, #tpu.memory_space<vmem>>) semaphore(%arg10 : memref<!tpu.dma_semaphore, #tpu.memory_space<semaphore_mem>>)
    %dma_wait3A_28 = arith.constant 0 : i32
    %dma_wait3A_29 = tpu.memref_slice %arg5[%dma_wait3A_28] : memref<3328xi32, #tpu.memory_space<vmem>> -> memref<416xi32, #tpu.memory_space<vmem>>
    %dma_wait3A_30 = arith.constant 0 : i32
    %dma_wait3A_31 = arith.constant 0 : i32
    %dma_wait3A_32 = tpu.memref_slice %arg2[%dma_wait3A_30, %dma_wait3A_31] : memref<100000x128xf32, #tpu.memory_space<hbm>> -> memref<100000x128xf32, #tpu.memory_space<hbm>>
    tpu.wait_indirect_dma semaphore(%arg11 : memref<!tpu.dma_semaphore, #tpu.memory_space<semaphore_mem>>) src(%dma_wait3A_32 : memref<100000x128xf32, #tpu.memory_space<hbm>>) dst(%arg7 : memref<416x128xf32, #tpu.memory_space<vmem>>)
    %add3A_33 = arith.constant 416 : i32
    %add3A_34 = arith.addi %mul3A_0, %add3A_33 : i32
    %dma_start3A_35 = arith.constant 0 : i32
    %dma_start3A_36 = tpu.memref_slice %arg4[%add3A_34, %dma_start3A_35] : memref<53248x128xf32, #tpu.memory_space<hbm>> -> memref<416x128xf32, #tpu.memory_space<hbm>>
    %dma_start3A_37 = arith.constant 0 : i32
    %dma_start3A_38 = tpu.memref_slice %arg4[%add3A_34, %dma_start3A_37] : memref<53248x128xf32, #tpu.memory_space<hbm>> -> memref<416x128xf32, #tpu.memory_space<hbm>>
    tpu.enqueue_dma source(%arg7 : memref<416x128xf32, #tpu.memory_space<vmem>>) target(%dma_start3A_38 : memref<416x128xf32, #tpu.memory_space<hbm>>) target_semaphore(%arg9 : memref<!tpu.dma_semaphore, #tpu.memory_space<semaphore_mem>>)
    %dma_wait3A_39 = arith.constant 0 : i32
    %dma_wait3A_40 = tpu.memref_slice %arg4[%mul3A_0, %dma_wait3A_39] : memref<53248x128xf32, #tpu.memory_space<hbm>> -> memref<416x128xf32, #tpu.memory_space<hbm>>
    %dma_wait3A_41 = arith.constant 0 : i32
    %dma_wait3A_42 = tpu.memref_slice %arg4[%mul3A_0, %dma_wait3A_41] : memref<53248x128xf32, #tpu.memory_space<hbm>> -> memref<416x128xf32, #tpu.memory_space<hbm>>
    tpu.wait_dma2 semaphore(%arg9 : memref<!tpu.dma_semaphore, #tpu.memory_space<semaphore_mem>>) src(%arg7 : memref<416x128xf32, #tpu.memory_space<vmem>>) dst(%dma_wait3A_42 : memref<416x128xf32, #tpu.memory_space<hbm>>)
    %dma_start3A_43 = arith.constant 1248 : i32
    %dma_start3A_44 = tpu.memref_slice %arg5[%dma_start3A_43] : memref<3328xi32, #tpu.memory_space<vmem>> -> memref<416xi32, #tpu.memory_space<vmem>>
    %dma_start3A_45 = arith.constant 0 : i32
    %dma_start3A_46 = arith.constant 0 : i32
    %dma_start3A_47 = tpu.memref_slice %arg2[%dma_start3A_45, %dma_start3A_46] : memref<100000x128xf32, #tpu.memory_space<hbm>> -> memref<100000x128xf32, #tpu.memory_space<hbm>>
    tpu.enqueue_indirect_dma source(%dma_start3A_47 : memref<100000x128xf32, #tpu.memory_space<hbm>>) target(%arg7 : memref<416x128xf32, #tpu.memory_space<vmem>>) offsets(%dma_start3A_44 : memref<416xi32, #tpu.memory_space<vmem>>) semaphore(%arg11 : memref<!tpu.dma_semaphore, #tpu.memory_space<semaphore_mem>>)
    %dma_wait3A_48 = arith.constant 0 : i32
    %dma_wait3A_49 = tpu.memref_slice %arg5[%dma_wait3A_48] : memref<3328xi32, #tpu.memory_space<vmem>> -> memref<416xi32, #tpu.memory_space<vmem>>
    %dma_wait3A_50 = arith.constant 0 : i32
    %dma_wait3A_51 = arith.constant 0 : i32
    %dma_wait3A_52 = tpu.memref_slice %arg2[%dma_wait3A_50, %dma_wait3A_51] : memref<100000x128xf32, #tpu.memory_space<hbm>> -> memref<100000x128xf32, #tpu.memory_space<hbm>>
    tpu.wait_indirect_dma semaphore(%arg10 : memref<!tpu.dma_semaphore, #tpu.memory_space<semaphore_mem>>) src(%dma_wait3A_52 : memref<100000x128xf32, #tpu.memory_space<hbm>>) dst(%arg6 : memref<416x128xf32, #tpu.memory_space<vmem>>)
    %add3A_53 = arith.constant 832 : i32
    %add3A_54 = arith.addi %mul3A_0, %add3A_53 : i32
    %dma_start3A_55 = arith.constant 0 : i32
    %dma_start3A_56 = tpu.memref_slice %arg4[%add3A_54, %dma_start3A_55] : memref<53248x128xf32, #tpu.memory_space<hbm>> -> memref<416x128xf32, #tpu.memory_space<hbm>>
    %dma_start3A_57 = arith.constant 0 : i32
    %dma_start3A_58 = tpu.memref_slice %arg4[%add3A_54, %dma_start3A_57] : memref<53248x128xf32, #tpu.memory_space<hbm>> -> memref<416x128xf32, #tpu.memory_space<hbm>>
    tpu.enqueue_dma source(%arg6 : memref<416x128xf32, #tpu.memory_space<vmem>>) target(%dma_start3A_58 : memref<416x128xf32, #tpu.memory_space<hbm>>) target_semaphore(%arg8 : memref<!tpu.dma_semaphore, #tpu.memory_space<semaphore_mem>>)
    %dma_wait3A_59 = arith.constant 0 : i32
    %dma_wait3A_60 = tpu.memref_slice %arg4[%mul3A_0, %dma_wait3A_59] : memref<53248x128xf32, #tpu.memory_space<hbm>> -> memref<416x128xf32, #tpu.memory_space<hbm>>
    %dma_wait3A_61 = arith.constant 0 : i32
    %dma_wait3A_62 = tpu.memref_slice %arg4[%mul3A_0, %dma_wait3A_61] : memref<53248x128xf32, #tpu.memory_space<hbm>> -> memref<416x128xf32, #tpu.memory_space<hbm>>
    tpu.wait_dma2 semaphore(%arg8 : memref<!tpu.dma_semaphore, #tpu.memory_space<semaphore_mem>>) src(%arg6 : memref<416x128xf32, #tpu.memory_space<vmem>>) dst(%dma_wait3A_62 : memref<416x128xf32, #tpu.memory_space<hbm>>)
    %dma_start3A_63 = arith.constant 1664 : i32
    %dma_start3A_64 = tpu.memref_slice %arg5[%dma_start3A_63] : memref<3328xi32, #tpu.memory_space<vmem>> -> memref<416xi32, #tpu.memory_space<vmem>>
    %dma_start3A_65 = arith.constant 0 : i32
    %dma_start3A_66 = arith.constant 0 : i32
    %dma_start3A_67 = tpu.memref_slice %arg2[%dma_start3A_65, %dma_start3A_66] : memref<100000x128xf32, #tpu.memory_space<hbm>> -> memref<100000x128xf32, #tpu.memory_space<hbm>>
    tpu.enqueue_indirect_dma source(%dma_start3A_67 : memref<100000x128xf32, #tpu.memory_space<hbm>>) target(%arg6 : memref<416x128xf32, #tpu.memory_space<vmem>>) offsets(%dma_start3A_64 : memref<416xi32, #tpu.memory_space<vmem>>) semaphore(%arg10 : memref<!tpu.dma_semaphore, #tpu.memory_space<semaphore_mem>>)
    %dma_wait3A_68 = arith.constant 0 : i32
    %dma_wait3A_69 = tpu.memref_slice %arg5[%dma_wait3A_68] : memref<3328xi32, #tpu.memory_space<vmem>> -> memref<416xi32, #tpu.memory_space<vmem>>
    %dma_wait3A_70 = arith.constant 0 : i32
    %dma_wait3A_71 = arith.constant 0 : i32
    %dma_wait3A_72 = tpu.memref_slice %arg2[%dma_wait3A_70, %dma_wait3A_71] : memref<100000x128xf32, #tpu.memory_space<hbm>> -> memref<100000x128xf32, #tpu.memory_space<hbm>>
    tpu.wait_indirect_dma semaphore(%arg11 : memref<!tpu.dma_semaphore, #tpu.memory_space<semaphore_mem>>) src(%dma_wait3A_72 : memref<100000x128xf32, #tpu.memory_space<hbm>>) dst(%arg7 : memref<416x128xf32, #tpu.memory_space<vmem>>)
    %add3A_73 = arith.constant 1248 : i32
    %add3A_74 = arith.addi %mul3A_0, %add3A_73 : i32
    %dma_start3A_75 = arith.constant 0 : i32
    %dma_start3A_76 = tpu.memref_slice %arg4[%add3A_74, %dma_start3A_75] : memref<53248x128xf32, #tpu.memory_space<hbm>> -> memref<416x128xf32, #tpu.memory_space<hbm>>
    %dma_start3A_77 = arith.constant 0 : i32
    %dma_start3A_78 = tpu.memref_slice %arg4[%add3A_74, %dma_start3A_77] : memref<53248x128xf32, #tpu.memory_space<hbm>> -> memref<416x128xf32, #tpu.memory_space<hbm>>
    tpu.enqueue_dma source(%arg7 : memref<416x128xf32, #tpu.memory_space<vmem>>) target(%dma_start3A_78 : memref<416x128xf32, #tpu.memory_space<hbm>>) target_semaphore(%arg9 : memref<!tpu.dma_semaphore, #tpu.memory_space<semaphore_mem>>)
    %dma_wait3A_79 = arith.constant 0 : i32
    %dma_wait3A_80 = tpu.memref_slice %arg4[%mul3A_0, %dma_wait3A_79] : memref<53248x128xf32, #tpu.memory_space<hbm>> -> memref<416x128xf32, #tpu.memory_space<hbm>>
    %dma_wait3A_81 = arith.constant 0 : i32
    %dma_wait3A_82 = tpu.memref_slice %arg4[%mul3A_0, %dma_wait3A_81] : memref<53248x128xf32, #tpu.memory_space<hbm>> -> memref<416x128xf32, #tpu.memory_space<hbm>>
    tpu.wait_dma2 semaphore(%arg9 : memref<!tpu.dma_semaphore, #tpu.memory_space<semaphore_mem>>) src(%arg7 : memref<416x128xf32, #tpu.memory_space<vmem>>) dst(%dma_wait3A_82 : memref<416x128xf32, #tpu.memory_space<hbm>>)
    %dma_start3A_83 = arith.constant 2080 : i32
    %dma_start3A_84 = tpu.memref_slice %arg5[%dma_start3A_83] : memref<3328xi32, #tpu.memory_space<vmem>> -> memref<416xi32, #tpu.memory_space<vmem>>
    %dma_start3A_85 = arith.constant 0 : i32
    %dma_start3A_86 = arith.constant 0 : i32
    %dma_start3A_87 = tpu.memref_slice %arg2[%dma_start3A_85, %dma_start3A_86] : memref<100000x128xf32, #tpu.memory_space<hbm>> -> memref<100000x128xf32, #tpu.memory_space<hbm>>
    tpu.enqueue_indirect_dma source(%dma_start3A_87 : memref<100000x128xf32, #tpu.memory_space<hbm>>) target(%arg7 : memref<416x128xf32, #tpu.memory_space<vmem>>) offsets(%dma_start3A_84 : memref<416xi32, #tpu.memory_space<vmem>>) semaphore(%arg11 : memref<!tpu.dma_semaphore, #tpu.memory_space<semaphore_mem>>)
    %dma_wait3A_88 = arith.constant 0 : i32
    %dma_wait3A_89 = tpu.memref_slice %arg5[%dma_wait3A_88] : memref<3328xi32, #tpu.memory_space<vmem>> -> memref<416xi32, #tpu.memory_space<vmem>>
    %dma_wait3A_90 = arith.constant 0 : i32
    %dma_wait3A_91 = arith.constant 0 : i32
    %dma_wait3A_92 = tpu.memref_slice %arg2[%dma_wait3A_90, %dma_wait3A_91] : memref<100000x128xf32, #tpu.memory_space<hbm>> -> memref<100000x128xf32, #tpu.memory_space<hbm>>
    tpu.wait_indirect_dma semaphore(%arg10 : memref<!tpu.dma_semaphore, #tpu.memory_space<semaphore_mem>>) src(%dma_wait3A_92 : memref<100000x128xf32, #tpu.memory_space<hbm>>) dst(%arg6 : memref<416x128xf32, #tpu.memory_space<vmem>>)
    %add3A_93 = arith.constant 1664 : i32
    %add3A_94 = arith.addi %mul3A_0, %add3A_93 : i32
    %dma_start3A_95 = arith.constant 0 : i32
    %dma_start3A_96 = tpu.memref_slice %arg4[%add3A_94, %dma_start3A_95] : memref<53248x128xf32, #tpu.memory_space<hbm>> -> memref<416x128xf32, #tpu.memory_space<hbm>>
    %dma_start3A_97 = arith.constant 0 : i32
    %dma_start3A_98 = tpu.memref_slice %arg4[%add3A_94, %dma_start3A_97] : memref<53248x128xf32, #tpu.memory_space<hbm>> -> memref<416x128xf32, #tpu.memory_space<hbm>>
    tpu.enqueue_dma source(%arg6 : memref<416x128xf32, #tpu.memory_space<vmem>>) target(%dma_start3A_98 : memref<416x128xf32, #tpu.memory_space<hbm>>) target_semaphore(%arg8 : memref<!tpu.dma_semaphore, #tpu.memory_space<semaphore_mem>>)
    %dma_wait3A_99 = arith.constant 0 : i32
    %dma_wait3A_100 = tpu.memref_slice %arg4[%mul3A_0, %dma_wait3A_99] : memref<53248x128xf32, #tpu.memory_space<hbm>> -> memref<416x128xf32, #tpu.memory_space<hbm>>
    %dma_wait3A_101 = arith.constant 0 : i32
    %dma_wait3A_102 = tpu.memref_slice %arg4[%mul3A_0, %dma_wait3A_101] : memref<53248x128xf32, #tpu.memory_space<hbm>> -> memref<416x128xf32, #tpu.memory_space<hbm>>
    tpu.wait_dma2 semaphore(%arg8 : memref<!tpu.dma_semaphore, #tpu.memory_space<semaphore_mem>>) src(%arg6 : memref<416x128xf32, #tpu.memory_space<vmem>>) dst(%dma_wait3A_102 : memref<416x128xf32, #tpu.memory_space<hbm>>)
    %dma_start3A_103 = arith.constant 2496 : i32
    %dma_start3A_104 = tpu.memref_slice %arg5[%dma_start3A_103] : memref<3328xi32, #tpu.memory_space<vmem>> -> memref<416xi32, #tpu.memory_space<vmem>>
    %dma_start3A_105 = arith.constant 0 : i32
    %dma_start3A_106 = arith.constant 0 : i32
    %dma_start3A_107 = tpu.memref_slice %arg2[%dma_start3A_105, %dma_start3A_106] : memref<100000x128xf32, #tpu.memory_space<hbm>> -> memref<100000x128xf32, #tpu.memory_space<hbm>>
    tpu.enqueue_indirect_dma source(%dma_start3A_107 : memref<100000x128xf32, #tpu.memory_space<hbm>>) target(%arg6 : memref<416x128xf32, #tpu.memory_space<vmem>>) offsets(%dma_start3A_104 : memref<416xi32, #tpu.memory_space<vmem>>) semaphore(%arg10 : memref<!tpu.dma_semaphore, #tpu.memory_space<semaphore_mem>>)
    %dma_wait3A_108 = arith.constant 0 : i32
    %dma_wait3A_109 = tpu.memref_slice %arg5[%dma_wait3A_108] : memref<3328xi32, #tpu.memory_space<vmem>> -> memref<416xi32, #tpu.memory_space<vmem>>
    %dma_wait3A_110 = arith.constant 0 : i32
    %dma_wait3A_111 = arith.constant 0 : i32
    %dma_wait3A_112 = tpu.memref_slice %arg2[%dma_wait3A_110, %dma_wait3A_111] : memref<100000x128xf32, #tpu.memory_space<hbm>> -> memref<100000x128xf32, #tpu.memory_space<hbm>>
    tpu.wait_indirect_dma semaphore(%arg11 : memref<!tpu.dma_semaphore, #tpu.memory_space<semaphore_mem>>) src(%dma_wait3A_112 : memref<100000x128xf32, #tpu.memory_space<hbm>>) dst(%arg7 : memref<416x128xf32, #tpu.memory_space<vmem>>)
    %add3A_113 = arith.constant 2080 : i32
    %add3A_114 = arith.addi %mul3A_0, %add3A_113 : i32
    %dma_start3A_115 = arith.constant 0 : i32
    %dma_start3A_116 = tpu.memref_slice %arg4[%add3A_114, %dma_start3A_115] : memref<53248x128xf32, #tpu.memory_space<hbm>> -> memref<416x128xf32, #tpu.memory_space<hbm>>
    %dma_start3A_117 = arith.constant 0 : i32
    %dma_start3A_118 = tpu.memref_slice %arg4[%add3A_114, %dma_start3A_117] : memref<53248x128xf32, #tpu.memory_space<hbm>> -> memref<416x128xf32, #tpu.memory_space<hbm>>
    tpu.enqueue_dma source(%arg7 : memref<416x128xf32, #tpu.memory_space<vmem>>) target(%dma_start3A_118 : memref<416x128xf32, #tpu.memory_space<hbm>>) target_semaphore(%arg9 : memref<!tpu.dma_semaphore, #tpu.memory_space<semaphore_mem>>)
    %dma_wait3A_119 = arith.constant 0 : i32
    %dma_wait3A_120 = tpu.memref_slice %arg4[%mul3A_0, %dma_wait3A_119] : memref<53248x128xf32, #tpu.memory_space<hbm>> -> memref<416x128xf32, #tpu.memory_space<hbm>>
    %dma_wait3A_121 = arith.constant 0 : i32
    %dma_wait3A_122 = tpu.memref_slice %arg4[%mul3A_0, %dma_wait3A_121] : memref<53248x128xf32, #tpu.memory_space<hbm>> -> memref<416x128xf32, #tpu.memory_space<hbm>>
    tpu.wait_dma2 semaphore(%arg9 : memref<!tpu.dma_semaphore, #tpu.memory_space<semaphore_mem>>) src(%arg7 : memref<416x128xf32, #tpu.memory_space<vmem>>) dst(%dma_wait3A_122 : memref<416x128xf32, #tpu.memory_space<hbm>>)
    %dma_start3A_123 = arith.constant 2912 : i32
    %dma_start3A_124 = tpu.memref_slice %arg5[%dma_start3A_123] : memref<3328xi32, #tpu.memory_space<vmem>> -> memref<416xi32, #tpu.memory_space<vmem>>
    %dma_start3A_125 = arith.constant 0 : i32
    %dma_start3A_126 = arith.constant 0 : i32
    %dma_start3A_127 = tpu.memref_slice %arg2[%dma_start3A_125, %dma_start3A_126] : memref<100000x128xf32, #tpu.memory_space<hbm>> -> memref<100000x128xf32, #tpu.memory_space<hbm>>
    tpu.enqueue_indirect_dma source(%dma_start3A_127 : memref<100000x128xf32, #tpu.memory_space<hbm>>) target(%arg7 : memref<416x128xf32, #tpu.memory_space<vmem>>) offsets(%dma_start3A_124 : memref<416xi32, #tpu.memory_space<vmem>>) semaphore(%arg11 : memref<!tpu.dma_semaphore, #tpu.memory_space<semaphore_mem>>)
    %dma_wait3A_128 = arith.constant 0 : i32
    %dma_wait3A_129 = tpu.memref_slice %arg5[%dma_wait3A_128] : memref<3328xi32, #tpu.memory_space<vmem>> -> memref<416xi32, #tpu.memory_space<vmem>>
    %dma_wait3A_130 = arith.constant 0 : i32
    %dma_wait3A_131 = arith.constant 0 : i32
    %dma_wait3A_132 = tpu.memref_slice %arg2[%dma_wait3A_130, %dma_wait3A_131] : memref<100000x128xf32, #tpu.memory_space<hbm>> -> memref<100000x128xf32, #tpu.memory_space<hbm>>
    tpu.wait_indirect_dma semaphore(%arg10 : memref<!tpu.dma_semaphore, #tpu.memory_space<semaphore_mem>>) src(%dma_wait3A_132 : memref<100000x128xf32, #tpu.memory_space<hbm>>) dst(%arg6 : memref<416x128xf32, #tpu.memory_space<vmem>>)
    %add3A_133 = arith.constant 2496 : i32
    %add3A_134 = arith.addi %mul3A_0, %add3A_133 : i32
    %dma_start3A_135 = arith.constant 0 : i32
    %dma_start3A_136 = tpu.memref_slice %arg4[%add3A_134, %dma_start3A_135] : memref<53248x128xf32, #tpu.memory_space<hbm>> -> memref<416x128xf32, #tpu.memory_space<hbm>>
    %dma_start3A_137 = arith.constant 0 : i32
    %dma_start3A_138 = tpu.memref_slice %arg4[%add3A_134, %dma_start3A_137] : memref<53248x128xf32, #tpu.memory_space<hbm>> -> memref<416x128xf32, #tpu.memory_space<hbm>>
    tpu.enqueue_dma source(%arg6 : memref<416x128xf32, #tpu.memory_space<vmem>>) target(%dma_start3A_138 : memref<416x128xf32, #tpu.memory_space<hbm>>) target_semaphore(%arg8 : memref<!tpu.dma_semaphore, #tpu.memory_space<semaphore_mem>>)
    %dma_wait3A_139 = arith.constant 0 : i32
    %dma_wait3A_140 = tpu.memref_slice %arg5[%dma_wait3A_139] : memref<3328xi32, #tpu.memory_space<vmem>> -> memref<416xi32, #tpu.memory_space<vmem>>
    %dma_wait3A_141 = arith.constant 0 : i32
    %dma_wait3A_142 = arith.constant 0 : i32
    %dma_wait3A_143 = tpu.memref_slice %arg2[%dma_wait3A_141, %dma_wait3A_142] : memref<100000x128xf32, #tpu.memory_space<hbm>> -> memref<100000x128xf32, #tpu.memory_space<hbm>>
    tpu.wait_indirect_dma semaphore(%arg11 : memref<!tpu.dma_semaphore, #tpu.memory_space<semaphore_mem>>) src(%dma_wait3A_143 : memref<100000x128xf32, #tpu.memory_space<hbm>>) dst(%arg7 : memref<416x128xf32, #tpu.memory_space<vmem>>)
    %add3A_144 = arith.constant 2912 : i32
    %add3A_145 = arith.addi %mul3A_0, %add3A_144 : i32
    %dma_start3A_146 = arith.constant 0 : i32
    %dma_start3A_147 = tpu.memref_slice %arg4[%add3A_145, %dma_start3A_146] : memref<53248x128xf32, #tpu.memory_space<hbm>> -> memref<416x128xf32, #tpu.memory_space<hbm>>
    %dma_start3A_148 = arith.constant 0 : i32
    %dma_start3A_149 = tpu.memref_slice %arg4[%add3A_145, %dma_start3A_148] : memref<53248x128xf32, #tpu.memory_space<hbm>> -> memref<416x128xf32, #tpu.memory_space<hbm>>
    tpu.enqueue_dma source(%arg7 : memref<416x128xf32, #tpu.memory_space<vmem>>) target(%dma_start3A_149 : memref<416x128xf32, #tpu.memory_space<hbm>>) target_semaphore(%arg9 : memref<!tpu.dma_semaphore, #tpu.memory_space<semaphore_mem>>)
    %dma_wait3A_150 = arith.constant 0 : i32
    %dma_wait3A_151 = tpu.memref_slice %arg4[%mul3A_0, %dma_wait3A_150] : memref<53248x128xf32, #tpu.memory_space<hbm>> -> memref<416x128xf32, #tpu.memory_space<hbm>>
    %dma_wait3A_152 = arith.constant 0 : i32
    %dma_wait3A_153 = tpu.memref_slice %arg4[%mul3A_0, %dma_wait3A_152] : memref<53248x128xf32, #tpu.memory_space<hbm>> -> memref<416x128xf32, #tpu.memory_space<hbm>>
    tpu.wait_dma2 semaphore(%arg8 : memref<!tpu.dma_semaphore, #tpu.memory_space<semaphore_mem>>) src(%arg6 : memref<416x128xf32, #tpu.memory_space<vmem>>) dst(%dma_wait3A_153 : memref<416x128xf32, #tpu.memory_space<hbm>>)
    %dma_wait3A_154 = arith.constant 0 : i32
    %dma_wait3A_155 = tpu.memref_slice %arg4[%mul3A_0, %dma_wait3A_154] : memref<53248x128xf32, #tpu.memory_space<hbm>> -> memref<416x128xf32, #tpu.memory_space<hbm>>
    %dma_wait3A_156 = arith.constant 0 : i32
    %dma_wait3A_157 = tpu.memref_slice %arg4[%mul3A_0, %dma_wait3A_156] : memref<53248x128xf32, #tpu.memory_space<hbm>> -> memref<416x128xf32, #tpu.memory_space<hbm>>
    tpu.wait_dma2 semaphore(%arg9 : memref<!tpu.dma_semaphore, #tpu.memory_space<semaphore_mem>>) src(%arg7 : memref<416x128xf32, #tpu.memory_space<vmem>>) dst(%dma_wait3A_157 : memref<416x128xf32, #tpu.memory_space<hbm>>)
    return
  }
}

module attributes {stable_mosaic.version = 14 : i64} {
  func.func @body(%arg0: i32, %arg1: memref<1x512x64xf32, #tpu.memory_space<vmem>>, %arg2: memref<1x512x64xf32, #tpu.memory_space<vmem>>, %arg3: memref<512x8xf32, #tpu.memory_space<vmem>>, %arg4: memref<1x512x64xf32, #tpu.memory_space<vmem>>, %arg5: memref<1x512x64xf32, #tpu.memory_space<vmem>>, %arg6: memref<128x128xf32, #tpu.memory_space<vmem>>, %arg7: memref<128x128xf32, #tpu.memory_space<vmem>>, %arg8: memref<1x128xf32, #tpu.memory_space<vmem>>, %arg9: memref<512x128xf32, #tpu.memory_space<vmem>>) attributes {dimension_semantics = [#tpu.dimension_semantics<arbitrary>], iteration_bounds = array<i64: 40>, scalar_prefetch = 0 : i64, scratch_operands = 0 : i64, tpu.core_type = #tpu.core_type<tc>, window_params = [{transform_indices = @transform_0, window_bounds = array<i64: 1, 512, 64>}, {transform_indices = @transform_1, window_bounds = array<i64: 1, 512, 64>}, {transform_indices = @transform_2, window_bounds = array<i64: 512, 8>}, {transform_indices = @transform_3, window_bounds = array<i64: 1, 512, 64>}, {transform_indices = @transform_4, window_bounds = array<i64: 1, 512, 64>}, {pipeline_mode = #tpu.pipeline_mode<synchronous>, transform_indices = @transform_5, window_bounds = array<i64: 128, 128>}, {pipeline_mode = #tpu.pipeline_mode<synchronous>, transform_indices = @transform_6, window_bounds = array<i64: 128, 128>}, {pipeline_mode = #tpu.pipeline_mode<synchronous>, transform_indices = @transform_7, window_bounds = array<i64: 1, 128>}, {transform_indices = @transform_8, window_bounds = array<i64: 512, 128>}]} {
    %get3A = arith.constant 0 : index
    %get3A_0 = arith.constant 0 : index
    %get3A_1 = vector.load %arg3[%get3A, %get3A_0] : memref<512x8xf32, #tpu.memory_space<vmem>>, vector<512x1xf32>
    %max3A = arith.constant 1.000000e+00 : f32
    %max3A_2 = vector.broadcast %max3A : f32 to vector<512x1xf32>
    %max3A_3 = arith.maximumf %get3A_1, %max3A_2 : vector<512x1xf32>
    %div3A = arith.constant 1.000000e+00 : f32
    %div3A_4 = vector.broadcast %div3A : f32 to vector<512x1xf32>
    %div3A_5 = arith.divf %div3A_4, %max3A_3 : vector<512x1xf32>
    %get3A_6 = arith.constant 0 : index
    %get3A_7 = arith.constant 0 : index
    %get3A_8 = arith.constant 0 : index
    %get3A_9 = vector.load %arg1[%get3A_6, %get3A_7, %get3A_8] : memref<1x512x64xf32, #tpu.memory_space<vmem>>, vector<1x512x64xf32>
    %get3A_10 = vector.shape_cast %get3A_9 : vector<1x512x64xf32> to vector<512x64xf32>
    %mul3A = vector.broadcast %div3A_5 : vector<512x1xf32> to vector<512x64xf32>
    %mul3A_11 = arith.mulf %get3A_10, %mul3A : vector<512x64xf32>
    %get3A_12 = arith.constant 0 : index
    %get3A_13 = arith.constant 0 : index
    %get3A_14 = vector.load %arg6[%get3A_12, %get3A_13] : memref<128x128xf32, #tpu.memory_space<vmem>>, vector<64x128xf32>
    %dot_general3A = arith.constant dense<0.000000e+00> : vector<512x128xf32>
    %dot_general3A_15 = tpu.matmul %mul3A_11, %get3A_14, %dot_general3A {dimension_numbers = #tpu.dot_dimension_numbers<[1], [0], [0], [1], [0, 0, 1, 1], [], []>, transpose_lhs_hint = false} : vector<512x64xf32>, vector<64x128xf32>, vector<512x128xf32> -> vector<512x128xf32>
    %get3A_16 = arith.constant 0 : index
    %get3A_17 = arith.constant 0 : index
    %get3A_18 = arith.constant 0 : index
    %get3A_19 = vector.load %arg2[%get3A_16, %get3A_17, %get3A_18] : memref<1x512x64xf32, #tpu.memory_space<vmem>>, vector<1x512x64xf32>
    %get3A_20 = vector.shape_cast %get3A_19 : vector<1x512x64xf32> to vector<512x64xf32>
    %mul3A_21 = vector.broadcast %div3A_5 : vector<512x1xf32> to vector<512x64xf32>
    %mul3A_22 = arith.mulf %get3A_20, %mul3A_21 : vector<512x64xf32>
    %get3A_23 = arith.constant 64 : index
    %get3A_24 = arith.constant 0 : index
    %get3A_25 = vector.load %arg6[%get3A_23, %get3A_24] : memref<128x128xf32, #tpu.memory_space<vmem>>, vector<64x128xf32>
    %dot_general3A_26 = arith.constant dense<0.000000e+00> : vector<512x128xf32>
    %dot_general3A_27 = tpu.matmul %mul3A_22, %get3A_25, %dot_general3A_26 {dimension_numbers = #tpu.dot_dimension_numbers<[1], [0], [0], [1], [0, 0, 1, 1], [], []>, transpose_lhs_hint = false} : vector<512x64xf32>, vector<64x128xf32>, vector<512x128xf32> -> vector<512x128xf32>
    %add3A = arith.addf %dot_general3A_15, %dot_general3A_27 : vector<512x128xf32>
    %get3A_28 = arith.constant 0 : index
    %get3A_29 = arith.constant 0 : index
    %get3A_30 = arith.constant 0 : index
    %get3A_31 = vector.load %arg4[%get3A_28, %get3A_29, %get3A_30] : memref<1x512x64xf32, #tpu.memory_space<vmem>>, vector<1x512x64xf32>
    %get3A_32 = vector.shape_cast %get3A_31 : vector<1x512x64xf32> to vector<512x64xf32>
    %get3A_33 = arith.constant 0 : index
    %get3A_34 = arith.constant 0 : index
    %get3A_35 = vector.load %arg7[%get3A_33, %get3A_34] : memref<128x128xf32, #tpu.memory_space<vmem>>, vector<64x128xf32>
    %dot_general3A_36 = arith.constant dense<0.000000e+00> : vector<512x128xf32>
    %dot_general3A_37 = tpu.matmul %get3A_32, %get3A_35, %dot_general3A_36 {dimension_numbers = #tpu.dot_dimension_numbers<[1], [0], [0], [1], [0, 0, 1, 1], [], []>, transpose_lhs_hint = false} : vector<512x64xf32>, vector<64x128xf32>, vector<512x128xf32> -> vector<512x128xf32>
    %add3A_38 = arith.addf %add3A, %dot_general3A_37 : vector<512x128xf32>
    %get3A_39 = arith.constant 0 : index
    %get3A_40 = arith.constant 0 : index
    %get3A_41 = arith.constant 0 : index
    %get3A_42 = vector.load %arg5[%get3A_39, %get3A_40, %get3A_41] : memref<1x512x64xf32, #tpu.memory_space<vmem>>, vector<1x512x64xf32>
    %get3A_43 = vector.shape_cast %get3A_42 : vector<1x512x64xf32> to vector<512x64xf32>
    %get3A_44 = arith.constant 64 : index
    %get3A_45 = arith.constant 0 : index
    %get3A_46 = vector.load %arg7[%get3A_44, %get3A_45] : memref<128x128xf32, #tpu.memory_space<vmem>>, vector<64x128xf32>
    %dot_general3A_47 = arith.constant dense<0.000000e+00> : vector<512x128xf32>
    %dot_general3A_48 = tpu.matmul %get3A_43, %get3A_46, %dot_general3A_47 {dimension_numbers = #tpu.dot_dimension_numbers<[1], [0], [0], [1], [0, 0, 1, 1], [], []>, transpose_lhs_hint = false} : vector<512x64xf32>, vector<64x128xf32>, vector<512x128xf32> -> vector<512x128xf32>
    %add3A_49 = arith.addf %add3A_38, %dot_general3A_48 : vector<512x128xf32>
    %get3A_50 = arith.constant 0 : index
    %get3A_51 = arith.constant 0 : index
    %get3A_52 = vector.load %arg8[%get3A_50, %get3A_51] : memref<1x128xf32, #tpu.memory_space<vmem>>, vector<1x128xf32>
    %add3A_53 = vector.broadcast %get3A_52 : vector<1x128xf32> to vector<512x128xf32>
    %add3A_54 = arith.addf %add3A_49, %add3A_53 : vector<512x128xf32>
    %gt3A = arith.constant 0.000000e+00 : f32
    %gt3A_55 = vector.broadcast %gt3A : f32 to vector<512x128xf32>
    %gt3A_56 = arith.cmpf ogt, %add3A_54, %gt3A_55 : vector<512x128xf32>
    %exp3A = math.exp %add3A_54 : vector<512x128xf32>
    %sub3A = arith.constant 1.000000e+00 : f32
    %sub3A_57 = vector.broadcast %sub3A : f32 to vector<512x128xf32>
    %sub3A_58 = arith.subf %exp3A, %sub3A_57 : vector<512x128xf32>
    %select_n3A = arith.select %gt3A_56, %add3A_54, %sub3A_58 : vector<512x128xi1>, vector<512x128xf32>
    %swap3A = arith.constant 0 : index
    %swap3A_59 = arith.constant 0 : index
    %swap3A_60 = vector.load %arg9[%swap3A, %swap3A_59] : memref<512x128xf32, #tpu.memory_space<vmem>>, vector<512x128xf32>
    tpu.vector_store %arg9[%swap3A, %swap3A_59], %select_n3A {strides = array<i32>} : memref<512x128xf32, #tpu.memory_space<vmem>>, vector<512x128xf32>,
    return
  }
  func.func @transform_0(%arg0: i32) -> (i32, i32, i32) {
    %c0_i32 = arith.constant 0 : i32
    %c0_i32_0 = arith.constant 0 : i32
    %c0_i32_1 = arith.constant 0 : i32
    return %c0_i32, %arg0, %c0_i32_0 : i32, i32, i32
  }
  func.func @transform_1(%arg0: i32) -> (i32, i32, i32) {
    %c1_i32 = arith.constant 1 : i32
    %c0_i32 = arith.constant 0 : i32
    %c0_i32_0 = arith.constant 0 : i32
    return %c1_i32, %arg0, %c0_i32 : i32, i32, i32
  }
  func.func @transform_2(%arg0: i32) -> (i32, i32) {
    %c0_i32 = arith.constant 0 : i32
    %c0_i32_0 = arith.constant 0 : i32
    return %arg0, %c0_i32 : i32, i32
  }
  func.func @transform_3(%arg0: i32) -> (i32, i32, i32) {
    %c0_i32 = arith.constant 0 : i32
    %c0_i32_0 = arith.constant 0 : i32
    %c0_i32_1 = arith.constant 0 : i32
    return %c0_i32, %arg0, %c0_i32_0 : i32, i32, i32
  }
  func.func @transform_4(%arg0: i32) -> (i32, i32, i32) {
    %c1_i32 = arith.constant 1 : i32
    %c0_i32 = arith.constant 0 : i32
    %c0_i32_0 = arith.constant 0 : i32
    return %c1_i32, %arg0, %c0_i32 : i32, i32, i32
  }
  func.func @transform_5(%arg0: i32) -> (i32, i32) {
    %c0_i32 = arith.constant 0 : i32
    %c0_i32_0 = arith.constant 0 : i32
    %c0_i32_1 = arith.constant 0 : i32
    return %c0_i32, %c0_i32_0 : i32, i32
  }
  func.func @transform_6(%arg0: i32) -> (i32, i32) {
    %c0_i32 = arith.constant 0 : i32
    %c0_i32_0 = arith.constant 0 : i32
    %c0_i32_1 = arith.constant 0 : i32
    return %c0_i32, %c0_i32_0 : i32, i32
  }
  func.func @transform_7(%arg0: i32) -> (i32, i32) {
    %c0_i32 = arith.constant 0 : i32
    %c0_i32_0 = arith.constant 0 : i32
    %c0_i32_1 = arith.constant 0 : i32
    return %c0_i32, %c0_i32_0 : i32, i32
  }
  func.func @transform_8(%arg0: i32) -> (i32, i32) {
    %c0_i32 = arith.constant 0 : i32
    %c0_i32_0 = arith.constant 0 : i32
    return %arg0, %c0_i32 : i32, i32
  }
}

module attributes {stable_mosaic.version = 14 : i64} {
  func.func @body(%arg0: i32, %arg1: memref<1x512x64xf32, #tpu.memory_space<vmem>>, %arg2: memref<1x512x64xf32, #tpu.memory_space<vmem>>, %arg3: memref<512x8xf32, #tpu.memory_space<vmem>>, %arg4: memref<1x512x64xf32, #tpu.memory_space<vmem>>, %arg5: memref<1x512x64xf32, #tpu.memory_space<vmem>>, %arg6: memref<128x128xf32, #tpu.memory_space<vmem>>, %arg7: memref<128x128xf32, #tpu.memory_space<vmem>>, %arg8: memref<1x128xf32, #tpu.memory_space<vmem>>, %arg9: memref<512x128xf32, #tpu.memory_space<vmem>>) attributes {dimension_semantics = [#tpu.dimension_semantics<arbitrary>], iteration_bounds = array<i64: 20>, scalar_prefetch = 0 : i64, scratch_operands = 0 : i64, tpu.core_type = #tpu.core_type<tc>, window_params = [{transform_indices = @transform_0, window_bounds = array<i64: 1, 512, 64>}, {transform_indices = @transform_1, window_bounds = array<i64: 1, 512, 64>}, {transform_indices = @transform_2, window_bounds = array<i64: 512, 8>}, {transform_indices = @transform_3, window_bounds = array<i64: 1, 512, 64>}, {transform_indices = @transform_4, window_bounds = array<i64: 1, 512, 64>}, {pipeline_mode = #tpu.pipeline_mode<synchronous>, transform_indices = @transform_5, window_bounds = array<i64: 128, 128>}, {pipeline_mode = #tpu.pipeline_mode<synchronous>, transform_indices = @transform_6, window_bounds = array<i64: 128, 128>}, {pipeline_mode = #tpu.pipeline_mode<synchronous>, transform_indices = @transform_7, window_bounds = array<i64: 1, 128>}, {transform_indices = @transform_8, window_bounds = array<i64: 512, 128>}]} {
    %get3A = arith.constant 0 : index
    %get3A_0 = arith.constant 0 : index
    %get3A_1 = vector.load %arg3[%get3A, %get3A_0] : memref<512x8xf32, #tpu.memory_space<vmem>>, vector<512x1xf32>
    %max3A = arith.constant 1.000000e+00 : f32
    %max3A_2 = vector.broadcast %max3A : f32 to vector<512x1xf32>
    %max3A_3 = arith.maximumf %get3A_1, %max3A_2 : vector<512x1xf32>
    %div3A = arith.constant 1.000000e+00 : f32
    %div3A_4 = vector.broadcast %div3A : f32 to vector<512x1xf32>
    %div3A_5 = arith.divf %div3A_4, %max3A_3 : vector<512x1xf32>
    %get3A_6 = arith.constant 0 : index
    %get3A_7 = arith.constant 0 : index
    %get3A_8 = arith.constant 0 : index
    %get3A_9 = vector.load %arg1[%get3A_6, %get3A_7, %get3A_8] : memref<1x512x64xf32, #tpu.memory_space<vmem>>, vector<1x512x64xf32>
    %get3A_10 = vector.shape_cast %get3A_9 : vector<1x512x64xf32> to vector<512x64xf32>
    %mul3A = vector.broadcast %div3A_5 : vector<512x1xf32> to vector<512x64xf32>
    %mul3A_11 = arith.mulf %get3A_10, %mul3A : vector<512x64xf32>
    %get3A_12 = arith.constant 0 : index
    %get3A_13 = arith.constant 0 : index
    %get3A_14 = vector.load %arg6[%get3A_12, %get3A_13] : memref<128x128xf32, #tpu.memory_space<vmem>>, vector<64x128xf32>
    %dot_general3A = arith.constant dense<0.000000e+00> : vector<512x128xf32>
    %dot_general3A_15 = tpu.matmul %mul3A_11, %get3A_14, %dot_general3A {dimension_numbers = #tpu.dot_dimension_numbers<[1], [0], [0], [1], [0, 0, 1, 1], [], []>, transpose_lhs_hint = false} : vector<512x64xf32>, vector<64x128xf32>, vector<512x128xf32> -> vector<512x128xf32>
    %get3A_16 = arith.constant 0 : index
    %get3A_17 = arith.constant 0 : index
    %get3A_18 = arith.constant 0 : index
    %get3A_19 = vector.load %arg2[%get3A_16, %get3A_17, %get3A_18] : memref<1x512x64xf32, #tpu.memory_space<vmem>>, vector<1x512x64xf32>
    %get3A_20 = vector.shape_cast %get3A_19 : vector<1x512x64xf32> to vector<512x64xf32>
    %mul3A_21 = vector.broadcast %div3A_5 : vector<512x1xf32> to vector<512x64xf32>
    %mul3A_22 = arith.mulf %get3A_20, %mul3A_21 : vector<512x64xf32>
    %get3A_23 = arith.constant 64 : index
    %get3A_24 = arith.constant 0 : index
    %get3A_25 = vector.load %arg6[%get3A_23, %get3A_24] : memref<128x128xf32, #tpu.memory_space<vmem>>, vector<64x128xf32>
    %dot_general3A_26 = arith.constant dense<0.000000e+00> : vector<512x128xf32>
    %dot_general3A_27 = tpu.matmul %mul3A_22, %get3A_25, %dot_general3A_26 {dimension_numbers = #tpu.dot_dimension_numbers<[1], [0], [0], [1], [0, 0, 1, 1], [], []>, transpose_lhs_hint = false} : vector<512x64xf32>, vector<64x128xf32>, vector<512x128xf32> -> vector<512x128xf32>
    %add3A = arith.addf %dot_general3A_15, %dot_general3A_27 : vector<512x128xf32>
    %get3A_28 = arith.constant 0 : index
    %get3A_29 = arith.constant 0 : index
    %get3A_30 = arith.constant 0 : index
    %get3A_31 = vector.load %arg4[%get3A_28, %get3A_29, %get3A_30] : memref<1x512x64xf32, #tpu.memory_space<vmem>>, vector<1x512x64xf32>
    %get3A_32 = vector.shape_cast %get3A_31 : vector<1x512x64xf32> to vector<512x64xf32>
    %get3A_33 = arith.constant 0 : index
    %get3A_34 = arith.constant 0 : index
    %get3A_35 = vector.load %arg7[%get3A_33, %get3A_34] : memref<128x128xf32, #tpu.memory_space<vmem>>, vector<64x128xf32>
    %dot_general3A_36 = arith.constant dense<0.000000e+00> : vector<512x128xf32>
    %dot_general3A_37 = tpu.matmul %get3A_32, %get3A_35, %dot_general3A_36 {dimension_numbers = #tpu.dot_dimension_numbers<[1], [0], [0], [1], [0, 0, 1, 1], [], []>, transpose_lhs_hint = false} : vector<512x64xf32>, vector<64x128xf32>, vector<512x128xf32> -> vector<512x128xf32>
    %add3A_38 = arith.addf %add3A, %dot_general3A_37 : vector<512x128xf32>
    %get3A_39 = arith.constant 0 : index
    %get3A_40 = arith.constant 0 : index
    %get3A_41 = arith.constant 0 : index
    %get3A_42 = vector.load %arg5[%get3A_39, %get3A_40, %get3A_41] : memref<1x512x64xf32, #tpu.memory_space<vmem>>, vector<1x512x64xf32>
    %get3A_43 = vector.shape_cast %get3A_42 : vector<1x512x64xf32> to vector<512x64xf32>
    %get3A_44 = arith.constant 64 : index
    %get3A_45 = arith.constant 0 : index
    %get3A_46 = vector.load %arg7[%get3A_44, %get3A_45] : memref<128x128xf32, #tpu.memory_space<vmem>>, vector<64x128xf32>
    %dot_general3A_47 = arith.constant dense<0.000000e+00> : vector<512x128xf32>
    %dot_general3A_48 = tpu.matmul %get3A_43, %get3A_46, %dot_general3A_47 {dimension_numbers = #tpu.dot_dimension_numbers<[1], [0], [0], [1], [0, 0, 1, 1], [], []>, transpose_lhs_hint = false} : vector<512x64xf32>, vector<64x128xf32>, vector<512x128xf32> -> vector<512x128xf32>
    %add3A_49 = arith.addf %add3A_38, %dot_general3A_48 : vector<512x128xf32>
    %get3A_50 = arith.constant 0 : index
    %get3A_51 = arith.constant 0 : index
    %get3A_52 = vector.load %arg8[%get3A_50, %get3A_51] : memref<1x128xf32, #tpu.memory_space<vmem>>, vector<1x128xf32>
    %add3A_53 = vector.broadcast %get3A_52 : vector<1x128xf32> to vector<512x128xf32>
    %add3A_54 = arith.addf %add3A_49, %add3A_53 : vector<512x128xf32>
    %reduce_max3A = arith.constant dense<0xFF800000> : vector<512xf32>
    %reduce_max3A_55 = vector.multi_reduction <maximumf>, %add3A_54, %reduce_max3A [1] : vector<512x128xf32> to vector<512xf32>
    %broadcast_in_dim3A = vector.shape_cast %reduce_max3A_55 : vector<512xf32> to vector<512x1xf32>
    %sub3A = vector.broadcast %broadcast_in_dim3A : vector<512x1xf32> to vector<512x128xf32>
    %sub3A_56 = arith.subf %add3A_54, %sub3A : vector<512x128xf32>
    %exp3A = math.exp %sub3A_56 : vector<512x128xf32>
    %reduce_sum3A = arith.constant dense<0.000000e+00> : vector<512xf32>
    %reduce_sum3A_57 = vector.multi_reduction <add>, %exp3A, %reduce_sum3A [1] : vector<512x128xf32> to vector<512xf32>
    %broadcast_in_dim3A_58 = vector.shape_cast %reduce_sum3A_57 : vector<512xf32> to vector<512x1xf32>
    %log3A = math.log %broadcast_in_dim3A_58 : vector<512x1xf32>
    %add3A_59 = arith.addf %broadcast_in_dim3A, %log3A : vector<512x1xf32>
    %sub3A_60 = vector.broadcast %add3A_59 : vector<512x1xf32> to vector<512x128xf32>
    %sub3A_61 = arith.subf %add3A_54, %sub3A_60 : vector<512x128xf32>
    %swap3A = arith.constant 0 : index
    %swap3A_62 = arith.constant 0 : index
    %swap3A_63 = vector.load %arg9[%swap3A, %swap3A_62] : memref<512x128xf32, #tpu.memory_space<vmem>>, vector<512x128xf32>
    tpu.vector_store %arg9[%swap3A, %swap3A_62], %sub3A_61 {strides = array<i32>} : memref<512x128xf32, #tpu.memory_space<vmem>>, vector<512x128xf32>,
    return
  }
  func.func @transform_0(%arg0: i32) -> (i32, i32, i32) {
    %c0_i32 = arith.constant 0 : i32
    %c0_i32_0 = arith.constant 0 : i32
    %c0_i32_1 = arith.constant 0 : i32
    return %c0_i32, %arg0, %c0_i32_0 : i32, i32, i32
  }
  func.func @transform_1(%arg0: i32) -> (i32, i32, i32) {
    %c1_i32 = arith.constant 1 : i32
    %c0_i32 = arith.constant 0 : i32
    %c0_i32_0 = arith.constant 0 : i32
    return %c1_i32, %arg0, %c0_i32 : i32, i32, i32
  }
  func.func @transform_2(%arg0: i32) -> (i32, i32) {
    %c0_i32 = arith.constant 0 : i32
    %c0_i32_0 = arith.constant 0 : i32
    return %arg0, %c0_i32 : i32, i32
  }
  func.func @transform_3(%arg0: i32) -> (i32, i32, i32) {
    %c0_i32 = arith.constant 0 : i32
    %c0_i32_0 = arith.constant 0 : i32
    %c0_i32_1 = arith.constant 0 : i32
    return %c0_i32, %arg0, %c0_i32_0 : i32, i32, i32
  }
  func.func @transform_4(%arg0: i32) -> (i32, i32, i32) {
    %c1_i32 = arith.constant 1 : i32
    %c0_i32 = arith.constant 0 : i32
    %c0_i32_0 = arith.constant 0 : i32
    return %c1_i32, %arg0, %c0_i32 : i32, i32, i32
  }
  func.func @transform_5(%arg0: i32) -> (i32, i32) {
    %c0_i32 = arith.constant 0 : i32
    %c0_i32_0 = arith.constant 0 : i32
    %c0_i32_1 = arith.constant 0 : i32
    return %c0_i32, %c0_i32_0 : i32, i32
  }
  func.func @transform_6(%arg0: i32) -> (i32, i32) {
    %c0_i32 = arith.constant 0 : i32
    %c0_i32_0 = arith.constant 0 : i32
    %c0_i32_1 = arith.constant 0 : i32
    return %c0_i32, %c0_i32_0 : i32, i32
  }
  func.func @transform_7(%arg0: i32) -> (i32, i32) {
    %c0_i32 = arith.constant 0 : i32
    %c0_i32_0 = arith.constant 0 : i32
    %c0_i32_1 = arith.constant 0 : i32
    return %c0_i32, %c0_i32_0 : i32, i32
  }
  func.func @transform_8(%arg0: i32) -> (i32, i32) {
    %c0_i32 = arith.constant 0 : i32
    %c0_i32_0 = arith.constant 0 : i32
    return %arg0, %c0_i32 : i32, i32
  }
}

</mosaic_0001>

<sc_bundles>
// kernel: kernel.10.cloned.1.call-start
scs
__scs_entry_jumppad:
0x0: {  	(pc) =	sbr.rel $0x88, $3  }
0x1: {  	(tag) =	ssettag $0x0;
	lr =	simm.s32 $0x1  }
0x2: {  	[smem:$0x3F95] =	sst lr;
	_ =	strace $0xD0000000  }
0x3: {  	_ = 	snop  }
0x4: {  	_ = 	snop  }
0x5: {  	_ = 	snop  }
0x6: {  	_ = 	snop  }
0x7: {  	_ = 	snop  }
__scs_overlays_trampoline_lowered:
0x8: {  	[smem:$0x3FA4] =	sst s0  }
0x9: {  	[smem:$0x3FA5] =	sst s1  }
0xa: {  	[smem:$0x3FA6] =	sst s2  }
0xb: {  	[smem:$0x3FA7] =	sst s3  }
0xc: {  	[smem:$0x3FA8] =	sst s4  }
0xd: {  	[smem:$0x3FA9] =	sst s5  }
0xe: {  	[smem:$0x3FAA] =	sst s6  }
0xf: {  	[smem:$0x3FAB] =	sst s7  }
0x10: {  	[smem:$0x3FAC] =	sst s8  }
0x11: {  	[smem:$0x3FAD] =	sst s9;
	s0 =	simm.s32 @!p0 $0x0  }
0x12: {  	s1 =	sld [smem:$0x3F93];
	s0 =	simm.s32 @p0 $0x1  }
0x13: {  	[smem:$0x3FAE] =	sst s0;
	s0 =	simm.s32 @!p1 $0x0  }
0x14: {  	s2 =	sld [smem:$0x3F92];
	s0 =	simm.s32 @p1 $0x1  }
0x15: {  	[smem:$0x3FAF] =	sst s0;
	s0 =	simm.s32 @!p2 $0x0  }
0x16: {  	s3 =	sld [smem:$0x3FDB];
	s0 =	simm.s32 @p2 $0x1  }
0x17: {  	s4 =	simm.s32 $0x1BF5;
	[smem:$0x3FB1] =	sst s0  }
0x18: {  	s0 =	sld [smem:$0x3F94];
	_ =	swait.ge [sflag:s4], $0x0  }
0x19: {  	s7 =	sld [smem:$0x3F95]  }
0x1a: {  	s8 =	sadd.s32 $0xFFFFE003, lr  }
0x1b: {  	s9 =	sadd.s32 $0xFFFFFEF7, lr;
	s5 =	simm.s32 $0xFFFFFFFF;
	p2 =	slt.u32 s8, $0xFFFFF086  }
0x1c: {  	p1 =	slt.u32 s9, $0xF7A;
	s5 =	simm.s32 @!p2 $0x0  }
0x1d: {  	s5 =	simm.s32 @p1 $0x1;
	p0 =	seq.s32 s7, s2  }
0x1e: {  	s7 =	smul.u32 @!p0 $0xF7A, s2;
	p2 =	seq.s32 @!p0 s5, $0x0  }
0x1f: {  	s9 =	smul.u32 $0xF7A, s1;
	s8 =	simm.s32 @!p0 $0x1BF5;
	p2 =	por !p2, p0  }
0x20: {  	[sflag:s8] =	ssyncset.s32 @!p0 $0xFFFFF086;
	s6 =	sadd.s32 @!p0 s3, s7;
	s7 =	simm.s32 @!p0 $0x108  }
0x21: {  	s3 =	sadd.s32 s3, s9;
	s6 =	sadd.s32 @!p0 $0x88, s6;
	s7 =	simm.s32 @p2 $0x1082  }
0x22: {  	[simem:s7], [sflag:s8] =	dma.local @!p0 [hbm:s6], $0xF7A  }
0x23: {  	s9 =	sor.u32 $0xD0000000, s2;
	s6 =	simm.s32 $0x108;
	_ =	swait.ge @!p0 [sflag:s8], $0x0  }
0x24: {  	s3 =	sadd.s32 $0x88, s3;
	s6 =	simm.s32 @!p1 $0x1082;
	[sflag:s4] =	ssyncset.s32 $0xFFFFF086  }
0x25: {  	[simem:s6], [sflag:s4] =	dma.local [hbm:s3], $0xF7A  }
0x26: {  	[smem:$0x3F95] =	sst s1;
	(tag) =	ssettag s2;
	_ =	strace s9  }
0x27: {  	s1 =	sld [smem:$0x3FA5]  }
0x28: {  	s2 =	sld [smem:$0x3FA6]  }
0x29: {  	s4 =	sld [smem:$0x3FA8]  }
0x2a: {  	p0 =	seq.s32 s5, $0x0;
	s5 =	sld [smem:$0x3FA9]  }
0x2b: {  	s6 =	sld [smem:$0x3FAA]  }
0x2c: {  	s7 =	sld [smem:$0x3FAB]  }
0x2d: {  	s3 =	simm.s32 $0x108;
	s8 =	sld [smem:$0x3FAC]  }
0x2e: {  	s3 =	simm.s32 @!p0 $0x1082;
	s9 =	sld [smem:$0x3FAD]  }
0x2f: {  	lr =	sadd.s32 s0, s3;
	s0 =	sld [smem:$0x3FA4]  }
0x30: {  	s3 =	sld [smem:$0x3FA7]  }
0x31: {  	[smem:$0x3FB0] =	sst s10  }
0x32: {  	s10 =	sld [smem:$0x3FAE];
	_ =	sdelay $0x3  }
0x33: {  	p0 =	seq.s32 s10, $0x1;
	s10 =	sld [smem:$0x3FB0];
	_ =	sdelay $0x3  }
0x34: {  	[smem:$0x3FB0] =	sst s10  }
0x35: {  	s10 =	sld [smem:$0x3FAF];
	_ =	sdelay $0x3  }
0x36: {  	p1 =	seq.s32 s10, $0x1;
	s10 =	sld [smem:$0x3FB0];
	_ =	sdelay $0x3  }
0x37: {  	[smem:$0x3FB0] =	sst s10  }
0x38: {  	s10 =	sld [smem:$0x3FB1]  }
0x39: {  	_ = 	snop;
	(pc) =	sbr.ind lr, $3  }
0x3a: {  	_ = 	snop  }
0x3b: {  	_ = 	snop  }
0x3c: {  	p2 =	seq.s32 s10, $0x1;
	s10 =	sld [smem:$0x3FB0]  }
0x3d: {  	_ =	shalt  }
0x3e: {  	_ =	shalt  }
0x3f: {  	_ =	shalt  }
0x40: {  	_ =	shalt  }
0x41: {  	_ =	shalt  }
0x42: {  	_ =	shalt  }
0x43: {  	_ =	shalt  }
0x44: {  	_ =	shalt  }
0x45: {  	_ =	shalt  }
0x46: {  	_ =	shalt  }
0x47: {  	_ =	shalt  }
0x48: {  	_ =	shalt  }
0x49: {  	_ =	shalt  }
0x4a: {  	_ =	shalt  }
0x4b: {  	_ =	shalt  }
0x4c: {  	_ =	shalt  }
0x4d: {  	_ =	shalt  }
0x4e: {  	_ =	shalt  }
0x4f: {  	_ =	shalt  }
0x50: {  	_ =	shalt  }
0x51: {  	_ =	shalt  }
0x52: {  	_ =	shalt  }
0x53: {  	_ =	shalt  }
0x54: {  	_ =	shalt  }
0x55: {  	_ =	shalt  }
0x56: {  	_ =	shalt  }
0x57: {  	_ =	shalt  }
0x58: {  	_ =	shalt  }
0x59: {  	_ =	shalt  }
0x5a: {  	_ =	shalt  }
0x5b: {  	_ =	shalt  }
0x5c: {  	_ =	shalt  }
0x5d: {  	_ =	shalt  }
0x5e: {  	_ =	shalt  }
0x5f: {  	_ =	shalt  }
0x60: {  	_ =	shalt  }
0x61: {  	_ =	shalt  }
0x62: {  	_ =	shalt  }
0x63: {  	_ =	shalt  }
0x64: {  	_ =	shalt  }
0x65: {  	_ =	shalt  }
0x66: {  	_ =	shalt  }
0x67: {  	_ =	shalt  }
0x68: {  	_ =	shalt  }
0x69: {  	_ =	shalt  }
0x6a: {  	_ =	shalt  }
0x6b: {  	_ =	shalt  }
0x6c: {  	_ =	shalt  }
0x6d: {  	_ =	shalt  }
0x6e: {  	_ =	shalt  }
0x6f: {  	_ =	shalt  }
0x70: {  	_ =	shalt  }
0x71: {  	_ =	shalt  }
0x72: {  	_ =	shalt  }
0x73: {  	_ =	shalt  }
0x74: {  	_ =	shalt  }
0x75: {  	_ =	shalt  }
0x76: {  	_ =	shalt  }
0x77: {  	_ =	shalt  }
0x78: {  	_ =	shalt  }
0x79: {  	_ =	shalt  }
0x7a: {  	_ =	shalt  }
0x7b: {  	_ =	shalt  }
0x7c: {  	_ =	shalt  }
0x7d: {  	_ =	shalt  }
0x7e: {  	_ =	shalt  }
0x7f: {  	_ =	shalt  }
0x80: {  	_ =	shalt  }
0x81: {  	_ =	shalt  }
0x82: {  	_ =	shalt  }
0x83: {  	_ =	shalt  }
0x84: {  	_ =	shalt  }
0x85: {  	_ =	shalt  }
0x86: {  	_ =	shalt  }
0x87: {  	_ =	shalt  }
.Lfunc_end0:
.L_simem_size_0:
called_computation.1_lowered:
.L_overlay_start_0:
0x88: {  	s2 =	sld [smem:$0x3FD9]  }
0x89: {  	s3 =	sld [smem:$0x3FFE];
	_ =	sdelay $0x1  }
0x8a: {  	s1 =	srdreg.scid  }
0x8b: {  	s0 =	sand.u32 $0x1, s1  }
0x8c: {  	s17 =	sshll.u32 s0, $0xA;
	s2 =	sadd.s32 s3, s2  }
0x8d: {  	s2 =	sadd.s32 s2, s17  }
0x8e: {  	[smem:$0x3FBC] =	sst s2  }
0x8f: {  	_ = 	snop  }
0x90: {  	s2 =	sld [smem:$0x3FD0];
	(tm) =	ssettm $0x1  }
0x91: {  	s18 =	sld [smem:$0x3FFB];
	_ =	sdelay $0x3  }
0x92: {  	_ =	strace s18  }
0x93: {  	s3 =	sld [smem:$0x3FFC];
	_ =	sdelay $0x3  }
0x94: {  	_ =	strace s3  }
0x95: {  	s3 =	sld [smem:$0x3FFD];
	_ =	sdelay $0x3  }
0x96: {  	_ =	strace s3  }
0x97: {  	_ =	strace $0x8FFFFFFF  }
0x98: {  	s19 =	sld [smem:$0x3FDB];
	_ =	sdelay $0x1  }
0x99: {  	s4 =	simm.s32 $_scs_section_size  }
0x9a: {  	s5 =	simm.s32 $_size__tile_overlayer_lowered;
	s6 =	simm.s32 $_tile_overlayer_lowered  }
0x9b: {  	s22 =	simm.s32 $0x1BFF;
	s21 =	sshll.u32 s6, $0x1;
	s3 =	sadd.s32 s4, s19  }
0x9c: {  	s7 =	simm.s32 $0x0;
	s20 =	sshll.u32 s5, $0x1;
	s5 =	sadd.s32 s21, s3  }
0x9d: {  	[timem:s7], [sflag:s22] =	dma.local [hbm:s5], s20  }
0x9e: {  	_ =	swait.ge [sflag:s22], s20  }
0x9f: {  	s4 =	ssub.s32 $0x0, s20;
	[sflag:s22] =	ssyncset.done $0x0  }
0xa0: {  	[sflag:s22] =	ssyncadd.s32 s4;
	_ =	sdelay $0x1  }
0xa1: {  	s23 =	simm.s32 $0x1B8B  }
0xa2: {  	_ =	swait.ge [sflag:s23], $0x1  }
0xa3: {  	[sflag:s23] =	ssyncset.done $0x0  }
0xa4: {  	s25 =	simm.s32 $0x1B8E;
	s24 =	sld [smem:$0x3FFE];
	[sflag:s23] =	ssyncadd.s32 $0xFFFFFFFF  }
0xa5: {  	s26 =	simm.s32 $execute0_lowered;
	[smem:$0x3FD2] =	sst s25  }
0xa6: {  	s5 =	sshll.u32 s26, $0x1;
	_ =	strace $0x80000049;
	[dreg:$0x1] =	wrdreg $0xFFFFFFFF  }
0xa7: {  	s28 =	simm.s32 $_size_execute0_lowered;
	s3 =	sadd.s32 s3, s5;
	[dreg:$0x0] =	wrdreg $0x0  }
0xa8: {  	s5 =	sshll.u32 s28, $0x1;
	[dreg:$0x2] =	wrdreg s3  }
0xa9: {  	[dreg:$0x3] =	wrdreg s5  }
0xaa: {  	[dreg:$0x4] =	wrdreg $0xC0  }
0xab: {  	_ =	task [dreg:s7], $0x5FFFF  }
0xac: {  	[dreg:$0x1] =	wrdreg $0xFFFFFFFF  }
0xad: {  	[dreg:$0x0] =	wrdreg $0x60  }
0xae: {  	[dreg:$0x2] =	wrdreg s24  }
0xaf: {  	[dreg:$0x3] =	wrdreg s2  }
0xb0: {  	[dreg:$0x4] =	wrdreg $0x94000  }
0xb1: {  	[dreg:$0x5] =	wrdreg $0x1D4000  }
0xb2: {  	[dreg:$0x6] =	wrdreg $0x9  }
0xb3: {  	_ =	task.clear_ibuf [dreg:s7], $0x7FFFF;
	_ =	strace $0x90000049  }
0xb4: {  	s29 =	simm.s32 $0x9;
	_ =	strace $0x8000004B  }
0xb5: {  	_ =	swait.ge [sflag:s29], $0x1  }
0xb6: {  	[sflag:s29] =	ssyncadd.s32 $0xFFFFFFFF  }
0xb7: {  	_ =	strace $0x9000004B  }
0xb8: {  	_ =	sfence  }
0xb9: {  	s30 =	sld [smem:$0x0];
	_ =	sdelay $0x2  }
0xba: {  	s31 =	sshll.u32 s1, $0xD;
	s1 =	sshrl.u32 s1, $0x2  }
0xbb: {  	s3 =	sand.u32 $0x4000, s31;
	s1 =	sadd.s32 s1, s30  }
0xbc: {  	s0 =	sor.u32 s3, s0;
	s1 =	sshll.u32 s1, $0x11  }
0xbd: {  	s0 =	sor.u32 s1, s0  }
0xbe: {  	s0 =	sadd.s32 $0x8F2B, s0  }
0xbf: {  	[sflag:s0] =	ssyncadd.remote.s32 $0x1  }
0xc0: {  	_ =	sfence.sel $0xFFFF  }
0xc1: {  	[dreg:$0x0] =	wrdreg $0xFFFFFFFF;
	(pc) =	sbr.abs _section_cstart, $3  }
0xc2: {  	[dreg:$0x1] =	wrdreg $0xFFFFFFFF  }
0xc3: {  	_ =	task.clear_ibuf [dreg:s7], $0x2FFFF;
	_ =	strace $0x9FFFFFFF  }
0xc4: {  	(tm) =	ssettm $0x7FFFFFFF  }
0xc5: {  	_ =	shalt  }
tec
execute0_lowered:
.L_overlay_start_1:
0x0: {  	(tag) =	ssettag $0x1  }
0x1: {  	s0 =	rddreg [dreg:$0x0]  }
0x2: {  	s2 =	rddreg [dreg:$0x1]  }
0x3: {  	s3 =	rddreg [dreg:$0x2]  }
0x4: {  	s4 =	rddreg [dreg:$0x3];
	s7 =	stileid.u32  }
0x5: {  	s1 =	srdreg.scid;
	s5 =	smul.u32 $0x500, s7  }
0x6: {  	s8 =	simm.s32 $0x0;
	s6 =	sand.u32 $0x1, s1;
	s16 =	smul.u32 $0x14000, s7  }
0x7: {  	[smem:$0x7FF] =	sst s8;
	s23 =	sadd.s32 $0x12E800, s0;
	s17 =	smul.u32 $0x140000, s6  }
0x8: {  	_ =	strace $0x8000004A;
	s9 =	ssub.s32 $0x2, s6;
	p0 =	sne.s32 s6, $0x0  }
0x9: {  	s19 =	sshrl.u32 s5, $0x3;
	s21 =	sshrl.u32 s9, $0x1;
	s11 =	sor.u32 $0x80, s5  }
0xa: {  	s12 =	sadd.s32 $0x100, s5;
	s13 =	sadd.s32 $0x180, s5;
	s14 =	sadd.s32 $0x200, s5  }
0xb: {  	s15 =	sadd.s32 $0x280, s5;
	s8 =	sadd.s32 $0x380, s5;
	s10 =	sadd.s32 $0x400, s5  }
0xc: {  	s20 =	sadd.s32 s16, s17;
	s1 =	sadd.s32 s19, s0;
	s19 =	sshll.u32 s11, $0x6  }
0xd: {  	s11 =	sshll.u32 s11, $0x3;
	[smem:$0x7F1] =	sst s1;
	s18 =	sshrl.u32 s20, $0x3  }
0xe: {  	s1 =	ssub.s32 s9, s21;
	s20 =	sshll.u32 s12, $0x6;
	s21 =	sshll.u32 s13, $0x6  }
0xf: {  	s9 =	sadd.s32 $0x300, s5;
	s22 =	sadd.s32 s17, s19;
	s5 =	sadd.s32 $0x480, s5  }
0x10: {  	s19 =	sadd.s32 s19, s3;
	s12 =	sshll.u32 s12, $0x3;
	s11 =	sadd.s32 s11, s4  }
0x11: {  	s13 =	sshll.u32 s13, $0x3;
	[smem:$0x7F2] =	sst s1;
	s22 =	sshrl.u32 s22, $0x3  }
0x12: {  	s24 =	sadd.s32 s17, s20;
	s25 =	sadd.s32 s17, s21;
	[dreg:$0x10] =	wrdreg s19  }
0x13: {  	s20 =	sadd.s32 s20, s3;
	s19 =	sadd.s32 s21, s3;
	s12 =	sadd.s32 s12, s4  }
0x14: {  	s13 =	sadd.s32 s13, s4;
	s22 =	sadd.s32 s23, s22;
	[dreg:$0x11] =	wrdreg s20  }
0x15: {  	s24 =	sshrl.u32 s24, $0x3;
	s26 =	sshrl.u32 s25, $0x3;
	[dreg:$0x12] =	wrdreg s19  }
0x16: {  	s20 =	smul.u32 $0xA000, s7;
	[dreg:$0x5] =	wrdreg s22;
	s22 =	sadd.s32 s23, s24  }
0x17: {  	s25 =	sadd.s32 s23, s26;
	s24 =	sshll.u32 s15, $0x6;
	[dreg:$0x6] =	wrdreg s22  }
0x18: {  	s15 =	sshll.u32 s15, $0x3;
	[dreg:$0x7] =	wrdreg s25;
	s22 =	sshll.u32 s14, $0x6  }
0x19: {  	s25 =	sshll.u32 s9, $0x6;
	s28 =	sadd.s32 s17, s24;
	s14 =	sshll.u32 s14, $0x3  }
0x1a: {  	s15 =	sadd.s32 s15, s4;
	s9 =	sshll.u32 s9, $0x3;
	s26 =	sadd.s32 s17, s22  }
0x1b: {  	s29 =	sadd.s32 s17, s25;
	s1 =	sshrl.u32 s28, $0x3;
	s21 =	sadd.s32 s22, s3  }
0x1c: {  	s22 =	sadd.s32 s24, s3;
	s24 =	sadd.s32 s25, s3;
	[dreg:$0x13] =	wrdreg s21  }
0x1d: {  	s14 =	sadd.s32 s14, s4;
	s9 =	sadd.s32 s9, s4;
	[dreg:$0x14] =	wrdreg s22  }
0x1e: {  	s26 =	sshrl.u32 s26, $0x3;
	s28 =	sshrl.u32 s29, $0x3;
	[dreg:$0x15] =	wrdreg s24  }
0x1f: {  	s29 =	sshll.u32 s5, $0x6;
	s21 =	sadd.s32 $0xD3C00, s0;
	s22 =	sld [smem:$0x7F1]  }
0x20: {  	s5 =	sshll.u32 s5, $0x3;
	s26 =	sadd.s32 s23, s26;
	[dreg:$0x1a] =	wrdreg s21  }
0x21: {  	s19 =	sadd.s32 s29, s3;
	s5 =	sadd.s32 s5, s4;
	[dreg:$0x8] =	wrdreg s26  }
0x22: {  	s26 =	sadd.s32 s23, s1;
	s1 =	smul.u32 $0x2800, s7;
	[dreg:$0x18] =	wrdreg s19  }
0x23: {  	s7 =	simm.s32 $0x5000;
	[dreg:$0x9] =	wrdreg s26;
	s26 =	sadd.s32 s23, s28  }
0x24: {  	s28 =	sshll.u32 s10, $0x6;
	[dreg:$0xa] =	wrdreg s26;
	s26 =	sshll.u32 s8, $0x6  }
0x25: {  	s10 =	sshll.u32 s10, $0x3;
	s31 =	sadd.s32 s17, s28;
	s25 =	sadd.s32 s26, s3  }
0x26: {  	s30 =	sadd.s32 s17, s26;
	s26 =	sadd.s32 s28, s3;
	[dreg:$0x16] =	wrdreg s25  }
0x27: {  	s17 =	sadd.s32 s17, s29;
	s30 =	sshrl.u32 s30, $0x3;
	[dreg:$0x17] =	wrdreg s26  }
0x28: {  	s17 =	sshrl.u32 s17, $0x3;
	s26 =	sld [smem:$0x7F2];
	s30 =	sadd.s32 s23, s30  }
0x29: {  	s31 =	sshrl.u32 s31, $0x3;
	s17 =	sadd.s32 s23, s17;
	[dreg:$0xb] =	wrdreg s30  }
0x2a: {  	s8 =	sshll.u32 s8, $0x3;
	s30 =	sadd.s32 s23, s31;
	[dreg:$0xd] =	wrdreg s17  }
0x2b: {  	s28 =	sadd.s32 $0x3C00, s0;
	s23 =	sadd.s32 s23, s18;
	[dreg:$0xc] =	wrdreg s30  }
0x2c: {  	s17 =	sadd.s32 s18, s0;
	[dreg:$0xe] =	wrdreg s23;
	s23 =	sshrl.u32 s1, $0x3  }
0x2d: {  	s24 =	sadd.s32 $0xDE800, s17;
	s18 =	sadd.s32 s23, s0;
	s23 =	sadd.s32 s16, s3  }
0x2e: {  	s16 =	sshrl.u32 s20, $0x2;
	s20 =	sadd.s32 $0x2200, s0;
	[dreg:$0x1d] =	wrdreg s24  }
0x2f: {  	s29 =	sadd.s32 $0xD4800, s0;
	s0 =	sadd.s32 $0xD3C80, s0;
	[dreg:$0x19] =	wrdreg s20  }
0x30: {  	s10 =	sadd.s32 s10, s4;
	[dreg:$0x1b] =	wrdreg s0;
	s0 =	sadd.s32 $0xD3E00, s22  }
0x31: {  	s8 =	sadd.s32 s8, s4;
	s25 =	sadd.s32 $0x17E800, s18;
	[dreg:$0x1c] =	wrdreg s0  }
0x32: {  	s16 =	sadd.s32 s16, s4;
	[dreg:$0x1e] =	wrdreg s25;
	s0 =	smax.u32 s26, $0x1  }
0x33: {  	s31 =	simm.s32 $0x5;
	[dreg:$0x1f] =	wrdreg s0;
	s0 =	sshrl.u32 @!p0 s16, $0x3  }
0x34: {  	s1 =	sadd.s32 s1, s4;
	[smem:$0x7F3] =	sst s0;
	s0 =	sshrl.u32 @!p0 s11, $0x3  }
0x35: {  	s30 =	simm.s32 $0x3000;
	[smem:$0x7F4] =	sst s0;
	s0 =	sshrl.u32 @!p0 s12, $0x3  }
0x36: {  	s24 =	simm.s32 $0x9;
	s12 =	smov.u32 s23;
	[smem:$0x7F5] =	sst s0  }
0x37: {  	s25 =	simm.s32 $0x800;
	s0 =	sshrl.u32 @!p0 s13, $0x3;
	[dreg:$0xf] =	wrdreg s12  }
0x38: {  	s26 =	simm.s32 $0x80;
	[smem:$0x7F6] =	sst s0;
	s0 =	sshrl.u32 @!p0 s14, $0x3  }
0x39: {  	s11 =	simm.s32 $0x0;
	[smem:$0x7F7] =	sst s0;
	s0 =	sshrl.u32 @!p0 s15, $0x3  }
0x3a: {  	s23 =	simm.s32 $0x1000;
	[smem:$0x7F8] =	sst s0;
	s0 =	sshrl.u32 @!p0 s9, $0x3  }
0x3b: {  	s13 =	simm.s32 $0x0;
	[smem:$0x7F9] =	sst s0;
	s0 =	sshrl.u32 @!p0 s8, $0x3  }
0x3c: {  	s9 =	simm.s32 $0x7000;
	[smem:$0x7FA] =	sst s0;
	s0 =	sshrl.u32 @!p0 s10, $0x3  }
0x3d: {  	s8 =	simm.s32 $0x6;
	[smem:$0x7FB] =	sst s0;
	s0 =	sshrl.u32 @!p0 s5, $0x3  }
0x3e: {  	s5 =	stileid.u32;
	[smem:$0x7FC] =	sst s0;
	s0 =	sshrl.u32 @!p0 s1, $0x3  }
0x3f: {  	v0 =	vmov s6;
	s10 =	simm.s32 $0x7;
	s22 =	smul.u32 $0x5000, s5;
	[smem:$0x7FD] =	sst s0  }
.LBB2_1:
0x40: {  	[smem:$0x7F0] =	sst s13  }
0x41: {  	s0 =	rddreg [dreg:$0x19]  }
0x42: {  	[tilespmem:s23], [sflag:$0x9] =	stream.linear.gather [hbm4b:s0+s11], $0x2000, $0x38;
	[tilespmem:$0x1FC00] =	vst v63  }
0x43: {  	_ =	swait.ge [sflag:s24], $0x2000  }
0x44: {  	[sflag:s24] =	ssyncset.done $0x0  }
0x45: {  	[sflag:s24] =	ssyncadd.s32 $0xFFFFE000  }
0x46: {  	[spmem:s12] =	stream.linear.scatter [tilespmem:s23], [sflag:$0x9], $0x2000, $0x38;
	[tilespmem:$0x1FC00] =	vst v63  }
0x47: {  	_ =	swait.ge [sflag:s24], $0x2000  }
0x48: {  	[sflag:s24] =	ssyncset.done $0x0  }
0x49: {  	s1 =	rddreg [dreg:$0x10];
	[sflag:s24] =	ssyncadd.s32 $0xFFFFE000  }
0x4a: {  	[spmem:s1] =	stream.linear.scatter [tilespmem:s23], [sflag:$0x9], $0x2000, $0x38;
	[tilespmem:$0x1FC00] =	vst v63  }
0x4b: {  	_ =	swait.ge [sflag:s24], $0x2000  }
0x4c: {  	[sflag:s24] =	ssyncset.done $0x0  }
0x4d: {  	s12 =	rddreg [dreg:$0x11];
	[sflag:s24] =	ssyncadd.s32 $0xFFFFE000  }
0x4e: {  	[spmem:s12] =	stream.linear.scatter [tilespmem:s23], [sflag:$0x9], $0x2000, $0x38;
	[tilespmem:$0x1FC00] =	vst v63  }
0x4f: {  	_ =	swait.ge [sflag:s24], $0x2000  }
0x50: {  	[sflag:s24] =	ssyncset.done $0x0  }
0x51: {  	s13 =	rddreg [dreg:$0x12];
	[sflag:s24] =	ssyncadd.s32 $0xFFFFE000  }
0x52: {  	[spmem:s13] =	stream.linear.scatter [tilespmem:s23], [sflag:$0x9], $0x2000, $0x38;
	[tilespmem:$0x1FC00] =	vst v63  }
0x53: {  	_ =	swait.ge [sflag:s24], $0x2000  }
0x54: {  	[sflag:s24] =	ssyncset.done $0x0  }
0x55: {  	s14 =	rddreg [dreg:$0x13];
	[sflag:s24] =	ssyncadd.s32 $0xFFFFE000  }
0x56: {  	[spmem:s14] =	stream.linear.scatter [tilespmem:s23], [sflag:$0x9], $0x2000, $0x38;
	[tilespmem:$0x1FC00] =	vst v63  }
0x57: {  	_ =	swait.ge [sflag:s24], $0x2000  }
0x58: {  	[sflag:s24] =	ssyncset.done $0x0  }
0x59: {  	s15 =	rddreg [dreg:$0x14];
	[sflag:s24] =	ssyncadd.s32 $0xFFFFE000  }
0x5a: {  	[spmem:s15] =	stream.linear.scatter [tilespmem:s23], [sflag:$0x9], $0x2000, $0x38;
	[tilespmem:$0x1FC00] =	vst v63  }
0x5b: {  	_ =	swait.ge [sflag:s24], $0x2000  }
0x5c: {  	[sflag:s24] =	ssyncset.done $0x0  }
0x5d: {  	s16 =	rddreg [dreg:$0x15];
	[sflag:s24] =	ssyncadd.s32 $0xFFFFE000  }
0x5e: {  	[spmem:s16] =	stream.linear.scatter [tilespmem:s23], [sflag:$0x9], $0x2000, $0x38;
	[tilespmem:$0x1FC00] =	vst v63  }
0x5f: {  	_ =	swait.ge [sflag:s24], $0x2000  }
0x60: {  	[sflag:s24] =	ssyncset.done $0x0  }
0x61: {  	s17 =	rddreg [dreg:$0x16];
	[sflag:s24] =	ssyncadd.s32 $0xFFFFE000  }
0x62: {  	[spmem:s17] =	stream.linear.scatter [tilespmem:s23], [sflag:$0x9], $0x2000, $0x38;
	[tilespmem:$0x1FC00] =	vst v63  }
0x63: {  	_ =	swait.ge [sflag:s24], $0x2000  }
0x64: {  	[sflag:s24] =	ssyncset.done $0x0  }
0x65: {  	s18 =	rddreg [dreg:$0x17];
	[sflag:s24] =	ssyncadd.s32 $0xFFFFE000  }
0x66: {  	[spmem:s18] =	stream.linear.scatter [tilespmem:s23], [sflag:$0x9], $0x2000, $0x38;
	[tilespmem:$0x1FC00] =	vst v63  }
0x67: {  	_ =	swait.ge [sflag:s24], $0x2000  }
0x68: {  	[sflag:s24] =	ssyncset.done $0x0  }
0x69: {  	s19 =	rddreg [dreg:$0x18];
	[sflag:s24] =	ssyncadd.s32 $0xFFFFE000  }
0x6a: {  	[spmem:s19] =	stream.linear.scatter [tilespmem:s23], [sflag:$0x9], $0x2000, $0x38;
	[tilespmem:$0x1FC00] =	vst v63  }
0x6b: {  	_ =	swait.ge [sflag:s24], $0x2000  }
0x6c: {  	s1 =	sshll.u32 @!p0 s5, $0x6;
	s5 =	sld [smem:$0x7F3]  }
0x6d: {  	[sflag:s24] =	ssyncset.done $0x0  }
0x6e: {  	s1 =	sor.u32 @!p0 $0x1C09, s1;
	s0 =	rddreg [dreg:$0x1b];
	[sflag:s24] =	ssyncadd.s32 $0xFFFFE000  }
0x6f: {  	[spmem:s5], [sflag:s1] =	dma.local @!p0 [hbm:s0], $0x80  }
0x70: {  	s5 =	simm.s32 @!p0 $0x9  }
0x71: {  	_ =	swait.ge @!p0 [sflag:s5], $0x80  }
0x72: {  	s12 =	sld [smem:$0x7F4]  }
0x73: {  	[sflag:s5] =	ssyncset.done @!p0 $0x0  }
0x74: {  	[sflag:s5] =	ssyncadd.s32 @!p0 $0xFFFFFF80  }
0x75: {  	[spmem:s12], [sflag:s1] =	dma.local @!p0 [hbm:s0], $0x80  }
0x76: {  	_ =	swait.ge @!p0 [sflag:s5], $0x80  }
0x77: {  	s12 =	sld [smem:$0x7F5]  }
0x78: {  	[sflag:s5] =	ssyncset.done @!p0 $0x0  }
0x79: {  	[sflag:s5] =	ssyncadd.s32 @!p0 $0xFFFFFF80  }
0x7a: {  	[spmem:s12], [sflag:s1] =	dma.local @!p0 [hbm:s0], $0x80  }
0x7b: {  	_ =	swait.ge @!p0 [sflag:s5], $0x80  }
0x7c: {  	s12 =	sld [smem:$0x7F6]  }
0x7d: {  	[sflag:s5] =	ssyncset.done @!p0 $0x0  }
0x7e: {  	[sflag:s5] =	ssyncadd.s32 @!p0 $0xFFFFFF80  }
0x7f: {  	[spmem:s12], [sflag:s1] =	dma.local @!p0 [hbm:s0], $0x80  }
0x80: {  	_ =	swait.ge @!p0 [sflag:s5], $0x80  }
0x81: {  	s12 =	sld [smem:$0x7F7]  }
0x82: {  	[sflag:s5] =	ssyncset.done @!p0 $0x0  }
0x83: {  	[sflag:s5] =	ssyncadd.s32 @!p0 $0xFFFFFF80  }
0x84: {  	[spmem:s12], [sflag:s1] =	dma.local @!p0 [hbm:s0], $0x80  }
0x85: {  	_ =	swait.ge @!p0 [sflag:s5], $0x80  }
0x86: {  	s12 =	sld [smem:$0x7F8]  }
0x87: {  	[sflag:s5] =	ssyncset.done @!p0 $0x0  }
0x88: {  	[sflag:s5] =	ssyncadd.s32 @!p0 $0xFFFFFF80  }
0x89: {  	[spmem:s12], [sflag:s1] =	dma.local @!p0 [hbm:s0], $0x80  }
0x8a: {  	_ =	swait.ge @!p0 [sflag:s5], $0x80  }
0x8b: {  	s12 =	sld [smem:$0x7F9]  }
0x8c: {  	[sflag:s5] =	ssyncset.done @!p0 $0x0  }
0x8d: {  	[sflag:s5] =	ssyncadd.s32 @!p0 $0xFFFFFF80  }
0x8e: {  	[spmem:s12], [sflag:s1] =	dma.local @!p0 [hbm:s0], $0x80  }
0x8f: {  	_ =	swait.ge @!p0 [sflag:s5], $0x80  }
0x90: {  	s12 =	sld [smem:$0x7FA]  }
0x91: {  	[sflag:s5] =	ssyncset.done @!p0 $0x0  }
0x92: {  	[sflag:s5] =	ssyncadd.s32 @!p0 $0xFFFFFF80  }
0x93: {  	[spmem:s12], [sflag:s1] =	dma.local @!p0 [hbm:s0], $0x80  }
0x94: {  	_ =	swait.ge @!p0 [sflag:s5], $0x80  }
0x95: {  	s12 =	sld [smem:$0x7FB]  }
0x96: {  	[sflag:s5] =	ssyncset.done @!p0 $0x0  }
0x97: {  	[sflag:s5] =	ssyncadd.s32 @!p0 $0xFFFFFF80  }
0x98: {  	[spmem:s12], [sflag:s1] =	dma.local @!p0 [hbm:s0], $0x80  }
0x99: {  	_ =	swait.ge @!p0 [sflag:s5], $0x80  }
0x9a: {  	s12 =	sld [smem:$0x7FC]  }
0x9b: {  	[sflag:s5] =	ssyncset.done @!p0 $0x0  }
0x9c: {  	[sflag:s5] =	ssyncadd.s32 @!p0 $0xFFFFFF80  }
0x9d: {  	[spmem:s12], [sflag:s1] =	dma.local @!p0 [hbm:s0], $0x80  }
0x9e: {  	_ =	swait.ge @!p0 [sflag:s5], $0x80  }
0x9f: {  	[sflag:s5] =	ssyncset.done @!p0 $0x0  }
0xa0: {  	s21 =	simm.s32 $0x9000;
	s20 =	rddreg [dreg:$0x1a];
	[sflag:s5] =	ssyncadd.s32 @!p0 $0xFFFFFF80  }
0xa1: {  	[tilespmem:s21], [sflag:$0x9] =	stream.linear.gather [hbm4b:s20+s11], $0x400, $0x38;
	[tilespmem:$0x1FC00] =	vst v63  }
0xa2: {  	_ =	swait.ge [sflag:s24], $0x400  }
0xa3: {  	[sflag:s24] =	ssyncset.done $0x0  }
0xa4: {  	[sflag:s24] =	ssyncadd.s32 $0xFFFFFC00  }
0xa5: {  	s16 =	simm.s32 $0x0;
	[bflag:$0x0] =	sbarrier.arrive $0xFFFF  }
.LBB2_2:
0xa6: {  	p1 =	seq.s32 s16, $0x0  }
0xa7: {  	s1 =	simm.s32 @!p1 $0x8  }
0xa8: {  	_ =	swait.ge @!p1 [sflag:s1], $0x2000  }
0xa9: {  	s5 =	simm.s32 @!p1 $0xF80;
	[sflag:s1] =	ssyncset.done @!p1 $0x0  }
0xaa: {  	s11 =	simm.s32 @!p1 $0x7000;
	[sflag:s1] =	ssyncadd.s32 @!p1 $0xFFFFE000;
	s1 =	simm.s32 @!p1 $0x80  }
0xab: {  	[spmem:s3] =	stream.indirect.scatter.add.f32 @!p1 [tilespmem:s11], [sflag:$0x9], $0x40, s5, s1, $0xb8;
	[tilespmem:$0x1FC00] =	vst v63  }
0xac: {  	p2 =	sne.s32 @!p1 s6, $0x0;
	s1 =	simm.s32 @!p1 $0x9  }
0xad: {  	p2 =	por p2, p1;
	_ =	swait.ge @!p1 [sflag:s1], $0x2000  }
0xae: {  	s5 =	simm.s32 @!p2 $0xF80;
	[sflag:s1] =	ssyncset.done @!p1 $0x0  }
0xaf: {  	s11 =	simm.s32 @!p2 $0x9000;
	[sflag:s1] =	ssyncadd.s32 @!p1 $0xFFFFE000;
	s1 =	simm.s32 @!p2 $0x80  }
0xb0: {  	[spmem:s4] =	stream.indirect.scatter.add.f32 @!p2 [tilespmem:s11], [sflag:$0x9], $0x8, s5, s1, $0xb8;
	[tilespmem:$0x1FC00] =	vst v63  }
0xb1: {  	s1 =	simm.s32 @!p2 $0x9  }
0xb2: {  	_ =	swait.ge @!p2 [sflag:s1], $0x400  }
0xb3: {  	[sflag:s1] =	ssyncset.done @!p2 $0x0  }
0xb4: {  	[sflag:s1] =	ssyncadd.s32 @!p2 $0xFFFFFC00;
	s1 =	simm.s32 @!p1 $0x1  }
0xb5: {  	_ =	swait.ge @!p1 [sflag:s1], $0x2000  }
0xb6: {  	[sflag:s1] =	ssyncset.done @!p1 $0x0  }
0xb7: {  	[sflag:s1] =	ssyncadd.s32 @!p1 $0xFFFFE000;
	s1 =	simm.s32 @!p1 $0x2  }
0xb8: {  	_ =	swait.ge @!p1 [sflag:s1], $0x2000  }
0xb9: {  	[sflag:s1] =	ssyncset.done @!p1 $0x0  }
0xba: {  	s19 =	sshll.u32 s16, $0xB;
	[sflag:s1] =	ssyncadd.s32 @!p1 $0xFFFFE000;
	s1 =	simm.s32 @!p1 $0x3  }
0xbb: {  	s5 =	sadd.s32 s22, s19;
	_ =	swait.ge @!p1 [sflag:s1], $0x2000  }
0xbc: {  	s5 =	sshrl.u32 s5, $0x3;
	[sflag:s1] =	ssyncset.done @!p1 $0x0  }
0xbd: {  	s14 =	simm.s32 $0x0;
	s20 =	sadd.s32 s2, s5;
	[sflag:s1] =	ssyncadd.s32 @!p1 $0xFFFFE000  }
0xbe: {  	[tilespmem:s14], [sflag:$0x9] =	stream.linear.gather [hbm4b:s20+s14], $0x800, $0x38;
	[tilespmem:$0x1FC00] =	vst v63  }
0xbf: {  	_ =	swait.ge [sflag:s24], $0x800  }
0xc0: {  	[sflag:s24] =	ssyncset.done $0x0  }
0xc1: {  	s21 =	sadd.s32 s29, s5;
	[sflag:s24] =	ssyncadd.s32 $0xFFFFF800  }
0xc2: {  	[tilespmem:s25], [sflag:$0x9] =	stream.linear.gather [hbm4b:s21+s14], $0x800, $0x38;
	[tilespmem:$0x1FC00] =	vst v63  }
0xc3: {  	_ =	swait.ge [sflag:s24], $0x800  }
0xc4: {  	[sflag:s24] =	ssyncset.done $0x0  }
0xc5: {  	s1 =	simm.s32 $0x0;
	[sflag:s24] =	ssyncadd.s32 $0xFFFFF800  }
0xc6: {  	v2 =	vld [tilespmem:s1+$0x0]  }
0xc7: {  	v3 =	vld [tilespmem:s1+$0x10]  }
0xc8: {  	v5 =	vld [tilespmem:s1+$0x20]  }
0xc9: {  	v4 =	vld [tilespmem:s1+$0x30]  }
0xca: {  	v1 =	vld [tilespmem:s1+$0x40]  }
0xcb: {  	v6 =	vshll.u32 v2, $0x1;
	v2 =	vld [tilespmem:s1+$0x50]  }
0xcc: {  	s5 =	simm.s32 $0x200;
	v7 =	vshll.u32 v3, $0x1;
	v3 =	vld [tilespmem:s1+$0x60];
	v6 =	vor.u32 v0, v6  }
.LBB2_3:
0xcd: {  	s11 =	sshra.s32 s5, $0x2;
	p1 =	sne.s32 s5, $0x1E00;
	[tilespmem:s1+$0x0] =	vst v6;
	v6 =	vor.u32 v0, v7;
	v5 =	vshll.u32 v5, $0x1;
	v7 =	vld [tilespmem:s1+$0x70]  }
0xce: {  	v8 =	vld [tilespmem:s11+$0x0];
	[tilespmem:s1+$0x10] =	vst v6;
	v5 =	vor.u32 v0, v5;
	v4 =	vshll.u32 v4, $0x1  }
0xcf: {  	v9 =	vld [tilespmem:s11+$0x10];
	[tilespmem:s1+$0x20] =	vst v5;
	v4 =	vor.u32 v0, v4;
	v1 =	vshll.u32 v1, $0x1  }
.Ltmp0:
0xd0: {  	v5 =	vld [tilespmem:s11+$0x20];
	[tilespmem:s1+$0x30] =	vst v4;
	v1 =	vor.u32 v0, v1;
	v2 =	vshll.u32 v2, $0x1;
	(pc) =	sbr.rel @p1 .LBB2_3-.Ltmp0, $4  }
0xd1: {  	v4 =	vld [tilespmem:s11+$0x30];
	[tilespmem:s1+$0x40] =	vst v1;
	v2 =	vor.u32 v0, v2;
	v3 =	vshll.u32 v3, $0x1  }
0xd2: {  	v1 =	vld [tilespmem:s11+$0x40];
	[tilespmem:s1+$0x50] =	vst v2;
	v3 =	vor.u32 v0, v3;
	v6 =	vshll.u32 v7, $0x1  }
0xd3: {  	v7 =	vshll.u32 v8, $0x1;
	v2 =	vld [tilespmem:s11+$0x50];
	[tilespmem:s1+$0x60] =	vst v3;
	v8 =	vor.u32 v0, v6  }
0xd4: {  	s5 =	sadd.s32 $0x200, s5;
	v6 =	vor.u32 v0, v7;
	v7 =	vshll.u32 v9, $0x1;
	v3 =	vld [tilespmem:s11+$0x60];
	[tilespmem:s1+$0x70] =	vst v8;
	s1 =	smov.u32 s11  }
0xd5: {  	[tilespmem:s1+$0x0] =	vst v6;
	v62 =	vor.u32 v0, v7;
	v5 =	vshll.u32 v5, $0x1;
	v63 =	vld [tilespmem:s1+$0x70]  }
0xd6: {  	[tilespmem:s1+$0x10] =	vst v62;
	v5 =	vor.u32 v0, v5;
	v4 =	vshll.u32 v4, $0x1  }
0xd7: {  	[tilespmem:s1+$0x20] =	vst v5;
	v4 =	vor.u32 v0, v4;
	v1 =	vshll.u32 v1, $0x1  }
0xd8: {  	[tilespmem:s1+$0x30] =	vst v4;
	v1 =	vor.u32 v0, v1;
	v2 =	vshll.u32 v2, $0x1  }
0xd9: {  	[tilespmem:s1+$0x40] =	vst v1;
	v1 =	vor.u32 v0, v2;
	v2 =	vshll.u32 v3, $0x1  }
0xda: {  	[tilespmem:s1+$0x50] =	vst v1;
	v1 =	vor.u32 v0, v2;
	v2 =	vshll.u32 v63, $0x1  }
0xdb: {  	p1 =	por $0x0, $0x0;
	[tilespmem:s1+$0x60] =	vst v1;
	v1 =	vor.u32 v0, v2  }
0xdc: {  	[tilespmem:s1+$0x70] =	vst v1;
	s1 =	simm.s32 @p1 $0x1  }
0xdd: {  	_ =	swait.ge @p1 [sflag:s1], $0x2000  }
0xde: {  	s5 =	simm.s32 @p1 $0x1000;
	s11 =	simm.s32 @p1 $0x8;
	[sflag:s1] =	ssyncset.done @p1 $0x0  }
0xdf: {  	s17 =	simm.s32 @p1 $0x80;
	[sflag:s1] =	ssyncadd.s32 @p1 $0xFFFFE000;
	s1 =	simm.s32 @p1 $0x0  }
0xe0: {  	[tilespmem:s5], [sflag:$0x5] =	stream.indirect.gather @p1 [hbm4b:s28+s17], $0x40, s1, s17, $0xb8;
	[tilespmem:$0x1FC00] =	vst v63  }
0xe1: {  	p2 =	sne.s32 @p1 s6, $0x0;
	_ =	swait.ge @p1 [sflag:s11], $0x2000  }
0xe2: {  	p2 =	por p2, !p1;
	[sflag:s11] =	ssyncset.done @p1 $0x0  }
0xe3: {  	s1 =	simm.s32 @p1 $0x780;
	s5 =	simm.s32 @p1 $0x7000;
	[sflag:s11] =	ssyncadd.s32 @p1 $0xFFFFE000  }
0xe4: {  	[spmem:s3] =	stream.indirect.scatter.add.f32 @p1 [tilespmem:s5], [sflag:$0x4], $0x40, s1, s17, $0xb8;
	[tilespmem:$0x1FC00] =	vst v63  }
0xe5: {  	s11 =	simm.s32 @!p2 $0x9000;
	s5 =	simm.s32 @!p2 $0x80;
	s17 =	simm.s32 @!p2 $0xA  }
0xe6: {  	[spmem:s4] =	stream.indirect.scatter.add.f32 @!p2 [tilespmem:s11], [sflag:$0xA], $0x8, s1, s5, $0xb8;
	[tilespmem:$0x1FC00] =	vst v63  }
0xe7: {  	_ =	swait.ge @!p2 [sflag:s17], $0x400  }
0xe8: {  	[sflag:s17] =	ssyncset.done @!p2 $0x0  }
0xe9: {  	s1 =	simm.s32 @p1 $0x2;
	[sflag:s17] =	ssyncadd.s32 @!p2 $0xFFFFFC00  }
0xea: {  	_ =	swait.ge @p1 [sflag:s1], $0x2000  }
0xeb: {  	s14 =	simm.s32 @!p1 $0x0;
	s5 =	simm.s32 @!p1 $0x1000;
	[sflag:s1] =	ssyncset.done @p1 $0x0  }
0xec: {  	s11 =	simm.s32 @!p1 $0x0;
	[sflag:s1] =	ssyncadd.s32 @p1 $0xFFFFE000;
	s1 =	simm.s32 @!p1 $0x80  }
0xed: {  	[tilespmem:s5], [sflag:$0x5] =	stream.indirect.gather @!p1 [hbm4b:s28+s1], $0x40, s11, s1, $0xb8;
	[tilespmem:$0x1FC00] =	vst v63  }
0xee: {  	s15 =	sor.u32 $0x80, s14  }
0xef: {  	[tilespmem:s30], [sflag:$0x6] =	stream.indirect.gather [hbm4b:s28+s26], $0x40, s15, s26, $0xb8;
	[tilespmem:$0x1FC00] =	vst v63  }
0xf0: {  	_ =	swait.ge [sflag:s31], $0x2000  }
0xf1: {  	[sflag:s31] =	ssyncset.done $0x0  }
0xf2: {  	s5 =	sadd.s32 $0x800, s14;
	[sflag:s31] =	ssyncadd.s32 $0xFFFFE000  }
0xf3: {  	[spmem:s3] =	stream.indirect.scatter.add.f32 [tilespmem:s23], [sflag:$0x1], $0x40, s5, s26, $0xb8;
	[tilespmem:$0x1FC00] =	vst v63  }
0xf4: {  	s20 =	simm.s32 @!p0 $0x80;
	s21 =	simm.s32 @!p0 $0x9000;
	s17 =	simm.s32 @!p0 $0xA  }
0xf5: {  	[spmem:s4] =	stream.indirect.scatter.add.f32 @!p0 [tilespmem:s21], [sflag:$0xA], $0x8, s5, s20, $0xb8;
	[tilespmem:$0x1FC00] =	vst v63  }
0xf6: {  	_ =	swait.ge @!p0 [sflag:s17], $0x400  }
0xf7: {  	p1 =	por $0x1, $0x1;
	[sflag:s17] =	ssyncset.done @!p0 $0x0  }
0xf8: {  	s5 =	simm.s32 @!p1 $0x3;
	[sflag:s17] =	ssyncadd.s32 @!p0 $0xFFFFFC00  }
0xf9: {  	_ =	swait.ge @!p1 [sflag:s5], $0x2000  }
0xfa: {  	[sflag:s5] =	ssyncset.done @!p1 $0x0  }
0xfb: {  	s18 =	sor.u32 $0x100, s14;
	[sflag:s5] =	ssyncadd.s32 @!p1 $0xFFFFE000  }
0xfc: {  	[tilespmem:s7], [sflag:$0x7] =	stream.indirect.gather [hbm4b:s28+s26], $0x40, s18, s26, $0xb8;
	[tilespmem:$0x1FC00] =	vst v63  }
0xfd: {  	_ =	swait.ge [sflag:s8], $0x2000  }
0xfe: {  	[sflag:s8] =	ssyncset.done $0x0  }
0xff: {  	s1 =	sadd.s32 $0x800, s15;
	[sflag:s8] =	ssyncadd.s32 $0xFFFFE000  }
0x100: {  	[spmem:s3] =	stream.indirect.scatter.add.f32 [tilespmem:s30], [sflag:$0x2], $0x40, s1, s26, $0xb8;
	[tilespmem:$0x1FC00] =	vst v63  }
0x101: {  	_ = 	snop  }
0x102: {  	[spmem:s4] =	stream.indirect.scatter.add.f32 @!p0 [tilespmem:s21], [sflag:$0xA], $0x8, s1, s20, $0xb8;
	[tilespmem:$0x1FC00] =	vst v63  }
0x103: {  	_ =	swait.ge @!p0 [sflag:s17], $0x400  }
0x104: {  	[sflag:s17] =	ssyncset.done @!p0 $0x0  }
0x105: {  	s1 =	simm.s32 @!p1 $0x4;
	[sflag:s17] =	ssyncadd.s32 @!p0 $0xFFFFFC00  }
0x106: {  	_ =	swait.ge @!p1 [sflag:s1], $0x2000  }
0x107: {  	[sflag:s1] =	ssyncset.done @!p1 $0x0  }
0x108: {  	s19 =	simm.s32 $0x180;
	[sflag:s1] =	ssyncadd.s32 @!p1 $0xFFFFE000  }
0x109: {  	[tilespmem:s9], [sflag:$0x8] =	stream.indirect.gather [hbm4b:s28+s26], $0x40, s19, s26, $0xb8;
	[tilespmem:$0x1FC00] =	vst v63  }
0x10a: {  	_ =	swait.ge [sflag:s10], $0x2000  }
0x10b: {  	[sflag:s10] =	ssyncset.done $0x0  }
0x10c: {  	s1 =	sadd.s32 $0x800, s18;
	[sflag:s10] =	ssyncadd.s32 $0xFFFFE000  }
0x10d: {  	[spmem:s3] =	stream.indirect.scatter.add.f32 [tilespmem:s7], [sflag:$0x3], $0x40, s1, s26, $0xb8;
	[tilespmem:$0x1FC00] =	vst v63  }
0x10e: {  	s14 =	simm.s32 @!p0 $0x9  }
0x10f: {  	[spmem:s4] =	stream.indirect.scatter.add.f32 @!p0 [tilespmem:s21], [sflag:$0x9], $0x8, s1, s20, $0xb8;
	[tilespmem:$0x1FC00] =	vst v63  }
0x110: {  	s11 =	simm.s32 $0x1000;
	_ =	swait.ge @!p0 [sflag:s14], $0x400  }
0x111: {  	s5 =	simm.s32 $0x200;
	s18 =	simm.s32 $0x800;
	[sflag:s14] =	ssyncset.done @!p0 $0x0  }
.LBB2_5:
0x112: {  	p2 =	sne.s32 s18, $0x0;
	[sflag:s14] =	ssyncadd.s32 @!p0 $0xFFFFFC00  }
0x113: {  	s1 =	smov.u32 s11;
	s11 =	sadd.s32 $0x800, s11;
	s19 =	smov.u32 s5  }
0x114: {  	p3 =	sne.s32 @p2 s6, $0x0;
	s12 =	simm.s32 @p2 $0x1;
	s19 =	simm.s32 @!p2 $0x0  }
0x115: {  	p1 =	sne.s32 s11, $0x2000;
	_ =	swait.ge @p2 [sflag:s12], $0x2000  }
0x116: {  	s13 =	simm.s32 @p2 $0x1000;
	s15 =	simm.s32 @p2 $0x8;
	[sflag:s12] =	ssyncset.done @p2 $0x0  }
0x117: {  	s0 =	simm.s32 @p2 $0x80;
	[sflag:s12] =	ssyncadd.s32 @p2 $0xFFFFE000;
	s12 =	sshra.s32 @p2 s18, $0x2  }
0x118: {  	[tilespmem:s13], [sflag:$0x5] =	stream.indirect.gather @p2 [hbm4b:s28+s0], $0x40, s12, s0, $0xb8;
	[tilespmem:$0x1FC00] =	vst v63  }
0x119: {  	_ =	swait.ge @p2 [sflag:s15], $0x2000  }
0x11a: {  	p3 =	por p3, !p2;
	[sflag:s15] =	ssyncset.done @p2 $0x0  }
0x11b: {  	s12 =	sadd.s32 @p2 $0x780, s12;
	s13 =	simm.s32 @p2 $0x7000;
	[sflag:s15] =	ssyncadd.s32 @p2 $0xFFFFE000  }
0x11c: {  	[spmem:s3] =	stream.indirect.scatter.add.f32 @p2 [tilespmem:s13], [sflag:$0x4], $0x40, s12, s0, $0xb8;
	[tilespmem:$0x1FC00] =	vst v63  }
0x11d: {  	s15 =	simm.s32 @!p3 $0xA;
	s0 =	simm.s32 @!p3 $0x80;
	s13 =	simm.s32 @!p3 $0x9000  }
0x11e: {  	[spmem:s4] =	stream.indirect.scatter.add.f32 @!p3 [tilespmem:s13], [sflag:$0xA], $0x8, s12, s0, $0xb8;
	[tilespmem:$0x1FC00] =	vst v63  }
0x11f: {  	_ =	swait.ge @!p3 [sflag:s15], $0x400  }
0x120: {  	[sflag:s15] =	ssyncset.done @!p3 $0x0  }
0x121: {  	s0 =	simm.s32 @p2 $0x2;
	[sflag:s15] =	ssyncadd.s32 @!p3 $0xFFFFFC00  }
0x122: {  	_ =	swait.ge @p2 [sflag:s0], $0x2000  }
0x123: {  	s12 =	simm.s32 @!p2 $0x1000;
	[sflag:s0] =	ssyncset.done @p2 $0x0  }
0x124: {  	s13 =	simm.s32 @!p2 $0x0;
	[sflag:s0] =	ssyncadd.s32 @p2 $0xFFFFE000;
	s0 =	simm.s32 @!p2 $0x80  }
0x125: {  	[tilespmem:s12], [sflag:$0x5] =	stream.indirect.gather @!p2 [hbm4b:s28+s0], $0x40, s13, s0, $0xb8;
	[tilespmem:$0x1FC00] =	vst v63  }
0x126: {  	s0 =	sor.u32 $0x80, s19  }
0x127: {  	[tilespmem:s30], [sflag:$0x6] =	stream.indirect.gather [hbm4b:s28+s26], $0x40, s0, s26, $0xb8;
	[tilespmem:$0x1FC00] =	vst v63  }
0x128: {  	_ =	swait.ge [sflag:s31], $0x2000  }
0x129: {  	[sflag:s31] =	ssyncset.done $0x0  }
0x12a: {  	s12 =	sadd.s32 $0x800, s19;
	[sflag:s31] =	ssyncadd.s32 $0xFFFFE000  }
0x12b: {  	[spmem:s3] =	stream.indirect.scatter.add.f32 [tilespmem:s23], [sflag:$0x1], $0x40, s12, s26, $0xb8;
	[tilespmem:$0x1FC00] =	vst v63  }
0x12c: {  	_ = 	snop  }
0x12d: {  	[spmem:s4] =	stream.indirect.scatter.add.f32 @!p0 [tilespmem:s21], [sflag:$0xA], $0x8, s12, s20, $0xb8;
	[tilespmem:$0x1FC00] =	vst v63  }
0x12e: {  	_ =	swait.ge @!p0 [sflag:s17], $0x400  }
0x12f: {  	p2 =	seq.s32 s18, $0x0;
	[sflag:s17] =	ssyncset.done @!p0 $0x0  }
0x130: {  	s12 =	simm.s32 @!p2 $0x3;
	[sflag:s17] =	ssyncadd.s32 @!p0 $0xFFFFFC00  }
0x131: {  	_ =	swait.ge @!p2 [sflag:s12], $0x2000  }
0x132: {  	[sflag:s12] =	ssyncset.done @!p2 $0x0  }
0x133: {  	[sflag:s12] =	ssyncadd.s32 @!p2 $0xFFFFE000;
	s12 =	sor.u32 $0x100, s19  }
0x134: {  	[tilespmem:s7], [sflag:$0x7] =	stream.indirect.gather [hbm4b:s28+s26], $0x40, s12, s26, $0xb8;
	[tilespmem:$0x1FC00] =	vst v63  }
0x135: {  	_ =	swait.ge [sflag:s8], $0x2000  }
0x136: {  	[sflag:s8] =	ssyncset.done $0x0  }
0x137: {  	s0 =	sadd.s32 $0x800, s0;
	[sflag:s8] =	ssyncadd.s32 $0xFFFFE000  }
0x138: {  	[spmem:s3] =	stream.indirect.scatter.add.f32 [tilespmem:s30], [sflag:$0x2], $0x40, s0, s26, $0xb8;
	[tilespmem:$0x1FC00] =	vst v63  }
0x139: {  	_ = 	snop  }
0x13a: {  	[spmem:s4] =	stream.indirect.scatter.add.f32 @!p0 [tilespmem:s21], [sflag:$0xA], $0x8, s0, s20, $0xb8;
	[tilespmem:$0x1FC00] =	vst v63  }
0x13b: {  	_ =	swait.ge @!p0 [sflag:s17], $0x400  }
0x13c: {  	[sflag:s17] =	ssyncset.done @!p0 $0x0  }
0x13d: {  	s0 =	simm.s32 @!p2 $0x4;
	[sflag:s17] =	ssyncadd.s32 @!p0 $0xFFFFFC00  }
0x13e: {  	_ =	swait.ge @!p2 [sflag:s0], $0x2000  }
0x13f: {  	s13 =	sshra.s32 s18, $0x2;
	s18 =	smov.u32 s1;
	[sflag:s0] =	ssyncset.done @!p2 $0x0  }
0x140: {  	[sflag:s0] =	ssyncadd.s32 @!p2 $0xFFFFE000;
	s0 =	sadd.s32 $0x180, s13  }
0x141: {  	[tilespmem:s9], [sflag:$0x8] =	stream.indirect.gather [hbm4b:s28+s26], $0x40, s0, s26, $0xb8;
	[tilespmem:$0x1FC00] =	vst v63  }
0x142: {  	_ =	swait.ge [sflag:s10], $0x2000  }
0x143: {  	[sflag:s10] =	ssyncset.done $0x0  }
0x144: {  	s0 =	sadd.s32 $0x800, s12;
	[sflag:s10] =	ssyncadd.s32 $0xFFFFE000  }
0x145: {  	[spmem:s3] =	stream.indirect.scatter.add.f32 [tilespmem:s7], [sflag:$0x3], $0x40, s0, s26, $0xb8;
	[tilespmem:$0x1FC00] =	vst v63  }
.Ltmp1:
0x146: {  	_ = 	snop;
	(pc) =	sbr.rel @p1 .LBB2_5-.Ltmp1, $4  }
0x147: {  	_ = 	snop  }
0x148: {  	[spmem:s4] =	stream.indirect.scatter.add.f32 @!p0 [tilespmem:s21], [sflag:$0x9], $0x8, s0, s20, $0xb8;
	[tilespmem:$0x1FC00] =	vst v63  }
0x149: {  	_ =	swait.ge @!p0 [sflag:s14], $0x400  }
0x14a: {  	s5 =	sadd.s32 $0x200, s5;
	[sflag:s14] =	ssyncset.done @!p0 $0x0  }
0x14b: {  	p1 =	sne.s32 s18, $0x0  }
0x14c: {  	[sflag:s14] =	ssyncadd.s32 @!p0 $0xFFFFFC00;
	s0 =	simm.s32 @p1 $0x1  }
0x14d: {  	_ =	swait.ge @p1 [sflag:s0], $0x2000  }
0x14e: {  	s1 =	simm.s32 @p1 $0x1000;
	s11 =	simm.s32 @p1 $0x8;
	[sflag:s0] =	ssyncset.done @p1 $0x0  }
0x14f: {  	s12 =	simm.s32 @p1 $0x80;
	[sflag:s0] =	ssyncadd.s32 @p1 $0xFFFFE000;
	s0 =	sshra.s32 @p1 s18, $0x2  }
0x150: {  	[tilespmem:s1], [sflag:$0x5] =	stream.indirect.gather @p1 [hbm4b:s28+s12], $0x40, s0, s12, $0xb8;
	[tilespmem:$0x1FC00] =	vst v63  }
0x151: {  	p2 =	sne.s32 @p1 s6, $0x0;
	_ =	swait.ge @p1 [sflag:s11], $0x2000  }
0x152: {  	p2 =	por p2, !p1;
	[sflag:s11] =	ssyncset.done @p1 $0x0  }
0x153: {  	s0 =	sadd.s32 @p1 $0x780, s0;
	s1 =	simm.s32 @p1 $0x7000;
	[sflag:s11] =	ssyncadd.s32 @p1 $0xFFFFE000  }
0x154: {  	[spmem:s3] =	stream.indirect.scatter.add.f32 @p1 [tilespmem:s1], [sflag:$0x4], $0x40, s0, s12, $0xb8;
	[tilespmem:$0x1FC00] =	vst v63  }
0x155: {  	s11 =	simm.s32 @!p2 $0x9000;
	s1 =	simm.s32 @!p2 $0x80;
	s12 =	simm.s32 @!p2 $0xA  }
0x156: {  	[spmem:s4] =	stream.indirect.scatter.add.f32 @!p2 [tilespmem:s11], [sflag:$0xA], $0x8, s0, s1, $0xb8;
	[tilespmem:$0x1FC00] =	vst v63  }
0x157: {  	_ =	swait.ge @!p2 [sflag:s12], $0x400  }
0x158: {  	[sflag:s12] =	ssyncset.done @!p2 $0x0  }
0x159: {  	s0 =	simm.s32 @p1 $0x2;
	[sflag:s12] =	ssyncadd.s32 @!p2 $0xFFFFFC00  }
0x15a: {  	_ =	swait.ge @p1 [sflag:s0], $0x2000  }
0x15b: {  	s5 =	simm.s32 @!p1 $0x0;
	s1 =	simm.s32 @!p1 $0x1000;
	[sflag:s0] =	ssyncset.done @p1 $0x0  }
0x15c: {  	s11 =	simm.s32 @!p1 $0x0;
	[sflag:s0] =	ssyncadd.s32 @p1 $0xFFFFE000;
	s0 =	simm.s32 @!p1 $0x80  }
0x15d: {  	[tilespmem:s1], [sflag:$0x5] =	stream.indirect.gather @!p1 [hbm4b:s28+s0], $0x40, s11, s0, $0xb8;
	[tilespmem:$0x1FC00] =	vst v63  }
0x15e: {  	s19 =	sor.u32 $0x80, s5  }
0x15f: {  	[tilespmem:s30], [sflag:$0x6] =	stream.indirect.gather [hbm4b:s28+s26], $0x40, s19, s26, $0xb8;
	[tilespmem:$0x1FC00] =	vst v63  }
0x160: {  	_ =	swait.ge [sflag:s31], $0x2000  }
0x161: {  	[sflag:s31] =	ssyncset.done $0x0  }
0x162: {  	s12 =	sadd.s32 $0x800, s5;
	[sflag:s31] =	ssyncadd.s32 $0xFFFFE000  }
0x163: {  	[spmem:s3] =	stream.indirect.scatter.add.f32 [tilespmem:s23], [sflag:$0x1], $0x40, s12, s26, $0xb8;
	[tilespmem:$0x1FC00] =	vst v63  }
0x164: {  	s13 =	simm.s32 @!p0 $0xA;
	s1 =	simm.s32 @!p0 $0x80;
	s11 =	simm.s32 @!p0 $0x9000  }
0x165: {  	[spmem:s4] =	stream.indirect.scatter.add.f32 @!p0 [tilespmem:s11], [sflag:$0xA], $0x8, s12, s1, $0xb8;
	[tilespmem:$0x1FC00] =	vst v63  }
0x166: {  	_ =	swait.ge @!p0 [sflag:s13], $0x400  }
0x167: {  	p1 =	seq.s32 s18, $0x0;
	[sflag:s13] =	ssyncset.done @!p0 $0x0  }
0x168: {  	s12 =	simm.s32 @!p1 $0x3;
	[sflag:s13] =	ssyncadd.s32 @!p0 $0xFFFFFC00  }
0x169: {  	_ =	swait.ge @!p1 [sflag:s12], $0x2000  }
0x16a: {  	[sflag:s12] =	ssyncset.done @!p1 $0x0  }
0x16b: {  	s5 =	sor.u32 $0x100, s5;
	[sflag:s12] =	ssyncadd.s32 @!p1 $0xFFFFE000  }
0x16c: {  	[tilespmem:s7], [sflag:$0x7] =	stream.indirect.gather [hbm4b:s28+s26], $0x40, s5, s26, $0xb8;
	[tilespmem:$0x1FC00] =	vst v63  }
0x16d: {  	_ =	swait.ge [sflag:s8], $0x2000  }
0x16e: {  	[sflag:s8] =	ssyncset.done $0x0  }
0x16f: {  	s0 =	sadd.s32 $0x800, s19;
	[sflag:s8] =	ssyncadd.s32 $0xFFFFE000  }
0x170: {  	[spmem:s3] =	stream.indirect.scatter.add.f32 [tilespmem:s30], [sflag:$0x2], $0x40, s0, s26, $0xb8;
	[tilespmem:$0x1FC00] =	vst v63  }
0x171: {  	_ = 	snop  }
0x172: {  	[spmem:s4] =	stream.indirect.scatter.add.f32 @!p0 [tilespmem:s11], [sflag:$0xA], $0x8, s0, s1, $0xb8;
	[tilespmem:$0x1FC00] =	vst v63  }
0x173: {  	_ =	swait.ge @!p0 [sflag:s13], $0x400  }
0x174: {  	[sflag:s13] =	ssyncset.done @!p0 $0x0  }
0x175: {  	s0 =	simm.s32 @!p1 $0x4;
	[sflag:s13] =	ssyncadd.s32 @!p0 $0xFFFFFC00  }
0x176: {  	_ =	swait.ge @!p1 [sflag:s0], $0x2000  }
0x177: {  	s20 =	sshra.s32 s18, $0x2;
	[sflag:s0] =	ssyncset.done @!p1 $0x0  }
0x178: {  	s21 =	sadd.s32 $0x180, s20;
	[sflag:s0] =	ssyncadd.s32 @!p1 $0xFFFFE000  }
0x179: {  	[tilespmem:s9], [sflag:$0x8] =	stream.indirect.gather [hbm4b:s28+s26], $0x40, s21, s26, $0xb8;
	[tilespmem:$0x1FC00] =	vst v63  }
0x17a: {  	_ =	swait.ge [sflag:s10], $0x2000  }
0x17b: {  	s16 =	sadd.s32 $0x1, s16;
	[sflag:s10] =	ssyncset.done $0x0  }
0x17c: {  	s0 =	sadd.s32 $0x800, s5;
	p1 =	sne.s32 s16, $0xA;
	[sflag:s10] =	ssyncadd.s32 $0xFFFFE000  }
0x17d: {  	[spmem:s3] =	stream.indirect.scatter.add.f32 [tilespmem:s7], [sflag:$0x3], $0x40, s0, s26, $0xb8;
	[tilespmem:$0x1FC00] =	vst v63  }
.Ltmp2:
0x17e: {  	s5 =	simm.s32 @!p0 $0x9;
	(pc) =	sbr.rel @p1 .LBB2_2-.Ltmp2, $4  }
0x17f: {  	[spmem:s4] =	stream.indirect.scatter.add.f32 @!p0 [tilespmem:s11], [sflag:$0x9], $0x8, s0, s1, $0xb8;
	[tilespmem:$0x1FC00] =	vst v63  }
0x180: {  	_ =	swait.ge @!p0 [sflag:s5], $0x400  }
0x181: {  	[sflag:s5] =	ssyncset.done @!p0 $0x0  }
0x182: {  	[sflag:s5] =	ssyncadd.s32 @!p0 $0xFFFFFC00  }
0x183: {  	s12 =	simm.s32 $0x8  }
0x184: {  	_ =	swait.ge [sflag:s12], $0x2000  }
0x185: {  	[sflag:s12] =	ssyncset.done $0x0  }
0x186: {  	s0 =	simm.s32 $0xF80;
	[sflag:s12] =	ssyncadd.s32 $0xFFFFE000  }
0x187: {  	[spmem:s3] =	stream.indirect.scatter.add.f32 [tilespmem:s9], [sflag:$0x9], $0x40, s0, s26, $0xb8;
	[tilespmem:$0x1FC00] =	vst v63  }
0x188: {  	_ =	swait.ge [sflag:s24], $0x2000  }
0x189: {  	[sflag:s24] =	ssyncset.done $0x0  }
0x18a: {  	s0 =	simm.s32 @!p0 $0xF80;
	[sflag:s24] =	ssyncadd.s32 $0xFFFFE000  }
0x18b: {  	[spmem:s4] =	stream.indirect.scatter.add.f32 @!p0 [tilespmem:s11], [sflag:$0x9], $0x8, s0, s1, $0xb8;
	[tilespmem:$0x1FC00] =	vst v63  }
0x18c: {  	_ =	swait.ge @!p0 [sflag:s5], $0x400  }
0x18d: {  	[sflag:s5] =	ssyncset.done @!p0 $0x0  }
0x18e: {  	s13 =	simm.s32 $0x1;
	[sflag:s5] =	ssyncadd.s32 @!p0 $0xFFFFFC00  }
0x18f: {  	_ =	swait.ge [sflag:s13], $0x2000  }
0x190: {  	[sflag:s13] =	ssyncset.done $0x0  }
0x191: {  	s14 =	simm.s32 $0x2;
	[sflag:s13] =	ssyncadd.s32 $0xFFFFE000  }
0x192: {  	_ =	swait.ge [sflag:s14], $0x2000  }
0x193: {  	[sflag:s14] =	ssyncset.done $0x0  }
0x194: {  	s15 =	simm.s32 $0x3;
	[sflag:s14] =	ssyncadd.s32 $0xFFFFE000  }
0x195: {  	_ =	swait.ge [sflag:s15], $0x2000  }
0x196: {  	[sflag:s15] =	ssyncset.done $0x0  }
0x197: {  	s20 =	simm.s32 $0x0;
	s21 =	rddreg [dreg:$0x1c];
	[sflag:s15] =	ssyncadd.s32 $0xFFFFE000  }
0x198: {  	[tilespmem:s20], [sflag:$0x9] =	stream.linear.gather [hbm4b:s21+s20], $0x500, $0x38;
	[tilespmem:$0x1FC00] =	vst v63  }
0x199: {  	_ =	swait.ge [sflag:s24], $0x500  }
0x19a: {  	[sflag:s24] =	ssyncset.done $0x0  }
0x19b: {  	s1 =	simm.s32 $0x0;
	[sflag:s24] =	ssyncadd.s32 $0xFFFFFB00  }
0x19c: {  	v2 =	vld [tilespmem:s1+$0x0]  }
0x19d: {  	v3 =	vld [tilespmem:s1+$0x10]  }
0x19e: {  	v5 =	vld [tilespmem:s1+$0x20]  }
0x19f: {  	v4 =	vld [tilespmem:s1+$0x30]  }
0x1a0: {  	v1 =	vld [tilespmem:s1+$0x40]  }
0x1a1: {  	v6 =	vshll.u32 v2, $0x1;
	v2 =	vld [tilespmem:s1+$0x50]  }
0x1a2: {  	s5 =	simm.s32 $0x200;
	v7 =	vshll.u32 v3, $0x1;
	v3 =	vld [tilespmem:s1+$0x60];
	v6 =	vor.u32 v0, v6  }
.LBB2_8:
0x1a3: {  	s0 =	sshra.s32 s5, $0x2;
	p1 =	sne.s32 s5, $0x1200;
	[tilespmem:s1+$0x0] =	vst v6;
	v6 =	vor.u32 v0, v7;
	v5 =	vshll.u32 v5, $0x1;
	v7 =	vld [tilespmem:s1+$0x70]  }
0x1a4: {  	v8 =	vld [tilespmem:s0+$0x0];
	[tilespmem:s1+$0x10] =	vst v6;
	v5 =	vor.u32 v0, v5;
	v4 =	vshll.u32 v4, $0x1  }
0x1a5: {  	v9 =	vld [tilespmem:s0+$0x10];
	[tilespmem:s1+$0x20] =	vst v5;
	v4 =	vor.u32 v0, v4;
	v1 =	vshll.u32 v1, $0x1  }
.Ltmp3:
0x1a6: {  	v5 =	vld [tilespmem:s0+$0x20];
	[tilespmem:s1+$0x30] =	vst v4;
	v1 =	vor.u32 v0, v1;
	v2 =	vshll.u32 v2, $0x1;
	(pc) =	sbr.rel @p1 .LBB2_8-.Ltmp3, $4  }
0x1a7: {  	v4 =	vld [tilespmem:s0+$0x30];
	[tilespmem:s1+$0x40] =	vst v1;
	v2 =	vor.u32 v0, v2;
	v3 =	vshll.u32 v3, $0x1  }
0x1a8: {  	v1 =	vld [tilespmem:s0+$0x40];
	[tilespmem:s1+$0x50] =	vst v2;
	v3 =	vor.u32 v0, v3;
	v6 =	vshll.u32 v7, $0x1  }
0x1a9: {  	v7 =	vshll.u32 v8, $0x1;
	v2 =	vld [tilespmem:s0+$0x50];
	[tilespmem:s1+$0x60] =	vst v3;
	v8 =	vor.u32 v0, v6  }
0x1aa: {  	s5 =	sadd.s32 $0x200, s5;
	v6 =	vor.u32 v0, v7;
	v7 =	vshll.u32 v9, $0x1;
	v3 =	vld [tilespmem:s0+$0x60];
	[tilespmem:s1+$0x70] =	vst v8;
	s1 =	smov.u32 s0  }
0x1ab: {  	[tilespmem:s1+$0x0] =	vst v6;
	v62 =	vor.u32 v0, v7;
	v5 =	vshll.u32 v5, $0x1;
	v63 =	vld [tilespmem:s1+$0x70]  }
0x1ac: {  	[tilespmem:s1+$0x10] =	vst v62;
	v5 =	vor.u32 v0, v5;
	v4 =	vshll.u32 v4, $0x1  }
0x1ad: {  	[tilespmem:s1+$0x20] =	vst v5;
	v4 =	vor.u32 v0, v4;
	v1 =	vshll.u32 v1, $0x1  }
0x1ae: {  	[tilespmem:s1+$0x30] =	vst v4;
	v1 =	vor.u32 v0, v1;
	v2 =	vshll.u32 v2, $0x1  }
0x1af: {  	[tilespmem:s1+$0x40] =	vst v1;
	v1 =	vor.u32 v0, v2;
	v2 =	vshll.u32 v3, $0x1  }
0x1b0: {  	[tilespmem:s1+$0x50] =	vst v1;
	v1 =	vor.u32 v0, v2;
	v2 =	vshll.u32 v63, $0x1  }
0x1b1: {  	[tilespmem:s1+$0x60] =	vst v1;
	v1 =	vor.u32 v0, v2  }
0x1b2: {  	s11 =	simm.s32 $0x0;
	[tilespmem:s1+$0x70] =	vst v1  }
0x1b3: {  	[tilespmem:s23], [sflag:$0x5] =	stream.indirect.gather [hbm4b:s28+s26], $0x40, s11, s26, $0xb8;
	[tilespmem:$0x1FC00] =	vst v63  }
0x1b4: {  	_ = 	snop  }
0x1b5: {  	[tilespmem:s30], [sflag:$0x6] =	stream.indirect.gather [hbm4b:s28+s26], $0x40, s26, s26, $0xb8;
	[tilespmem:$0x1FC00] =	vst v63  }
0x1b6: {  	_ =	swait.ge [sflag:s31], $0x2000  }
0x1b7: {  	[sflag:s31] =	ssyncset.done $0x0  }
0x1b8: {  	s0 =	rddreg [dreg:$0xe];
	[sflag:s31] =	ssyncadd.s32 $0xFFFFE000  }
0x1b9: {  	[hbm4b:s0+s11] =	stream.linear.scatter [tilespmem:s23], [sflag:$0x1], $0x2000, $0x38;
	[tilespmem:$0x1FC00] =	vst v63  }
0x1ba: {  	s5 =	simm.s32 $0x100  }
0x1bb: {  	[tilespmem:s7], [sflag:$0x7] =	stream.indirect.gather [hbm4b:s28+s26], $0x40, s5, s26, $0xb8;
	[tilespmem:$0x1FC00] =	vst v63  }
0x1bc: {  	_ =	swait.ge [sflag:s8], $0x2000  }
0x1bd: {  	[sflag:s8] =	ssyncset.done $0x0  }
0x1be: {  	s16 =	rddreg [dreg:$0x5];
	[sflag:s8] =	ssyncadd.s32 $0xFFFFE000  }
0x1bf: {  	[hbm4b:s16+s11] =	stream.linear.scatter [tilespmem:s30], [sflag:$0x2], $0x2000, $0x38;
	[tilespmem:$0x1FC00] =	vst v63  }
0x1c0: {  	s17 =	simm.s32 $0x180  }
0x1c1: {  	[tilespmem:s9], [sflag:$0x8] =	stream.indirect.gather [hbm4b:s28+s26], $0x40, s17, s26, $0xb8;
	[tilespmem:$0x1FC00] =	vst v63  }
0x1c2: {  	_ =	swait.ge [sflag:s10], $0x2000  }
0x1c3: {  	[sflag:s10] =	ssyncset.done $0x0  }
0x1c4: {  	s18 =	rddreg [dreg:$0x6];
	[sflag:s10] =	ssyncadd.s32 $0xFFFFE000  }
0x1c5: {  	[hbm4b:s18+s11] =	stream.linear.scatter [tilespmem:s7], [sflag:$0x3], $0x2000, $0x38;
	[tilespmem:$0x1FC00] =	vst v63  }
0x1c6: {  	_ =	swait.ge [sflag:s13], $0x2000  }
0x1c7: {  	[sflag:s13] =	ssyncset.done $0x0  }
0x1c8: {  	s19 =	simm.s32 $0x200;
	[sflag:s13] =	ssyncadd.s32 $0xFFFFE000  }
0x1c9: {  	[tilespmem:s23], [sflag:$0x5] =	stream.indirect.gather [hbm4b:s28+s26], $0x40, s19, s26, $0xb8;
	[tilespmem:$0x1FC00] =	vst v63  }
0x1ca: {  	_ =	swait.ge [sflag:s12], $0x2000  }
0x1cb: {  	[sflag:s12] =	ssyncset.done $0x0  }
0x1cc: {  	s20 =	rddreg [dreg:$0x7];
	[sflag:s12] =	ssyncadd.s32 $0xFFFFE000  }
0x1cd: {  	[hbm4b:s20+s11] =	stream.linear.scatter [tilespmem:s9], [sflag:$0x4], $0x2000, $0x38;
	[tilespmem:$0x1FC00] =	vst v63  }
0x1ce: {  	_ =	swait.ge [sflag:s14], $0x2000  }
0x1cf: {  	[sflag:s14] =	ssyncset.done $0x0  }
0x1d0: {  	s21 =	simm.s32 $0x280;
	[sflag:s14] =	ssyncadd.s32 $0xFFFFE000  }
0x1d1: {  	[tilespmem:s30], [sflag:$0x6] =	stream.indirect.gather [hbm4b:s28+s26], $0x40, s21, s26, $0xb8;
	[tilespmem:$0x1FC00] =	vst v63  }
0x1d2: {  	_ =	swait.ge [sflag:s31], $0x2000  }
0x1d3: {  	[sflag:s31] =	ssyncset.done $0x0  }
0x1d4: {  	s1 =	rddreg [dreg:$0x8];
	[sflag:s31] =	ssyncadd.s32 $0xFFFFE000  }
0x1d5: {  	[hbm4b:s1+s11] =	stream.linear.scatter [tilespmem:s23], [sflag:$0x1], $0x2000, $0x38;
	[tilespmem:$0x1FC00] =	vst v63  }
0x1d6: {  	_ =	swait.ge [sflag:s15], $0x2000  }
0x1d7: {  	[sflag:s15] =	ssyncset.done $0x0  }
0x1d8: {  	s5 =	simm.s32 $0x300;
	[sflag:s15] =	ssyncadd.s32 $0xFFFFE000  }
0x1d9: {  	[tilespmem:s7], [sflag:$0x7] =	stream.indirect.gather [hbm4b:s28+s26], $0x40, s5, s26, $0xb8;
	[tilespmem:$0x1FC00] =	vst v63  }
0x1da: {  	_ =	swait.ge [sflag:s8], $0x2000  }
0x1db: {  	[sflag:s8] =	ssyncset.done $0x0  }
0x1dc: {  	s17 =	simm.s32 $0x4;
	s16 =	rddreg [dreg:$0x9];
	[sflag:s8] =	ssyncadd.s32 $0xFFFFE000  }
0x1dd: {  	[hbm4b:s16+s11] =	stream.linear.scatter [tilespmem:s30], [sflag:$0x2], $0x2000, $0x38;
	[tilespmem:$0x1FC00] =	vst v63  }
0x1de: {  	_ =	swait.ge [sflag:s17], $0x2000  }
0x1df: {  	[sflag:s17] =	ssyncset.done $0x0  }
0x1e0: {  	s18 =	simm.s32 $0x380;
	[sflag:s17] =	ssyncadd.s32 $0xFFFFE000  }
0x1e1: {  	[tilespmem:s9], [sflag:$0x8] =	stream.indirect.gather [hbm4b:s28+s26], $0x40, s18, s26, $0xb8;
	[tilespmem:$0x1FC00] =	vst v63  }
0x1e2: {  	_ =	swait.ge [sflag:s10], $0x2000  }
0x1e3: {  	[sflag:s10] =	ssyncset.done $0x0  }
0x1e4: {  	s19 =	rddreg [dreg:$0xa];
	[sflag:s10] =	ssyncadd.s32 $0xFFFFE000  }
0x1e5: {  	[hbm4b:s19+s11] =	stream.linear.scatter [tilespmem:s7], [sflag:$0x3], $0x2000, $0x38;
	[tilespmem:$0x1FC00] =	vst v63  }
0x1e6: {  	_ =	swait.ge [sflag:s13], $0x2000  }
0x1e7: {  	[sflag:s13] =	ssyncset.done $0x0  }
0x1e8: {  	s20 =	simm.s32 $0x400;
	[sflag:s13] =	ssyncadd.s32 $0xFFFFE000  }
0x1e9: {  	[tilespmem:s23], [sflag:$0x5] =	stream.indirect.gather [hbm4b:s28+s26], $0x40, s20, s26, $0xb8;
	[tilespmem:$0x1FC00] =	vst v63  }
0x1ea: {  	_ =	swait.ge [sflag:s12], $0x2000  }
0x1eb: {  	[sflag:s12] =	ssyncset.done $0x0  }
0x1ec: {  	s21 =	rddreg [dreg:$0xb];
	[sflag:s12] =	ssyncadd.s32 $0xFFFFE000  }
0x1ed: {  	[hbm4b:s21+s11] =	stream.linear.scatter [tilespmem:s9], [sflag:$0x4], $0x2000, $0x38;
	[tilespmem:$0x1FC00] =	vst v63  }
0x1ee: {  	_ =	swait.ge [sflag:s14], $0x2000  }
0x1ef: {  	[sflag:s14] =	ssyncset.done $0x0  }
0x1f0: {  	s5 =	simm.s32 $0x480;
	[sflag:s14] =	ssyncadd.s32 $0xFFFFE000  }
0x1f1: {  	[tilespmem:s30], [sflag:$0x6] =	stream.indirect.gather [hbm4b:s28+s26], $0x40, s5, s26, $0xb8;
	[tilespmem:$0x1FC00] =	vst v63  }
0x1f2: {  	_ =	swait.ge [sflag:s31], $0x2000  }
0x1f3: {  	[sflag:s31] =	ssyncset.done $0x0  }
0x1f4: {  	s12 =	rddreg [dreg:$0xc];
	[sflag:s31] =	ssyncadd.s32 $0xFFFFE000  }
0x1f5: {  	[hbm4b:s12+s11] =	stream.linear.scatter [tilespmem:s23], [sflag:$0x1], $0x2000, $0x38;
	[tilespmem:$0x1FC00] =	vst v63  }
0x1f6: {  	_ =	swait.ge [sflag:s8], $0x2000  }
0x1f7: {  	[sflag:s8] =	ssyncset.done $0x0  }
0x1f8: {  	s16 =	rddreg [dreg:$0xd];
	[sflag:s8] =	ssyncadd.s32 $0xFFFFE000  }
0x1f9: {  	[hbm4b:s16+s11] =	stream.linear.scatter [tilespmem:s30], [sflag:$0x2], $0x2000, $0x38;
	[tilespmem:$0x1FC00] =	vst v63  }
0x1fa: {  	_ =	swait.ge [sflag:s15], $0x2000  }
0x1fb: {  	[sflag:s15] =	ssyncset.done $0x0  }
0x1fc: {  	[sflag:s15] =	ssyncadd.s32 $0xFFFFE000  }
0x1fd: {  	_ =	swait.ge [sflag:s17], $0x2000  }
0x1fe: {  	[sflag:s17] =	ssyncset.done $0x0  }
0x1ff: {  	[sflag:s17] =	ssyncadd.s32 $0xFFFFE000  }
0x200: {  	_ =	swait.ge [sflag:s13], $0x2000  }
0x201: {  	[sflag:s13] =	ssyncset.done $0x0  }
0x202: {  	[sflag:s13] =	ssyncadd.s32 $0xFFFFE000  }
0x203: {  	_ =	swait.ge [sflag:s14], $0x2000  }
0x204: {  	[sflag:s14] =	ssyncset.done $0x0  }
0x205: {  	[sflag:s14] =	ssyncadd.s32 $0xFFFFE000  }
0x206: {  	s5 =	stileid.u32;
	[bflag:$0x0] =	sbarrier.arrive $0xFFFF  }
0x207: {  	s17 =	sshll.u32 s5, $0x6;
	s12 =	rddreg [dreg:$0xf]  }
0x208: {  	s0 =	sor.u32 $0x1C09, s17;
	s19 =	rddreg [dreg:$0x1d];
	s18 =	sshrl.u32 s12, $0x3  }
0x209: {  	[hbm:s19], [sflag:s0] =	dma.local [spmem:s18], $0x2800  }
0x20a: {  	_ =	swait.ge [sflag:s24], $0x2800  }
0x20b: {  	s13 =	sld [smem:$0x7FD]  }
0x20c: {  	[sflag:s24] =	ssyncset.done $0x0  }
0x20d: {  	s1 =	rddreg [dreg:$0x1e];
	[sflag:s24] =	ssyncadd.s32 $0xFFFFD800  }
0x20e: {  	[hbm:s1], [sflag:s0] =	dma.local @!p0 [spmem:s13], $0x500  }
0x20f: {  	s0 =	simm.s32 @!p0 $0x9  }
0x210: {  	_ =	swait.ge @!p0 [sflag:s0], $0x500  }
0x211: {  	s20 =	sld [smem:$0x7F0];
	_ =	sdelay $0x2  }
0x212: {  	s21 =	rddreg [dreg:$0x1f];
	s13 =	sadd.s32 $0x1, s20  }
0x213: {  	p1 =	sne.s32 s13, s21  }
.Ltmp4:
0x214: {  	_ = 	snop;
	(pc) =	sbr.rel @p1 .LBB2_1-.Ltmp4, $3  }
0x215: {  	_ =	sdelay $0x1  }
0x216: {  	[sflag:s0] =	ssyncset.done @!p0 $0x0  }
0x217: {  	[sflag:s0] =	ssyncadd.s32 @!p0 $0xFFFFFB00  }
0x218: {  	_ =	sfence.sel $0x180000  }
0x219: {  	[bflag:$0x0] =	sbarrier.arrive $0xFFFF  }
0x21a: {  	_ =	strace $0x9000004A  }
0x21b: {  	[bflag:$0x2] =	sbarrier.arrive $0xFFFF  }
0x21c: {  	p0 =	sne.s32 s5, $0x0;
	s0 =	rddreg [dreg:$0x4]  }
0x21d: {  	s0 =	sadd.s32 @!p0 $0x100000, s0  }
0x21e: {  	[sflag:s0] =	ssyncadd.tile.s32 @!p0 $0x1;
	_ =	shalt  }
.Lfunc_end2:
_tile_overlayer_lowered:
.L_overlay_start_2:
0x21f: {  	(tag) =	ssettag $0x2  }
0x220: {  	s0 =	rddreg [dreg:$0x0];
	s2 =	stileid.u32  }
0x221: {  	s1 =	rddreg [dreg:$0x1];
	p0 =	sne.s32 s2, $0x0  }
0x222: {  	s3 =	rddreg [dreg:$0x2];
	[bflag:$0x3] =	sbarrier.arrive $0xFFFF;
	s2 =	simm.s32 @!p0 $0x1C09  }
0x223: {  	[timem:s3], [sflag:s2] =	dma.local @!p0 [hbm:s0], s1  }
0x224: {  	s0 =	simm.s32 @!p0 $0x9  }
0x225: {  	_ =	swait.ge @!p0 [sflag:s0], s1  }
0x226: {  	s1 =	ssub.s32 @!p0 $0x0, s1;
	[sflag:s0] =	ssyncset.done @!p0 $0x0  }
0x227: {  	[sflag:s0] =	ssyncadd.s32 @!p0 s1  }
0x228: {  	[bflag:$0x3] =	sbarrier.arrive $0xFFFF  }
0x229: {  	_ =	shalt  }

// kernel: kernel.13.cloned.1.call-start
scs
__scs_entry_jumppad:
0x0: {  	(pc) =	sbr.rel $0x88, $3  }
0x1: {  	(tag) =	ssettag $0x0;
	lr =	simm.s32 $0x1  }
0x2: {  	[smem:$0x3F95] =	sst lr;
	_ =	strace $0xD0000000  }
0x3: {  	_ = 	snop  }
0x4: {  	_ = 	snop  }
0x5: {  	_ = 	snop  }
0x6: {  	_ = 	snop  }
0x7: {  	_ = 	snop  }
__scs_overlays_trampoline_lowered:
0x8: {  	[smem:$0x3FA4] =	sst s0  }
0x9: {  	[smem:$0x3FA5] =	sst s1  }
0xa: {  	[smem:$0x3FA6] =	sst s2  }
0xb: {  	[smem:$0x3FA7] =	sst s3  }
0xc: {  	[smem:$0x3FA8] =	sst s4  }
0xd: {  	[smem:$0x3FA9] =	sst s5  }
0xe: {  	[smem:$0x3FAA] =	sst s6  }
0xf: {  	[smem:$0x3FAB] =	sst s7  }
0x10: {  	[smem:$0x3FAC] =	sst s8  }
0x11: {  	[smem:$0x3FAD] =	sst s9;
	s0 =	simm.s32 @!p0 $0x0  }
0x12: {  	s1 =	sld [smem:$0x3F93];
	s0 =	simm.s32 @p0 $0x1  }
0x13: {  	[smem:$0x3FAE] =	sst s0;
	s0 =	simm.s32 @!p1 $0x0  }
0x14: {  	s2 =	sld [smem:$0x3F92];
	s0 =	simm.s32 @p1 $0x1  }
0x15: {  	[smem:$0x3FAF] =	sst s0;
	s0 =	simm.s32 @!p2 $0x0  }
0x16: {  	s3 =	sld [smem:$0x3FDB];
	s0 =	simm.s32 @p2 $0x1  }
0x17: {  	s4 =	simm.s32 $0x1BF5;
	[smem:$0x3FB1] =	sst s0  }
0x18: {  	s0 =	sld [smem:$0x3F94];
	_ =	swait.ge [sflag:s4], $0x0  }
0x19: {  	s7 =	sld [smem:$0x3F95]  }
0x1a: {  	s8 =	sadd.s32 $0xFFFFE003, lr  }
0x1b: {  	s9 =	sadd.s32 $0xFFFFFEF7, lr;
	s5 =	simm.s32 $0xFFFFFFFF;
	p2 =	slt.u32 s8, $0xFFFFF086  }
0x1c: {  	p1 =	slt.u32 s9, $0xF7A;
	s5 =	simm.s32 @!p2 $0x0  }
0x1d: {  	s5 =	simm.s32 @p1 $0x1;
	p0 =	seq.s32 s7, s2  }
0x1e: {  	s7 =	smul.u32 @!p0 $0xF7A, s2;
	p2 =	seq.s32 @!p0 s5, $0x0  }
0x1f: {  	s9 =	smul.u32 $0xF7A, s1;
	s8 =	simm.s32 @!p0 $0x1BF5;
	p2 =	por !p2, p0  }
0x20: {  	[sflag:s8] =	ssyncset.s32 @!p0 $0xFFFFF086;
	s6 =	sadd.s32 @!p0 s3, s7;
	s7 =	simm.s32 @!p0 $0x108  }
0x21: {  	s3 =	sadd.s32 s3, s9;
	s6 =	sadd.s32 @!p0 $0x88, s6;
	s7 =	simm.s32 @p2 $0x1082  }
0x22: {  	[simem:s7], [sflag:s8] =	dma.local @!p0 [hbm:s6], $0xF7A  }
0x23: {  	s9 =	sor.u32 $0xD0000000, s2;
	s6 =	simm.s32 $0x108;
	_ =	swait.ge @!p0 [sflag:s8], $0x0  }
0x24: {  	s3 =	sadd.s32 $0x88, s3;
	s6 =	simm.s32 @!p1 $0x1082;
	[sflag:s4] =	ssyncset.s32 $0xFFFFF086  }
0x25: {  	[simem:s6], [sflag:s4] =	dma.local [hbm:s3], $0xF7A  }
0x26: {  	[smem:$0x3F95] =	sst s1;
	(tag) =	ssettag s2;
	_ =	strace s9  }
0x27: {  	s1 =	sld [smem:$0x3FA5]  }
0x28: {  	s2 =	sld [smem:$0x3FA6]  }
0x29: {  	s4 =	sld [smem:$0x3FA8]  }
0x2a: {  	p0 =	seq.s32 s5, $0x0;
	s5 =	sld [smem:$0x3FA9]  }
0x2b: {  	s6 =	sld [smem:$0x3FAA]  }
0x2c: {  	s7 =	sld [smem:$0x3FAB]  }
0x2d: {  	s3 =	simm.s32 $0x108;
	s8 =	sld [smem:$0x3FAC]  }
0x2e: {  	s3 =	simm.s32 @!p0 $0x1082;
	s9 =	sld [smem:$0x3FAD]  }
0x2f: {  	lr =	sadd.s32 s0, s3;
	s0 =	sld [smem:$0x3FA4]  }
0x30: {  	s3 =	sld [smem:$0x3FA7]  }
0x31: {  	[smem:$0x3FB0] =	sst s10  }
0x32: {  	s10 =	sld [smem:$0x3FAE];
	_ =	sdelay $0x3  }
0x33: {  	p0 =	seq.s32 s10, $0x1;
	s10 =	sld [smem:$0x3FB0];
	_ =	sdelay $0x3  }
0x34: {  	[smem:$0x3FB0] =	sst s10  }
0x35: {  	s10 =	sld [smem:$0x3FAF];
	_ =	sdelay $0x3  }
0x36: {  	p1 =	seq.s32 s10, $0x1;
	s10 =	sld [smem:$0x3FB0];
	_ =	sdelay $0x3  }
0x37: {  	[smem:$0x3FB0] =	sst s10  }
0x38: {  	s10 =	sld [smem:$0x3FB1]  }
0x39: {  	_ = 	snop;
	(pc) =	sbr.ind lr, $3  }
0x3a: {  	_ = 	snop  }
0x3b: {  	_ = 	snop  }
0x3c: {  	p2 =	seq.s32 s10, $0x1;
	s10 =	sld [smem:$0x3FB0]  }
0x3d: {  	_ =	shalt  }
0x3e: {  	_ =	shalt  }
0x3f: {  	_ =	shalt  }
0x40: {  	_ =	shalt  }
0x41: {  	_ =	shalt  }
0x42: {  	_ =	shalt  }
0x43: {  	_ =	shalt  }
0x44: {  	_ =	shalt  }
0x45: {  	_ =	shalt  }
0x46: {  	_ =	shalt  }
0x47: {  	_ =	shalt  }
0x48: {  	_ =	shalt  }
0x49: {  	_ =	shalt  }
0x4a: {  	_ =	shalt  }
0x4b: {  	_ =	shalt  }
0x4c: {  	_ =	shalt  }
0x4d: {  	_ =	shalt  }
0x4e: {  	_ =	shalt  }
0x4f: {  	_ =	shalt  }
0x50: {  	_ =	shalt  }
0x51: {  	_ =	shalt  }
0x52: {  	_ =	shalt  }
0x53: {  	_ =	shalt  }
0x54: {  	_ =	shalt  }
0x55: {  	_ =	shalt  }
0x56: {  	_ =	shalt  }
0x57: {  	_ =	shalt  }
0x58: {  	_ =	shalt  }
0x59: {  	_ =	shalt  }
0x5a: {  	_ =	shalt  }
0x5b: {  	_ =	shalt  }
0x5c: {  	_ =	shalt  }
0x5d: {  	_ =	shalt  }
0x5e: {  	_ =	shalt  }
0x5f: {  	_ =	shalt  }
0x60: {  	_ =	shalt  }
0x61: {  	_ =	shalt  }
0x62: {  	_ =	shalt  }
0x63: {  	_ =	shalt  }
0x64: {  	_ =	shalt  }
0x65: {  	_ =	shalt  }
0x66: {  	_ =	shalt  }
0x67: {  	_ =	shalt  }
0x68: {  	_ =	shalt  }
0x69: {  	_ =	shalt  }
0x6a: {  	_ =	shalt  }
0x6b: {  	_ =	shalt  }
0x6c: {  	_ =	shalt  }
0x6d: {  	_ =	shalt  }
0x6e: {  	_ =	shalt  }
0x6f: {  	_ =	shalt  }
0x70: {  	_ =	shalt  }
0x71: {  	_ =	shalt  }
0x72: {  	_ =	shalt  }
0x73: {  	_ =	shalt  }
0x74: {  	_ =	shalt  }
0x75: {  	_ =	shalt  }
0x76: {  	_ =	shalt  }
0x77: {  	_ =	shalt  }
0x78: {  	_ =	shalt  }
0x79: {  	_ =	shalt  }
0x7a: {  	_ =	shalt  }
0x7b: {  	_ =	shalt  }
0x7c: {  	_ =	shalt  }
0x7d: {  	_ =	shalt  }
0x7e: {  	_ =	shalt  }
0x7f: {  	_ =	shalt  }
0x80: {  	_ =	shalt  }
0x81: {  	_ =	shalt  }
0x82: {  	_ =	shalt  }
0x83: {  	_ =	shalt  }
0x84: {  	_ =	shalt  }
0x85: {  	_ =	shalt  }
0x86: {  	_ =	shalt  }
0x87: {  	_ =	shalt  }
.Lfunc_end0:
.L_simem_size_0:
called_computation.2_lowered:
.L_overlay_start_0:
0x88: {  	s2 =	sld [smem:$0x3FD9]  }
0x89: {  	s3 =	sld [smem:$0x3FFE];
	_ =	sdelay $0x1  }
0x8a: {  	s1 =	srdreg.scid  }
0x8b: {  	s0 =	sand.u32 $0x1, s1  }
0x8c: {  	s17 =	sshll.u32 s0, $0xA;
	s2 =	sadd.s32 s3, s2  }
0x8d: {  	s2 =	sadd.s32 s2, s17  }
0x8e: {  	[smem:$0x3FBC] =	sst s2  }
0x8f: {  	_ = 	snop  }
0x90: {  	s2 =	sld [smem:$0x3FD0];
	(tm) =	ssettm $0x1  }
0x91: {  	s18 =	sld [smem:$0x3FFB];
	_ =	sdelay $0x3  }
0x92: {  	_ =	strace s18  }
0x93: {  	s3 =	sld [smem:$0x3FFC];
	_ =	sdelay $0x3  }
0x94: {  	_ =	strace s3  }
0x95: {  	s3 =	sld [smem:$0x3FFD];
	_ =	sdelay $0x3  }
0x96: {  	_ =	strace s3  }
0x97: {  	_ =	strace $0x8FFFFFFF  }
0x98: {  	s19 =	sld [smem:$0x3FDB];
	_ =	sdelay $0x1  }
0x99: {  	s4 =	simm.s32 $_scs_section_size  }
0x9a: {  	s5 =	simm.s32 $_size__tile_overlayer_lowered;
	s6 =	simm.s32 $_tile_overlayer_lowered  }
0x9b: {  	s22 =	simm.s32 $0x1BFF;
	s21 =	sshll.u32 s6, $0x1;
	s3 =	sadd.s32 s4, s19  }
0x9c: {  	s7 =	simm.s32 $0x0;
	s20 =	sshll.u32 s5, $0x1;
	s5 =	sadd.s32 s21, s3  }
0x9d: {  	[timem:s7], [sflag:s22] =	dma.local [hbm:s5], s20  }
0x9e: {  	_ =	swait.ge [sflag:s22], s20  }
0x9f: {  	s4 =	ssub.s32 $0x0, s20;
	[sflag:s22] =	ssyncset.done $0x0  }
0xa0: {  	[sflag:s22] =	ssyncadd.s32 s4;
	_ =	sdelay $0x1  }
0xa1: {  	s23 =	simm.s32 $0x1B8B  }
0xa2: {  	_ =	swait.ge [sflag:s23], $0x1  }
0xa3: {  	[sflag:s23] =	ssyncset.done $0x0  }
0xa4: {  	s25 =	simm.s32 $0x1B8E;
	s24 =	sld [smem:$0x3FFE];
	[sflag:s23] =	ssyncadd.s32 $0xFFFFFFFF  }
0xa5: {  	s26 =	simm.s32 $execute0_lowered;
	[smem:$0x3FD2] =	sst s25  }
0xa6: {  	s5 =	sshll.u32 s26, $0x1;
	_ =	strace $0x8000004C;
	[dreg:$0x1] =	wrdreg $0xFFFFFFFF  }
0xa7: {  	s28 =	simm.s32 $_size_execute0_lowered;
	s3 =	sadd.s32 s3, s5;
	[dreg:$0x0] =	wrdreg $0x0  }
0xa8: {  	s5 =	sshll.u32 s28, $0x1;
	[dreg:$0x2] =	wrdreg s3  }
0xa9: {  	[dreg:$0x3] =	wrdreg s5  }
0xaa: {  	[dreg:$0x4] =	wrdreg $0xC0  }
0xab: {  	_ =	task [dreg:s7], $0x5FFFF  }
0xac: {  	[dreg:$0x1] =	wrdreg $0xFFFFFFFF  }
0xad: {  	[dreg:$0x0] =	wrdreg $0x60  }
0xae: {  	[dreg:$0x2] =	wrdreg s24  }
0xaf: {  	[dreg:$0x3] =	wrdreg s2  }
0xb0: {  	[dreg:$0x4] =	wrdreg $0x94000  }
0xb1: {  	[dreg:$0x5] =	wrdreg $0x134000  }
0xb2: {  	[dreg:$0x6] =	wrdreg $0x9  }
0xb3: {  	_ =	task.clear_ibuf [dreg:s7], $0x7FFFF;
	_ =	strace $0x9000004C  }
0xb4: {  	s29 =	simm.s32 $0x9;
	_ =	strace $0x8000004E  }
0xb5: {  	_ =	swait.ge [sflag:s29], $0x1  }
0xb6: {  	[sflag:s29] =	ssyncadd.s32 $0xFFFFFFFF  }
0xb7: {  	_ =	strace $0x9000004E  }
0xb8: {  	_ =	sfence  }
0xb9: {  	s30 =	sld [smem:$0x0];
	_ =	sdelay $0x2  }
0xba: {  	s31 =	sshll.u32 s1, $0xD;
	s1 =	sshrl.u32 s1, $0x2  }
0xbb: {  	s3 =	sand.u32 $0x4000, s31;
	s1 =	sadd.s32 s1, s30  }
0xbc: {  	s0 =	sor.u32 s3, s0;
	s1 =	sshll.u32 s1, $0x11  }
0xbd: {  	s0 =	sor.u32 s1, s0  }
0xbe: {  	s0 =	sadd.s32 $0x8F2B, s0  }
0xbf: {  	[sflag:s0] =	ssyncadd.remote.s32 $0x1  }
0xc0: {  	_ =	sfence.sel $0xFFFF  }
0xc1: {  	[dreg:$0x0] =	wrdreg $0xFFFFFFFF;
	(pc) =	sbr.abs _section_cstart, $3  }
0xc2: {  	[dreg:$0x1] =	wrdreg $0xFFFFFFFF  }
0xc3: {  	_ =	task.clear_ibuf [dreg:s7], $0x2FFFF;
	_ =	strace $0x9FFFFFFF  }
0xc4: {  	(tm) =	ssettm $0x7FFFFFFF  }
0xc5: {  	_ =	shalt  }
tec
execute0_lowered:
.L_overlay_start_1:
0x0: {  	(tag) =	ssettag $0x1  }
0x1: {  	s0 =	rddreg [dreg:$0x0]  }
0x2: {  	s1 =	rddreg [dreg:$0x1]  }
0x3: {  	s2 =	rddreg [dreg:$0x2];
	s4 =	stileid.u32  }
0x4: {  	s5 =	srdreg.scid;
	s6 =	smul.u32 $0x280, s4  }
0x5: {  	s23 =	simm.s32 $0x0;
	s5 =	sand.u32 $0x1, s5;
	s7 =	smul.u32 $0xA000, s4  }
0x6: {  	[smem:$0x7FF] =	sst s23;
	s12 =	sadd.s32 $0x123E00, s0;
	s21 =	smul.u32 $0x1400, s4  }
0x7: {  	s3 =	rddreg [dreg:$0x3];
	s8 =	smul.u32 $0xA0000, s5;
	_ =	strace $0x8000004D  }
0x8: {  	s11 =	ssub.s32 $0x2, s5;
	p0 =	sne.s32 s5, $0x0;
	s9 =	sshrl.u32 s6, $0x3  }
0x9: {  	s13 =	sshrl.u32 s11, $0x1;
	s25 =	sadd.s32 $0x80, s6;
	s14 =	sadd.s32 $0x100, s6  }
0xa: {  	s20 =	sadd.s32 $0x180, s6;
	s6 =	sadd.s32 $0x200, s6;
	s22 =	sshrl.u32 s21, $0x3  }
0xb: {  	s9 =	sadd.s32 s9, s0;
	s10 =	sadd.s32 s7, s8;
	s11 =	ssub.s32 s11, s13  }
0xc: {  	s15 =	sshll.u32 s25, $0x6;
	s16 =	sshll.u32 s14, $0x6;
	s18 =	sshll.u32 s20, $0x6  }
0xd: {  	s19 =	sshll.u32 s6, $0x6;
	s1 =	sadd.s32 s1, s22;
	s25 =	sshll.u32 s25, $0x3  }
0xe: {  	s6 =	sshll.u32 s6, $0x3;
	s13 =	simm.s32 $0x5;
	s10 =	sshrl.u32 s10, $0x3  }
0xf: {  	s17 =	sadd.s32 s8, s15;
	s26 =	sadd.s32 s8, s16;
	[dreg:$0x6] =	wrdreg s1  }
0x10: {  	s28 =	sadd.s32 s8, s18;
	s8 =	sadd.s32 s8, s19;
	s15 =	sadd.s32 s15, s2  }
0x11: {  	s18 =	sadd.s32 s18, s2;
	s22 =	sadd.s32 s19, s2;
	s19 =	sadd.s32 $0x188800, s0  }
0x12: {  	s6 =	sadd.s32 s6, s3;
	s9 =	sadd.s32 $0x2600, s9;
	[dreg:$0xc] =	wrdreg s15  }
0x13: {  	s17 =	sshrl.u32 s17, $0x3;
	s1 =	sshrl.u32 s28, $0x3;
	[dreg:$0xe] =	wrdreg s18  }
0x14: {  	s8 =	sshrl.u32 s8, $0x3;
	s30 =	sadd.s32 s12, s10;
	[dreg:$0xf] =	wrdreg s22  }
0x15: {  	s31 =	sadd.s32 s10, s0;
	s10 =	smul.u32 $0x5000, s4;
	[dreg:$0x13] =	wrdreg s9  }
0x16: {  	s18 =	sadd.s32 $0xD3E00, s0;
	s28 =	sadd.s32 $0xD3C00, s0;
	[dreg:$0xa] =	wrdreg s30  }
0x17: {  	s9 =	simm.s32 $0x800;
	s17 =	sadd.s32 s12, s17;
	[dreg:$0x11] =	wrdreg s28  }
0x18: {  	s15 =	simm.s32 $0x6;
	s1 =	sadd.s32 s12, s1;
	[dreg:$0x5] =	wrdreg s17  }
0x19: {  	s29 =	sadd.s32 s12, s8;
	s30 =	sshll.u32 s20, $0x3;
	[dreg:$0x8] =	wrdreg s1  }
0x1a: {  	s20 =	simm.s32 $0x7;
	s17 =	sshrl.u32 s26, $0x3;
	[dreg:$0x9] =	wrdreg s29  }
0x1b: {  	s24 =	sshrl.u32 s10, $0x2;
	s26 =	sadd.s32 $0x2200, s0;
	s29 =	sshll.u32 s14, $0x3  }
0x1c: {  	s10 =	sadd.s32 s30, s3;
	s1 =	sadd.s32 $0x14BE00, s31;
	[dreg:$0x10] =	wrdreg s26  }
0x1d: {  	s31 =	smax.u32 s11, $0x1;
	s11 =	simm.s32 $0x3000;
	[dreg:$0x14] =	wrdreg s1  }
0x1e: {  	s14 =	simm.s32 $0x5000;
	s17 =	sadd.s32 s12, s17;
	[dreg:$0x15] =	wrdreg s31  }
0x1f: {  	s12 =	sadd.s32 s7, s2;
	s7 =	sadd.s32 s24, s3;
	[dreg:$0x7] =	wrdreg s17  }
0x20: {  	s8 =	sadd.s32 s29, s3;
	s17 =	sadd.s32 s16, s2;
	[dreg:$0xb] =	wrdreg s12  }
0x21: {  	[dreg:$0xd] =	wrdreg s17;
	s17 =	sadd.s32 $0x183800, s0;
	s0 =	sadd.s32 $0xD3C80, s0  }
0x22: {  	s7 =	sshrl.u32 @!p0 s7, $0x3;
	[dreg:$0x12] =	wrdreg s0;
	s0 =	sadd.s32 s25, s3  }
0x23: {  	s1 =	sadd.s32 s21, s3;
	[dreg:$0x16] =	wrdreg s7;
	s0 =	sshrl.u32 @!p0 s0, $0x3  }
0x24: {  	s16 =	simm.s32 $0x7000;
	[dreg:$0x17] =	wrdreg s0;
	s0 =	sshrl.u32 @!p0 s8, $0x3  }
0x25: {  	s7 =	simm.s32 $0x1000;
	[dreg:$0x18] =	wrdreg s0;
	s0 =	sshrl.u32 @!p0 s10, $0x3  }
0x26: {  	s8 =	simm.s32 $0x9;
	[dreg:$0x19] =	wrdreg s0;
	s0 =	sshrl.u32 @!p0 s6, $0x3  }
0x27: {  	s10 =	simm.s32 $0x80;
	[dreg:$0x1a] =	wrdreg s0;
	s0 =	sshrl.u32 @!p0 s1, $0x3  }
0x28: {  	v0 =	vmov s5;
	s6 =	smul.u32 $0x2800, s4;
	s1 =	simm.s32 $0x0;
	[dreg:$0x1b] =	wrdreg s0  }
.LBB2_1:
0x29: {  	[dreg:$0x1c] =	wrdreg s1  }
0x2a: {  	s0 =	rddreg [dreg:$0x10]  }
0x2b: {  	[tilespmem:s7], [sflag:$0x9] =	stream.linear.gather [hbm4b:s0+s23], $0x2000, $0x38;
	[tilespmem:$0x14800] =	vst v63  }
0x2c: {  	_ =	swait.ge [sflag:s8], $0x2000  }
0x2d: {  	[sflag:s8] =	ssyncset.done $0x0  }
0x2e: {  	[sflag:s8] =	ssyncadd.s32 $0xFFFFE000  }
0x2f: {  	[spmem:s12] =	stream.linear.scatter [tilespmem:s7], [sflag:$0x9], $0x2000, $0x38;
	[tilespmem:$0x14800] =	vst v63  }
0x30: {  	_ =	swait.ge [sflag:s8], $0x2000  }
0x31: {  	[sflag:s8] =	ssyncset.done $0x0  }
0x32: {  	s24 =	rddreg [dreg:$0xc];
	[sflag:s8] =	ssyncadd.s32 $0xFFFFE000  }
0x33: {  	[spmem:s24] =	stream.linear.scatter [tilespmem:s7], [sflag:$0x9], $0x2000, $0x38;
	[tilespmem:$0x14800] =	vst v63  }
0x34: {  	_ =	swait.ge [sflag:s8], $0x2000  }
0x35: {  	[sflag:s8] =	ssyncset.done $0x0  }
0x36: {  	s25 =	rddreg [dreg:$0xd];
	[sflag:s8] =	ssyncadd.s32 $0xFFFFE000  }
0x37: {  	[spmem:s25] =	stream.linear.scatter [tilespmem:s7], [sflag:$0x9], $0x2000, $0x38;
	[tilespmem:$0x14800] =	vst v63  }
0x38: {  	_ =	swait.ge [sflag:s8], $0x2000  }
0x39: {  	[sflag:s8] =	ssyncset.done $0x0  }
0x3a: {  	s26 =	rddreg [dreg:$0xe];
	[sflag:s8] =	ssyncadd.s32 $0xFFFFE000  }
0x3b: {  	[spmem:s26] =	stream.linear.scatter [tilespmem:s7], [sflag:$0x9], $0x2000, $0x38;
	[tilespmem:$0x14800] =	vst v63  }
0x3c: {  	_ =	swait.ge [sflag:s8], $0x2000  }
0x3d: {  	[sflag:s8] =	ssyncset.done $0x0  }
0x3e: {  	s29 =	rddreg [dreg:$0xf];
	[sflag:s8] =	ssyncadd.s32 $0xFFFFE000  }
0x3f: {  	[spmem:s29] =	stream.linear.scatter [tilespmem:s7], [sflag:$0x9], $0x2000, $0x38;
	[tilespmem:$0x14800] =	vst v63  }
0x40: {  	s0 =	sshll.u32 @!p0 s4, $0x6;
	_ =	swait.ge [sflag:s8], $0x2000  }
0x41: {  	s0 =	sor.u32 @!p0 $0x1C09, s0;
	[sflag:s8] =	ssyncset.done $0x0;
	s1 =	rddreg [dreg:$0x12]  }
0x42: {  	s12 =	simm.s32 @!p0 $0x9;
	s4 =	rddreg [dreg:$0x16];
	[sflag:s8] =	ssyncadd.s32 $0xFFFFE000  }
0x43: {  	[spmem:s4], [sflag:s0] =	dma.local @!p0 [hbm:s1], $0x80  }
0x44: {  	_ =	swait.ge @!p0 [sflag:s12], $0x80  }
0x45: {  	[sflag:s12] =	ssyncset.done @!p0 $0x0  }
0x46: {  	s4 =	rddreg [dreg:$0x17];
	[sflag:s12] =	ssyncadd.s32 @!p0 $0xFFFFFF80  }
0x47: {  	[spmem:s4], [sflag:s0] =	dma.local @!p0 [hbm:s1], $0x80  }
0x48: {  	_ =	swait.ge @!p0 [sflag:s12], $0x80  }
0x49: {  	[sflag:s12] =	ssyncset.done @!p0 $0x0  }
0x4a: {  	s4 =	rddreg [dreg:$0x18];
	[sflag:s12] =	ssyncadd.s32 @!p0 $0xFFFFFF80  }
0x4b: {  	[spmem:s4], [sflag:s0] =	dma.local @!p0 [hbm:s1], $0x80  }
0x4c: {  	_ =	swait.ge @!p0 [sflag:s12], $0x80  }
0x4d: {  	[sflag:s12] =	ssyncset.done @!p0 $0x0  }
0x4e: {  	s4 =	rddreg [dreg:$0x19];
	[sflag:s12] =	ssyncadd.s32 @!p0 $0xFFFFFF80  }
0x4f: {  	[spmem:s4], [sflag:s0] =	dma.local @!p0 [hbm:s1], $0x80  }
0x50: {  	_ =	swait.ge @!p0 [sflag:s12], $0x80  }
0x51: {  	[sflag:s12] =	ssyncset.done @!p0 $0x0  }
0x52: {  	s4 =	rddreg [dreg:$0x1a];
	[sflag:s12] =	ssyncadd.s32 @!p0 $0xFFFFFF80  }
0x53: {  	[spmem:s4], [sflag:s0] =	dma.local @!p0 [hbm:s1], $0x80  }
0x54: {  	_ =	swait.ge @!p0 [sflag:s12], $0x80  }
0x55: {  	[sflag:s12] =	ssyncset.done @!p0 $0x0  }
0x56: {  	s31 =	simm.s32 $0x9000;
	s30 =	rddreg [dreg:$0x11];
	[sflag:s12] =	ssyncadd.s32 @!p0 $0xFFFFFF80  }
0x57: {  	[tilespmem:s31], [sflag:$0x9] =	stream.linear.gather [hbm4b:s30+s23], $0x400, $0x38;
	[tilespmem:$0x14800] =	vst v63  }
0x58: {  	_ =	swait.ge [sflag:s8], $0x400  }
0x59: {  	[sflag:s8] =	ssyncset.done $0x0  }
0x5a: {  	[sflag:s8] =	ssyncadd.s32 $0xFFFFFC00  }
0x5b: {  	s28 =	simm.s32 $0x0;
	[bflag:$0x0] =	sbarrier.arrive $0xFFFF  }
.LBB2_2:
0x5c: {  	p1 =	seq.s32 s28, $0x0  }
0x5d: {  	s0 =	simm.s32 @!p1 $0x8  }
0x5e: {  	_ =	swait.ge @!p1 [sflag:s0], $0x2000  }
0x5f: {  	s12 =	simm.s32 @!p1 $0xF80;
	[sflag:s0] =	ssyncset.done @!p1 $0x0  }
0x60: {  	s21 =	simm.s32 @!p1 $0x7000;
	[sflag:s0] =	ssyncadd.s32 @!p1 $0xFFFFE000;
	s0 =	simm.s32 @!p1 $0x80  }
0x61: {  	[spmem:s2] =	stream.indirect.scatter.add.f32 @!p1 [tilespmem:s21], [sflag:$0x9], $0x40, s12, s0, $0xb8;
	[tilespmem:$0x14800] =	vst v63  }
0x62: {  	p2 =	sne.s32 @!p1 s5, $0x0;
	s0 =	simm.s32 @!p1 $0x9  }
0x63: {  	p2 =	por p2, p1;
	_ =	swait.ge @!p1 [sflag:s0], $0x2000  }
0x64: {  	s12 =	simm.s32 @!p2 $0xF80;
	[sflag:s0] =	ssyncset.done @!p1 $0x0  }
0x65: {  	s21 =	simm.s32 @!p2 $0x9000;
	[sflag:s0] =	ssyncadd.s32 @!p1 $0xFFFFE000;
	s0 =	simm.s32 @!p2 $0x80  }
0x66: {  	[spmem:s3] =	stream.indirect.scatter.add.f32 @!p2 [tilespmem:s21], [sflag:$0x9], $0x8, s12, s0, $0xb8;
	[tilespmem:$0x14800] =	vst v63  }
0x67: {  	s0 =	simm.s32 @!p2 $0x9  }
0x68: {  	_ =	swait.ge @!p2 [sflag:s0], $0x400  }
0x69: {  	[sflag:s0] =	ssyncset.done @!p2 $0x0  }
0x6a: {  	[sflag:s0] =	ssyncadd.s32 @!p2 $0xFFFFFC00;
	s0 =	simm.s32 @!p1 $0x1  }
0x6b: {  	_ =	swait.ge @!p1 [sflag:s0], $0x2000  }
0x6c: {  	[sflag:s0] =	ssyncset.done @!p1 $0x0  }
0x6d: {  	[sflag:s0] =	ssyncadd.s32 @!p1 $0xFFFFE000;
	s0 =	simm.s32 @!p1 $0x2  }
0x6e: {  	_ =	swait.ge @!p1 [sflag:s0], $0x2000  }
0x6f: {  	[sflag:s0] =	ssyncset.done @!p1 $0x0  }
0x70: {  	s26 =	sshll.u32 s28, $0xB;
	[sflag:s0] =	ssyncadd.s32 @!p1 $0xFFFFE000;
	s0 =	simm.s32 @!p1 $0x3  }
0x71: {  	s12 =	sadd.s32 s6, s26;
	_ =	swait.ge @!p1 [sflag:s0], $0x2000  }
0x72: {  	s29 =	sshrl.u32 s12, $0x3;
	[sflag:s0] =	ssyncset.done @!p1 $0x0  }
0x73: {  	s12 =	simm.s32 $0x0;
	s30 =	sadd.s32 s17, s29;
	[sflag:s0] =	ssyncadd.s32 @!p1 $0xFFFFE000  }
0x74: {  	[tilespmem:s12], [sflag:$0x9] =	stream.linear.gather [hbm4b:s30+s12], $0x800, $0x38;
	[tilespmem:$0x14800] =	vst v63  }
0x75: {  	_ =	swait.ge [sflag:s8], $0x800  }
0x76: {  	[sflag:s8] =	ssyncset.done $0x0  }
0x77: {  	s31 =	sadd.s32 s19, s29;
	[sflag:s8] =	ssyncadd.s32 $0xFFFFF800  }
0x78: {  	[tilespmem:s9], [sflag:$0x9] =	stream.linear.gather [hbm4b:s31+s12], $0x800, $0x38;
	[tilespmem:$0x14800] =	vst v63  }
0x79: {  	_ =	swait.ge [sflag:s8], $0x800  }
0x7a: {  	[sflag:s8] =	ssyncset.done $0x0  }
0x7b: {  	s0 =	simm.s32 $0x0;
	[sflag:s8] =	ssyncadd.s32 $0xFFFFF800  }
0x7c: {  	v2 =	vld [tilespmem:s0+$0x0]  }
0x7d: {  	v3 =	vld [tilespmem:s0+$0x10]  }
0x7e: {  	v5 =	vld [tilespmem:s0+$0x20]  }
0x7f: {  	v4 =	vld [tilespmem:s0+$0x30]  }
0x80: {  	v1 =	vld [tilespmem:s0+$0x40]  }
0x81: {  	v6 =	vshll.u32 v2, $0x1;
	v2 =	vld [tilespmem:s0+$0x50]  }
0x82: {  	s21 =	simm.s32 $0x200;
	v7 =	vshll.u32 v3, $0x1;
	v3 =	vld [tilespmem:s0+$0x60];
	v6 =	vor.u32 v0, v6  }
.LBB2_3:
0x83: {  	s23 =	sshra.s32 s21, $0x2;
	p1 =	sne.s32 s21, $0x1E00;
	[tilespmem:s0+$0x0] =	vst v6;
	v6 =	vor.u32 v0, v7;
	v5 =	vshll.u32 v5, $0x1;
	v7 =	vld [tilespmem:s0+$0x70]  }
0x84: {  	v8 =	vld [tilespmem:s23+$0x0];
	[tilespmem:s0+$0x10] =	vst v6;
	v5 =	vor.u32 v0, v5;
	v4 =	vshll.u32 v4, $0x1  }
0x85: {  	v9 =	vld [tilespmem:s23+$0x10];
	[tilespmem:s0+$0x20] =	vst v5;
	v4 =	vor.u32 v0, v4;
	v1 =	vshll.u32 v1, $0x1  }
.Ltmp0:
0x86: {  	v5 =	vld [tilespmem:s23+$0x20];
	[tilespmem:s0+$0x30] =	vst v4;
	v1 =	vor.u32 v0, v1;
	v2 =	vshll.u32 v2, $0x1;
	(pc) =	sbr.rel @p1 .LBB2_3-.Ltmp0, $4  }
0x87: {  	v4 =	vld [tilespmem:s23+$0x30];
	[tilespmem:s0+$0x40] =	vst v1;
	v2 =	vor.u32 v0, v2;
	v3 =	vshll.u32 v3, $0x1  }
0x88: {  	v1 =	vld [tilespmem:s23+$0x40];
	[tilespmem:s0+$0x50] =	vst v2;
	v3 =	vor.u32 v0, v3;
	v6 =	vshll.u32 v7, $0x1  }
0x89: {  	v7 =	vshll.u32 v8, $0x1;
	v2 =	vld [tilespmem:s23+$0x50];
	[tilespmem:s0+$0x60] =	vst v3;
	v8 =	vor.u32 v0, v6  }
0x8a: {  	s21 =	sadd.s32 $0x200, s21;
	v6 =	vor.u32 v0, v7;
	v7 =	vshll.u32 v9, $0x1;
	v3 =	vld [tilespmem:s23+$0x60];
	[tilespmem:s0+$0x70] =	vst v8;
	s0 =	smov.u32 s23  }
0x8b: {  	[tilespmem:s0+$0x0] =	vst v6;
	v62 =	vor.u32 v0, v7;
	v5 =	vshll.u32 v5, $0x1;
	v63 =	vld [tilespmem:s0+$0x70]  }
0x8c: {  	[tilespmem:s0+$0x10] =	vst v62;
	v5 =	vor.u32 v0, v5;
	v4 =	vshll.u32 v4, $0x1  }
0x8d: {  	[tilespmem:s0+$0x20] =	vst v5;
	v4 =	vor.u32 v0, v4;
	v1 =	vshll.u32 v1, $0x1  }
0x8e: {  	[tilespmem:s0+$0x30] =	vst v4;
	v1 =	vor.u32 v0, v1;
	v2 =	vshll.u32 v2, $0x1  }
0x8f: {  	[tilespmem:s0+$0x40] =	vst v1;
	v1 =	vor.u32 v0, v2;
	v2 =	vshll.u32 v3, $0x1  }
0x90: {  	[tilespmem:s0+$0x50] =	vst v1;
	v1 =	vor.u32 v0, v2;
	v2 =	vshll.u32 v63, $0x1  }
0x91: {  	p1 =	por $0x0, $0x0;
	[tilespmem:s0+$0x60] =	vst v1;
	v1 =	vor.u32 v0, v2  }
0x92: {  	[tilespmem:s0+$0x70] =	vst v1;
	s0 =	simm.s32 @p1 $0x1  }
0x93: {  	_ =	swait.ge @p1 [sflag:s0], $0x2000  }
0x94: {  	s21 =	simm.s32 @p1 $0x1000;
	s23 =	simm.s32 @p1 $0x8;
	[sflag:s0] =	ssyncset.done @p1 $0x0  }
0x95: {  	s24 =	simm.s32 @p1 $0x80;
	[sflag:s0] =	ssyncadd.s32 @p1 $0xFFFFE000;
	s0 =	simm.s32 @p1 $0x0  }
0x96: {  	[tilespmem:s21], [sflag:$0x5] =	stream.indirect.gather @p1 [hbm4b:s18+s24], $0x40, s0, s24, $0xb8;
	[tilespmem:$0x14800] =	vst v63  }
0x97: {  	p2 =	sne.s32 @p1 s5, $0x0;
	_ =	swait.ge @p1 [sflag:s23], $0x2000  }
0x98: {  	p2 =	por p2, !p1;
	[sflag:s23] =	ssyncset.done @p1 $0x0  }
0x99: {  	s0 =	simm.s32 @p1 $0x780;
	s21 =	simm.s32 @p1 $0x7000;
	[sflag:s23] =	ssyncadd.s32 @p1 $0xFFFFE000  }
0x9a: {  	[spmem:s2] =	stream.indirect.scatter.add.f32 @p1 [tilespmem:s21], [sflag:$0x4], $0x40, s0, s24, $0xb8;
	[tilespmem:$0x14800] =	vst v63  }
0x9b: {  	s23 =	simm.s32 @!p2 $0x9000;
	s21 =	simm.s32 @!p2 $0x80;
	s24 =	simm.s32 @!p2 $0xA  }
0x9c: {  	[spmem:s3] =	stream.indirect.scatter.add.f32 @!p2 [tilespmem:s23], [sflag:$0xA], $0x8, s0, s21, $0xb8;
	[tilespmem:$0x14800] =	vst v63  }
0x9d: {  	_ =	swait.ge @!p2 [sflag:s24], $0x400  }
0x9e: {  	[sflag:s24] =	ssyncset.done @!p2 $0x0  }
0x9f: {  	s0 =	simm.s32 @p1 $0x2;
	[sflag:s24] =	ssyncadd.s32 @!p2 $0xFFFFFC00  }
0xa0: {  	_ =	swait.ge @p1 [sflag:s0], $0x2000  }
0xa1: {  	s12 =	simm.s32 @!p1 $0x0;
	s21 =	simm.s32 @!p1 $0x1000;
	[sflag:s0] =	ssyncset.done @p1 $0x0  }
0xa2: {  	s23 =	simm.s32 @!p1 $0x0;
	[sflag:s0] =	ssyncadd.s32 @p1 $0xFFFFE000;
	s0 =	simm.s32 @!p1 $0x80  }
0xa3: {  	[tilespmem:s21], [sflag:$0x5] =	stream.indirect.gather @!p1 [hbm4b:s18+s0], $0x40, s23, s0, $0xb8;
	[tilespmem:$0x14800] =	vst v63  }
0xa4: {  	s26 =	sor.u32 $0x80, s12  }
0xa5: {  	[tilespmem:s11], [sflag:$0x6] =	stream.indirect.gather [hbm4b:s18+s10], $0x40, s26, s10, $0xb8;
	[tilespmem:$0x14800] =	vst v63  }
0xa6: {  	_ =	swait.ge [sflag:s13], $0x2000  }
0xa7: {  	[sflag:s13] =	ssyncset.done $0x0  }
0xa8: {  	s23 =	sadd.s32 $0x800, s12;
	[sflag:s13] =	ssyncadd.s32 $0xFFFFE000  }
0xa9: {  	[spmem:s2] =	stream.indirect.scatter.add.f32 [tilespmem:s7], [sflag:$0x1], $0x40, s23, s10, $0xb8;
	[tilespmem:$0x14800] =	vst v63  }
0xaa: {  	s31 =	simm.s32 @!p0 $0x80;
	s25 =	simm.s32 @!p0 $0xA;
	s0 =	simm.s32 @!p0 $0x9000  }
0xab: {  	[spmem:s3] =	stream.indirect.scatter.add.f32 @!p0 [tilespmem:s0], [sflag:$0xA], $0x8, s23, s31, $0xb8;
	[tilespmem:$0x14800] =	vst v63  }
0xac: {  	_ =	swait.ge @!p0 [sflag:s25], $0x400  }
0xad: {  	p1 =	por $0x1, $0x1;
	[sflag:s25] =	ssyncset.done @!p0 $0x0  }
0xae: {  	s23 =	simm.s32 @!p1 $0x3;
	[sflag:s25] =	ssyncadd.s32 @!p0 $0xFFFFFC00  }
0xaf: {  	_ =	swait.ge @!p1 [sflag:s23], $0x2000  }
0xb0: {  	[sflag:s23] =	ssyncset.done @!p1 $0x0  }
0xb1: {  	s12 =	sor.u32 $0x100, s12;
	[sflag:s23] =	ssyncadd.s32 @!p1 $0xFFFFE000  }
0xb2: {  	[tilespmem:s14], [sflag:$0x7] =	stream.indirect.gather [hbm4b:s18+s10], $0x40, s12, s10, $0xb8;
	[tilespmem:$0x14800] =	vst v63  }
0xb3: {  	_ =	swait.ge [sflag:s15], $0x2000  }
0xb4: {  	[sflag:s15] =	ssyncset.done $0x0  }
0xb5: {  	s21 =	sadd.s32 $0x800, s26;
	[sflag:s15] =	ssyncadd.s32 $0xFFFFE000  }
0xb6: {  	[spmem:s2] =	stream.indirect.scatter.add.f32 [tilespmem:s11], [sflag:$0x2], $0x40, s21, s10, $0xb8;
	[tilespmem:$0x14800] =	vst v63  }
0xb7: {  	_ = 	snop  }
0xb8: {  	[spmem:s3] =	stream.indirect.scatter.add.f32 @!p0 [tilespmem:s0], [sflag:$0xA], $0x8, s21, s31, $0xb8;
	[tilespmem:$0x14800] =	vst v63  }
0xb9: {  	_ =	swait.ge @!p0 [sflag:s25], $0x400  }
0xba: {  	[sflag:s25] =	ssyncset.done @!p0 $0x0  }
0xbb: {  	s21 =	simm.s32 @!p1 $0x4;
	[sflag:s25] =	ssyncadd.s32 @!p0 $0xFFFFFC00  }
0xbc: {  	_ =	swait.ge @!p1 [sflag:s21], $0x2000  }
0xbd: {  	[sflag:s21] =	ssyncset.done @!p1 $0x0  }
0xbe: {  	s30 =	simm.s32 $0x180;
	[sflag:s21] =	ssyncadd.s32 @!p1 $0xFFFFE000  }
0xbf: {  	[tilespmem:s16], [sflag:$0x8] =	stream.indirect.gather [hbm4b:s18+s10], $0x40, s30, s10, $0xb8;
	[tilespmem:$0x14800] =	vst v63  }
0xc0: {  	_ =	swait.ge [sflag:s20], $0x2000  }
0xc1: {  	[sflag:s20] =	ssyncset.done $0x0  }
0xc2: {  	s21 =	sadd.s32 $0x800, s12;
	[sflag:s20] =	ssyncadd.s32 $0xFFFFE000  }
0xc3: {  	[spmem:s2] =	stream.indirect.scatter.add.f32 [tilespmem:s14], [sflag:$0x3], $0x40, s21, s10, $0xb8;
	[tilespmem:$0x14800] =	vst v63  }
0xc4: {  	s12 =	simm.s32 @!p0 $0x9  }
0xc5: {  	[spmem:s3] =	stream.indirect.scatter.add.f32 @!p0 [tilespmem:s0], [sflag:$0x9], $0x8, s21, s31, $0xb8;
	[tilespmem:$0x14800] =	vst v63  }
0xc6: {  	s29 =	simm.s32 $0x800;
	_ =	swait.ge @!p0 [sflag:s12], $0x400  }
0xc7: {  	s24 =	simm.s32 $0x200;
	s21 =	simm.s32 $0x1000;
	[sflag:s12] =	ssyncset.done @!p0 $0x0  }
.LBB2_5:
0xc8: {  	p2 =	sne.s32 s29, $0x0;
	[sflag:s12] =	ssyncadd.s32 @!p0 $0xFFFFFC00  }
0xc9: {  	s23 =	smov.u32 s21;
	s21 =	sadd.s32 $0x800, s21;
	s30 =	smov.u32 s24  }
0xca: {  	p3 =	sne.s32 @p2 s5, $0x0;
	s4 =	simm.s32 @p2 $0x1;
	s30 =	simm.s32 @!p2 $0x0  }
0xcb: {  	p1 =	sne.s32 s21, $0x2000;
	_ =	swait.ge @p2 [sflag:s4], $0x2000  }
0xcc: {  	s1 =	simm.s32 @p2 $0x1000;
	s22 =	simm.s32 @p2 $0x8;
	[sflag:s4] =	ssyncset.done @p2 $0x0  }
0xcd: {  	s26 =	simm.s32 @p2 $0x80;
	[sflag:s4] =	ssyncadd.s32 @p2 $0xFFFFE000;
	s4 =	sshra.s32 @p2 s29, $0x2  }
0xce: {  	[tilespmem:s1], [sflag:$0x5] =	stream.indirect.gather @p2 [hbm4b:s18+s26], $0x40, s4, s26, $0xb8;
	[tilespmem:$0x14800] =	vst v63  }
0xcf: {  	_ =	swait.ge @p2 [sflag:s22], $0x2000  }
0xd0: {  	p3 =	por p3, !p2;
	[sflag:s22] =	ssyncset.done @p2 $0x0  }
0xd1: {  	s1 =	sadd.s32 @p2 $0x780, s4;
	s4 =	simm.s32 @p2 $0x7000;
	[sflag:s22] =	ssyncadd.s32 @p2 $0xFFFFE000  }
0xd2: {  	[spmem:s2] =	stream.indirect.scatter.add.f32 @p2 [tilespmem:s4], [sflag:$0x4], $0x40, s1, s26, $0xb8;
	[tilespmem:$0x14800] =	vst v63  }
0xd3: {  	s22 =	simm.s32 @!p3 $0x9000;
	s4 =	simm.s32 @!p3 $0x80;
	s26 =	simm.s32 @!p3 $0xA  }
0xd4: {  	[spmem:s3] =	stream.indirect.scatter.add.f32 @!p3 [tilespmem:s22], [sflag:$0xA], $0x8, s1, s4, $0xb8;
	[tilespmem:$0x14800] =	vst v63  }
0xd5: {  	_ =	swait.ge @!p3 [sflag:s26], $0x400  }
0xd6: {  	[sflag:s26] =	ssyncset.done @!p3 $0x0  }
0xd7: {  	s1 =	simm.s32 @p2 $0x2;
	[sflag:s26] =	ssyncadd.s32 @!p3 $0xFFFFFC00  }
0xd8: {  	_ =	swait.ge @p2 [sflag:s1], $0x2000  }
0xd9: {  	s4 =	simm.s32 @!p2 $0x1000;
	[sflag:s1] =	ssyncset.done @p2 $0x0  }
0xda: {  	s22 =	simm.s32 @!p2 $0x0;
	[sflag:s1] =	ssyncadd.s32 @p2 $0xFFFFE000;
	s1 =	simm.s32 @!p2 $0x80  }
0xdb: {  	[tilespmem:s4], [sflag:$0x5] =	stream.indirect.gather @!p2 [hbm4b:s18+s1], $0x40, s22, s1, $0xb8;
	[tilespmem:$0x14800] =	vst v63  }
0xdc: {  	s1 =	sor.u32 $0x80, s30  }
0xdd: {  	[tilespmem:s11], [sflag:$0x6] =	stream.indirect.gather [hbm4b:s18+s10], $0x40, s1, s10, $0xb8;
	[tilespmem:$0x14800] =	vst v63  }
0xde: {  	_ =	swait.ge [sflag:s13], $0x2000  }
0xdf: {  	[sflag:s13] =	ssyncset.done $0x0  }
0xe0: {  	s4 =	sadd.s32 $0x800, s30;
	[sflag:s13] =	ssyncadd.s32 $0xFFFFE000  }
0xe1: {  	[spmem:s2] =	stream.indirect.scatter.add.f32 [tilespmem:s7], [sflag:$0x1], $0x40, s4, s10, $0xb8;
	[tilespmem:$0x14800] =	vst v63  }
0xe2: {  	_ = 	snop  }
0xe3: {  	[spmem:s3] =	stream.indirect.scatter.add.f32 @!p0 [tilespmem:s0], [sflag:$0xA], $0x8, s4, s31, $0xb8;
	[tilespmem:$0x14800] =	vst v63  }
0xe4: {  	_ =	swait.ge @!p0 [sflag:s25], $0x400  }
0xe5: {  	p2 =	seq.s32 s29, $0x0;
	[sflag:s25] =	ssyncset.done @!p0 $0x0  }
0xe6: {  	s4 =	simm.s32 @!p2 $0x3;
	[sflag:s25] =	ssyncadd.s32 @!p0 $0xFFFFFC00  }
0xe7: {  	_ =	swait.ge @!p2 [sflag:s4], $0x2000  }
0xe8: {  	[sflag:s4] =	ssyncset.done @!p2 $0x0  }
0xe9: {  	[sflag:s4] =	ssyncadd.s32 @!p2 $0xFFFFE000;
	s4 =	sor.u32 $0x100, s30  }
0xea: {  	[tilespmem:s14], [sflag:$0x7] =	stream.indirect.gather [hbm4b:s18+s10], $0x40, s4, s10, $0xb8;
	[tilespmem:$0x14800] =	vst v63  }
0xeb: {  	_ =	swait.ge [sflag:s15], $0x2000  }
0xec: {  	[sflag:s15] =	ssyncset.done $0x0  }
0xed: {  	s1 =	sadd.s32 $0x800, s1;
	[sflag:s15] =	ssyncadd.s32 $0xFFFFE000  }
0xee: {  	[spmem:s2] =	stream.indirect.scatter.add.f32 [tilespmem:s11], [sflag:$0x2], $0x40, s1, s10, $0xb8;
	[tilespmem:$0x14800] =	vst v63  }
0xef: {  	_ = 	snop  }
0xf0: {  	[spmem:s3] =	stream.indirect.scatter.add.f32 @!p0 [tilespmem:s0], [sflag:$0xA], $0x8, s1, s31, $0xb8;
	[tilespmem:$0x14800] =	vst v63  }
0xf1: {  	_ =	swait.ge @!p0 [sflag:s25], $0x400  }
0xf2: {  	[sflag:s25] =	ssyncset.done @!p0 $0x0  }
0xf3: {  	s1 =	simm.s32 @!p2 $0x4;
	[sflag:s25] =	ssyncadd.s32 @!p0 $0xFFFFFC00  }
0xf4: {  	_ =	swait.ge @!p2 [sflag:s1], $0x2000  }
0xf5: {  	s22 =	sshra.s32 s29, $0x2;
	s29 =	smov.u32 s23;
	[sflag:s1] =	ssyncset.done @!p2 $0x0  }
0xf6: {  	[sflag:s1] =	ssyncadd.s32 @!p2 $0xFFFFE000;
	s1 =	sadd.s32 $0x180, s22  }
0xf7: {  	[tilespmem:s16], [sflag:$0x8] =	stream.indirect.gather [hbm4b:s18+s10], $0x40, s1, s10, $0xb8;
	[tilespmem:$0x14800] =	vst v63  }
0xf8: {  	_ =	swait.ge [sflag:s20], $0x2000  }
0xf9: {  	[sflag:s20] =	ssyncset.done $0x0  }
0xfa: {  	s1 =	sadd.s32 $0x800, s4;
	[sflag:s20] =	ssyncadd.s32 $0xFFFFE000  }
0xfb: {  	[spmem:s2] =	stream.indirect.scatter.add.f32 [tilespmem:s14], [sflag:$0x3], $0x40, s1, s10, $0xb8;
	[tilespmem:$0x14800] =	vst v63  }
.Ltmp1:
0xfc: {  	_ = 	snop;
	(pc) =	sbr.rel @p1 .LBB2_5-.Ltmp1, $4  }
0xfd: {  	_ = 	snop  }
0xfe: {  	[spmem:s3] =	stream.indirect.scatter.add.f32 @!p0 [tilespmem:s0], [sflag:$0x9], $0x8, s1, s31, $0xb8;
	[tilespmem:$0x14800] =	vst v63  }
0xff: {  	_ =	swait.ge @!p0 [sflag:s12], $0x400  }
0x100: {  	s24 =	sadd.s32 $0x200, s24;
	[sflag:s12] =	ssyncset.done @!p0 $0x0  }
0x101: {  	p1 =	sne.s32 s29, $0x0  }
0x102: {  	[sflag:s12] =	ssyncadd.s32 @!p0 $0xFFFFFC00;
	s0 =	simm.s32 @p1 $0x1  }
0x103: {  	_ =	swait.ge @p1 [sflag:s0], $0x2000  }
0x104: {  	s1 =	simm.s32 @p1 $0x1000;
	s4 =	simm.s32 @p1 $0x8;
	[sflag:s0] =	ssyncset.done @p1 $0x0  }
0x105: {  	s12 =	simm.s32 @p1 $0x80;
	[sflag:s0] =	ssyncadd.s32 @p1 $0xFFFFE000;
	s0 =	sshra.s32 @p1 s29, $0x2  }
0x106: {  	[tilespmem:s1], [sflag:$0x5] =	stream.indirect.gather @p1 [hbm4b:s18+s12], $0x40, s0, s12, $0xb8;
	[tilespmem:$0x14800] =	vst v63  }
0x107: {  	p2 =	sne.s32 @p1 s5, $0x0;
	_ =	swait.ge @p1 [sflag:s4], $0x2000  }
0x108: {  	p2 =	por p2, !p1;
	[sflag:s4] =	ssyncset.done @p1 $0x0  }
0x109: {  	s0 =	sadd.s32 @p1 $0x780, s0;
	s1 =	simm.s32 @p1 $0x7000;
	[sflag:s4] =	ssyncadd.s32 @p1 $0xFFFFE000  }
0x10a: {  	[spmem:s2] =	stream.indirect.scatter.add.f32 @p1 [tilespmem:s1], [sflag:$0x4], $0x40, s0, s12, $0xb8;
	[tilespmem:$0x14800] =	vst v63  }
0x10b: {  	s4 =	simm.s32 @!p2 $0x9000;
	s1 =	simm.s32 @!p2 $0x80;
	s12 =	simm.s32 @!p2 $0xA  }
0x10c: {  	[spmem:s3] =	stream.indirect.scatter.add.f32 @!p2 [tilespmem:s4], [sflag:$0xA], $0x8, s0, s1, $0xb8;
	[tilespmem:$0x14800] =	vst v63  }
0x10d: {  	_ =	swait.ge @!p2 [sflag:s12], $0x400  }
0x10e: {  	[sflag:s12] =	ssyncset.done @!p2 $0x0  }
0x10f: {  	s0 =	simm.s32 @p1 $0x2;
	[sflag:s12] =	ssyncadd.s32 @!p2 $0xFFFFFC00  }
0x110: {  	_ =	swait.ge @p1 [sflag:s0], $0x2000  }
0x111: {  	s24 =	simm.s32 @!p1 $0x0;
	s1 =	simm.s32 @!p1 $0x1000;
	[sflag:s0] =	ssyncset.done @p1 $0x0  }
0x112: {  	s4 =	simm.s32 @!p1 $0x0;
	[sflag:s0] =	ssyncadd.s32 @p1 $0xFFFFE000;
	s0 =	simm.s32 @!p1 $0x80  }
0x113: {  	[tilespmem:s1], [sflag:$0x5] =	stream.indirect.gather @!p1 [hbm4b:s18+s0], $0x40, s4, s0, $0xb8;
	[tilespmem:$0x14800] =	vst v63  }
0x114: {  	s25 =	sor.u32 $0x80, s24  }
0x115: {  	[tilespmem:s11], [sflag:$0x6] =	stream.indirect.gather [hbm4b:s18+s10], $0x40, s25, s10, $0xb8;
	[tilespmem:$0x14800] =	vst v63  }
0x116: {  	_ =	swait.ge [sflag:s13], $0x2000  }
0x117: {  	[sflag:s13] =	ssyncset.done $0x0  }
0x118: {  	s4 =	sadd.s32 $0x800, s24;
	[sflag:s13] =	ssyncadd.s32 $0xFFFFE000  }
0x119: {  	[spmem:s2] =	stream.indirect.scatter.add.f32 [tilespmem:s7], [sflag:$0x1], $0x40, s4, s10, $0xb8;
	[tilespmem:$0x14800] =	vst v63  }
0x11a: {  	s21 =	simm.s32 @!p0 $0xA;
	s12 =	simm.s32 @!p0 $0x9000;
	s0 =	simm.s32 @!p0 $0x80  }
0x11b: {  	[spmem:s3] =	stream.indirect.scatter.add.f32 @!p0 [tilespmem:s12], [sflag:$0xA], $0x8, s4, s0, $0xb8;
	[tilespmem:$0x14800] =	vst v63  }
0x11c: {  	_ =	swait.ge @!p0 [sflag:s21], $0x400  }
0x11d: {  	p1 =	seq.s32 s29, $0x0;
	[sflag:s21] =	ssyncset.done @!p0 $0x0  }
0x11e: {  	s4 =	simm.s32 @!p1 $0x3;
	[sflag:s21] =	ssyncadd.s32 @!p0 $0xFFFFFC00  }
0x11f: {  	_ =	swait.ge @!p1 [sflag:s4], $0x2000  }
0x120: {  	[sflag:s4] =	ssyncset.done @!p1 $0x0  }
0x121: {  	s26 =	sor.u32 $0x100, s24;
	[sflag:s4] =	ssyncadd.s32 @!p1 $0xFFFFE000  }
0x122: {  	[tilespmem:s14], [sflag:$0x7] =	stream.indirect.gather [hbm4b:s18+s10], $0x40, s26, s10, $0xb8;
	[tilespmem:$0x14800] =	vst v63  }
0x123: {  	_ =	swait.ge [sflag:s15], $0x2000  }
0x124: {  	[sflag:s15] =	ssyncset.done $0x0  }
0x125: {  	s1 =	sadd.s32 $0x800, s25;
	[sflag:s15] =	ssyncadd.s32 $0xFFFFE000  }
0x126: {  	[spmem:s2] =	stream.indirect.scatter.add.f32 [tilespmem:s11], [sflag:$0x2], $0x40, s1, s10, $0xb8;
	[tilespmem:$0x14800] =	vst v63  }
0x127: {  	_ = 	snop  }
0x128: {  	[spmem:s3] =	stream.indirect.scatter.add.f32 @!p0 [tilespmem:s12], [sflag:$0xA], $0x8, s1, s0, $0xb8;
	[tilespmem:$0x14800] =	vst v63  }
0x129: {  	_ =	swait.ge @!p0 [sflag:s21], $0x400  }
0x12a: {  	[sflag:s21] =	ssyncset.done @!p0 $0x0  }
0x12b: {  	s1 =	simm.s32 @!p1 $0x4;
	[sflag:s21] =	ssyncadd.s32 @!p0 $0xFFFFFC00  }
0x12c: {  	_ =	swait.ge @!p1 [sflag:s1], $0x2000  }
0x12d: {  	s30 =	sshra.s32 s29, $0x2;
	[sflag:s1] =	ssyncset.done @!p1 $0x0  }
0x12e: {  	s31 =	sadd.s32 $0x180, s30;
	[sflag:s1] =	ssyncadd.s32 @!p1 $0xFFFFE000  }
0x12f: {  	[tilespmem:s16], [sflag:$0x8] =	stream.indirect.gather [hbm4b:s18+s10], $0x40, s31, s10, $0xb8;
	[tilespmem:$0x14800] =	vst v63  }
0x130: {  	_ =	swait.ge [sflag:s20], $0x2000  }
0x131: {  	s28 =	sadd.s32 $0x1, s28;
	[sflag:s20] =	ssyncset.done $0x0  }
0x132: {  	s1 =	sadd.s32 $0x800, s26;
	p1 =	sne.s32 s28, $0x5;
	[sflag:s20] =	ssyncadd.s32 $0xFFFFE000  }
0x133: {  	[spmem:s2] =	stream.indirect.scatter.add.f32 [tilespmem:s14], [sflag:$0x3], $0x40, s1, s10, $0xb8;
	[tilespmem:$0x14800] =	vst v63  }
.Ltmp2:
0x134: {  	s29 =	simm.s32 @!p0 $0x9;
	(pc) =	sbr.rel @p1 .LBB2_2-.Ltmp2, $4  }
0x135: {  	[spmem:s3] =	stream.indirect.scatter.add.f32 @!p0 [tilespmem:s12], [sflag:$0x9], $0x8, s1, s0, $0xb8;
	[tilespmem:$0x14800] =	vst v63  }
0x136: {  	_ =	swait.ge @!p0 [sflag:s29], $0x400  }
0x137: {  	[sflag:s29] =	ssyncset.done @!p0 $0x0  }
0x138: {  	[sflag:s29] =	ssyncadd.s32 @!p0 $0xFFFFFC00  }
0x139: {  	s4 =	simm.s32 $0x8  }
0x13a: {  	_ =	swait.ge [sflag:s4], $0x2000  }
0x13b: {  	[sflag:s4] =	ssyncset.done $0x0  }
0x13c: {  	s1 =	simm.s32 $0xF80;
	[sflag:s4] =	ssyncadd.s32 $0xFFFFE000  }
0x13d: {  	[spmem:s2] =	stream.indirect.scatter.add.f32 [tilespmem:s16], [sflag:$0x9], $0x40, s1, s10, $0xb8;
	[tilespmem:$0x14800] =	vst v63  }
0x13e: {  	_ =	swait.ge [sflag:s8], $0x2000  }
0x13f: {  	[sflag:s8] =	ssyncset.done $0x0  }
0x140: {  	s1 =	simm.s32 @!p0 $0xF80;
	[sflag:s8] =	ssyncadd.s32 $0xFFFFE000  }
0x141: {  	[spmem:s3] =	stream.indirect.scatter.add.f32 @!p0 [tilespmem:s12], [sflag:$0x9], $0x8, s1, s0, $0xb8;
	[tilespmem:$0x14800] =	vst v63  }
0x142: {  	_ =	swait.ge @!p0 [sflag:s29], $0x400  }
0x143: {  	[sflag:s29] =	ssyncset.done @!p0 $0x0  }
0x144: {  	s1 =	simm.s32 $0x1;
	[sflag:s29] =	ssyncadd.s32 @!p0 $0xFFFFFC00  }
0x145: {  	_ =	swait.ge [sflag:s1], $0x2000  }
0x146: {  	[sflag:s1] =	ssyncset.done $0x0  }
0x147: {  	s12 =	simm.s32 $0x2;
	[sflag:s1] =	ssyncadd.s32 $0xFFFFE000  }
0x148: {  	_ =	swait.ge [sflag:s12], $0x2000  }
0x149: {  	[sflag:s12] =	ssyncset.done $0x0  }
0x14a: {  	s21 =	simm.s32 $0x3;
	[sflag:s12] =	ssyncadd.s32 $0xFFFFE000  }
0x14b: {  	_ =	swait.ge [sflag:s21], $0x2000  }
0x14c: {  	[sflag:s21] =	ssyncset.done $0x0  }
0x14d: {  	s23 =	simm.s32 $0x0;
	s22 =	rddreg [dreg:$0x13];
	[sflag:s21] =	ssyncadd.s32 $0xFFFFE000  }
0x14e: {  	[tilespmem:s23], [sflag:$0x9] =	stream.linear.gather [hbm4b:s22+s23], $0x280, $0x38;
	[tilespmem:$0x14800] =	vst v63  }
0x14f: {  	_ =	swait.ge [sflag:s8], $0x280  }
0x150: {  	[sflag:s8] =	ssyncset.done $0x0  }
0x151: {  	[sflag:s8] =	ssyncadd.s32 $0xFFFFFD80  }
0x152: {  	v1 =	vld [tilespmem:$0x0]  }
0x153: {  	v2 =	vld [tilespmem:$0x10]  }
0x154: {  	v3 =	vld [tilespmem:$0x20]  }
0x155: {  	v4 =	vld [tilespmem:$0x30]  }
0x156: {  	v5 =	vld [tilespmem:$0x40]  }
0x157: {  	v6 =	vld [tilespmem:$0x50];
	v1 =	vshll.u32 v1, $0x1  }
0x158: {  	v7 =	vld [tilespmem:$0x60];
	v2 =	vshll.u32 v2, $0x1;
	v1 =	vor.u32 v0, v1  }
0x159: {  	[tilespmem:$0x0] =	vst v1;
	v1 =	vor.u32 v0, v2;
	v2 =	vshll.u32 v3, $0x1;
	v3 =	vld [tilespmem:$0x70]  }
0x15a: {  	v38 =	vld [tilespmem:$0x80];
	[tilespmem:$0x10] =	vst v1;
	v1 =	vor.u32 v0, v2;
	v2 =	vshll.u32 v4, $0x1  }
0x15b: {  	v39 =	vld [tilespmem:$0x90];
	[tilespmem:$0x20] =	vst v1;
	v1 =	vor.u32 v0, v2;
	v2 =	vshll.u32 v5, $0x1  }
0x15c: {  	v40 =	vld [tilespmem:$0xA0];
	[tilespmem:$0x30] =	vst v1;
	v1 =	vor.u32 v0, v2;
	v2 =	vshll.u32 v6, $0x1  }
0x15d: {  	v41 =	vld [tilespmem:$0xB0];
	[tilespmem:$0x40] =	vst v1;
	v1 =	vor.u32 v0, v2;
	v2 =	vshll.u32 v7, $0x1  }
0x15e: {  	[tilespmem:$0x50] =	vst v1;
	v1 =	vor.u32 v0, v2;
	v2 =	vshll.u32 v3, $0x1;
	v3 =	vld [tilespmem:$0xC0]  }
0x15f: {  	v42 =	vld [tilespmem:$0xD0];
	[tilespmem:$0x60] =	vst v1;
	v1 =	vor.u32 v0, v2;
	v2 =	vshll.u32 v38, $0x1  }
0x160: {  	v43 =	vld [tilespmem:$0xE0];
	[tilespmem:$0x70] =	vst v1;
	v1 =	vor.u32 v0, v2;
	v2 =	vshll.u32 v39, $0x1  }
0x161: {  	v44 =	vld [tilespmem:$0xF0];
	[tilespmem:$0x80] =	vst v1;
	v1 =	vor.u32 v0, v2;
	v2 =	vshll.u32 v40, $0x1  }
0x162: {  	v45 =	vld [tilespmem:$0x100];
	[tilespmem:$0x90] =	vst v1;
	v1 =	vor.u32 v0, v2;
	v2 =	vshll.u32 v41, $0x1  }
0x163: {  	[tilespmem:$0xA0] =	vst v1;
	v1 =	vor.u32 v0, v2;
	v2 =	vshll.u32 v3, $0x1;
	v3 =	vld [tilespmem:$0x110]  }
0x164: {  	v46 =	vld [tilespmem:$0x120];
	[tilespmem:$0xB0] =	vst v1;
	v1 =	vor.u32 v0, v2;
	v2 =	vshll.u32 v42, $0x1  }
0x165: {  	v47 =	vld [tilespmem:$0x130];
	[tilespmem:$0xC0] =	vst v1;
	v1 =	vor.u32 v0, v2;
	v2 =	vshll.u32 v43, $0x1  }
0x166: {  	v48 =	vld [tilespmem:$0x140];
	[tilespmem:$0xD0] =	vst v1;
	v1 =	vor.u32 v0, v2;
	v2 =	vshll.u32 v44, $0x1  }
0x167: {  	v49 =	vld [tilespmem:$0x150];
	[tilespmem:$0xE0] =	vst v1;
	v1 =	vor.u32 v0, v2;
	v2 =	vshll.u32 v45, $0x1  }
0x168: {  	[tilespmem:$0xF0] =	vst v1;
	v1 =	vor.u32 v0, v2;
	v2 =	vshll.u32 v3, $0x1;
	v3 =	vld [tilespmem:$0x160]  }
0x169: {  	v50 =	vld [tilespmem:$0x170];
	[tilespmem:$0x100] =	vst v1;
	v1 =	vor.u32 v0, v2;
	v2 =	vshll.u32 v46, $0x1  }
0x16a: {  	v51 =	vld [tilespmem:$0x180];
	[tilespmem:$0x110] =	vst v1;
	v1 =	vor.u32 v0, v2;
	v2 =	vshll.u32 v47, $0x1  }
0x16b: {  	v52 =	vld [tilespmem:$0x190];
	[tilespmem:$0x120] =	vst v1;
	v1 =	vor.u32 v0, v2;
	v2 =	vshll.u32 v48, $0x1  }
0x16c: {  	v53 =	vld [tilespmem:$0x1A0];
	[tilespmem:$0x130] =	vst v1;
	v1 =	vor.u32 v0, v2;
	v2 =	vshll.u32 v49, $0x1  }
0x16d: {  	[tilespmem:$0x140] =	vst v1;
	v1 =	vor.u32 v0, v2;
	v2 =	vshll.u32 v3, $0x1;
	v3 =	vld [tilespmem:$0x1B0]  }
0x16e: {  	v54 =	vld [tilespmem:$0x1C0];
	[tilespmem:$0x150] =	vst v1;
	v1 =	vor.u32 v0, v2;
	v2 =	vshll.u32 v50, $0x1  }
0x16f: {  	v55 =	vld [tilespmem:$0x1D0];
	[tilespmem:$0x160] =	vst v1;
	v1 =	vor.u32 v0, v2;
	v2 =	vshll.u32 v51, $0x1  }
0x170: {  	v56 =	vld [tilespmem:$0x1E0];
	[tilespmem:$0x170] =	vst v1;
	v1 =	vor.u32 v0, v2;
	v2 =	vshll.u32 v52, $0x1  }
0x171: {  	v57 =	vld [tilespmem:$0x1F0];
	[tilespmem:$0x180] =	vst v1;
	v1 =	vor.u32 v0, v2;
	v2 =	vshll.u32 v53, $0x1  }
0x172: {  	[tilespmem:$0x190] =	vst v1;
	v1 =	vor.u32 v0, v2;
	v2 =	vshll.u32 v3, $0x1;
	v3 =	vld [tilespmem:$0x200]  }
0x173: {  	v58 =	vld [tilespmem:$0x210];
	[tilespmem:$0x1A0] =	vst v1;
	v1 =	vor.u32 v0, v2;
	v2 =	vshll.u32 v54, $0x1  }
0x174: {  	v59 =	vld [tilespmem:$0x220];
	[tilespmem:$0x1B0] =	vst v1;
	v1 =	vor.u32 v0, v2;
	v2 =	vshll.u32 v55, $0x1  }
0x175: {  	v60 =	vld [tilespmem:$0x230];
	[tilespmem:$0x1C0] =	vst v1;
	v1 =	vor.u32 v0, v2;
	v2 =	vshll.u32 v56, $0x1  }
0x176: {  	v61 =	vld [tilespmem:$0x240];
	[tilespmem:$0x1D0] =	vst v1;
	v1 =	vor.u32 v0, v2;
	v2 =	vshll.u32 v57, $0x1  }
0x177: {  	[tilespmem:$0x1E0] =	vst v1;
	v1 =	vor.u32 v0, v2;
	v2 =	vshll.u32 v3, $0x1;
	v3 =	vld [tilespmem:$0x250]  }
0x178: {  	v62 =	vld [tilespmem:$0x260];
	[tilespmem:$0x1F0] =	vst v1;
	v1 =	vor.u32 v0, v2;
	v2 =	vshll.u32 v58, $0x1  }
0x179: {  	v63 =	vld [tilespmem:$0x270];
	[tilespmem:$0x200] =	vst v1;
	v1 =	vor.u32 v0, v2;
	v2 =	vshll.u32 v59, $0x1  }
0x17a: {  	[tilespmem:$0x210] =	vst v1;
	v1 =	vor.u32 v0, v2;
	v2 =	vshll.u32 v60, $0x1  }
0x17b: {  	[tilespmem:$0x220] =	vst v1;
	v1 =	vor.u32 v0, v2;
	v2 =	vshll.u32 v61, $0x1  }
0x17c: {  	[tilespmem:$0x230] =	vst v1;
	v1 =	vor.u32 v0, v2;
	v2 =	vshll.u32 v3, $0x1  }
0x17d: {  	[tilespmem:$0x240] =	vst v1;
	v1 =	vor.u32 v0, v2;
	v2 =	vshll.u32 v62, $0x1  }
0x17e: {  	[tilespmem:$0x250] =	vst v1;
	v1 =	vor.u32 v0, v2;
	v2 =	vshll.u32 v63, $0x1  }
0x17f: {  	[tilespmem:$0x260] =	vst v1;
	v1 =	vor.u32 v0, v2  }
0x180: {  	[tilespmem:$0x270] =	vst v1  }
0x181: {  	[tilespmem:s7], [sflag:$0x5] =	stream.indirect.gather [hbm4b:s18+s10], $0x40, s23, s10, $0xb8;
	[tilespmem:$0x14800] =	vst v63  }
0x182: {  	_ = 	snop  }
0x183: {  	[tilespmem:s11], [sflag:$0x6] =	stream.indirect.gather [hbm4b:s18+s10], $0x40, s10, s10, $0xb8;
	[tilespmem:$0x14800] =	vst v63  }
0x184: {  	_ =	swait.ge [sflag:s13], $0x2000  }
0x185: {  	[sflag:s13] =	ssyncset.done $0x0  }
0x186: {  	s24 =	rddreg [dreg:$0xa];
	[sflag:s13] =	ssyncadd.s32 $0xFFFFE000  }
0x187: {  	[hbm4b:s24+s23] =	stream.linear.scatter [tilespmem:s7], [sflag:$0x1], $0x2000, $0x38;
	[tilespmem:$0x14800] =	vst v63  }
0x188: {  	s25 =	simm.s32 $0x100  }
0x189: {  	[tilespmem:s14], [sflag:$0x7] =	stream.indirect.gather [hbm4b:s18+s10], $0x40, s25, s10, $0xb8;
	[tilespmem:$0x14800] =	vst v63  }
0x18a: {  	_ =	swait.ge [sflag:s15], $0x2000  }
0x18b: {  	[sflag:s15] =	ssyncset.done $0x0  }
0x18c: {  	s26 =	rddreg [dreg:$0x5];
	[sflag:s15] =	ssyncadd.s32 $0xFFFFE000  }
0x18d: {  	[hbm4b:s26+s23] =	stream.linear.scatter [tilespmem:s11], [sflag:$0x2], $0x2000, $0x38;
	[tilespmem:$0x14800] =	vst v63  }
0x18e: {  	s28 =	simm.s32 $0x180  }
0x18f: {  	[tilespmem:s16], [sflag:$0x8] =	stream.indirect.gather [hbm4b:s18+s10], $0x40, s28, s10, $0xb8;
	[tilespmem:$0x14800] =	vst v63  }
0x190: {  	_ =	swait.ge [sflag:s20], $0x2000  }
0x191: {  	[sflag:s20] =	ssyncset.done $0x0  }
0x192: {  	s30 =	rddreg [dreg:$0x7];
	[sflag:s20] =	ssyncadd.s32 $0xFFFFE000  }
0x193: {  	[hbm4b:s30+s23] =	stream.linear.scatter [tilespmem:s14], [sflag:$0x3], $0x2000, $0x38;
	[tilespmem:$0x14800] =	vst v63  }
0x194: {  	_ =	swait.ge [sflag:s1], $0x2000  }
0x195: {  	[sflag:s1] =	ssyncset.done $0x0  }
0x196: {  	s31 =	simm.s32 $0x200;
	[sflag:s1] =	ssyncadd.s32 $0xFFFFE000  }
0x197: {  	[tilespmem:s7], [sflag:$0x5] =	stream.indirect.gather [hbm4b:s18+s10], $0x40, s31, s10, $0xb8;
	[tilespmem:$0x14800] =	vst v63  }
0x198: {  	_ =	swait.ge [sflag:s4], $0x2000  }
0x199: {  	[sflag:s4] =	ssyncset.done $0x0  }
0x19a: {  	[sflag:s4] =	ssyncadd.s32 $0xFFFFE000;
	s4 =	rddreg [dreg:$0x8]  }
0x19b: {  	[hbm4b:s4+s23] =	stream.linear.scatter [tilespmem:s16], [sflag:$0x4], $0x2000, $0x38;
	[tilespmem:$0x14800] =	vst v63  }
0x19c: {  	_ =	swait.ge [sflag:s13], $0x2000  }
0x19d: {  	[sflag:s13] =	ssyncset.done $0x0  }
0x19e: {  	s22 =	rddreg [dreg:$0x9];
	[sflag:s13] =	ssyncadd.s32 $0xFFFFE000  }
0x19f: {  	[hbm4b:s22+s23] =	stream.linear.scatter [tilespmem:s7], [sflag:$0x1], $0x2000, $0x38;
	[tilespmem:$0x14800] =	vst v63  }
0x1a0: {  	_ =	swait.ge [sflag:s12], $0x2000  }
0x1a1: {  	[sflag:s12] =	ssyncset.done $0x0  }
0x1a2: {  	[sflag:s12] =	ssyncadd.s32 $0xFFFFE000  }
0x1a3: {  	_ =	swait.ge [sflag:s21], $0x2000  }
0x1a4: {  	[sflag:s21] =	ssyncset.done $0x0  }
0x1a5: {  	s24 =	simm.s32 $0x4;
	[sflag:s21] =	ssyncadd.s32 $0xFFFFE000  }
0x1a6: {  	_ =	swait.ge [sflag:s24], $0x2000  }
0x1a7: {  	[sflag:s24] =	ssyncset.done $0x0  }
0x1a8: {  	[sflag:s24] =	ssyncadd.s32 $0xFFFFE000  }
0x1a9: {  	_ =	swait.ge [sflag:s1], $0x2000  }
0x1aa: {  	[sflag:s1] =	ssyncset.done $0x0  }
0x1ab: {  	[sflag:s1] =	ssyncadd.s32 $0xFFFFE000  }
0x1ac: {  	s4 =	stileid.u32;
	[bflag:$0x0] =	sbarrier.arrive $0xFFFF  }
0x1ad: {  	s25 =	sshll.u32 s4, $0x6;
	s12 =	rddreg [dreg:$0xb]  }
0x1ae: {  	s0 =	sor.u32 $0x1C09, s25;
	s28 =	rddreg [dreg:$0x14];
	s26 =	sshrl.u32 s12, $0x3  }
0x1af: {  	[hbm:s28], [sflag:s0] =	dma.local [spmem:s26], $0x1400  }
0x1b0: {  	_ =	swait.ge [sflag:s8], $0x1400  }
0x1b1: {  	[sflag:s8] =	ssyncset.done $0x0;
	s1 =	rddreg [dreg:$0x6]  }
0x1b2: {  	s21 =	rddreg [dreg:$0x1b];
	[sflag:s8] =	ssyncadd.s32 $0xFFFFEC00  }
0x1b3: {  	[hbm:s1], [sflag:s0] =	dma.local @!p0 [spmem:s21], $0x280  }
0x1b4: {  	_ =	swait.ge @!p0 [sflag:s29], $0x280  }
0x1b5: {  	s30 =	rddreg [dreg:$0x1c]  }
0x1b6: {  	s31 =	rddreg [dreg:$0x15];
	s1 =	sadd.s32 $0x1, s30  }
0x1b7: {  	p1 =	sne.s32 s1, s31  }
.Ltmp3:
0x1b8: {  	_ = 	snop;
	(pc) =	sbr.rel @p1 .LBB2_1-.Ltmp3, $3  }
0x1b9: {  	_ =	sdelay $0x1  }
0x1ba: {  	[sflag:s29] =	ssyncset.done @!p0 $0x0  }
0x1bb: {  	[sflag:s29] =	ssyncadd.s32 @!p0 $0xFFFFFD80  }
0x1bc: {  	_ =	sfence.sel $0x180000  }
0x1bd: {  	[bflag:$0x0] =	sbarrier.arrive $0xFFFF  }
0x1be: {  	_ =	strace $0x9000004D  }
0x1bf: {  	[bflag:$0x2] =	sbarrier.arrive $0xFFFF  }
0x1c0: {  	p0 =	sne.s32 s4, $0x0;
	s0 =	rddreg [dreg:$0x4]  }
0x1c1: {  	s0 =	sadd.s32 @!p0 $0x100000, s0  }
0x1c2: {  	[sflag:s0] =	ssyncadd.tile.s32 @!p0 $0x1;
	_ =	shalt  }
.Lfunc_end2:
_tile_overlayer_lowered:
.L_overlay_start_2:
0x1c3: {  	(tag) =	ssettag $0x2  }
0x1c4: {  	s0 =	rddreg [dreg:$0x0];
	s2 =	stileid.u32  }
0x1c5: {  	s1 =	rddreg [dreg:$0x1];
	p0 =	sne.s32 s2, $0x0  }
0x1c6: {  	s3 =	rddreg [dreg:$0x2];
	[bflag:$0x3] =	sbarrier.arrive $0xFFFF;
	s2 =	simm.s32 @!p0 $0x1C09  }
0x1c7: {  	[timem:s3], [sflag:s2] =	dma.local @!p0 [hbm:s0], s1  }
0x1c8: {  	s0 =	simm.s32 @!p0 $0x9  }
0x1c9: {  	_ =	swait.ge @!p0 [sflag:s0], s1  }
0x1ca: {  	s1 =	ssub.s32 @!p0 $0x0, s1;
	[sflag:s0] =	ssyncset.done @!p0 $0x0  }
0x1cb: {  	[sflag:s0] =	ssyncadd.s32 @!p0 s1  }
0x1cc: {  	[bflag:$0x3] =	sbarrier.arrive $0xFFFF  }
0x1cd: {  	_ =	shalt  }

// kernel: kernel.7.cloned.1.call-start
scs
__scs_entry_jumppad:
0x0: {  	(pc) =	sbr.rel $0x88, $3  }
0x1: {  	(tag) =	ssettag $0x0;
	lr =	simm.s32 $0x1  }
0x2: {  	[smem:$0x3F95] =	sst lr;
	_ =	strace $0xD0000000  }
0x3: {  	_ = 	snop  }
0x4: {  	_ = 	snop  }
0x5: {  	_ = 	snop  }
0x6: {  	_ = 	snop  }
0x7: {  	_ = 	snop  }
__scs_overlays_trampoline_lowered:
0x8: {  	[smem:$0x3FA4] =	sst s0  }
0x9: {  	[smem:$0x3FA5] =	sst s1  }
0xa: {  	[smem:$0x3FA6] =	sst s2  }
0xb: {  	[smem:$0x3FA7] =	sst s3  }
0xc: {  	[smem:$0x3FA8] =	sst s4  }
0xd: {  	[smem:$0x3FA9] =	sst s5  }
0xe: {  	[smem:$0x3FAA] =	sst s6  }
0xf: {  	[smem:$0x3FAB] =	sst s7  }
0x10: {  	[smem:$0x3FAC] =	sst s8  }
0x11: {  	[smem:$0x3FAD] =	sst s9;
	s0 =	simm.s32 @!p0 $0x0  }
0x12: {  	s1 =	sld [smem:$0x3F93];
	s0 =	simm.s32 @p0 $0x1  }
0x13: {  	[smem:$0x3FAE] =	sst s0;
	s0 =	simm.s32 @!p1 $0x0  }
0x14: {  	s2 =	sld [smem:$0x3F92];
	s0 =	simm.s32 @p1 $0x1  }
0x15: {  	[smem:$0x3FAF] =	sst s0;
	s0 =	simm.s32 @!p2 $0x0  }
0x16: {  	s3 =	sld [smem:$0x3FDB];
	s0 =	simm.s32 @p2 $0x1  }
0x17: {  	s4 =	simm.s32 $0x1BF5;
	[smem:$0x3FB1] =	sst s0  }
0x18: {  	s0 =	sld [smem:$0x3F94];
	_ =	swait.ge [sflag:s4], $0x0  }
0x19: {  	s7 =	sld [smem:$0x3F95]  }
0x1a: {  	s8 =	sadd.s32 $0xFFFFE003, lr  }
0x1b: {  	s9 =	sadd.s32 $0xFFFFFEF7, lr;
	s5 =	simm.s32 $0xFFFFFFFF;
	p2 =	slt.u32 s8, $0xFFFFF086  }
0x1c: {  	p1 =	slt.u32 s9, $0xF7A;
	s5 =	simm.s32 @!p2 $0x0  }
0x1d: {  	s5 =	simm.s32 @p1 $0x1;
	p0 =	seq.s32 s7, s2  }
0x1e: {  	s7 =	smul.u32 @!p0 $0xF7A, s2;
	p2 =	seq.s32 @!p0 s5, $0x0  }
0x1f: {  	s9 =	smul.u32 $0xF7A, s1;
	s8 =	simm.s32 @!p0 $0x1BF5;
	p2 =	por !p2, p0  }
0x20: {  	[sflag:s8] =	ssyncset.s32 @!p0 $0xFFFFF086;
	s6 =	sadd.s32 @!p0 s3, s7;
	s7 =	simm.s32 @!p0 $0x108  }
0x21: {  	s3 =	sadd.s32 s3, s9;
	s6 =	sadd.s32 @!p0 $0x88, s6;
	s7 =	simm.s32 @p2 $0x1082  }
0x22: {  	[simem:s7], [sflag:s8] =	dma.local @!p0 [hbm:s6], $0xF7A  }
0x23: {  	s9 =	sor.u32 $0xD0000000, s2;
	s6 =	simm.s32 $0x108;
	_ =	swait.ge @!p0 [sflag:s8], $0x0  }
0x24: {  	s3 =	sadd.s32 $0x88, s3;
	s6 =	simm.s32 @!p1 $0x1082;
	[sflag:s4] =	ssyncset.s32 $0xFFFFF086  }
0x25: {  	[simem:s6], [sflag:s4] =	dma.local [hbm:s3], $0xF7A  }
0x26: {  	[smem:$0x3F95] =	sst s1;
	(tag) =	ssettag s2;
	_ =	strace s9  }
0x27: {  	s1 =	sld [smem:$0x3FA5]  }
0x28: {  	s2 =	sld [smem:$0x3FA6]  }
0x29: {  	s4 =	sld [smem:$0x3FA8]  }
0x2a: {  	p0 =	seq.s32 s5, $0x0;
	s5 =	sld [smem:$0x3FA9]  }
0x2b: {  	s6 =	sld [smem:$0x3FAA]  }
0x2c: {  	s7 =	sld [smem:$0x3FAB]  }
0x2d: {  	s3 =	simm.s32 $0x108;
	s8 =	sld [smem:$0x3FAC]  }
0x2e: {  	s3 =	simm.s32 @!p0 $0x1082;
	s9 =	sld [smem:$0x3FAD]  }
0x2f: {  	lr =	sadd.s32 s0, s3;
	s0 =	sld [smem:$0x3FA4]  }
0x30: {  	s3 =	sld [smem:$0x3FA7]  }
0x31: {  	[smem:$0x3FB0] =	sst s10  }
0x32: {  	s10 =	sld [smem:$0x3FAE];
	_ =	sdelay $0x3  }
0x33: {  	p0 =	seq.s32 s10, $0x1;
	s10 =	sld [smem:$0x3FB0];
	_ =	sdelay $0x3  }
0x34: {  	[smem:$0x3FB0] =	sst s10  }
0x35: {  	s10 =	sld [smem:$0x3FAF];
	_ =	sdelay $0x3  }
0x36: {  	p1 =	seq.s32 s10, $0x1;
	s10 =	sld [smem:$0x3FB0];
	_ =	sdelay $0x3  }
0x37: {  	[smem:$0x3FB0] =	sst s10  }
0x38: {  	s10 =	sld [smem:$0x3FB1]  }
0x39: {  	_ = 	snop;
	(pc) =	sbr.ind lr, $3  }
0x3a: {  	_ = 	snop  }
0x3b: {  	_ = 	snop  }
0x3c: {  	p2 =	seq.s32 s10, $0x1;
	s10 =	sld [smem:$0x3FB0]  }
0x3d: {  	_ =	shalt  }
0x3e: {  	_ =	shalt  }
0x3f: {  	_ =	shalt  }
0x40: {  	_ =	shalt  }
0x41: {  	_ =	shalt  }
0x42: {  	_ =	shalt  }
0x43: {  	_ =	shalt  }
0x44: {  	_ =	shalt  }
0x45: {  	_ =	shalt  }
0x46: {  	_ =	shalt  }
0x47: {  	_ =	shalt  }
0x48: {  	_ =	shalt  }
0x49: {  	_ =	shalt  }
0x4a: {  	_ =	shalt  }
0x4b: {  	_ =	shalt  }
0x4c: {  	_ =	shalt  }
0x4d: {  	_ =	shalt  }
0x4e: {  	_ =	shalt  }
0x4f: {  	_ =	shalt  }
0x50: {  	_ =	shalt  }
0x51: {  	_ =	shalt  }
0x52: {  	_ =	shalt  }
0x53: {  	_ =	shalt  }
0x54: {  	_ =	shalt  }
0x55: {  	_ =	shalt  }
0x56: {  	_ =	shalt  }
0x57: {  	_ =	shalt  }
0x58: {  	_ =	shalt  }
0x59: {  	_ =	shalt  }
0x5a: {  	_ =	shalt  }
0x5b: {  	_ =	shalt  }
0x5c: {  	_ =	shalt  }
0x5d: {  	_ =	shalt  }
0x5e: {  	_ =	shalt  }
0x5f: {  	_ =	shalt  }
0x60: {  	_ =	shalt  }
0x61: {  	_ =	shalt  }
0x62: {  	_ =	shalt  }
0x63: {  	_ =	shalt  }
0x64: {  	_ =	shalt  }
0x65: {  	_ =	shalt  }
0x66: {  	_ =	shalt  }
0x67: {  	_ =	shalt  }
0x68: {  	_ =	shalt  }
0x69: {  	_ =	shalt  }
0x6a: {  	_ =	shalt  }
0x6b: {  	_ =	shalt  }
0x6c: {  	_ =	shalt  }
0x6d: {  	_ =	shalt  }
0x6e: {  	_ =	shalt  }
0x6f: {  	_ =	shalt  }
0x70: {  	_ =	shalt  }
0x71: {  	_ =	shalt  }
0x72: {  	_ =	shalt  }
0x73: {  	_ =	shalt  }
0x74: {  	_ =	shalt  }
0x75: {  	_ =	shalt  }
0x76: {  	_ =	shalt  }
0x77: {  	_ =	shalt  }
0x78: {  	_ =	shalt  }
0x79: {  	_ =	shalt  }
0x7a: {  	_ =	shalt  }
0x7b: {  	_ =	shalt  }
0x7c: {  	_ =	shalt  }
0x7d: {  	_ =	shalt  }
0x7e: {  	_ =	shalt  }
0x7f: {  	_ =	shalt  }
0x80: {  	_ =	shalt  }
0x81: {  	_ =	shalt  }
0x82: {  	_ =	shalt  }
0x83: {  	_ =	shalt  }
0x84: {  	_ =	shalt  }
0x85: {  	_ =	shalt  }
0x86: {  	_ =	shalt  }
0x87: {  	_ =	shalt  }
.Lfunc_end0:
.L_simem_size_0:
called_computation_lowered:
.L_overlay_start_0:
0x88: {  	s0 =	sld [smem:$0x3FD9]  }
0x89: {  	s1 =	sld [smem:$0x3FFE];
	_ =	sdelay $0x3  }
0x8a: {  	s0 =	sadd.s32 s1, s0  }
0x8b: {  	[smem:$0x3FBC] =	sst s0  }
0x8c: {  	_ = 	snop  }
0x8d: {  	s0 =	sld [smem:$0x3FC9];
	(tm) =	ssettm $0x1  }
0x8e: {  	s16 =	sld [smem:$0x3FFB];
	_ =	sdelay $0x3  }
0x8f: {  	_ =	strace s16  }
0x90: {  	s1 =	sld [smem:$0x3FFC];
	_ =	sdelay $0x3  }
0x91: {  	_ =	strace s1  }
0x92: {  	s1 =	sld [smem:$0x3FFD];
	_ =	sdelay $0x3  }
0x93: {  	_ =	strace s1  }
0x94: {  	_ =	strace $0x8FFFFFFF  }
0x95: {  	s17 =	sld [smem:$0x3FDB];
	_ =	sdelay $0x1  }
0x96: {  	s2 =	simm.s32 $_scs_section_size  }
0x97: {  	s3 =	simm.s32 $_size__tile_overlayer_lowered;
	s4 =	simm.s32 $_tile_overlayer_lowered  }
0x98: {  	s20 =	simm.s32 $0x1BFF;
	s19 =	sshll.u32 s4, $0x1;
	s1 =	sadd.s32 s2, s17  }
0x99: {  	s5 =	simm.s32 $0x0;
	s18 =	sshll.u32 s3, $0x1;
	s3 =	sadd.s32 s19, s1  }
0x9a: {  	[timem:s5], [sflag:s20] =	dma.local [hbm:s3], s18  }
0x9b: {  	_ =	swait.ge [sflag:s20], s18  }
0x9c: {  	s2 =	ssub.s32 $0x0, s18;
	[sflag:s20] =	ssyncset.done $0x0  }
0x9d: {  	[sflag:s20] =	ssyncadd.s32 s2;
	_ =	sdelay $0x1  }
0x9e: {  	s21 =	simm.s32 $0x1B8B  }
0x9f: {  	_ =	swait.ge [sflag:s21], $0x1  }
0xa0: {  	[sflag:s21] =	ssyncset.done $0x0  }
0xa1: {  	s23 =	simm.s32 $0x1B8E;
	s22 =	sld [smem:$0x3FFE];
	[sflag:s21] =	ssyncadd.s32 $0xFFFFFFFF  }
0xa2: {  	s24 =	simm.s32 $execute0_lowered;
	[smem:$0x3FD2] =	sst s23  }
0xa3: {  	s3 =	sshll.u32 s24, $0x1;
	_ =	strace $0x80000046;
	[dreg:$0x1] =	wrdreg $0xFFFFFFFF  }
0xa4: {  	s25 =	simm.s32 $_size_execute0_lowered;
	s1 =	sadd.s32 s1, s3;
	[dreg:$0x0] =	wrdreg $0x0  }
0xa5: {  	s3 =	sshll.u32 s25, $0x1;
	[dreg:$0x2] =	wrdreg s1  }
0xa6: {  	[dreg:$0x3] =	wrdreg s3  }
0xa7: {  	[dreg:$0x4] =	wrdreg $0xC0  }
0xa8: {  	_ =	task [dreg:s5], $0x5FFFF  }
0xa9: {  	[dreg:$0x1] =	wrdreg $0xFFFFFFFF  }
0xaa: {  	[dreg:$0x0] =	wrdreg $0x60  }
0xab: {  	[dreg:$0x2] =	wrdreg s0  }
0xac: {  	[dreg:$0x3] =	wrdreg s22  }
0xad: {  	[dreg:$0x4] =	wrdreg $0x9  }
0xae: {  	_ =	task.clear_ibuf [dreg:s5], $0x5FFFF;
	_ =	strace $0x90000046  }
0xaf: {  	s26 =	simm.s32 $0x9;
	_ =	strace $0x80000048  }
0xb0: {  	_ =	swait.ge [sflag:s26], $0x1  }
0xb1: {  	[sflag:s26] =	ssyncadd.s32 $0xFFFFFFFF  }
0xb2: {  	_ =	strace $0x90000048  }
0xb3: {  	_ =	sfence  }
0xb4: {  	s28 =	sld [smem:$0x0];
	_ =	sdelay $0x1  }
0xb5: {  	s29 =	srdreg.scid  }
0xb6: {  	s30 =	sshll.u32 s29, $0xD;
	s31 =	sshrl.u32 s29, $0x2  }
0xb7: {  	s2 =	sand.u32 $0x4000, s30;
	s1 =	sand.u32 $0x1, s29;
	s0 =	sadd.s32 s31, s28  }
0xb8: {  	s1 =	sor.u32 s2, s1;
	s0 =	sshll.u32 s0, $0x11  }
0xb9: {  	s0 =	sor.u32 s0, s1  }
0xba: {  	s0 =	sadd.s32 $0x8F2B, s0  }
0xbb: {  	[sflag:s0] =	ssyncadd.remote.s32 $0x1  }
0xbc: {  	_ =	sfence.sel $0xFFFF  }
0xbd: {  	[dreg:$0x0] =	wrdreg $0xFFFFFFFF;
	(pc) =	sbr.abs _section_cstart, $3  }
0xbe: {  	[dreg:$0x1] =	wrdreg $0xFFFFFFFF  }
0xbf: {  	_ =	task.clear_ibuf [dreg:s5], $0x2FFFF;
	_ =	strace $0x9FFFFFFF  }
0xc0: {  	(tm) =	ssettm $0x7FFFFFFF  }
0xc1: {  	_ =	shalt  }
tec
execute0_lowered:
.L_overlay_start_1:
0x0: {  	(tag) =	ssettag $0x1  }
0x1: {  	s3 =	rddreg [dreg:$0x0];
	s0 =	stileid.u32  }
0x2: {  	s7 =	rddreg [dreg:$0x1];
	s4 =	smul.u32 $0x1A0, s0  }
0x3: {  	s1 =	rddreg [dreg:$0x2];
	s2 =	simm.s32 $0x0  }
0x4: {  	[smem:$0x7FF] =	sst s2;
	s4 =	sadd.s32 s4, s7  }
0x5: {  	s15 =	simm.s32 $0x5;
	_ =	strace $0x80000047;
	s4 =	sadd.s32 $0x2200, s4  }
0x6: {  	[tilespmem:s2], [sflag:$0x5] =	stream.linear.gather [hbm4b:s4+s2], $0xD00, $0x38;
	[tilespmem:$0x1AD00] =	vst v63  }
0x7: {  	_ =	swait.ge [sflag:s15], $0xD00  }
0x8: {  	[sflag:s15] =	ssyncset.done $0x0  }
0x9: {  	s6 =	simm.s32 $0x1A0;
	s5 =	simm.s32 $0xD00;
	[sflag:s15] =	ssyncadd.s32 $0xFFFFF300  }
0xa: {  	[tilespmem:s5], [sflag:$0x3] =	stream.indirect.gather [hbm4b:s3+s6], $0x80, s2, s6, $0xb8;
	[tilespmem:$0x1AD00] =	vst v63  }
0xb: {  	s16 =	simm.s32 $0xDD00;
	s8 =	simm.s32 $0x3  }
0xc: {  	[tilespmem:s16], [sflag:$0x4] =	stream.indirect.gather [hbm4b:s3+s6], $0x80, s6, s6, $0xb8;
	[tilespmem:$0x1AD00] =	vst v63  }
0xd: {  	s9 =	smul.u32 $0xD000, s0;
	_ =	swait.ge [sflag:s8], $0xD000  }
0xe: {  	s10 =	sadd.s32 $0x3C00, s7;
	[sflag:s8] =	ssyncset.done $0x0  }
0xf: {  	s17 =	simm.s32 $0x1;
	s7 =	sadd.s32 s10, s9;
	[sflag:s8] =	ssyncadd.s32 $0xFFFF3000  }
0x10: {  	[hbm4b:s7+s2] =	stream.linear.scatter [tilespmem:s5], [sflag:$0x1], $0xD000, $0x38;
	[tilespmem:$0x1AD00] =	vst v63  }
0x11: {  	_ =	swait.ge [sflag:s17], $0xD000  }
0x12: {  	s11 =	simm.s32 $0x340;
	[sflag:s17] =	ssyncset.done $0x0  }
0x13: {  	s19 =	simm.s32 $0x4;
	s18 =	smul.u32 $0x68000, s0;
	[sflag:s17] =	ssyncadd.s32 $0xFFFF3000  }
0x14: {  	[tilespmem:s5], [sflag:$0x3] =	stream.indirect.gather [hbm4b:s3+s6], $0x80, s11, s6, $0xb8;
	[tilespmem:$0x1AD00] =	vst v63  }
0x15: {  	s9 =	sshrl.u32 s18, $0x3;
	_ =	swait.ge [sflag:s19], $0xD000  }
0x16: {  	s9 =	sadd.s32 s10, s9;
	[sflag:s19] =	ssyncset.done $0x0  }
0x17: {  	s20 =	simm.s32 $0x2;
	s10 =	sadd.s32 $0x1A00, s9;
	[sflag:s19] =	ssyncadd.s32 $0xFFFF3000  }
0x18: {  	[hbm4b:s10+s2] =	stream.linear.scatter [tilespmem:s16], [sflag:$0x2], $0xD000, $0x38;
	[tilespmem:$0x1AD00] =	vst v63  }
0x19: {  	_ =	swait.ge [sflag:s20], $0xD000  }
0x1a: {  	[sflag:s20] =	ssyncset.done $0x0  }
0x1b: {  	s12 =	simm.s32 $0x4E0;
	[sflag:s20] =	ssyncadd.s32 $0xFFFF3000  }
0x1c: {  	[tilespmem:s16], [sflag:$0x4] =	stream.indirect.gather [hbm4b:s3+s6], $0x80, s12, s6, $0xb8;
	[tilespmem:$0x1AD00] =	vst v63  }
0x1d: {  	_ =	swait.ge [sflag:s8], $0xD000  }
0x1e: {  	[sflag:s8] =	ssyncset.done $0x0  }
0x1f: {  	s21 =	sadd.s32 $0x3400, s9;
	[sflag:s8] =	ssyncadd.s32 $0xFFFF3000  }
0x20: {  	[hbm4b:s21+s2] =	stream.linear.scatter [tilespmem:s5], [sflag:$0x1], $0xD000, $0x38;
	[tilespmem:$0x1AD00] =	vst v63  }
0x21: {  	_ =	swait.ge [sflag:s17], $0xD000  }
0x22: {  	[sflag:s17] =	ssyncset.done $0x0  }
0x23: {  	s22 =	simm.s32 $0x680;
	[sflag:s17] =	ssyncadd.s32 $0xFFFF3000  }
0x24: {  	[tilespmem:s5], [sflag:$0x3] =	stream.indirect.gather [hbm4b:s3+s6], $0x80, s22, s6, $0xb8;
	[tilespmem:$0x1AD00] =	vst v63  }
0x25: {  	_ =	swait.ge [sflag:s19], $0xD000  }
0x26: {  	[sflag:s19] =	ssyncset.done $0x0  }
0x27: {  	s23 =	sadd.s32 $0x4E00, s9;
	[sflag:s19] =	ssyncadd.s32 $0xFFFF3000  }
0x28: {  	[hbm4b:s23+s2] =	stream.linear.scatter [tilespmem:s16], [sflag:$0x2], $0xD000, $0x38;
	[tilespmem:$0x1AD00] =	vst v63  }
0x29: {  	_ =	swait.ge [sflag:s20], $0xD000  }
0x2a: {  	[sflag:s20] =	ssyncset.done $0x0  }
0x2b: {  	s24 =	simm.s32 $0x820;
	[sflag:s20] =	ssyncadd.s32 $0xFFFF3000  }
0x2c: {  	[tilespmem:s16], [sflag:$0x4] =	stream.indirect.gather [hbm4b:s3+s6], $0x80, s24, s6, $0xb8;
	[tilespmem:$0x1AD00] =	vst v63  }
0x2d: {  	_ =	swait.ge [sflag:s8], $0xD000  }
0x2e: {  	[sflag:s8] =	ssyncset.done $0x0  }
0x2f: {  	s25 =	sadd.s32 $0x6800, s9;
	[sflag:s8] =	ssyncadd.s32 $0xFFFF3000  }
0x30: {  	[hbm4b:s25+s2] =	stream.linear.scatter [tilespmem:s5], [sflag:$0x1], $0xD000, $0x38;
	[tilespmem:$0x1AD00] =	vst v63  }
0x31: {  	_ =	swait.ge [sflag:s17], $0xD000  }
0x32: {  	[sflag:s17] =	ssyncset.done $0x0  }
0x33: {  	s26 =	simm.s32 $0x9C0;
	[sflag:s17] =	ssyncadd.s32 $0xFFFF3000  }
0x34: {  	[tilespmem:s5], [sflag:$0x3] =	stream.indirect.gather [hbm4b:s3+s6], $0x80, s26, s6, $0xb8;
	[tilespmem:$0x1AD00] =	vst v63  }
0x35: {  	_ =	swait.ge [sflag:s19], $0xD000  }
0x36: {  	[sflag:s19] =	ssyncset.done $0x0  }
0x37: {  	s28 =	sadd.s32 $0x8200, s9;
	[sflag:s19] =	ssyncadd.s32 $0xFFFF3000  }
0x38: {  	[hbm4b:s28+s2] =	stream.linear.scatter [tilespmem:s16], [sflag:$0x2], $0xD000, $0x38;
	[tilespmem:$0x1AD00] =	vst v63  }
0x39: {  	_ =	swait.ge [sflag:s20], $0xD000  }
0x3a: {  	[sflag:s20] =	ssyncset.done $0x0  }
0x3b: {  	s29 =	simm.s32 $0xB60;
	[sflag:s20] =	ssyncadd.s32 $0xFFFF3000  }
0x3c: {  	[tilespmem:s16], [sflag:$0x4] =	stream.indirect.gather [hbm4b:s3+s6], $0x80, s29, s6, $0xb8;
	[tilespmem:$0x1AD00] =	vst v63  }
0x3d: {  	_ =	swait.ge [sflag:s8], $0xD000  }
0x3e: {  	[sflag:s8] =	ssyncset.done $0x0  }
0x3f: {  	s30 =	sadd.s32 $0x9C00, s9;
	[sflag:s8] =	ssyncadd.s32 $0xFFFF3000  }
0x40: {  	[hbm4b:s30+s2] =	stream.linear.scatter [tilespmem:s5], [sflag:$0x1], $0xD000, $0x38;
	[tilespmem:$0x1AD00] =	vst v63  }
0x41: {  	_ =	swait.ge [sflag:s19], $0xD000  }
0x42: {  	[sflag:s19] =	ssyncset.done $0x0  }
0x43: {  	s31 =	sadd.s32 $0xB600, s9;
	[sflag:s19] =	ssyncadd.s32 $0xFFFF3000  }
0x44: {  	[hbm4b:s31+s2] =	stream.linear.scatter [tilespmem:s16], [sflag:$0x2], $0xD000, $0x38;
	[tilespmem:$0x1AD00] =	vst v63  }
0x45: {  	_ =	swait.ge [sflag:s17], $0xD000  }
0x46: {  	[sflag:s17] =	ssyncset.done $0x0  }
0x47: {  	[sflag:s17] =	ssyncadd.s32 $0xFFFF3000  }
0x48: {  	_ =	swait.ge [sflag:s20], $0xD000  }
0x49: {  	[sflag:s20] =	ssyncset.done $0x0  }
0x4a: {  	[sflag:s20] =	ssyncadd.s32 $0xFFFF3000  }
0x4b: {  	_ =	sfence.sel $0x180000  }
0x4c: {  	[bflag:$0x0] =	sbarrier.arrive $0xFFFF  }
0x4d: {  	p0 =	sne.s32 s0, $0x0;
	_ =	strace $0x90000047  }
0x4e: {  	s0 =	sadd.s32 @!p0 $0x100000, s1;
	[bflag:$0x2] =	sbarrier.arrive $0xFFFF  }
0x4f: {  	[sflag:s0] =	ssyncadd.tile.s32 @!p0 $0x1;
	_ =	shalt  }
.Lfunc_end2:
_tile_overlayer_lowered:
.L_overlay_start_2:
0x50: {  	(tag) =	ssettag $0x2  }
0x51: {  	s0 =	rddreg [dreg:$0x0];
	s2 =	stileid.u32  }
0x52: {  	s1 =	rddreg [dreg:$0x1];
	p0 =	sne.s32 s2, $0x0  }
0x53: {  	s3 =	rddreg [dreg:$0x2];
	[bflag:$0x3] =	sbarrier.arrive $0xFFFF;
	s2 =	simm.s32 @!p0 $0x1C05  }
0x54: {  	[timem:s3], [sflag:s2] =	dma.local @!p0 [hbm:s0], s1  }
0x55: {  	s0 =	simm.s32 @!p0 $0x5  }
0x56: {  	_ =	swait.ge @!p0 [sflag:s0], s1  }
0x57: {  	s1 =	ssub.s32 @!p0 $0x0, s1;
	[sflag:s0] =	ssyncset.done @!p0 $0x0  }
0x58: {  	[sflag:s0] =	ssyncadd.s32 @!p0 s1  }
0x59: {  	[bflag:$0x3] =	sbarrier.arrive $0xFFFF  }
0x5a: {  	_ =	shalt  }

</sc_bundles>
